<compile_context>
chip_gen: v7x
topology: tpu7x:2x2x1
jax: 0.10.2.dev20260603
libtpu: 0.0.44.dev20260713+nightly
codegen_flags: <defaults>
</compile_context>

<pallas_src>
import numpy as np

import jax
import jax.numpy as jnp
from jax.experimental import pallas as pl
from jax.experimental.pallas import tpu as pltpu

N = 48
P = N * N
NCL = 32
NDL = 16
QT = 384
NQT = 3
NROWS = 40
GID_OFF = 6_000_000


def _pack_columns():
    pairs = [(k, l) for k in range(1, N - 1) for l in range(k, N - 1)]
    kq = np.full(NQT * QT, -1, dtype=np.int32)
    lq = np.full(NQT * QT, -1, dtype=np.int32)
    for c, (k, l) in enumerate(pairs):
        kq[c] = k
        lq[c] = l
    perm = np.where(kq >= 0, kq * N + np.maximum(lq, 0), 0).astype(np.int32)
    padv = (kq >= 0).astype(np.float32)
    tiles = []
    for t in range(NQT):
        sel = slice(QT * t, QT * (t + 1))
        ks = kq[sel][kq[sel] >= 0]
        ls = lq[sel][lq[sel] >= 0]
        irows = N * int(ks.max())
        jrows = P - N * (int(ls.min()) + 1)
        tiles.append(("i", irows) if irows <= jrows else ("j", jrows))
    return kq, lq, perm, padv, tiles


_KQ, _LQ, _PERM, _PADV, _TILES = _pack_columns()
_KQ_R = _KQ.reshape(1, -1)
_LQ_R = _LQ.reshape(1, -1)
_CCNT_C = np.where(_KQ >= 1, _KQ * (N - 1 - _LQ), 0).astype(np.float32).reshape(-1, 1)


def _loss_kernel(consts_ref, cw_ref, dwi_ref, dwj_ref, gwp_ref, kq_ref,
                 lq_ref, ccnt_ref, gw_ref, out_ref):
    qi = pl.program_id(0)

    @pl.when(qi == 0)
    def _init():
        out_ref[0, 0] = 0.0

    for qv, (layout, rws) in enumerate(_TILES):

        @pl.when(qi == qv)
        def _tile(qv=qv, layout=layout, rws=rws):
            gt = gwp_ref[QT * qv:QT * (qv + 1), :]
            mb = jnp.maximum(jnp.max(gt, axis=1, keepdims=True), 0.0)
            eb = jnp.concatenate([jnp.exp(gt - mb), jnp.exp(-mb)], axis=1)

            if layout == "i":
                dt = dwi_ref[:rws, :]
                pv = jax.lax.broadcasted_iota(jnp.int32, (rws, 1), 0)
                ipc = pv // N
                jpc = pv - ipc * N
            else:
                dt = dwj_ref[P - rws:, :]
                pv = (jax.lax.broadcasted_iota(jnp.int32, (rws, 1), 0)
                      + (P - rws))
                jpc = pv // N
                ipc = pv - jpc * N
            ma = jnp.maximum(jnp.max(dt, axis=1, keepdims=True), 0.0)
            ea = jnp.concatenate([jnp.exp(dt - ma), jnp.exp(-ma)], axis=1)

            m = jax.lax.dot_general(
                ea, eb, (((1,), (1,)), ((), ())),
                preferred_element_type=jnp.float32,
                precision=jax.lax.Precision.DEFAULT,
            )

            kqv = kq_ref[0:1, QT * qv:QT * (qv + 1)]
            lqv = lq_ref[0:1, QT * qv:QT * (qv + 1)]
            valid = (ipc < kqv) & (jpc > lqv)
            out_ref[0, 0] += jnp.sum(jnp.where(valid, jnp.log(m), 0.0))

            ccv = ccnt_ref[QT * qv:QT * (qv + 1), :]
            out_ref[0, 0] += jnp.sum(mb * ccv)

    @pl.when(qi == 0)
    def _first_step():
        pva = jax.lax.broadcasted_iota(jnp.int32, (P, 1), 0)
        ipa = pva // N
        jpa = pva - ipa * N
        dwa = dwi_ref[...]
        maa = jnp.maximum(jnp.max(dwa, axis=1, keepdims=True), 0.0)
        mrow = jnp.minimum(jpa - 1, N - 2) - ipa
        rcnt = jnp.where(mrow > 0, mrow * (mrow + 1) // 2, 0).astype(jnp.float32)
        row_term = jnp.sum(maa * rcnt)

        cw = cw_ref[...]
        mc = jnp.maximum(jnp.max(cw, axis=1, keepdims=True), 0.0)
        lse_c = mc + jnp.log(
            jnp.sum(jnp.exp(cw - mc), axis=1, keepdims=True) + jnp.exp(-mc)
        )
        cont_sum = jnp.sum(jnp.where(ipa <= jpa, lse_c, 0.0))

        labs, iis, kks, lls, jjs, gids, isc = [], [], [], [], [], [], []
        for r in range(NROWS):
            lab = consts_ref[r, 0]
            i = consts_ref[r, 1]
            k = consts_ref[r, 2]
            l = consts_ref[r, 3]
            j = consts_ref[r, 4]
            cont = k < 0
            gid = jnp.where(
                cont,
                i * N + j,
                ((i * N + k) * N + l) * N + j + GID_OFF,
            )
            labs.append(lab); iis.append(i); kks.append(k)
            lls.append(l); jjs.append(j); gids.append(gid); isc.append(cont)

        oh32 = jax.lax.broadcasted_iota(jnp.int32, (1, NCL), 1)
        oh16 = jax.lax.broadcasted_iota(jnp.int32, (1, NDL), 1)
        corr = jnp.float32(0.0)
        for r in range(NROWS):
            last = jnp.bool_(True)
            for r2 in range(r + 1, NROWS):
                last = jnp.logical_and(last, gids[r] != gids[r2])
            pidx = iis[r] * N + jjs[r]
            qidx = jnp.where(isc[r], 0, (kks[r] + 1) * N + (lls[r] - 1))
            sel32 = (oh32 == labs[r]).astype(jnp.float32)
            sel16 = (oh16 == labs[r]).astype(jnp.float32)
            vc = jnp.sum(cw_ref[pl.ds(pidx, 1), :] * sel32)
            vd = jnp.sum(
                (dwi_ref[pl.ds(pidx, 1), :] + gw_ref[pl.ds(qidx, 1), :])
                * sel16
            )
            val = jnp.where(isc[r], vc, vd)
            corr = corr + jnp.where(last, val, 0.0)

        out_ref[0, 0] += row_term + cont_sum - corr


@jax.jit
def kernel(cont_weights, disc_weights, gap_weights, constituents):
    cw = cont_weights[0].reshape(P, NCL)
    dwi = disc_weights[0].reshape(P, NDL)
    dwj = disc_weights[0].transpose(1, 0, 2).reshape(P, NDL)
    gw = gap_weights[0].reshape(P, NDL)
    gwp = jnp.take(gw, jnp.asarray(_PERM), axis=0) * jnp.asarray(_PADV)[:, None]
    consts = constituents.astype(jnp.int32)

    full = lambda qi: (0, 0)
    out = pl.pallas_call(
        _loss_kernel,
        grid=(NQT,),
        in_specs=[
            pl.BlockSpec(memory_space=pltpu.SMEM),
            pl.BlockSpec((P, NCL), full),
            pl.BlockSpec((P, NDL), full),
            pl.BlockSpec((P, NDL), full),
            pl.BlockSpec((NQT * QT, NDL), full),
            pl.BlockSpec((1, NQT * QT), full),
            pl.BlockSpec((1, NQT * QT), full),
            pl.BlockSpec((NQT * QT, 1), full),
            pl.BlockSpec((P, NDL), full),
        ],
        out_specs=pl.BlockSpec((1, 1), full, memory_space=pltpu.SMEM),
        out_shape=jax.ShapeDtypeStruct((1, 1), jnp.float32),
        compiler_params=pltpu.CompilerParams(
            dimension_semantics=("arbitrary",),
        ),
    )(consts, cw, dwi, dwj, gwp, jnp.asarray(_KQ_R), jnp.asarray(_LQ_R),
      jnp.asarray(_CCNT_C), gw)
    return out.reshape(1)

# --- scband reference (transcript-rebuilt; emitter-appended) ---
"""Pipeline reference for scband-unstructured-prob-loss-6923487281560 (READ-ONLY COPY).

The authoritative reference and input builder live on the scoring server;
editing this copy changes nothing except your own understanding.
"""

import jax, jax.numpy as jnp
import numpy as np

N_WORDS = 48
N_CONT = 32
N_DISC = 16
N_CST = 40


def setup_inputs(seed: int = 0) -> dict:
    key = jax.random.key(seed)
    k1, k2, k3 = jax.random.split(key, 3)
    cont_weights = jax.random.normal(k1, (1, N_WORDS, N_WORDS, N_CONT), dtype=jnp.float32)
    disc_weights = jax.random.normal(k2, (1, N_WORDS, N_WORDS, N_DISC), dtype=jnp.float32)
    gap_weights = jax.random.normal(k3, (1, N_WORDS, N_WORDS, N_DISC), dtype=jnp.float32)
    rng = np.random.default_rng(0)
    rows = []
    for _ in range(N_CST // 2):
        i = int(rng.integers(0, N_WORDS)); j = int(rng.integers(i, N_WORDS))
        rows.append([int(rng.integers(0, N_CONT)), i, -1, -1, j])
    for _ in range(N_CST // 2):
        i = int(rng.integers(0, N_WORDS - 4)); k = int(rng.integers(i, N_WORDS - 4))
        l = int(rng.integers(k + 2, N_WORDS - 1)); j = int(rng.integers(l, N_WORDS))
        rows.append([int(rng.integers(0, N_DISC)), i, k, l, j])
    constituents = jnp.asarray(np.array(rows, dtype=np.int64))
    return {"cont_weights": cont_weights, "disc_weights": disc_weights, "gap_weights": gap_weights, "constituents": constituents}


def _enumerate_disc(n):
    ii, kk, ll, jj = np.indices((n, n, n, n), dtype=np.int32)
    valid = (ii <= kk) & (ll >= kk + 2) & (jj >= ll)
    return ii[valid], kk[valid], ll[valid], jj[valid]


def reference(cont_weights, disc_weights, gap_weights, constituents):
    n = disc_weights.shape[1]
    ncl = cont_weights.shape[3]
    ndl = disc_weights.shape[3]
    n_rows = constituents.shape[0]
    tri = np.triu(np.ones((n, n), dtype=np.float32), 0).reshape(-1)
    # enumerate all discontinuous spans (i <= k, l >= k+2, j >= l)
    i_, k_, l_, j_ = _enumerate_disc(n)
    cont_idx = jnp.asarray((i_ * n + j_).astype(np.int32))
    disc_idx = jnp.asarray(((k_ + 1) * n + (l_ - 1)).astype(np.int32))
    enum_flat = jnp.asarray(((i_.astype(np.int64) * n + k_) * n + l_) * n + j_)
    cont_gold0 = jnp.full((n, n), ncl, dtype=constituents.dtype)
    labels0 = jnp.full(i_.shape[0], ndl, dtype=constituents.dtype)

    def _apply_row(r, carry):
        cont_gold, labels = carry
        lab = constituents[r, 0]
        i = constituents[r, 1]
        k = constituents[r, 2]
        l = constituents[r, 3]
        j = constituents[r, 4]
        is_cont = k < 0
        cont_gold = cont_gold.at[i, j].set(jnp.where(is_cont, lab, cont_gold[i, j]), mode="drop")
        gid = ((i * n + k) * n + l) * n + j
        hit = jnp.logical_and(jnp.logical_not(is_cont), enum_flat == gid)
        labels = jnp.where(hit, lab, labels)
        return cont_gold, labels

    cont_gold, labels = jax.lax.fori_loop(0, n_rows, _apply_row, (cont_gold0, labels0))
    cont_gold_j = cont_gold.reshape(-1)
    tri_j = jnp.asarray(tri)
    cw = cont_weights[0]; dw = disc_weights[0]; gw = gap_weights[0]
    null_col = jnp.zeros((n, n, 1), dtype=cw.dtype)
    ccw = jnp.concatenate([cw, null_col], axis=2).reshape(-1, ncl + 1)
    cdw = jnp.concatenate([dw, null_col], axis=2).reshape(-1, ndl + 1)
    cgw = jnp.concatenate([gw, null_col], axis=2).reshape(-1, ndl + 1)
    # cross entropy = logsumexp(logits) - logits[gold]
    ce_cont = jax.nn.logsumexp(ccw, axis=1) - jnp.take_along_axis(ccw, cont_gold_j[:, None], axis=1)[:, 0]
    loss = jnp.sum(ce_cont * tri_j)
    w = jnp.take(cdw, cont_idx, axis=0) + jnp.take(cgw, disc_idx, axis=0)
    ce_disc = jax.nn.logsumexp(w, axis=1) - jnp.take_along_axis(w, labels[:, None], axis=1)[:, 0]
    loss = loss + jnp.sum(ce_disc)
    return jnp.stack([loss])

if __name__ == "__main__":
    import jax
    _d = setup_inputs()
    print(jax.jit(kernel)(*tuple(_d.values())))

</pallas_src>

<mosaic_0001>
module attributes {stable_mosaic.version = 14 : i64} {
  func.func @_loss_kernel(%arg0: i32, %arg1: memref<40x5xi32, #tpu.memory_space<smem>>, %arg2: memref<2304x32xf32, #tpu.memory_space<vmem>>, %arg3: memref<2304x16xf32, #tpu.memory_space<vmem>>, %arg4: memref<2304x16xf32, #tpu.memory_space<vmem>>, %arg5: memref<1152x16xf32, #tpu.memory_space<vmem>>, %arg6: memref<1x1152xi32, #tpu.memory_space<vmem>>, %arg7: memref<1x1152xi32, #tpu.memory_space<vmem>>, %arg8: memref<1152x1xf32, #tpu.memory_space<vmem>>, %arg9: memref<2304x16xf32, #tpu.memory_space<vmem>>, %arg10: memref<1x1xf32, #tpu.memory_space<smem>>) attributes {dimension_semantics = [#tpu.dimension_semantics<arbitrary>], iteration_bounds = array<i64: 3>, scalar_prefetch = 0 : i64, scratch_operands = 0 : i64, tpu.core_type = #tpu.core_type<tc>, window_params = [{transform_indices = @transform_0, window_bounds = array<i64: 40, 5>}, {pipeline_mode = #tpu.pipeline_mode<synchronous>, transform_indices = @transform_1, window_bounds = array<i64: 2304, 32>}, {pipeline_mode = #tpu.pipeline_mode<synchronous>, transform_indices = @transform_2, window_bounds = array<i64: 2304, 16>}, {pipeline_mode = #tpu.pipeline_mode<synchronous>, transform_indices = @transform_3, window_bounds = array<i64: 2304, 16>}, {pipeline_mode = #tpu.pipeline_mode<synchronous>, transform_indices = @transform_4, window_bounds = array<i64: 1152, 16>}, {pipeline_mode = #tpu.pipeline_mode<synchronous>, transform_indices = @transform_5, window_bounds = array<i64: 1, 1152>}, {pipeline_mode = #tpu.pipeline_mode<synchronous>, transform_indices = @transform_6, window_bounds = array<i64: 1, 1152>}, {pipeline_mode = #tpu.pipeline_mode<synchronous>, transform_indices = @transform_7, window_bounds = array<i64: 1152, 1>}, {pipeline_mode = #tpu.pipeline_mode<synchronous>, transform_indices = @transform_8, window_bounds = array<i64: 2304, 16>}, {transform_indices = @transform_9, window_bounds = array<i64: 1, 1>}]} {
    %eq3A = arith.constant 0 : i32
    %eq3A_0 = arith.cmpi eq, %arg0, %eq3A : i32
    %convert_element_type3A = arith.extui %eq3A_0 : i1 to i32
    %cond3A = arith.constant 0 : i32
    %cond3A_1 = arith.cmpi ne, %convert_element_type3A, %cond3A : i32
    scf.if %cond3A_1 {
      %swap3A = arith.constant 0.000000e+00 : f32
      %swap3A_22 = arith.constant 0 : index
      %swap3A_23 = arith.constant 0 : index
      %swap3A_24 = memref.load %arg10[%swap3A_22, %swap3A_23] : memref<1x1xf32, #tpu.memory_space<smem>>
      memref.store %swap3A, %arg10[%swap3A_22, %swap3A_23] : memref<1x1xf32, #tpu.memory_space<smem>>
    } else {
    }
    %eq3A_2 = arith.constant 0 : i32
    %eq3A_3 = arith.cmpi eq, %arg0, %eq3A_2 : i32
    %convert_element_type3A_4 = arith.extui %eq3A_3 : i1 to i32
    %cond3A_5 = arith.constant 0 : i32
    %cond3A_6 = arith.cmpi ne, %convert_element_type3A_4, %cond3A_5 : i32
    scf.if %cond3A_6 {
      %get3A = arith.constant 0 : index
      %get3A_22 = arith.constant 0 : index
      %get3A_23 = vector.load %arg5[%get3A, %get3A_22] : memref<1152x16xf32, #tpu.memory_space<vmem>>, vector<384x16xf32>
      %reduce_max3A = arith.constant dense<0xFF800000> : vector<384xf32>
      %reduce_max3A_24 = vector.multi_reduction <maximumf>, %get3A_23, %reduce_max3A [1] : vector<384x16xf32> to vector<384xf32>
      %broadcast_in_dim3A = vector.shape_cast %reduce_max3A_24 : vector<384xf32> to vector<384x1xf32>
      %max3A = arith.constant 0.000000e+00 : f32
      %max3A_25 = vector.broadcast %max3A : f32 to vector<384x1xf32>
      %max3A_26 = arith.maximumf %broadcast_in_dim3A, %max3A_25 : vector<384x1xf32>
      %sub3A = vector.broadcast %max3A_26 : vector<384x1xf32> to vector<384x16xf32>
      %sub3A_27 = arith.subf %get3A_23, %sub3A : vector<384x16xf32>
      %exp3A = math.exp %sub3A_27 : vector<384x16xf32>
      %neg3A = arith.constant 0.000000e+00 : f32
      %neg3A_28 = vector.broadcast %neg3A : f32 to vector<384x1xf32>
      %neg3A_29 = arith.subf %neg3A_28, %max3A_26 : vector<384x1xf32>
      %exp3A_30 = math.exp %neg3A_29 : vector<384x1xf32>
      %concatenate3A = tpu.concatenate %exp3A, %exp3A_30 in 1 : vector<384x16xf32>, vector<384x1xf32> -> vector<384x17xf32>
      %get3A_31 = arith.constant 0 : index
      %get3A_32 = arith.constant 0 : index
      %get3A_33 = vector.load %arg3[%get3A_31, %get3A_32] : memref<2304x16xf32, #tpu.memory_space<vmem>>, vector<480x16xf32>
      %iota3A = tpu.iota {dimensions = array<i32: 0>} : vector<480x1xi32>
      %jit3A = arith.constant 48 : i32
      %div3A = vector.broadcast %jit3A : i32 to vector<480x1xi32>
      %div3A_34 = arith.divsi %iota3A, %div3A : vector<480x1xi32>
      %sign3A = arith.constant 0 : i32
      %sign3A_35 = vector.broadcast %sign3A : i32 to vector<480x1xi32>
      %sign3A_36 = arith.cmpi sgt, %iota3A, %sign3A_35 : vector<480x1xi32>
      %sign3A_37 = arith.extui %sign3A_36 : vector<480x1xi1> to vector<480x1xi32>
      %sign3A_38 = arith.constant 0 : i32
      %sign3A_39 = vector.broadcast %sign3A_38 : i32 to vector<480x1xi32>
      %sign3A_40 = arith.cmpi slt, %iota3A, %sign3A_39 : vector<480x1xi32>
      %sign3A_41 = arith.extui %sign3A_40 : vector<480x1xi1> to vector<480x1xi32>
      %sign3A_42 = arith.subi %sign3A_37, %sign3A_41 : vector<480x1xi32>
      %sign3A_43 = arith.constant 0 : i32
      %sign3A_44 = arith.cmpi sgt, %jit3A, %sign3A_43 : i32
      %sign3A_45 = arith.extui %sign3A_44 : i1 to i32
      %sign3A_46 = arith.constant 0 : i32
      %sign3A_47 = arith.cmpi slt, %jit3A, %sign3A_46 : i32
      %sign3A_48 = arith.extui %sign3A_47 : i1 to i32
      %sign3A_49 = arith.subi %sign3A_45, %sign3A_48 : i32
      %ne3A = vector.broadcast %sign3A_49 : i32 to vector<480x1xi32>
      %ne3A_50 = arith.cmpi ne, %sign3A_42, %ne3A : vector<480x1xi32>
      %rem3A = vector.broadcast %jit3A : i32 to vector<480x1xi32>
      %rem3A_51 = arith.remsi %iota3A, %rem3A : vector<480x1xi32>
      %ne3A_52 = arith.constant 0 : i32
      %ne3A_53 = vector.broadcast %ne3A_52 : i32 to vector<480x1xi32>
      %ne3A_54 = arith.cmpi ne, %rem3A_51, %ne3A_53 : vector<480x1xi32>
      %and3A = arith.andi %ne3A_50, %ne3A_54 : vector<480x1xi1>
      %sub3A_55 = arith.constant 1 : i32
      %sub3A_56 = vector.broadcast %sub3A_55 : i32 to vector<480x1xi32>
      %sub3A_57 = arith.subi %div3A_34, %sub3A_56 : vector<480x1xi32>
      %select_n3A = arith.select %and3A, %sub3A_57, %div3A_34 : vector<480x1xi1>, vector<480x1xi32>
      %mul3A = arith.constant 48 : i32
      %mul3A_58 = vector.broadcast %mul3A : i32 to vector<480x1xi32>
      %mul3A_59 = arith.muli %select_n3A, %mul3A_58 : vector<480x1xi32>
      %sub3A_60 = arith.subi %iota3A, %mul3A_59 : vector<480x1xi32>
      %reduce_max3A_61 = arith.constant dense<0xFF800000> : vector<480xf32>
      %reduce_max3A_62 = vector.multi_reduction <maximumf>, %get3A_33, %reduce_max3A_61 [1] : vector<480x16xf32> to vector<480xf32>
      %broadcast_in_dim3A_63 = vector.shape_cast %reduce_max3A_62 : vector<480xf32> to vector<480x1xf32>
      %max3A_64 = arith.constant 0.000000e+00 : f32
      %max3A_65 = vector.broadcast %max3A_64 : f32 to vector<480x1xf32>
      %max3A_66 = arith.maximumf %broadcast_in_dim3A_63, %max3A_65 : vector<480x1xf32>
      %sub3A_67 = vector.broadcast %max3A_66 : vector<480x1xf32> to vector<480x16xf32>
      %sub3A_68 = arith.subf %get3A_33, %sub3A_67 : vector<480x16xf32>
      %exp3A_69 = math.exp %sub3A_68 : vector<480x16xf32>
      %neg3A_70 = arith.constant 0.000000e+00 : f32
      %neg3A_71 = vector.broadcast %neg3A_70 : f32 to vector<480x1xf32>
      %neg3A_72 = arith.subf %neg3A_71, %max3A_66 : vector<480x1xf32>
      %exp3A_73 = math.exp %neg3A_72 : vector<480x1xf32>
      %concatenate3A_74 = tpu.concatenate %exp3A_69, %exp3A_73 in 1 : vector<480x16xf32>, vector<480x1xf32> -> vector<480x17xf32>
      %dot_general3A = arith.constant dense<0.000000e+00> : vector<480x384xf32>
      %dot_general3A_75 = tpu.matmul %concatenate3A_74, %concatenate3A, %dot_general3A {dimension_numbers = #tpu.dot_dimension_numbers<[1], [1], [0], [0], [0, 0, 1, 0], [], []>, transpose_lhs_hint = false} : vector<480x17xf32>, vector<384x17xf32>, vector<480x384xf32> -> vector<480x384xf32>
      %get3A_76 = arith.constant 0 : index
      %get3A_77 = arith.constant 0 : index
      %get3A_78 = vector.load %arg6[%get3A_76, %get3A_77] : memref<1x1152xi32, #tpu.memory_space<vmem>>, vector<1x384xi32>
      %get3A_79 = arith.constant 0 : index
      %get3A_80 = arith.constant 0 : index
      %get3A_81 = vector.load %arg7[%get3A_79, %get3A_80] : memref<1x1152xi32, #tpu.memory_space<vmem>>, vector<1x384xi32>
      %lt3A = vector.broadcast %select_n3A : vector<480x1xi32> to vector<480x384xi32>
      %lt3A_82 = vector.broadcast %get3A_78 : vector<1x384xi32> to vector<480x384xi32>
      %lt3A_83 = arith.cmpi slt, %lt3A, %lt3A_82 : vector<480x384xi32>
      %gt3A = vector.broadcast %sub3A_60 : vector<480x1xi32> to vector<480x384xi32>
      %gt3A_84 = vector.broadcast %get3A_81 : vector<1x384xi32> to vector<480x384xi32>
      %gt3A_85 = arith.cmpi sgt, %gt3A, %gt3A_84 : vector<480x384xi32>
      %and3A_86 = arith.andi %lt3A_83, %gt3A_85 : vector<480x384xi1>
      %get3A_87 = arith.constant 0 : index
      %get3A_88 = arith.constant 0 : index
      %get3A_89 = memref.load %arg10[%get3A_87, %get3A_88] : memref<1x1xf32, #tpu.memory_space<smem>>
      %log3A = math.log %dot_general3A_75 : vector<480x384xf32>
      %jit3A_90 = arith.constant 0.000000e+00 : f32
      %broadcast_in_dim3A_91 = vector.broadcast %jit3A_90 : f32 to vector<480x384xf32>
      %select_n3A_92 = arith.select %and3A_86, %log3A, %broadcast_in_dim3A_91 : vector<480x384xi1>, vector<480x384xf32>
      %reduce_sum3A = vector.shape_cast %select_n3A_92 : vector<480x384xf32> to vector<1x480x384xf32>
      %reduce_sum3A_93 = arith.constant dense<0.000000e+00> : vector<1xf32>
      %reduce_sum3A_94 = vector.multi_reduction <add>, %reduce_sum3A, %reduce_sum3A_93 [1, 2] : vector<1x480x384xf32> to vector<1xf32>
      %reduce_sum3A_95 = vector.shape_cast %reduce_sum3A_94 : vector<1xf32> to vector<1x1x1xf32>
      %reduce_sum3A_96 = vector.extract %reduce_sum3A_95[0, 0, 0] : f32 from vector<1x1x1xf32>
      %add3A = arith.addf %get3A_89, %reduce_sum3A_96 : f32
      %swap3A = arith.constant 0 : index
      %swap3A_97 = arith.constant 0 : index
      %swap3A_98 = memref.load %arg10[%swap3A, %swap3A_97] : memref<1x1xf32, #tpu.memory_space<smem>>
      memref.store %add3A, %arg10[%swap3A, %swap3A_97] : memref<1x1xf32, #tpu.memory_space<smem>>
      %get3A_99 = arith.constant 0 : index
      %get3A_100 = arith.constant 0 : index
      %get3A_101 = vector.load %arg8[%get3A_99, %get3A_100] : memref<1152x1xf32, #tpu.memory_space<vmem>>, vector<384x1xf32>
      %get3A_102 = arith.constant 0 : index
      %get3A_103 = arith.constant 0 : index
      %get3A_104 = memref.load %arg10[%get3A_102, %get3A_103] : memref<1x1xf32, #tpu.memory_space<smem>>
      %mul3A_105 = arith.mulf %max3A_26, %get3A_101 : vector<384x1xf32>
      %reduce_sum3A_106 = vector.shape_cast %mul3A_105 : vector<384x1xf32> to vector<1x384x1xf32>
      %reduce_sum3A_107 = arith.constant dense<0.000000e+00> : vector<1xf32>
      %reduce_sum3A_108 = vector.multi_reduction <add>, %reduce_sum3A_106, %reduce_sum3A_107 [1, 2] : vector<1x384x1xf32> to vector<1xf32>
      %reduce_sum3A_109 = vector.shape_cast %reduce_sum3A_108 : vector<1xf32> to vector<1x1x1xf32>
      %reduce_sum3A_110 = vector.extract %reduce_sum3A_109[0, 0, 0] : f32 from vector<1x1x1xf32>
      %add3A_111 = arith.addf %get3A_104, %reduce_sum3A_110 : f32
      %swap3A_112 = arith.constant 0 : index
      %swap3A_113 = arith.constant 0 : index
      %swap3A_114 = memref.load %arg10[%swap3A_112, %swap3A_113] : memref<1x1xf32, #tpu.memory_space<smem>>
      memref.store %add3A_111, %arg10[%swap3A_112, %swap3A_113] : memref<1x1xf32, #tpu.memory_space<smem>>
    } else {
    }
    %eq3A_7 = arith.constant 1 : i32
    %eq3A_8 = arith.cmpi eq, %arg0, %eq3A_7 : i32
    %convert_element_type3A_9 = arith.extui %eq3A_8 : i1 to i32
    %cond3A_10 = arith.constant 0 : i32
    %cond3A_11 = arith.cmpi ne, %convert_element_type3A_9, %cond3A_10 : i32
    scf.if %cond3A_11 {
      %get3A = arith.constant 384 : index
      %get3A_22 = arith.constant 0 : index
      %get3A_23 = vector.load %arg5[%get3A, %get3A_22] : memref<1152x16xf32, #tpu.memory_space<vmem>>, vector<384x16xf32>
      %reduce_max3A = arith.constant dense<0xFF800000> : vector<384xf32>
      %reduce_max3A_24 = vector.multi_reduction <maximumf>, %get3A_23, %reduce_max3A [1] : vector<384x16xf32> to vector<384xf32>
      %broadcast_in_dim3A = vector.shape_cast %reduce_max3A_24 : vector<384xf32> to vector<384x1xf32>
      %max3A = arith.constant 0.000000e+00 : f32
      %max3A_25 = vector.broadcast %max3A : f32 to vector<384x1xf32>
      %max3A_26 = arith.maximumf %broadcast_in_dim3A, %max3A_25 : vector<384x1xf32>
      %sub3A = vector.broadcast %max3A_26 : vector<384x1xf32> to vector<384x16xf32>
      %sub3A_27 = arith.subf %get3A_23, %sub3A : vector<384x16xf32>
      %exp3A = math.exp %sub3A_27 : vector<384x16xf32>
      %neg3A = arith.constant 0.000000e+00 : f32
      %neg3A_28 = vector.broadcast %neg3A : f32 to vector<384x1xf32>
      %neg3A_29 = arith.subf %neg3A_28, %max3A_26 : vector<384x1xf32>
      %exp3A_30 = math.exp %neg3A_29 : vector<384x1xf32>
      %concatenate3A = tpu.concatenate %exp3A, %exp3A_30 in 1 : vector<384x16xf32>, vector<384x1xf32> -> vector<384x17xf32>
      %get3A_31 = arith.constant 0 : index
      %get3A_32 = arith.constant 0 : index
      %get3A_33 = vector.load %arg3[%get3A_31, %get3A_32] : memref<2304x16xf32, #tpu.memory_space<vmem>>, vector<1056x16xf32>
      %iota3A = tpu.iota {dimensions = array<i32: 0>} : vector<1056x1xi32>
      %jit3A = arith.constant 48 : i32
      %div3A = vector.broadcast %jit3A : i32 to vector<1056x1xi32>
      %div3A_34 = arith.divsi %iota3A, %div3A : vector<1056x1xi32>
      %sign3A = arith.constant 0 : i32
      %sign3A_35 = vector.broadcast %sign3A : i32 to vector<1056x1xi32>
      %sign3A_36 = arith.cmpi sgt, %iota3A, %sign3A_35 : vector<1056x1xi32>
      %sign3A_37 = arith.extui %sign3A_36 : vector<1056x1xi1> to vector<1056x1xi32>
      %sign3A_38 = arith.constant 0 : i32
      %sign3A_39 = vector.broadcast %sign3A_38 : i32 to vector<1056x1xi32>
      %sign3A_40 = arith.cmpi slt, %iota3A, %sign3A_39 : vector<1056x1xi32>
      %sign3A_41 = arith.extui %sign3A_40 : vector<1056x1xi1> to vector<1056x1xi32>
      %sign3A_42 = arith.subi %sign3A_37, %sign3A_41 : vector<1056x1xi32>
      %sign3A_43 = arith.constant 0 : i32
      %sign3A_44 = arith.cmpi sgt, %jit3A, %sign3A_43 : i32
      %sign3A_45 = arith.extui %sign3A_44 : i1 to i32
      %sign3A_46 = arith.constant 0 : i32
      %sign3A_47 = arith.cmpi slt, %jit3A, %sign3A_46 : i32
      %sign3A_48 = arith.extui %sign3A_47 : i1 to i32
      %sign3A_49 = arith.subi %sign3A_45, %sign3A_48 : i32
      %ne3A = vector.broadcast %sign3A_49 : i32 to vector<1056x1xi32>
      %ne3A_50 = arith.cmpi ne, %sign3A_42, %ne3A : vector<1056x1xi32>
      %rem3A = vector.broadcast %jit3A : i32 to vector<1056x1xi32>
      %rem3A_51 = arith.remsi %iota3A, %rem3A : vector<1056x1xi32>
      %ne3A_52 = arith.constant 0 : i32
      %ne3A_53 = vector.broadcast %ne3A_52 : i32 to vector<1056x1xi32>
      %ne3A_54 = arith.cmpi ne, %rem3A_51, %ne3A_53 : vector<1056x1xi32>
      %and3A = arith.andi %ne3A_50, %ne3A_54 : vector<1056x1xi1>
      %sub3A_55 = arith.constant 1 : i32
      %sub3A_56 = vector.broadcast %sub3A_55 : i32 to vector<1056x1xi32>
      %sub3A_57 = arith.subi %div3A_34, %sub3A_56 : vector<1056x1xi32>
      %select_n3A = arith.select %and3A, %sub3A_57, %div3A_34 : vector<1056x1xi1>, vector<1056x1xi32>
      %mul3A = arith.constant 48 : i32
      %mul3A_58 = vector.broadcast %mul3A : i32 to vector<1056x1xi32>
      %mul3A_59 = arith.muli %select_n3A, %mul3A_58 : vector<1056x1xi32>
      %sub3A_60 = arith.subi %iota3A, %mul3A_59 : vector<1056x1xi32>
      %reduce_max3A_61 = arith.constant dense<0xFF800000> : vector<1056xf32>
      %reduce_max3A_62 = vector.multi_reduction <maximumf>, %get3A_33, %reduce_max3A_61 [1] : vector<1056x16xf32> to vector<1056xf32>
      %broadcast_in_dim3A_63 = vector.shape_cast %reduce_max3A_62 : vector<1056xf32> to vector<1056x1xf32>
      %max3A_64 = arith.constant 0.000000e+00 : f32
      %max3A_65 = vector.broadcast %max3A_64 : f32 to vector<1056x1xf32>
      %max3A_66 = arith.maximumf %broadcast_in_dim3A_63, %max3A_65 : vector<1056x1xf32>
      %sub3A_67 = vector.broadcast %max3A_66 : vector<1056x1xf32> to vector<1056x16xf32>
      %sub3A_68 = arith.subf %get3A_33, %sub3A_67 : vector<1056x16xf32>
      %exp3A_69 = math.exp %sub3A_68 : vector<1056x16xf32>
      %neg3A_70 = arith.constant 0.000000e+00 : f32
      %neg3A_71 = vector.broadcast %neg3A_70 : f32 to vector<1056x1xf32>
      %neg3A_72 = arith.subf %neg3A_71, %max3A_66 : vector<1056x1xf32>
      %exp3A_73 = math.exp %neg3A_72 : vector<1056x1xf32>
      %concatenate3A_74 = tpu.concatenate %exp3A_69, %exp3A_73 in 1 : vector<1056x16xf32>, vector<1056x1xf32> -> vector<1056x17xf32>
      %dot_general3A = arith.constant dense<0.000000e+00> : vector<1056x384xf32>
      %dot_general3A_75 = tpu.matmul %concatenate3A_74, %concatenate3A, %dot_general3A {dimension_numbers = #tpu.dot_dimension_numbers<[1], [1], [0], [0], [0, 0, 1, 0], [], []>, transpose_lhs_hint = false} : vector<1056x17xf32>, vector<384x17xf32>, vector<1056x384xf32> -> vector<1056x384xf32>
      %get3A_76 = arith.constant 0 : index
      %get3A_77 = arith.constant 384 : index
      %get3A_78 = vector.load %arg6[%get3A_76, %get3A_77] : memref<1x1152xi32, #tpu.memory_space<vmem>>, vector<1x384xi32>
      %get3A_79 = arith.constant 0 : index
      %get3A_80 = arith.constant 384 : index
      %get3A_81 = vector.load %arg7[%get3A_79, %get3A_80] : memref<1x1152xi32, #tpu.memory_space<vmem>>, vector<1x384xi32>
      %lt3A = vector.broadcast %select_n3A : vector<1056x1xi32> to vector<1056x384xi32>
      %lt3A_82 = vector.broadcast %get3A_78 : vector<1x384xi32> to vector<1056x384xi32>
      %lt3A_83 = arith.cmpi slt, %lt3A, %lt3A_82 : vector<1056x384xi32>
      %gt3A = vector.broadcast %sub3A_60 : vector<1056x1xi32> to vector<1056x384xi32>
      %gt3A_84 = vector.broadcast %get3A_81 : vector<1x384xi32> to vector<1056x384xi32>
      %gt3A_85 = arith.cmpi sgt, %gt3A, %gt3A_84 : vector<1056x384xi32>
      %and3A_86 = arith.andi %lt3A_83, %gt3A_85 : vector<1056x384xi1>
      %get3A_87 = arith.constant 0 : index
      %get3A_88 = arith.constant 0 : index
      %get3A_89 = memref.load %arg10[%get3A_87, %get3A_88] : memref<1x1xf32, #tpu.memory_space<smem>>
      %log3A = math.log %dot_general3A_75 : vector<1056x384xf32>
      %jit3A_90 = arith.constant 0.000000e+00 : f32
      %broadcast_in_dim3A_91 = vector.broadcast %jit3A_90 : f32 to vector<1056x384xf32>
      %select_n3A_92 = arith.select %and3A_86, %log3A, %broadcast_in_dim3A_91 : vector<1056x384xi1>, vector<1056x384xf32>
      %reduce_sum3A = vector.shape_cast %select_n3A_92 : vector<1056x384xf32> to vector<1x1056x384xf32>
      %reduce_sum3A_93 = arith.constant dense<0.000000e+00> : vector<1xf32>
      %reduce_sum3A_94 = vector.multi_reduction <add>, %reduce_sum3A, %reduce_sum3A_93 [1, 2] : vector<1x1056x384xf32> to vector<1xf32>
      %reduce_sum3A_95 = vector.shape_cast %reduce_sum3A_94 : vector<1xf32> to vector<1x1x1xf32>
      %reduce_sum3A_96 = vector.extract %reduce_sum3A_95[0, 0, 0] : f32 from vector<1x1x1xf32>
      %add3A = arith.addf %get3A_89, %reduce_sum3A_96 : f32
      %swap3A = arith.constant 0 : index
      %swap3A_97 = arith.constant 0 : index
      %swap3A_98 = memref.load %arg10[%swap3A, %swap3A_97] : memref<1x1xf32, #tpu.memory_space<smem>>
      memref.store %add3A, %arg10[%swap3A, %swap3A_97] : memref<1x1xf32, #tpu.memory_space<smem>>
      %get3A_99 = arith.constant 384 : index
      %get3A_100 = arith.constant 0 : index
      %get3A_101 = vector.load %arg8[%get3A_99, %get3A_100] : memref<1152x1xf32, #tpu.memory_space<vmem>>, vector<384x1xf32>
      %get3A_102 = arith.constant 0 : index
      %get3A_103 = arith.constant 0 : index
      %get3A_104 = memref.load %arg10[%get3A_102, %get3A_103] : memref<1x1xf32, #tpu.memory_space<smem>>
      %mul3A_105 = arith.mulf %max3A_26, %get3A_101 : vector<384x1xf32>
      %reduce_sum3A_106 = vector.shape_cast %mul3A_105 : vector<384x1xf32> to vector<1x384x1xf32>
      %reduce_sum3A_107 = arith.constant dense<0.000000e+00> : vector<1xf32>
      %reduce_sum3A_108 = vector.multi_reduction <add>, %reduce_sum3A_106, %reduce_sum3A_107 [1, 2] : vector<1x384x1xf32> to vector<1xf32>
      %reduce_sum3A_109 = vector.shape_cast %reduce_sum3A_108 : vector<1xf32> to vector<1x1x1xf32>
      %reduce_sum3A_110 = vector.extract %reduce_sum3A_109[0, 0, 0] : f32 from vector<1x1x1xf32>
      %add3A_111 = arith.addf %get3A_104, %reduce_sum3A_110 : f32
      %swap3A_112 = arith.constant 0 : index
      %swap3A_113 = arith.constant 0 : index
      %swap3A_114 = memref.load %arg10[%swap3A_112, %swap3A_113] : memref<1x1xf32, #tpu.memory_space<smem>>
      memref.store %add3A_111, %arg10[%swap3A_112, %swap3A_113] : memref<1x1xf32, #tpu.memory_space<smem>>
    } else {
    }
    %eq3A_12 = arith.constant 2 : i32
    %eq3A_13 = arith.cmpi eq, %arg0, %eq3A_12 : i32
    %convert_element_type3A_14 = arith.extui %eq3A_13 : i1 to i32
    %cond3A_15 = arith.constant 0 : i32
    %cond3A_16 = arith.cmpi ne, %convert_element_type3A_14, %cond3A_15 : i32
    scf.if %cond3A_16 {
      %get3A = arith.constant 768 : index
      %get3A_22 = arith.constant 0 : index
      %get3A_23 = vector.load %arg5[%get3A, %get3A_22] : memref<1152x16xf32, #tpu.memory_space<vmem>>, vector<384x16xf32>
      %reduce_max3A = arith.constant dense<0xFF800000> : vector<384xf32>
      %reduce_max3A_24 = vector.multi_reduction <maximumf>, %get3A_23, %reduce_max3A [1] : vector<384x16xf32> to vector<384xf32>
      %broadcast_in_dim3A = vector.shape_cast %reduce_max3A_24 : vector<384xf32> to vector<384x1xf32>
      %max3A = arith.constant 0.000000e+00 : f32
      %max3A_25 = vector.broadcast %max3A : f32 to vector<384x1xf32>
      %max3A_26 = arith.maximumf %broadcast_in_dim3A, %max3A_25 : vector<384x1xf32>
      %sub3A = vector.broadcast %max3A_26 : vector<384x1xf32> to vector<384x16xf32>
      %sub3A_27 = arith.subf %get3A_23, %sub3A : vector<384x16xf32>
      %exp3A = math.exp %sub3A_27 : vector<384x16xf32>
      %neg3A = arith.constant 0.000000e+00 : f32
      %neg3A_28 = vector.broadcast %neg3A : f32 to vector<384x1xf32>
      %neg3A_29 = arith.subf %neg3A_28, %max3A_26 : vector<384x1xf32>
      %exp3A_30 = math.exp %neg3A_29 : vector<384x1xf32>
      %concatenate3A = tpu.concatenate %exp3A, %exp3A_30 in 1 : vector<384x16xf32>, vector<384x1xf32> -> vector<384x17xf32>
      %get3A_31 = arith.constant 1152 : index
      %get3A_32 = arith.constant 0 : index
      %get3A_33 = vector.load %arg4[%get3A_31, %get3A_32] : memref<2304x16xf32, #tpu.memory_space<vmem>>, vector<1152x16xf32>
      %iota3A = tpu.iota {dimensions = array<i32: 0>} : vector<1152x1xi32>
      %add3A = arith.constant 1152 : i32
      %add3A_34 = vector.broadcast %add3A : i32 to vector<1152x1xi32>
      %add3A_35 = arith.addi %iota3A, %add3A_34 : vector<1152x1xi32>
      %jit3A = arith.constant 48 : i32
      %div3A = vector.broadcast %jit3A : i32 to vector<1152x1xi32>
      %div3A_36 = arith.divsi %add3A_35, %div3A : vector<1152x1xi32>
      %sign3A = arith.constant 0 : i32
      %sign3A_37 = vector.broadcast %sign3A : i32 to vector<1152x1xi32>
      %sign3A_38 = arith.cmpi sgt, %add3A_35, %sign3A_37 : vector<1152x1xi32>
      %sign3A_39 = arith.extui %sign3A_38 : vector<1152x1xi1> to vector<1152x1xi32>
      %sign3A_40 = arith.constant 0 : i32
      %sign3A_41 = vector.broadcast %sign3A_40 : i32 to vector<1152x1xi32>
      %sign3A_42 = arith.cmpi slt, %add3A_35, %sign3A_41 : vector<1152x1xi32>
      %sign3A_43 = arith.extui %sign3A_42 : vector<1152x1xi1> to vector<1152x1xi32>
      %sign3A_44 = arith.subi %sign3A_39, %sign3A_43 : vector<1152x1xi32>
      %sign3A_45 = arith.constant 0 : i32
      %sign3A_46 = arith.cmpi sgt, %jit3A, %sign3A_45 : i32
      %sign3A_47 = arith.extui %sign3A_46 : i1 to i32
      %sign3A_48 = arith.constant 0 : i32
      %sign3A_49 = arith.cmpi slt, %jit3A, %sign3A_48 : i32
      %sign3A_50 = arith.extui %sign3A_49 : i1 to i32
      %sign3A_51 = arith.subi %sign3A_47, %sign3A_50 : i32
      %ne3A = vector.broadcast %sign3A_51 : i32 to vector<1152x1xi32>
      %ne3A_52 = arith.cmpi ne, %sign3A_44, %ne3A : vector<1152x1xi32>
      %rem3A = vector.broadcast %jit3A : i32 to vector<1152x1xi32>
      %rem3A_53 = arith.remsi %add3A_35, %rem3A : vector<1152x1xi32>
      %ne3A_54 = arith.constant 0 : i32
      %ne3A_55 = vector.broadcast %ne3A_54 : i32 to vector<1152x1xi32>
      %ne3A_56 = arith.cmpi ne, %rem3A_53, %ne3A_55 : vector<1152x1xi32>
      %and3A = arith.andi %ne3A_52, %ne3A_56 : vector<1152x1xi1>
      %sub3A_57 = arith.constant 1 : i32
      %sub3A_58 = vector.broadcast %sub3A_57 : i32 to vector<1152x1xi32>
      %sub3A_59 = arith.subi %div3A_36, %sub3A_58 : vector<1152x1xi32>
      %select_n3A = arith.select %and3A, %sub3A_59, %div3A_36 : vector<1152x1xi1>, vector<1152x1xi32>
      %mul3A = arith.constant 48 : i32
      %mul3A_60 = vector.broadcast %mul3A : i32 to vector<1152x1xi32>
      %mul3A_61 = arith.muli %select_n3A, %mul3A_60 : vector<1152x1xi32>
      %sub3A_62 = arith.subi %add3A_35, %mul3A_61 : vector<1152x1xi32>
      %reduce_max3A_63 = arith.constant dense<0xFF800000> : vector<1152xf32>
      %reduce_max3A_64 = vector.multi_reduction <maximumf>, %get3A_33, %reduce_max3A_63 [1] : vector<1152x16xf32> to vector<1152xf32>
      %broadcast_in_dim3A_65 = vector.shape_cast %reduce_max3A_64 : vector<1152xf32> to vector<1152x1xf32>
      %max3A_66 = arith.constant 0.000000e+00 : f32
      %max3A_67 = vector.broadcast %max3A_66 : f32 to vector<1152x1xf32>
      %max3A_68 = arith.maximumf %broadcast_in_dim3A_65, %max3A_67 : vector<1152x1xf32>
      %sub3A_69 = vector.broadcast %max3A_68 : vector<1152x1xf32> to vector<1152x16xf32>
      %sub3A_70 = arith.subf %get3A_33, %sub3A_69 : vector<1152x16xf32>
      %exp3A_71 = math.exp %sub3A_70 : vector<1152x16xf32>
      %neg3A_72 = arith.constant 0.000000e+00 : f32
      %neg3A_73 = vector.broadcast %neg3A_72 : f32 to vector<1152x1xf32>
      %neg3A_74 = arith.subf %neg3A_73, %max3A_68 : vector<1152x1xf32>
      %exp3A_75 = math.exp %neg3A_74 : vector<1152x1xf32>
      %concatenate3A_76 = tpu.concatenate %exp3A_71, %exp3A_75 in 1 : vector<1152x16xf32>, vector<1152x1xf32> -> vector<1152x17xf32>
      %dot_general3A = arith.constant dense<0.000000e+00> : vector<1152x384xf32>
      %dot_general3A_77 = tpu.matmul %concatenate3A_76, %concatenate3A, %dot_general3A {dimension_numbers = #tpu.dot_dimension_numbers<[1], [1], [0], [0], [0, 0, 1, 0], [], []>, transpose_lhs_hint = false} : vector<1152x17xf32>, vector<384x17xf32>, vector<1152x384xf32> -> vector<1152x384xf32>
      %get3A_78 = arith.constant 0 : index
      %get3A_79 = arith.constant 768 : index
      %get3A_80 = vector.load %arg6[%get3A_78, %get3A_79] : memref<1x1152xi32, #tpu.memory_space<vmem>>, vector<1x384xi32>
      %get3A_81 = arith.constant 0 : index
      %get3A_82 = arith.constant 768 : index
      %get3A_83 = vector.load %arg7[%get3A_81, %get3A_82] : memref<1x1152xi32, #tpu.memory_space<vmem>>, vector<1x384xi32>
      %lt3A = vector.broadcast %sub3A_62 : vector<1152x1xi32> to vector<1152x384xi32>
      %lt3A_84 = vector.broadcast %get3A_80 : vector<1x384xi32> to vector<1152x384xi32>
      %lt3A_85 = arith.cmpi slt, %lt3A, %lt3A_84 : vector<1152x384xi32>
      %gt3A = vector.broadcast %select_n3A : vector<1152x1xi32> to vector<1152x384xi32>
      %gt3A_86 = vector.broadcast %get3A_83 : vector<1x384xi32> to vector<1152x384xi32>
      %gt3A_87 = arith.cmpi sgt, %gt3A, %gt3A_86 : vector<1152x384xi32>
      %and3A_88 = arith.andi %lt3A_85, %gt3A_87 : vector<1152x384xi1>
      %get3A_89 = arith.constant 0 : index
      %get3A_90 = arith.constant 0 : index
      %get3A_91 = memref.load %arg10[%get3A_89, %get3A_90] : memref<1x1xf32, #tpu.memory_space<smem>>
      %log3A = math.log %dot_general3A_77 : vector<1152x384xf32>
      %jit3A_92 = arith.constant 0.000000e+00 : f32
      %broadcast_in_dim3A_93 = vector.broadcast %jit3A_92 : f32 to vector<1152x384xf32>
      %select_n3A_94 = arith.select %and3A_88, %log3A, %broadcast_in_dim3A_93 : vector<1152x384xi1>, vector<1152x384xf32>
      %reduce_sum3A = vector.shape_cast %select_n3A_94 : vector<1152x384xf32> to vector<1x1152x384xf32>
      %reduce_sum3A_95 = arith.constant dense<0.000000e+00> : vector<1xf32>
      %reduce_sum3A_96 = vector.multi_reduction <add>, %reduce_sum3A, %reduce_sum3A_95 [1, 2] : vector<1x1152x384xf32> to vector<1xf32>
      %reduce_sum3A_97 = vector.shape_cast %reduce_sum3A_96 : vector<1xf32> to vector<1x1x1xf32>
      %reduce_sum3A_98 = vector.extract %reduce_sum3A_97[0, 0, 0] : f32 from vector<1x1x1xf32>
      %add3A_99 = arith.addf %get3A_91, %reduce_sum3A_98 : f32
      %swap3A = arith.constant 0 : index
      %swap3A_100 = arith.constant 0 : index
      %swap3A_101 = memref.load %arg10[%swap3A, %swap3A_100] : memref<1x1xf32, #tpu.memory_space<smem>>
      memref.store %add3A_99, %arg10[%swap3A, %swap3A_100] : memref<1x1xf32, #tpu.memory_space<smem>>
      %get3A_102 = arith.constant 768 : index
      %get3A_103 = arith.constant 0 : index
      %get3A_104 = vector.load %arg8[%get3A_102, %get3A_103] : memref<1152x1xf32, #tpu.memory_space<vmem>>, vector<384x1xf32>
      %get3A_105 = arith.constant 0 : index
      %get3A_106 = arith.constant 0 : index
      %get3A_107 = memref.load %arg10[%get3A_105, %get3A_106] : memref<1x1xf32, #tpu.memory_space<smem>>
      %mul3A_108 = arith.mulf %max3A_26, %get3A_104 : vector<384x1xf32>
      %reduce_sum3A_109 = vector.shape_cast %mul3A_108 : vector<384x1xf32> to vector<1x384x1xf32>
      %reduce_sum3A_110 = arith.constant dense<0.000000e+00> : vector<1xf32>
      %reduce_sum3A_111 = vector.multi_reduction <add>, %reduce_sum3A_109, %reduce_sum3A_110 [1, 2] : vector<1x384x1xf32> to vector<1xf32>
      %reduce_sum3A_112 = vector.shape_cast %reduce_sum3A_111 : vector<1xf32> to vector<1x1x1xf32>
      %reduce_sum3A_113 = vector.extract %reduce_sum3A_112[0, 0, 0] : f32 from vector<1x1x1xf32>
      %add3A_114 = arith.addf %get3A_107, %reduce_sum3A_113 : f32
      %swap3A_115 = arith.constant 0 : index
      %swap3A_116 = arith.constant 0 : index
      %swap3A_117 = memref.load %arg10[%swap3A_115, %swap3A_116] : memref<1x1xf32, #tpu.memory_space<smem>>
      memref.store %add3A_114, %arg10[%swap3A_115, %swap3A_116] : memref<1x1xf32, #tpu.memory_space<smem>>
    } else {
    }
    %eq3A_17 = arith.constant 0 : i32
    %eq3A_18 = arith.cmpi eq, %arg0, %eq3A_17 : i32
    %convert_element_type3A_19 = arith.extui %eq3A_18 : i1 to i32
    %cond3A_20 = arith.constant 0 : i32
    %cond3A_21 = arith.cmpi ne, %convert_element_type3A_19, %cond3A_20 : i32
    scf.if %cond3A_21 {
      %iota3A = tpu.iota {dimensions = array<i32: 0>} : vector<2304x1xi32>
      %jit3A = arith.constant 48 : i32
      %div3A = vector.broadcast %jit3A : i32 to vector<2304x1xi32>
      %div3A_22 = arith.divsi %iota3A, %div3A : vector<2304x1xi32>
      %sign3A = arith.constant 0 : i32
      %sign3A_23 = vector.broadcast %sign3A : i32 to vector<2304x1xi32>
      %sign3A_24 = arith.cmpi sgt, %iota3A, %sign3A_23 : vector<2304x1xi32>
      %sign3A_25 = arith.extui %sign3A_24 : vector<2304x1xi1> to vector<2304x1xi32>
      %sign3A_26 = arith.constant 0 : i32
      %sign3A_27 = vector.broadcast %sign3A_26 : i32 to vector<2304x1xi32>
      %sign3A_28 = arith.cmpi slt, %iota3A, %sign3A_27 : vector<2304x1xi32>
      %sign3A_29 = arith.extui %sign3A_28 : vector<2304x1xi1> to vector<2304x1xi32>
      %sign3A_30 = arith.subi %sign3A_25, %sign3A_29 : vector<2304x1xi32>
      %sign3A_31 = arith.constant 0 : i32
      %sign3A_32 = arith.cmpi sgt, %jit3A, %sign3A_31 : i32
      %sign3A_33 = arith.extui %sign3A_32 : i1 to i32
      %sign3A_34 = arith.constant 0 : i32
      %sign3A_35 = arith.cmpi slt, %jit3A, %sign3A_34 : i32
      %sign3A_36 = arith.extui %sign3A_35 : i1 to i32
      %sign3A_37 = arith.subi %sign3A_33, %sign3A_36 : i32
      %ne3A = vector.broadcast %sign3A_37 : i32 to vector<2304x1xi32>
      %ne3A_38 = arith.cmpi ne, %sign3A_30, %ne3A : vector<2304x1xi32>
      %rem3A = vector.broadcast %jit3A : i32 to vector<2304x1xi32>
      %rem3A_39 = arith.remsi %iota3A, %rem3A : vector<2304x1xi32>
      %ne3A_40 = arith.constant 0 : i32
      %ne3A_41 = vector.broadcast %ne3A_40 : i32 to vector<2304x1xi32>
      %ne3A_42 = arith.cmpi ne, %rem3A_39, %ne3A_41 : vector<2304x1xi32>
      %and3A = arith.andi %ne3A_38, %ne3A_42 : vector<2304x1xi1>
      %sub3A = arith.constant 1 : i32
      %sub3A_43 = vector.broadcast %sub3A : i32 to vector<2304x1xi32>
      %sub3A_44 = arith.subi %div3A_22, %sub3A_43 : vector<2304x1xi32>
      %select_n3A = arith.select %and3A, %sub3A_44, %div3A_22 : vector<2304x1xi1>, vector<2304x1xi32>
      %mul3A = arith.constant 48 : i32
      %mul3A_45 = vector.broadcast %mul3A : i32 to vector<2304x1xi32>
      %mul3A_46 = arith.muli %select_n3A, %mul3A_45 : vector<2304x1xi32>
      %sub3A_47 = arith.subi %iota3A, %mul3A_46 : vector<2304x1xi32>
      %get3A = arith.constant 0 : index
      %get3A_48 = arith.constant 0 : index
      %get3A_49 = vector.load %arg3[%get3A, %get3A_48] : memref<2304x16xf32, #tpu.memory_space<vmem>>, vector<2304x16xf32>
      %reduce_max3A = arith.constant dense<0xFF800000> : vector<2304xf32>
      %reduce_max3A_50 = vector.multi_reduction <maximumf>, %get3A_49, %reduce_max3A [1] : vector<2304x16xf32> to vector<2304xf32>
      %broadcast_in_dim3A = vector.shape_cast %reduce_max3A_50 : vector<2304xf32> to vector<2304x1xf32>
      %max3A = arith.constant 0.000000e+00 : f32
      %max3A_51 = vector.broadcast %max3A : f32 to vector<2304x1xf32>
      %max3A_52 = arith.maximumf %broadcast_in_dim3A, %max3A_51 : vector<2304x1xf32>
      %sub3A_53 = arith.constant 1 : i32
      %sub3A_54 = vector.broadcast %sub3A_53 : i32 to vector<2304x1xi32>
      %sub3A_55 = arith.subi %sub3A_47, %sub3A_54 : vector<2304x1xi32>
      %min3A = arith.constant 46 : i32
      %min3A_56 = vector.broadcast %min3A : i32 to vector<2304x1xi32>
      %min3A_57 = arith.minsi %sub3A_55, %min3A_56 : vector<2304x1xi32>
      %sub3A_58 = arith.subi %min3A_57, %select_n3A : vector<2304x1xi32>
      %gt3A = arith.constant 0 : i32
      %gt3A_59 = vector.broadcast %gt3A : i32 to vector<2304x1xi32>
      %gt3A_60 = arith.cmpi sgt, %sub3A_58, %gt3A_59 : vector<2304x1xi32>
      %add3A = arith.constant 1 : i32
      %add3A_61 = vector.broadcast %add3A : i32 to vector<2304x1xi32>
      %add3A_62 = arith.addi %sub3A_58, %add3A_61 : vector<2304x1xi32>
      %mul3A_63 = arith.muli %sub3A_58, %add3A_62 : vector<2304x1xi32>
      %jit3A_64 = arith.constant 2 : i32
      %div3A_65 = vector.broadcast %jit3A_64 : i32 to vector<2304x1xi32>
      %div3A_66 = arith.divsi %mul3A_63, %div3A_65 : vector<2304x1xi32>
      %sign3A_67 = arith.constant 0 : i32
      %sign3A_68 = vector.broadcast %sign3A_67 : i32 to vector<2304x1xi32>
      %sign3A_69 = arith.cmpi sgt, %mul3A_63, %sign3A_68 : vector<2304x1xi32>
      %sign3A_70 = arith.extui %sign3A_69 : vector<2304x1xi1> to vector<2304x1xi32>
      %sign3A_71 = arith.constant 0 : i32
      %sign3A_72 = vector.broadcast %sign3A_71 : i32 to vector<2304x1xi32>
      %sign3A_73 = arith.cmpi slt, %mul3A_63, %sign3A_72 : vector<2304x1xi32>
      %sign3A_74 = arith.extui %sign3A_73 : vector<2304x1xi1> to vector<2304x1xi32>
      %sign3A_75 = arith.subi %sign3A_70, %sign3A_74 : vector<2304x1xi32>
      %sign3A_76 = arith.constant 0 : i32
      %sign3A_77 = arith.cmpi sgt, %jit3A_64, %sign3A_76 : i32
      %sign3A_78 = arith.extui %sign3A_77 : i1 to i32
      %sign3A_79 = arith.constant 0 : i32
      %sign3A_80 = arith.cmpi slt, %jit3A_64, %sign3A_79 : i32
      %sign3A_81 = arith.extui %sign3A_80 : i1 to i32
      %sign3A_82 = arith.subi %sign3A_78, %sign3A_81 : i32
      %ne3A_83 = vector.broadcast %sign3A_82 : i32 to vector<2304x1xi32>
      %ne3A_84 = arith.cmpi ne, %sign3A_75, %ne3A_83 : vector<2304x1xi32>
      %rem3A_85 = vector.broadcast %jit3A_64 : i32 to vector<2304x1xi32>
      %rem3A_86 = arith.remsi %mul3A_63, %rem3A_85 : vector<2304x1xi32>
      %ne3A_87 = arith.constant 0 : i32
      %ne3A_88 = vector.broadcast %ne3A_87 : i32 to vector<2304x1xi32>
      %ne3A_89 = arith.cmpi ne, %rem3A_86, %ne3A_88 : vector<2304x1xi32>
      %and3A_90 = arith.andi %ne3A_84, %ne3A_89 : vector<2304x1xi1>
      %sub3A_91 = arith.constant 1 : i32
      %sub3A_92 = vector.broadcast %sub3A_91 : i32 to vector<2304x1xi32>
      %sub3A_93 = arith.subi %div3A_66, %sub3A_92 : vector<2304x1xi32>
      %select_n3A_94 = arith.select %and3A_90, %sub3A_93, %div3A_66 : vector<2304x1xi1>, vector<2304x1xi32>
      %jit3A_95 = arith.constant 0 : i32
      %broadcast_in_dim3A_96 = vector.broadcast %jit3A_95 : i32 to vector<2304x1xi32>
      %select_n3A_97 = arith.select %gt3A_60, %select_n3A_94, %broadcast_in_dim3A_96 : vector<2304x1xi1>, vector<2304x1xi32>
      %convert_element_type3A_98 = arith.sitofp %select_n3A_97 : vector<2304x1xi32> to vector<2304x1xf32>
      %mul3A_99 = arith.mulf %max3A_52, %convert_element_type3A_98 : vector<2304x1xf32>
      %reduce_sum3A = vector.shape_cast %mul3A_99 : vector<2304x1xf32> to vector<1x2304x1xf32>
      %reduce_sum3A_100 = arith.constant dense<0.000000e+00> : vector<1xf32>
      %reduce_sum3A_101 = vector.multi_reduction <add>, %reduce_sum3A, %reduce_sum3A_100 [1, 2] : vector<1x2304x1xf32> to vector<1xf32>
      %reduce_sum3A_102 = vector.shape_cast %reduce_sum3A_101 : vector<1xf32> to vector<1x1x1xf32>
      %reduce_sum3A_103 = vector.extract %reduce_sum3A_102[0, 0, 0] : f32 from vector<1x1x1xf32>
      %get3A_104 = arith.constant 0 : index
      %get3A_105 = arith.constant 0 : index
      %get3A_106 = vector.load %arg2[%get3A_104, %get3A_105] : memref<2304x32xf32, #tpu.memory_space<vmem>>, vector<2304x32xf32>
      %reduce_max3A_107 = arith.constant dense<0xFF800000> : vector<2304xf32>
      %reduce_max3A_108 = vector.multi_reduction <maximumf>, %get3A_106, %reduce_max3A_107 [1] : vector<2304x32xf32> to vector<2304xf32>
      %broadcast_in_dim3A_109 = vector.shape_cast %reduce_max3A_108 : vector<2304xf32> to vector<2304x1xf32>
      %max3A_110 = arith.constant 0.000000e+00 : f32
      %max3A_111 = vector.broadcast %max3A_110 : f32 to vector<2304x1xf32>
      %max3A_112 = arith.maximumf %broadcast_in_dim3A_109, %max3A_111 : vector<2304x1xf32>
      %sub3A_113 = vector.broadcast %max3A_112 : vector<2304x1xf32> to vector<2304x32xf32>
      %sub3A_114 = arith.subf %get3A_106, %sub3A_113 : vector<2304x32xf32>
      %exp3A = math.exp %sub3A_114 : vector<2304x32xf32>
      %reduce_sum3A_115 = arith.constant dense<0.000000e+00> : vector<2304xf32>
      %reduce_sum3A_116 = vector.multi_reduction <add>, %exp3A, %reduce_sum3A_115 [1] : vector<2304x32xf32> to vector<2304xf32>
      %broadcast_in_dim3A_117 = vector.shape_cast %reduce_sum3A_116 : vector<2304xf32> to vector<2304x1xf32>
      %neg3A = arith.constant 0.000000e+00 : f32
      %neg3A_118 = vector.broadcast %neg3A : f32 to vector<2304x1xf32>
      %neg3A_119 = arith.subf %neg3A_118, %max3A_112 : vector<2304x1xf32>
      %exp3A_120 = math.exp %neg3A_119 : vector<2304x1xf32>
      %add3A_121 = arith.addf %broadcast_in_dim3A_117, %exp3A_120 : vector<2304x1xf32>
      %log3A = math.log %add3A_121 : vector<2304x1xf32>
      %add3A_122 = arith.addf %max3A_112, %log3A : vector<2304x1xf32>
      %le3A = arith.cmpi sle, %select_n3A, %sub3A_47 : vector<2304x1xi32>
      %jit3A_123 = arith.constant 0.000000e+00 : f32
      %broadcast_in_dim3A_124 = vector.broadcast %jit3A_123 : f32 to vector<2304x1xf32>
      %select_n3A_125 = arith.select %le3A, %add3A_122, %broadcast_in_dim3A_124 : vector<2304x1xi1>, vector<2304x1xf32>
      %reduce_sum3A_126 = vector.shape_cast %select_n3A_125 : vector<2304x1xf32> to vector<1x2304x1xf32>
      %reduce_sum3A_127 = arith.constant dense<0.000000e+00> : vector<1xf32>
      %reduce_sum3A_128 = vector.multi_reduction <add>, %reduce_sum3A_126, %reduce_sum3A_127 [1, 2] : vector<1x2304x1xf32> to vector<1xf32>
      %reduce_sum3A_129 = vector.shape_cast %reduce_sum3A_128 : vector<1xf32> to vector<1x1x1xf32>
      %reduce_sum3A_130 = vector.extract %reduce_sum3A_129[0, 0, 0] : f32 from vector<1x1x1xf32>
      %get3A_131 = arith.constant 0 : index
      %get3A_132 = arith.constant 0 : index
      %get3A_133 = memref.load %arg1[%get3A_131, %get3A_132] : memref<40x5xi32, #tpu.memory_space<smem>>
      %get3A_134 = arith.constant 0 : index
      %get3A_135 = arith.constant 1 : index
      %get3A_136 = memref.load %arg1[%get3A_134, %get3A_135] : memref<40x5xi32, #tpu.memory_space<smem>>
      %get3A_137 = arith.constant 0 : index
      %get3A_138 = arith.constant 2 : index
      %get3A_139 = memref.load %arg1[%get3A_137, %get3A_138] : memref<40x5xi32, #tpu.memory_space<smem>>
      %get3A_140 = arith.constant 0 : index
      %get3A_141 = arith.constant 3 : index
      %get3A_142 = memref.load %arg1[%get3A_140, %get3A_141] : memref<40x5xi32, #tpu.memory_space<smem>>
      %get3A_143 = arith.constant 0 : index
      %get3A_144 = arith.constant 4 : index
      %get3A_145 = memref.load %arg1[%get3A_143, %get3A_144] : memref<40x5xi32, #tpu.memory_space<smem>>
      %lt3A = arith.constant 0 : i32
      %lt3A_146 = arith.cmpi slt, %get3A_139, %lt3A : i32
      %mul3A_147 = arith.constant 48 : i32
      %mul3A_148 = arith.muli %get3A_136, %mul3A_147 : i32
      %add3A_149 = arith.addi %mul3A_148, %get3A_145 : i32
      %mul3A_150 = arith.constant 48 : i32
      %mul3A_151 = arith.muli %get3A_136, %mul3A_150 : i32
      %add3A_152 = arith.addi %mul3A_151, %get3A_139 : i32
      %mul3A_153 = arith.constant 48 : i32
      %mul3A_154 = arith.muli %add3A_152, %mul3A_153 : i32
      %add3A_155 = arith.addi %mul3A_154, %get3A_142 : i32
      %mul3A_156 = arith.constant 48 : i32
      %mul3A_157 = arith.muli %add3A_155, %mul3A_156 : i32
      %add3A_158 = arith.addi %mul3A_157, %get3A_145 : i32
      %add3A_159 = arith.constant 6000000 : i32
      %add3A_160 = arith.addi %add3A_158, %add3A_159 : i32
      %select_n3A_161 = arith.select %lt3A_146, %add3A_149, %add3A_160 : i32
      %get3A_162 = arith.constant 1 : index
      %get3A_163 = arith.constant 0 : index
      %get3A_164 = memref.load %arg1[%get3A_162, %get3A_163] : memref<40x5xi32, #tpu.memory_space<smem>>
      %get3A_165 = arith.constant 1 : index
      %get3A_166 = arith.constant 1 : index
      %get3A_167 = memref.load %arg1[%get3A_165, %get3A_166] : memref<40x5xi32, #tpu.memory_space<smem>>
      %get3A_168 = arith.constant 1 : index
      %get3A_169 = arith.constant 2 : index
      %get3A_170 = memref.load %arg1[%get3A_168, %get3A_169] : memref<40x5xi32, #tpu.memory_space<smem>>
      %get3A_171 = arith.constant 1 : index
      %get3A_172 = arith.constant 3 : index
      %get3A_173 = memref.load %arg1[%get3A_171, %get3A_172] : memref<40x5xi32, #tpu.memory_space<smem>>
      %get3A_174 = arith.constant 1 : index
      %get3A_175 = arith.constant 4 : index
      %get3A_176 = memref.load %arg1[%get3A_174, %get3A_175] : memref<40x5xi32, #tpu.memory_space<smem>>
      %lt3A_177 = arith.constant 0 : i32
      %lt3A_178 = arith.cmpi slt, %get3A_170, %lt3A_177 : i32
      %mul3A_179 = arith.constant 48 : i32
      %mul3A_180 = arith.muli %get3A_167, %mul3A_179 : i32
      %add3A_181 = arith.addi %mul3A_180, %get3A_176 : i32
      %mul3A_182 = arith.constant 48 : i32
      %mul3A_183 = arith.muli %get3A_167, %mul3A_182 : i32
      %add3A_184 = arith.addi %mul3A_183, %get3A_170 : i32
      %mul3A_185 = arith.constant 48 : i32
      %mul3A_186 = arith.muli %add3A_184, %mul3A_185 : i32
      %add3A_187 = arith.addi %mul3A_186, %get3A_173 : i32
      %mul3A_188 = arith.constant 48 : i32
      %mul3A_189 = arith.muli %add3A_187, %mul3A_188 : i32
      %add3A_190 = arith.addi %mul3A_189, %get3A_176 : i32
      %add3A_191 = arith.constant 6000000 : i32
      %add3A_192 = arith.addi %add3A_190, %add3A_191 : i32
      %select_n3A_193 = arith.select %lt3A_178, %add3A_181, %add3A_192 : i32
      %get3A_194 = arith.constant 2 : index
      %get3A_195 = arith.constant 0 : index
      %get3A_196 = memref.load %arg1[%get3A_194, %get3A_195] : memref<40x5xi32, #tpu.memory_space<smem>>
      %get3A_197 = arith.constant 2 : index
      %get3A_198 = arith.constant 1 : index
      %get3A_199 = memref.load %arg1[%get3A_197, %get3A_198] : memref<40x5xi32, #tpu.memory_space<smem>>
      %get3A_200 = arith.constant 2 : index
      %get3A_201 = arith.constant 2 : index
      %get3A_202 = memref.load %arg1[%get3A_200, %get3A_201] : memref<40x5xi32, #tpu.memory_space<smem>>
      %get3A_203 = arith.constant 2 : index
      %get3A_204 = arith.constant 3 : index
      %get3A_205 = memref.load %arg1[%get3A_203, %get3A_204] : memref<40x5xi32, #tpu.memory_space<smem>>
      %get3A_206 = arith.constant 2 : index
      %get3A_207 = arith.constant 4 : index
      %get3A_208 = memref.load %arg1[%get3A_206, %get3A_207] : memref<40x5xi32, #tpu.memory_space<smem>>
      %lt3A_209 = arith.constant 0 : i32
      %lt3A_210 = arith.cmpi slt, %get3A_202, %lt3A_209 : i32
      %mul3A_211 = arith.constant 48 : i32
      %mul3A_212 = arith.muli %get3A_199, %mul3A_211 : i32
      %add3A_213 = arith.addi %mul3A_212, %get3A_208 : i32
      %mul3A_214 = arith.constant 48 : i32
      %mul3A_215 = arith.muli %get3A_199, %mul3A_214 : i32
      %add3A_216 = arith.addi %mul3A_215, %get3A_202 : i32
      %mul3A_217 = arith.constant 48 : i32
      %mul3A_218 = arith.muli %add3A_216, %mul3A_217 : i32
      %add3A_219 = arith.addi %mul3A_218, %get3A_205 : i32
      %mul3A_220 = arith.constant 48 : i32
      %mul3A_221 = arith.muli %add3A_219, %mul3A_220 : i32
      %add3A_222 = arith.addi %mul3A_221, %get3A_208 : i32
      %add3A_223 = arith.constant 6000000 : i32
      %add3A_224 = arith.addi %add3A_222, %add3A_223 : i32
      %select_n3A_225 = arith.select %lt3A_210, %add3A_213, %add3A_224 : i32
      %get3A_226 = arith.constant 3 : index
      %get3A_227 = arith.constant 0 : index
      %get3A_228 = memref.load %arg1[%get3A_226, %get3A_227] : memref<40x5xi32, #tpu.memory_space<smem>>
      %get3A_229 = arith.constant 3 : index
      %get3A_230 = arith.constant 1 : index
      %get3A_231 = memref.load %arg1[%get3A_229, %get3A_230] : memref<40x5xi32, #tpu.memory_space<smem>>
      %get3A_232 = arith.constant 3 : index
      %get3A_233 = arith.constant 2 : index
      %get3A_234 = memref.load %arg1[%get3A_232, %get3A_233] : memref<40x5xi32, #tpu.memory_space<smem>>
      %get3A_235 = arith.constant 3 : index
      %get3A_236 = arith.constant 3 : index
      %get3A_237 = memref.load %arg1[%get3A_235, %get3A_236] : memref<40x5xi32, #tpu.memory_space<smem>>
      %get3A_238 = arith.constant 3 : index
      %get3A_239 = arith.constant 4 : index
      %get3A_240 = memref.load %arg1[%get3A_238, %get3A_239] : memref<40x5xi32, #tpu.memory_space<smem>>
      %lt3A_241 = arith.constant 0 : i32
      %lt3A_242 = arith.cmpi slt, %get3A_234, %lt3A_241 : i32
      %mul3A_243 = arith.constant 48 : i32
      %mul3A_244 = arith.muli %get3A_231, %mul3A_243 : i32
      %add3A_245 = arith.addi %mul3A_244, %get3A_240 : i32
      %mul3A_246 = arith.constant 48 : i32
      %mul3A_247 = arith.muli %get3A_231, %mul3A_246 : i32
      %add3A_248 = arith.addi %mul3A_247, %get3A_234 : i32
      %mul3A_249 = arith.constant 48 : i32
      %mul3A_250 = arith.muli %add3A_248, %mul3A_249 : i32
      %add3A_251 = arith.addi %mul3A_250, %get3A_237 : i32
      %mul3A_252 = arith.constant 48 : i32
      %mul3A_253 = arith.muli %add3A_251, %mul3A_252 : i32
      %add3A_254 = arith.addi %mul3A_253, %get3A_240 : i32
      %add3A_255 = arith.constant 6000000 : i32
      %add3A_256 = arith.addi %add3A_254, %add3A_255 : i32
      %select_n3A_257 = arith.select %lt3A_242, %add3A_245, %add3A_256 : i32
      %get3A_258 = arith.constant 4 : index
      %get3A_259 = arith.constant 0 : index
      %get3A_260 = memref.load %arg1[%get3A_258, %get3A_259] : memref<40x5xi32, #tpu.memory_space<smem>>
      %get3A_261 = arith.constant 4 : index
      %get3A_262 = arith.constant 1 : index
      %get3A_263 = memref.load %arg1[%get3A_261, %get3A_262] : memref<40x5xi32, #tpu.memory_space<smem>>
      %get3A_264 = arith.constant 4 : index
      %get3A_265 = arith.constant 2 : index
      %get3A_266 = memref.load %arg1[%get3A_264, %get3A_265] : memref<40x5xi32, #tpu.memory_space<smem>>
      %get3A_267 = arith.constant 4 : index
      %get3A_268 = arith.constant 3 : index
      %get3A_269 = memref.load %arg1[%get3A_267, %get3A_268] : memref<40x5xi32, #tpu.memory_space<smem>>
      %get3A_270 = arith.constant 4 : index
      %get3A_271 = arith.constant 4 : index
      %get3A_272 = memref.load %arg1[%get3A_270, %get3A_271] : memref<40x5xi32, #tpu.memory_space<smem>>
      %lt3A_273 = arith.constant 0 : i32
      %lt3A_274 = arith.cmpi slt, %get3A_266, %lt3A_273 : i32
      %mul3A_275 = arith.constant 48 : i32
      %mul3A_276 = arith.muli %get3A_263, %mul3A_275 : i32
      %add3A_277 = arith.addi %mul3A_276, %get3A_272 : i32
      %mul3A_278 = arith.constant 48 : i32
      %mul3A_279 = arith.muli %get3A_263, %mul3A_278 : i32
      %add3A_280 = arith.addi %mul3A_279, %get3A_266 : i32
      %mul3A_281 = arith.constant 48 : i32
      %mul3A_282 = arith.muli %add3A_280, %mul3A_281 : i32
      %add3A_283 = arith.addi %mul3A_282, %get3A_269 : i32
      %mul3A_284 = arith.constant 48 : i32
      %mul3A_285 = arith.muli %add3A_283, %mul3A_284 : i32
      %add3A_286 = arith.addi %mul3A_285, %get3A_272 : i32
      %add3A_287 = arith.constant 6000000 : i32
      %add3A_288 = arith.addi %add3A_286, %add3A_287 : i32
      %select_n3A_289 = arith.select %lt3A_274, %add3A_277, %add3A_288 : i32
      %get3A_290 = arith.constant 5 : index
      %get3A_291 = arith.constant 0 : index
      %get3A_292 = memref.load %arg1[%get3A_290, %get3A_291] : memref<40x5xi32, #tpu.memory_space<smem>>
      %get3A_293 = arith.constant 5 : index
      %get3A_294 = arith.constant 1 : index
      %get3A_295 = memref.load %arg1[%get3A_293, %get3A_294] : memref<40x5xi32, #tpu.memory_space<smem>>
      %get3A_296 = arith.constant 5 : index
      %get3A_297 = arith.constant 2 : index
      %get3A_298 = memref.load %arg1[%get3A_296, %get3A_297] : memref<40x5xi32, #tpu.memory_space<smem>>
      %get3A_299 = arith.constant 5 : index
      %get3A_300 = arith.constant 3 : index
      %get3A_301 = memref.load %arg1[%get3A_299, %get3A_300] : memref<40x5xi32, #tpu.memory_space<smem>>
      %get3A_302 = arith.constant 5 : index
      %get3A_303 = arith.constant 4 : index
      %get3A_304 = memref.load %arg1[%get3A_302, %get3A_303] : memref<40x5xi32, #tpu.memory_space<smem>>
      %lt3A_305 = arith.constant 0 : i32
      %lt3A_306 = arith.cmpi slt, %get3A_298, %lt3A_305 : i32
      %mul3A_307 = arith.constant 48 : i32
      %mul3A_308 = arith.muli %get3A_295, %mul3A_307 : i32
      %add3A_309 = arith.addi %mul3A_308, %get3A_304 : i32
      %mul3A_310 = arith.constant 48 : i32
      %mul3A_311 = arith.muli %get3A_295, %mul3A_310 : i32
      %add3A_312 = arith.addi %mul3A_311, %get3A_298 : i32
      %mul3A_313 = arith.constant 48 : i32
      %mul3A_314 = arith.muli %add3A_312, %mul3A_313 : i32
      %add3A_315 = arith.addi %mul3A_314, %get3A_301 : i32
      %mul3A_316 = arith.constant 48 : i32
      %mul3A_317 = arith.muli %add3A_315, %mul3A_316 : i32
      %add3A_318 = arith.addi %mul3A_317, %get3A_304 : i32
      %add3A_319 = arith.constant 6000000 : i32
      %add3A_320 = arith.addi %add3A_318, %add3A_319 : i32
      %select_n3A_321 = arith.select %lt3A_306, %add3A_309, %add3A_320 : i32
      %get3A_322 = arith.constant 6 : index
      %get3A_323 = arith.constant 0 : index
      %get3A_324 = memref.load %arg1[%get3A_322, %get3A_323] : memref<40x5xi32, #tpu.memory_space<smem>>
      %get3A_325 = arith.constant 6 : index
      %get3A_326 = arith.constant 1 : index
      %get3A_327 = memref.load %arg1[%get3A_325, %get3A_326] : memref<40x5xi32, #tpu.memory_space<smem>>
      %get3A_328 = arith.constant 6 : index
      %get3A_329 = arith.constant 2 : index
      %get3A_330 = memref.load %arg1[%get3A_328, %get3A_329] : memref<40x5xi32, #tpu.memory_space<smem>>
      %get3A_331 = arith.constant 6 : index
      %get3A_332 = arith.constant 3 : index
      %get3A_333 = memref.load %arg1[%get3A_331, %get3A_332] : memref<40x5xi32, #tpu.memory_space<smem>>
      %get3A_334 = arith.constant 6 : index
      %get3A_335 = arith.constant 4 : index
      %get3A_336 = memref.load %arg1[%get3A_334, %get3A_335] : memref<40x5xi32, #tpu.memory_space<smem>>
      %lt3A_337 = arith.constant 0 : i32
      %lt3A_338 = arith.cmpi slt, %get3A_330, %lt3A_337 : i32
      %mul3A_339 = arith.constant 48 : i32
      %mul3A_340 = arith.muli %get3A_327, %mul3A_339 : i32
      %add3A_341 = arith.addi %mul3A_340, %get3A_336 : i32
      %mul3A_342 = arith.constant 48 : i32
      %mul3A_343 = arith.muli %get3A_327, %mul3A_342 : i32
      %add3A_344 = arith.addi %mul3A_343, %get3A_330 : i32
      %mul3A_345 = arith.constant 48 : i32
      %mul3A_346 = arith.muli %add3A_344, %mul3A_345 : i32
      %add3A_347 = arith.addi %mul3A_346, %get3A_333 : i32
      %mul3A_348 = arith.constant 48 : i32
      %mul3A_349 = arith.muli %add3A_347, %mul3A_348 : i32
      %add3A_350 = arith.addi %mul3A_349, %get3A_336 : i32
      %add3A_351 = arith.constant 6000000 : i32
      %add3A_352 = arith.addi %add3A_350, %add3A_351 : i32
      %select_n3A_353 = arith.select %lt3A_338, %add3A_341, %add3A_352 : i32
      %get3A_354 = arith.constant 7 : index
      %get3A_355 = arith.constant 0 : index
      %get3A_356 = memref.load %arg1[%get3A_354, %get3A_355] : memref<40x5xi32, #tpu.memory_space<smem>>
      %get3A_357 = arith.constant 7 : index
      %get3A_358 = arith.constant 1 : index
      %get3A_359 = memref.load %arg1[%get3A_357, %get3A_358] : memref<40x5xi32, #tpu.memory_space<smem>>
      %get3A_360 = arith.constant 7 : index
      %get3A_361 = arith.constant 2 : index
      %get3A_362 = memref.load %arg1[%get3A_360, %get3A_361] : memref<40x5xi32, #tpu.memory_space<smem>>
      %get3A_363 = arith.constant 7 : index
      %get3A_364 = arith.constant 3 : index
      %get3A_365 = memref.load %arg1[%get3A_363, %get3A_364] : memref<40x5xi32, #tpu.memory_space<smem>>
      %get3A_366 = arith.constant 7 : index
      %get3A_367 = arith.constant 4 : index
      %get3A_368 = memref.load %arg1[%get3A_366, %get3A_367] : memref<40x5xi32, #tpu.memory_space<smem>>
      %lt3A_369 = arith.constant 0 : i32
      %lt3A_370 = arith.cmpi slt, %get3A_362, %lt3A_369 : i32
      %mul3A_371 = arith.constant 48 : i32
      %mul3A_372 = arith.muli %get3A_359, %mul3A_371 : i32
      %add3A_373 = arith.addi %mul3A_372, %get3A_368 : i32
      %mul3A_374 = arith.constant 48 : i32
      %mul3A_375 = arith.muli %get3A_359, %mul3A_374 : i32
      %add3A_376 = arith.addi %mul3A_375, %get3A_362 : i32
      %mul3A_377 = arith.constant 48 : i32
      %mul3A_378 = arith.muli %add3A_376, %mul3A_377 : i32
      %add3A_379 = arith.addi %mul3A_378, %get3A_365 : i32
      %mul3A_380 = arith.constant 48 : i32
      %mul3A_381 = arith.muli %add3A_379, %mul3A_380 : i32
      %add3A_382 = arith.addi %mul3A_381, %get3A_368 : i32
      %add3A_383 = arith.constant 6000000 : i32
      %add3A_384 = arith.addi %add3A_382, %add3A_383 : i32
      %select_n3A_385 = arith.select %lt3A_370, %add3A_373, %add3A_384 : i32
      %get3A_386 = arith.constant 8 : index
      %get3A_387 = arith.constant 0 : index
      %get3A_388 = memref.load %arg1[%get3A_386, %get3A_387] : memref<40x5xi32, #tpu.memory_space<smem>>
      %get3A_389 = arith.constant 8 : index
      %get3A_390 = arith.constant 1 : index
      %get3A_391 = memref.load %arg1[%get3A_389, %get3A_390] : memref<40x5xi32, #tpu.memory_space<smem>>
      %get3A_392 = arith.constant 8 : index
      %get3A_393 = arith.constant 2 : index
      %get3A_394 = memref.load %arg1[%get3A_392, %get3A_393] : memref<40x5xi32, #tpu.memory_space<smem>>
      %get3A_395 = arith.constant 8 : index
      %get3A_396 = arith.constant 3 : index
      %get3A_397 = memref.load %arg1[%get3A_395, %get3A_396] : memref<40x5xi32, #tpu.memory_space<smem>>
      %get3A_398 = arith.constant 8 : index
      %get3A_399 = arith.constant 4 : index
      %get3A_400 = memref.load %arg1[%get3A_398, %get3A_399] : memref<40x5xi32, #tpu.memory_space<smem>>
      %lt3A_401 = arith.constant 0 : i32
      %lt3A_402 = arith.cmpi slt, %get3A_394, %lt3A_401 : i32
      %mul3A_403 = arith.constant 48 : i32
      %mul3A_404 = arith.muli %get3A_391, %mul3A_403 : i32
      %add3A_405 = arith.addi %mul3A_404, %get3A_400 : i32
      %mul3A_406 = arith.constant 48 : i32
      %mul3A_407 = arith.muli %get3A_391, %mul3A_406 : i32
      %add3A_408 = arith.addi %mul3A_407, %get3A_394 : i32
      %mul3A_409 = arith.constant 48 : i32
      %mul3A_410 = arith.muli %add3A_408, %mul3A_409 : i32
      %add3A_411 = arith.addi %mul3A_410, %get3A_397 : i32
      %mul3A_412 = arith.constant 48 : i32
      %mul3A_413 = arith.muli %add3A_411, %mul3A_412 : i32
      %add3A_414 = arith.addi %mul3A_413, %get3A_400 : i32
      %add3A_415 = arith.constant 6000000 : i32
      %add3A_416 = arith.addi %add3A_414, %add3A_415 : i32
      %select_n3A_417 = arith.select %lt3A_402, %add3A_405, %add3A_416 : i32
      %get3A_418 = arith.constant 9 : index
      %get3A_419 = arith.constant 0 : index
      %get3A_420 = memref.load %arg1[%get3A_418, %get3A_419] : memref<40x5xi32, #tpu.memory_space<smem>>
      %get3A_421 = arith.constant 9 : index
      %get3A_422 = arith.constant 1 : index
      %get3A_423 = memref.load %arg1[%get3A_421, %get3A_422] : memref<40x5xi32, #tpu.memory_space<smem>>
      %get3A_424 = arith.constant 9 : index
      %get3A_425 = arith.constant 2 : index
      %get3A_426 = memref.load %arg1[%get3A_424, %get3A_425] : memref<40x5xi32, #tpu.memory_space<smem>>
      %get3A_427 = arith.constant 9 : index
      %get3A_428 = arith.constant 3 : index
      %get3A_429 = memref.load %arg1[%get3A_427, %get3A_428] : memref<40x5xi32, #tpu.memory_space<smem>>
      %get3A_430 = arith.constant 9 : index
      %get3A_431 = arith.constant 4 : index
      %get3A_432 = memref.load %arg1[%get3A_430, %get3A_431] : memref<40x5xi32, #tpu.memory_space<smem>>
      %lt3A_433 = arith.constant 0 : i32
      %lt3A_434 = arith.cmpi slt, %get3A_426, %lt3A_433 : i32
      %mul3A_435 = arith.constant 48 : i32
      %mul3A_436 = arith.muli %get3A_423, %mul3A_435 : i32
      %add3A_437 = arith.addi %mul3A_436, %get3A_432 : i32
      %mul3A_438 = arith.constant 48 : i32
      %mul3A_439 = arith.muli %get3A_423, %mul3A_438 : i32
      %add3A_440 = arith.addi %mul3A_439, %get3A_426 : i32
      %mul3A_441 = arith.constant 48 : i32
      %mul3A_442 = arith.muli %add3A_440, %mul3A_441 : i32
      %add3A_443 = arith.addi %mul3A_442, %get3A_429 : i32
      %mul3A_444 = arith.constant 48 : i32
      %mul3A_445 = arith.muli %add3A_443, %mul3A_444 : i32
      %add3A_446 = arith.addi %mul3A_445, %get3A_432 : i32
      %add3A_447 = arith.constant 6000000 : i32
      %add3A_448 = arith.addi %add3A_446, %add3A_447 : i32
      %select_n3A_449 = arith.select %lt3A_434, %add3A_437, %add3A_448 : i32
      %get3A_450 = arith.constant 10 : index
      %get3A_451 = arith.constant 0 : index
      %get3A_452 = memref.load %arg1[%get3A_450, %get3A_451] : memref<40x5xi32, #tpu.memory_space<smem>>
      %get3A_453 = arith.constant 10 : index
      %get3A_454 = arith.constant 1 : index
      %get3A_455 = memref.load %arg1[%get3A_453, %get3A_454] : memref<40x5xi32, #tpu.memory_space<smem>>
      %get3A_456 = arith.constant 10 : index
      %get3A_457 = arith.constant 2 : index
      %get3A_458 = memref.load %arg1[%get3A_456, %get3A_457] : memref<40x5xi32, #tpu.memory_space<smem>>
      %get3A_459 = arith.constant 10 : index
      %get3A_460 = arith.constant 3 : index
      %get3A_461 = memref.load %arg1[%get3A_459, %get3A_460] : memref<40x5xi32, #tpu.memory_space<smem>>
      %get3A_462 = arith.constant 10 : index
      %get3A_463 = arith.constant 4 : index
      %get3A_464 = memref.load %arg1[%get3A_462, %get3A_463] : memref<40x5xi32, #tpu.memory_space<smem>>
      %lt3A_465 = arith.constant 0 : i32
      %lt3A_466 = arith.cmpi slt, %get3A_458, %lt3A_465 : i32
      %mul3A_467 = arith.constant 48 : i32
      %mul3A_468 = arith.muli %get3A_455, %mul3A_467 : i32
      %add3A_469 = arith.addi %mul3A_468, %get3A_464 : i32
      %mul3A_470 = arith.constant 48 : i32
      %mul3A_471 = arith.muli %get3A_455, %mul3A_470 : i32
      %add3A_472 = arith.addi %mul3A_471, %get3A_458 : i32
      %mul3A_473 = arith.constant 48 : i32
      %mul3A_474 = arith.muli %add3A_472, %mul3A_473 : i32
      %add3A_475 = arith.addi %mul3A_474, %get3A_461 : i32
      %mul3A_476 = arith.constant 48 : i32
      %mul3A_477 = arith.muli %add3A_475, %mul3A_476 : i32
      %add3A_478 = arith.addi %mul3A_477, %get3A_464 : i32
      %add3A_479 = arith.constant 6000000 : i32
      %add3A_480 = arith.addi %add3A_478, %add3A_479 : i32
      %select_n3A_481 = arith.select %lt3A_466, %add3A_469, %add3A_480 : i32
      %get3A_482 = arith.constant 11 : index
      %get3A_483 = arith.constant 0 : index
      %get3A_484 = memref.load %arg1[%get3A_482, %get3A_483] : memref<40x5xi32, #tpu.memory_space<smem>>
      %get3A_485 = arith.constant 11 : index
      %get3A_486 = arith.constant 1 : index
      %get3A_487 = memref.load %arg1[%get3A_485, %get3A_486] : memref<40x5xi32, #tpu.memory_space<smem>>
      %get3A_488 = arith.constant 11 : index
      %get3A_489 = arith.constant 2 : index
      %get3A_490 = memref.load %arg1[%get3A_488, %get3A_489] : memref<40x5xi32, #tpu.memory_space<smem>>
      %get3A_491 = arith.constant 11 : index
      %get3A_492 = arith.constant 3 : index
      %get3A_493 = memref.load %arg1[%get3A_491, %get3A_492] : memref<40x5xi32, #tpu.memory_space<smem>>
      %get3A_494 = arith.constant 11 : index
      %get3A_495 = arith.constant 4 : index
      %get3A_496 = memref.load %arg1[%get3A_494, %get3A_495] : memref<40x5xi32, #tpu.memory_space<smem>>
      %lt3A_497 = arith.constant 0 : i32
      %lt3A_498 = arith.cmpi slt, %get3A_490, %lt3A_497 : i32
      %mul3A_499 = arith.constant 48 : i32
      %mul3A_500 = arith.muli %get3A_487, %mul3A_499 : i32
      %add3A_501 = arith.addi %mul3A_500, %get3A_496 : i32
      %mul3A_502 = arith.constant 48 : i32
      %mul3A_503 = arith.muli %get3A_487, %mul3A_502 : i32
      %add3A_504 = arith.addi %mul3A_503, %get3A_490 : i32
      %mul3A_505 = arith.constant 48 : i32
      %mul3A_506 = arith.muli %add3A_504, %mul3A_505 : i32
      %add3A_507 = arith.addi %mul3A_506, %get3A_493 : i32
      %mul3A_508 = arith.constant 48 : i32
      %mul3A_509 = arith.muli %add3A_507, %mul3A_508 : i32
      %add3A_510 = arith.addi %mul3A_509, %get3A_496 : i32
      %add3A_511 = arith.constant 6000000 : i32
      %add3A_512 = arith.addi %add3A_510, %add3A_511 : i32
      %select_n3A_513 = arith.select %lt3A_498, %add3A_501, %add3A_512 : i32
      %get3A_514 = arith.constant 12 : index
      %get3A_515 = arith.constant 0 : index
      %get3A_516 = memref.load %arg1[%get3A_514, %get3A_515] : memref<40x5xi32, #tpu.memory_space<smem>>
      %get3A_517 = arith.constant 12 : index
      %get3A_518 = arith.constant 1 : index
      %get3A_519 = memref.load %arg1[%get3A_517, %get3A_518] : memref<40x5xi32, #tpu.memory_space<smem>>
      %get3A_520 = arith.constant 12 : index
      %get3A_521 = arith.constant 2 : index
      %get3A_522 = memref.load %arg1[%get3A_520, %get3A_521] : memref<40x5xi32, #tpu.memory_space<smem>>
      %get3A_523 = arith.constant 12 : index
      %get3A_524 = arith.constant 3 : index
      %get3A_525 = memref.load %arg1[%get3A_523, %get3A_524] : memref<40x5xi32, #tpu.memory_space<smem>>
      %get3A_526 = arith.constant 12 : index
      %get3A_527 = arith.constant 4 : index
      %get3A_528 = memref.load %arg1[%get3A_526, %get3A_527] : memref<40x5xi32, #tpu.memory_space<smem>>
      %lt3A_529 = arith.constant 0 : i32
      %lt3A_530 = arith.cmpi slt, %get3A_522, %lt3A_529 : i32
      %mul3A_531 = arith.constant 48 : i32
      %mul3A_532 = arith.muli %get3A_519, %mul3A_531 : i32
      %add3A_533 = arith.addi %mul3A_532, %get3A_528 : i32
      %mul3A_534 = arith.constant 48 : i32
      %mul3A_535 = arith.muli %get3A_519, %mul3A_534 : i32
      %add3A_536 = arith.addi %mul3A_535, %get3A_522 : i32
      %mul3A_537 = arith.constant 48 : i32
      %mul3A_538 = arith.muli %add3A_536, %mul3A_537 : i32
      %add3A_539 = arith.addi %mul3A_538, %get3A_525 : i32
      %mul3A_540 = arith.constant 48 : i32
      %mul3A_541 = arith.muli %add3A_539, %mul3A_540 : i32
      %add3A_542 = arith.addi %mul3A_541, %get3A_528 : i32
      %add3A_543 = arith.constant 6000000 : i32
      %add3A_544 = arith.addi %add3A_542, %add3A_543 : i32
      %select_n3A_545 = arith.select %lt3A_530, %add3A_533, %add3A_544 : i32
      %get3A_546 = arith.constant 13 : index
      %get3A_547 = arith.constant 0 : index
      %get3A_548 = memref.load %arg1[%get3A_546, %get3A_547] : memref<40x5xi32, #tpu.memory_space<smem>>
      %get3A_549 = arith.constant 13 : index
      %get3A_550 = arith.constant 1 : index
      %get3A_551 = memref.load %arg1[%get3A_549, %get3A_550] : memref<40x5xi32, #tpu.memory_space<smem>>
      %get3A_552 = arith.constant 13 : index
      %get3A_553 = arith.constant 2 : index
      %get3A_554 = memref.load %arg1[%get3A_552, %get3A_553] : memref<40x5xi32, #tpu.memory_space<smem>>
      %get3A_555 = arith.constant 13 : index
      %get3A_556 = arith.constant 3 : index
      %get3A_557 = memref.load %arg1[%get3A_555, %get3A_556] : memref<40x5xi32, #tpu.memory_space<smem>>
      %get3A_558 = arith.constant 13 : index
      %get3A_559 = arith.constant 4 : index
      %get3A_560 = memref.load %arg1[%get3A_558, %get3A_559] : memref<40x5xi32, #tpu.memory_space<smem>>
      %lt3A_561 = arith.constant 0 : i32
      %lt3A_562 = arith.cmpi slt, %get3A_554, %lt3A_561 : i32
      %mul3A_563 = arith.constant 48 : i32
      %mul3A_564 = arith.muli %get3A_551, %mul3A_563 : i32
      %add3A_565 = arith.addi %mul3A_564, %get3A_560 : i32
      %mul3A_566 = arith.constant 48 : i32
      %mul3A_567 = arith.muli %get3A_551, %mul3A_566 : i32
      %add3A_568 = arith.addi %mul3A_567, %get3A_554 : i32
      %mul3A_569 = arith.constant 48 : i32
      %mul3A_570 = arith.muli %add3A_568, %mul3A_569 : i32
      %add3A_571 = arith.addi %mul3A_570, %get3A_557 : i32
      %mul3A_572 = arith.constant 48 : i32
      %mul3A_573 = arith.muli %add3A_571, %mul3A_572 : i32
      %add3A_574 = arith.addi %mul3A_573, %get3A_560 : i32
      %add3A_575 = arith.constant 6000000 : i32
      %add3A_576 = arith.addi %add3A_574, %add3A_575 : i32
      %select_n3A_577 = arith.select %lt3A_562, %add3A_565, %add3A_576 : i32
      %get3A_578 = arith.constant 14 : index
      %get3A_579 = arith.constant 0 : index
      %get3A_580 = memref.load %arg1[%get3A_578, %get3A_579] : memref<40x5xi32, #tpu.memory_space<smem>>
      %get3A_581 = arith.constant 14 : index
      %get3A_582 = arith.constant 1 : index
      %get3A_583 = memref.load %arg1[%get3A_581, %get3A_582] : memref<40x5xi32, #tpu.memory_space<smem>>
      %get3A_584 = arith.constant 14 : index
      %get3A_585 = arith.constant 2 : index
      %get3A_586 = memref.load %arg1[%get3A_584, %get3A_585] : memref<40x5xi32, #tpu.memory_space<smem>>
      %get3A_587 = arith.constant 14 : index
      %get3A_588 = arith.constant 3 : index
      %get3A_589 = memref.load %arg1[%get3A_587, %get3A_588] : memref<40x5xi32, #tpu.memory_space<smem>>
      %get3A_590 = arith.constant 14 : index
      %get3A_591 = arith.constant 4 : index
      %get3A_592 = memref.load %arg1[%get3A_590, %get3A_591] : memref<40x5xi32, #tpu.memory_space<smem>>
      %lt3A_593 = arith.constant 0 : i32
      %lt3A_594 = arith.cmpi slt, %get3A_586, %lt3A_593 : i32
      %mul3A_595 = arith.constant 48 : i32
      %mul3A_596 = arith.muli %get3A_583, %mul3A_595 : i32
      %add3A_597 = arith.addi %mul3A_596, %get3A_592 : i32
      %mul3A_598 = arith.constant 48 : i32
      %mul3A_599 = arith.muli %get3A_583, %mul3A_598 : i32
      %add3A_600 = arith.addi %mul3A_599, %get3A_586 : i32
      %mul3A_601 = arith.constant 48 : i32
      %mul3A_602 = arith.muli %add3A_600, %mul3A_601 : i32
      %add3A_603 = arith.addi %mul3A_602, %get3A_589 : i32
      %mul3A_604 = arith.constant 48 : i32
      %mul3A_605 = arith.muli %add3A_603, %mul3A_604 : i32
      %add3A_606 = arith.addi %mul3A_605, %get3A_592 : i32
      %add3A_607 = arith.constant 6000000 : i32
      %add3A_608 = arith.addi %add3A_606, %add3A_607 : i32
      %select_n3A_609 = arith.select %lt3A_594, %add3A_597, %add3A_608 : i32
      %get3A_610 = arith.constant 15 : index
      %get3A_611 = arith.constant 0 : index
      %get3A_612 = memref.load %arg1[%get3A_610, %get3A_611] : memref<40x5xi32, #tpu.memory_space<smem>>
      %get3A_613 = arith.constant 15 : index
      %get3A_614 = arith.constant 1 : index
      %get3A_615 = memref.load %arg1[%get3A_613, %get3A_614] : memref<40x5xi32, #tpu.memory_space<smem>>
      %get3A_616 = arith.constant 15 : index
      %get3A_617 = arith.constant 2 : index
      %get3A_618 = memref.load %arg1[%get3A_616, %get3A_617] : memref<40x5xi32, #tpu.memory_space<smem>>
      %get3A_619 = arith.constant 15 : index
      %get3A_620 = arith.constant 3 : index
      %get3A_621 = memref.load %arg1[%get3A_619, %get3A_620] : memref<40x5xi32, #tpu.memory_space<smem>>
      %get3A_622 = arith.constant 15 : index
      %get3A_623 = arith.constant 4 : index
      %get3A_624 = memref.load %arg1[%get3A_622, %get3A_623] : memref<40x5xi32, #tpu.memory_space<smem>>
      %lt3A_625 = arith.constant 0 : i32
      %lt3A_626 = arith.cmpi slt, %get3A_618, %lt3A_625 : i32
      %mul3A_627 = arith.constant 48 : i32
      %mul3A_628 = arith.muli %get3A_615, %mul3A_627 : i32
      %add3A_629 = arith.addi %mul3A_628, %get3A_624 : i32
      %mul3A_630 = arith.constant 48 : i32
      %mul3A_631 = arith.muli %get3A_615, %mul3A_630 : i32
      %add3A_632 = arith.addi %mul3A_631, %get3A_618 : i32
      %mul3A_633 = arith.constant 48 : i32
      %mul3A_634 = arith.muli %add3A_632, %mul3A_633 : i32
      %add3A_635 = arith.addi %mul3A_634, %get3A_621 : i32
      %mul3A_636 = arith.constant 48 : i32
      %mul3A_637 = arith.muli %add3A_635, %mul3A_636 : i32
      %add3A_638 = arith.addi %mul3A_637, %get3A_624 : i32
      %add3A_639 = arith.constant 6000000 : i32
      %add3A_640 = arith.addi %add3A_638, %add3A_639 : i32
      %select_n3A_641 = arith.select %lt3A_626, %add3A_629, %add3A_640 : i32
      %get3A_642 = arith.constant 16 : index
      %get3A_643 = arith.constant 0 : index
      %get3A_644 = memref.load %arg1[%get3A_642, %get3A_643] : memref<40x5xi32, #tpu.memory_space<smem>>
      %get3A_645 = arith.constant 16 : index
      %get3A_646 = arith.constant 1 : index
      %get3A_647 = memref.load %arg1[%get3A_645, %get3A_646] : memref<40x5xi32, #tpu.memory_space<smem>>
      %get3A_648 = arith.constant 16 : index
      %get3A_649 = arith.constant 2 : index
      %get3A_650 = memref.load %arg1[%get3A_648, %get3A_649] : memref<40x5xi32, #tpu.memory_space<smem>>
      %get3A_651 = arith.constant 16 : index
      %get3A_652 = arith.constant 3 : index
      %get3A_653 = memref.load %arg1[%get3A_651, %get3A_652] : memref<40x5xi32, #tpu.memory_space<smem>>
      %get3A_654 = arith.constant 16 : index
      %get3A_655 = arith.constant 4 : index
      %get3A_656 = memref.load %arg1[%get3A_654, %get3A_655] : memref<40x5xi32, #tpu.memory_space<smem>>
      %lt3A_657 = arith.constant 0 : i32
      %lt3A_658 = arith.cmpi slt, %get3A_650, %lt3A_657 : i32
      %mul3A_659 = arith.constant 48 : i32
      %mul3A_660 = arith.muli %get3A_647, %mul3A_659 : i32
      %add3A_661 = arith.addi %mul3A_660, %get3A_656 : i32
      %mul3A_662 = arith.constant 48 : i32
      %mul3A_663 = arith.muli %get3A_647, %mul3A_662 : i32
      %add3A_664 = arith.addi %mul3A_663, %get3A_650 : i32
      %mul3A_665 = arith.constant 48 : i32
      %mul3A_666 = arith.muli %add3A_664, %mul3A_665 : i32
      %add3A_667 = arith.addi %mul3A_666, %get3A_653 : i32
      %mul3A_668 = arith.constant 48 : i32
      %mul3A_669 = arith.muli %add3A_667, %mul3A_668 : i32
      %add3A_670 = arith.addi %mul3A_669, %get3A_656 : i32
      %add3A_671 = arith.constant 6000000 : i32
      %add3A_672 = arith.addi %add3A_670, %add3A_671 : i32
      %select_n3A_673 = arith.select %lt3A_658, %add3A_661, %add3A_672 : i32
      %get3A_674 = arith.constant 17 : index
      %get3A_675 = arith.constant 0 : index
      %get3A_676 = memref.load %arg1[%get3A_674, %get3A_675] : memref<40x5xi32, #tpu.memory_space<smem>>
      %get3A_677 = arith.constant 17 : index
      %get3A_678 = arith.constant 1 : index
      %get3A_679 = memref.load %arg1[%get3A_677, %get3A_678] : memref<40x5xi32, #tpu.memory_space<smem>>
      %get3A_680 = arith.constant 17 : index
      %get3A_681 = arith.constant 2 : index
      %get3A_682 = memref.load %arg1[%get3A_680, %get3A_681] : memref<40x5xi32, #tpu.memory_space<smem>>
      %get3A_683 = arith.constant 17 : index
      %get3A_684 = arith.constant 3 : index
      %get3A_685 = memref.load %arg1[%get3A_683, %get3A_684] : memref<40x5xi32, #tpu.memory_space<smem>>
      %get3A_686 = arith.constant 17 : index
      %get3A_687 = arith.constant 4 : index
      %get3A_688 = memref.load %arg1[%get3A_686, %get3A_687] : memref<40x5xi32, #tpu.memory_space<smem>>
      %lt3A_689 = arith.constant 0 : i32
      %lt3A_690 = arith.cmpi slt, %get3A_682, %lt3A_689 : i32
      %mul3A_691 = arith.constant 48 : i32
      %mul3A_692 = arith.muli %get3A_679, %mul3A_691 : i32
      %add3A_693 = arith.addi %mul3A_692, %get3A_688 : i32
      %mul3A_694 = arith.constant 48 : i32
      %mul3A_695 = arith.muli %get3A_679, %mul3A_694 : i32
      %add3A_696 = arith.addi %mul3A_695, %get3A_682 : i32
      %mul3A_697 = arith.constant 48 : i32
      %mul3A_698 = arith.muli %add3A_696, %mul3A_697 : i32
      %add3A_699 = arith.addi %mul3A_698, %get3A_685 : i32
      %mul3A_700 = arith.constant 48 : i32
      %mul3A_701 = arith.muli %add3A_699, %mul3A_700 : i32
      %add3A_702 = arith.addi %mul3A_701, %get3A_688 : i32
      %add3A_703 = arith.constant 6000000 : i32
      %add3A_704 = arith.addi %add3A_702, %add3A_703 : i32
      %select_n3A_705 = arith.select %lt3A_690, %add3A_693, %add3A_704 : i32
      %get3A_706 = arith.constant 18 : index
      %get3A_707 = arith.constant 0 : index
      %get3A_708 = memref.load %arg1[%get3A_706, %get3A_707] : memref<40x5xi32, #tpu.memory_space<smem>>
      %get3A_709 = arith.constant 18 : index
      %get3A_710 = arith.constant 1 : index
      %get3A_711 = memref.load %arg1[%get3A_709, %get3A_710] : memref<40x5xi32, #tpu.memory_space<smem>>
      %get3A_712 = arith.constant 18 : index
      %get3A_713 = arith.constant 2 : index
      %get3A_714 = memref.load %arg1[%get3A_712, %get3A_713] : memref<40x5xi32, #tpu.memory_space<smem>>
      %get3A_715 = arith.constant 18 : index
      %get3A_716 = arith.constant 3 : index
      %get3A_717 = memref.load %arg1[%get3A_715, %get3A_716] : memref<40x5xi32, #tpu.memory_space<smem>>
      %get3A_718 = arith.constant 18 : index
      %get3A_719 = arith.constant 4 : index
      %get3A_720 = memref.load %arg1[%get3A_718, %get3A_719] : memref<40x5xi32, #tpu.memory_space<smem>>
      %lt3A_721 = arith.constant 0 : i32
      %lt3A_722 = arith.cmpi slt, %get3A_714, %lt3A_721 : i32
      %mul3A_723 = arith.constant 48 : i32
      %mul3A_724 = arith.muli %get3A_711, %mul3A_723 : i32
      %add3A_725 = arith.addi %mul3A_724, %get3A_720 : i32
      %mul3A_726 = arith.constant 48 : i32
      %mul3A_727 = arith.muli %get3A_711, %mul3A_726 : i32
      %add3A_728 = arith.addi %mul3A_727, %get3A_714 : i32
      %mul3A_729 = arith.constant 48 : i32
      %mul3A_730 = arith.muli %add3A_728, %mul3A_729 : i32
      %add3A_731 = arith.addi %mul3A_730, %get3A_717 : i32
      %mul3A_732 = arith.constant 48 : i32
      %mul3A_733 = arith.muli %add3A_731, %mul3A_732 : i32
      %add3A_734 = arith.addi %mul3A_733, %get3A_720 : i32
      %add3A_735 = arith.constant 6000000 : i32
      %add3A_736 = arith.addi %add3A_734, %add3A_735 : i32
      %select_n3A_737 = arith.select %lt3A_722, %add3A_725, %add3A_736 : i32
      %get3A_738 = arith.constant 19 : index
      %get3A_739 = arith.constant 0 : index
      %get3A_740 = memref.load %arg1[%get3A_738, %get3A_739] : memref<40x5xi32, #tpu.memory_space<smem>>
      %get3A_741 = arith.constant 19 : index
      %get3A_742 = arith.constant 1 : index
      %get3A_743 = memref.load %arg1[%get3A_741, %get3A_742] : memref<40x5xi32, #tpu.memory_space<smem>>
      %get3A_744 = arith.constant 19 : index
      %get3A_745 = arith.constant 2 : index
      %get3A_746 = memref.load %arg1[%get3A_744, %get3A_745] : memref<40x5xi32, #tpu.memory_space<smem>>
      %get3A_747 = arith.constant 19 : index
      %get3A_748 = arith.constant 3 : index
      %get3A_749 = memref.load %arg1[%get3A_747, %get3A_748] : memref<40x5xi32, #tpu.memory_space<smem>>
      %get3A_750 = arith.constant 19 : index
      %get3A_751 = arith.constant 4 : index
      %get3A_752 = memref.load %arg1[%get3A_750, %get3A_751] : memref<40x5xi32, #tpu.memory_space<smem>>
      %lt3A_753 = arith.constant 0 : i32
      %lt3A_754 = arith.cmpi slt, %get3A_746, %lt3A_753 : i32
      %mul3A_755 = arith.constant 48 : i32
      %mul3A_756 = arith.muli %get3A_743, %mul3A_755 : i32
      %add3A_757 = arith.addi %mul3A_756, %get3A_752 : i32
      %mul3A_758 = arith.constant 48 : i32
      %mul3A_759 = arith.muli %get3A_743, %mul3A_758 : i32
      %add3A_760 = arith.addi %mul3A_759, %get3A_746 : i32
      %mul3A_761 = arith.constant 48 : i32
      %mul3A_762 = arith.muli %add3A_760, %mul3A_761 : i32
      %add3A_763 = arith.addi %mul3A_762, %get3A_749 : i32
      %mul3A_764 = arith.constant 48 : i32
      %mul3A_765 = arith.muli %add3A_763, %mul3A_764 : i32
      %add3A_766 = arith.addi %mul3A_765, %get3A_752 : i32
      %add3A_767 = arith.constant 6000000 : i32
      %add3A_768 = arith.addi %add3A_766, %add3A_767 : i32
      %select_n3A_769 = arith.select %lt3A_754, %add3A_757, %add3A_768 : i32
      %get3A_770 = arith.constant 20 : index
      %get3A_771 = arith.constant 0 : index
      %get3A_772 = memref.load %arg1[%get3A_770, %get3A_771] : memref<40x5xi32, #tpu.memory_space<smem>>
      %get3A_773 = arith.constant 20 : index
      %get3A_774 = arith.constant 1 : index
      %get3A_775 = memref.load %arg1[%get3A_773, %get3A_774] : memref<40x5xi32, #tpu.memory_space<smem>>
      %get3A_776 = arith.constant 20 : index
      %get3A_777 = arith.constant 2 : index
      %get3A_778 = memref.load %arg1[%get3A_776, %get3A_777] : memref<40x5xi32, #tpu.memory_space<smem>>
      %get3A_779 = arith.constant 20 : index
      %get3A_780 = arith.constant 3 : index
      %get3A_781 = memref.load %arg1[%get3A_779, %get3A_780] : memref<40x5xi32, #tpu.memory_space<smem>>
      %get3A_782 = arith.constant 20 : index
      %get3A_783 = arith.constant 4 : index
      %get3A_784 = memref.load %arg1[%get3A_782, %get3A_783] : memref<40x5xi32, #tpu.memory_space<smem>>
      %lt3A_785 = arith.constant 0 : i32
      %lt3A_786 = arith.cmpi slt, %get3A_778, %lt3A_785 : i32
      %mul3A_787 = arith.constant 48 : i32
      %mul3A_788 = arith.muli %get3A_775, %mul3A_787 : i32
      %add3A_789 = arith.addi %mul3A_788, %get3A_784 : i32
      %mul3A_790 = arith.constant 48 : i32
      %mul3A_791 = arith.muli %get3A_775, %mul3A_790 : i32
      %add3A_792 = arith.addi %mul3A_791, %get3A_778 : i32
      %mul3A_793 = arith.constant 48 : i32
      %mul3A_794 = arith.muli %add3A_792, %mul3A_793 : i32
      %add3A_795 = arith.addi %mul3A_794, %get3A_781 : i32
      %mul3A_796 = arith.constant 48 : i32
      %mul3A_797 = arith.muli %add3A_795, %mul3A_796 : i32
      %add3A_798 = arith.addi %mul3A_797, %get3A_784 : i32
      %add3A_799 = arith.constant 6000000 : i32
      %add3A_800 = arith.addi %add3A_798, %add3A_799 : i32
      %select_n3A_801 = arith.select %lt3A_786, %add3A_789, %add3A_800 : i32
      %get3A_802 = arith.constant 21 : index
      %get3A_803 = arith.constant 0 : index
      %get3A_804 = memref.load %arg1[%get3A_802, %get3A_803] : memref<40x5xi32, #tpu.memory_space<smem>>
      %get3A_805 = arith.constant 21 : index
      %get3A_806 = arith.constant 1 : index
      %get3A_807 = memref.load %arg1[%get3A_805, %get3A_806] : memref<40x5xi32, #tpu.memory_space<smem>>
      %get3A_808 = arith.constant 21 : index
      %get3A_809 = arith.constant 2 : index
      %get3A_810 = memref.load %arg1[%get3A_808, %get3A_809] : memref<40x5xi32, #tpu.memory_space<smem>>
      %get3A_811 = arith.constant 21 : index
      %get3A_812 = arith.constant 3 : index
      %get3A_813 = memref.load %arg1[%get3A_811, %get3A_812] : memref<40x5xi32, #tpu.memory_space<smem>>
      %get3A_814 = arith.constant 21 : index
      %get3A_815 = arith.constant 4 : index
      %get3A_816 = memref.load %arg1[%get3A_814, %get3A_815] : memref<40x5xi32, #tpu.memory_space<smem>>
      %lt3A_817 = arith.constant 0 : i32
      %lt3A_818 = arith.cmpi slt, %get3A_810, %lt3A_817 : i32
      %mul3A_819 = arith.constant 48 : i32
      %mul3A_820 = arith.muli %get3A_807, %mul3A_819 : i32
      %add3A_821 = arith.addi %mul3A_820, %get3A_816 : i32
      %mul3A_822 = arith.constant 48 : i32
      %mul3A_823 = arith.muli %get3A_807, %mul3A_822 : i32
      %add3A_824 = arith.addi %mul3A_823, %get3A_810 : i32
      %mul3A_825 = arith.constant 48 : i32
      %mul3A_826 = arith.muli %add3A_824, %mul3A_825 : i32
      %add3A_827 = arith.addi %mul3A_826, %get3A_813 : i32
      %mul3A_828 = arith.constant 48 : i32
      %mul3A_829 = arith.muli %add3A_827, %mul3A_828 : i32
      %add3A_830 = arith.addi %mul3A_829, %get3A_816 : i32
      %add3A_831 = arith.constant 6000000 : i32
      %add3A_832 = arith.addi %add3A_830, %add3A_831 : i32
      %select_n3A_833 = arith.select %lt3A_818, %add3A_821, %add3A_832 : i32
      %get3A_834 = arith.constant 22 : index
      %get3A_835 = arith.constant 0 : index
      %get3A_836 = memref.load %arg1[%get3A_834, %get3A_835] : memref<40x5xi32, #tpu.memory_space<smem>>
      %get3A_837 = arith.constant 22 : index
      %get3A_838 = arith.constant 1 : index
      %get3A_839 = memref.load %arg1[%get3A_837, %get3A_838] : memref<40x5xi32, #tpu.memory_space<smem>>
      %get3A_840 = arith.constant 22 : index
      %get3A_841 = arith.constant 2 : index
      %get3A_842 = memref.load %arg1[%get3A_840, %get3A_841] : memref<40x5xi32, #tpu.memory_space<smem>>
      %get3A_843 = arith.constant 22 : index
      %get3A_844 = arith.constant 3 : index
      %get3A_845 = memref.load %arg1[%get3A_843, %get3A_844] : memref<40x5xi32, #tpu.memory_space<smem>>
      %get3A_846 = arith.constant 22 : index
      %get3A_847 = arith.constant 4 : index
      %get3A_848 = memref.load %arg1[%get3A_846, %get3A_847] : memref<40x5xi32, #tpu.memory_space<smem>>
      %lt3A_849 = arith.constant 0 : i32
      %lt3A_850 = arith.cmpi slt, %get3A_842, %lt3A_849 : i32
      %mul3A_851 = arith.constant 48 : i32
      %mul3A_852 = arith.muli %get3A_839, %mul3A_851 : i32
      %add3A_853 = arith.addi %mul3A_852, %get3A_848 : i32
      %mul3A_854 = arith.constant 48 : i32
      %mul3A_855 = arith.muli %get3A_839, %mul3A_854 : i32
      %add3A_856 = arith.addi %mul3A_855, %get3A_842 : i32
      %mul3A_857 = arith.constant 48 : i32
      %mul3A_858 = arith.muli %add3A_856, %mul3A_857 : i32
      %add3A_859 = arith.addi %mul3A_858, %get3A_845 : i32
      %mul3A_860 = arith.constant 48 : i32
      %mul3A_861 = arith.muli %add3A_859, %mul3A_860 : i32
      %add3A_862 = arith.addi %mul3A_861, %get3A_848 : i32
      %add3A_863 = arith.constant 6000000 : i32
      %add3A_864 = arith.addi %add3A_862, %add3A_863 : i32
      %select_n3A_865 = arith.select %lt3A_850, %add3A_853, %add3A_864 : i32
      %get3A_866 = arith.constant 23 : index
      %get3A_867 = arith.constant 0 : index
      %get3A_868 = memref.load %arg1[%get3A_866, %get3A_867] : memref<40x5xi32, #tpu.memory_space<smem>>
      %get3A_869 = arith.constant 23 : index
      %get3A_870 = arith.constant 1 : index
      %get3A_871 = memref.load %arg1[%get3A_869, %get3A_870] : memref<40x5xi32, #tpu.memory_space<smem>>
      %get3A_872 = arith.constant 23 : index
      %get3A_873 = arith.constant 2 : index
      %get3A_874 = memref.load %arg1[%get3A_872, %get3A_873] : memref<40x5xi32, #tpu.memory_space<smem>>
      %get3A_875 = arith.constant 23 : index
      %get3A_876 = arith.constant 3 : index
      %get3A_877 = memref.load %arg1[%get3A_875, %get3A_876] : memref<40x5xi32, #tpu.memory_space<smem>>
      %get3A_878 = arith.constant 23 : index
      %get3A_879 = arith.constant 4 : index
      %get3A_880 = memref.load %arg1[%get3A_878, %get3A_879] : memref<40x5xi32, #tpu.memory_space<smem>>
      %lt3A_881 = arith.constant 0 : i32
      %lt3A_882 = arith.cmpi slt, %get3A_874, %lt3A_881 : i32
      %mul3A_883 = arith.constant 48 : i32
      %mul3A_884 = arith.muli %get3A_871, %mul3A_883 : i32
      %add3A_885 = arith.addi %mul3A_884, %get3A_880 : i32
      %mul3A_886 = arith.constant 48 : i32
      %mul3A_887 = arith.muli %get3A_871, %mul3A_886 : i32
      %add3A_888 = arith.addi %mul3A_887, %get3A_874 : i32
      %mul3A_889 = arith.constant 48 : i32
      %mul3A_890 = arith.muli %add3A_888, %mul3A_889 : i32
      %add3A_891 = arith.addi %mul3A_890, %get3A_877 : i32
      %mul3A_892 = arith.constant 48 : i32
      %mul3A_893 = arith.muli %add3A_891, %mul3A_892 : i32
      %add3A_894 = arith.addi %mul3A_893, %get3A_880 : i32
      %add3A_895 = arith.constant 6000000 : i32
      %add3A_896 = arith.addi %add3A_894, %add3A_895 : i32
      %select_n3A_897 = arith.select %lt3A_882, %add3A_885, %add3A_896 : i32
      %get3A_898 = arith.constant 24 : index
      %get3A_899 = arith.constant 0 : index
      %get3A_900 = memref.load %arg1[%get3A_898, %get3A_899] : memref<40x5xi32, #tpu.memory_space<smem>>
      %get3A_901 = arith.constant 24 : index
      %get3A_902 = arith.constant 1 : index
      %get3A_903 = memref.load %arg1[%get3A_901, %get3A_902] : memref<40x5xi32, #tpu.memory_space<smem>>
      %get3A_904 = arith.constant 24 : index
      %get3A_905 = arith.constant 2 : index
      %get3A_906 = memref.load %arg1[%get3A_904, %get3A_905] : memref<40x5xi32, #tpu.memory_space<smem>>
      %get3A_907 = arith.constant 24 : index
      %get3A_908 = arith.constant 3 : index
      %get3A_909 = memref.load %arg1[%get3A_907, %get3A_908] : memref<40x5xi32, #tpu.memory_space<smem>>
      %get3A_910 = arith.constant 24 : index
      %get3A_911 = arith.constant 4 : index
      %get3A_912 = memref.load %arg1[%get3A_910, %get3A_911] : memref<40x5xi32, #tpu.memory_space<smem>>
      %lt3A_913 = arith.constant 0 : i32
      %lt3A_914 = arith.cmpi slt, %get3A_906, %lt3A_913 : i32
      %mul3A_915 = arith.constant 48 : i32
      %mul3A_916 = arith.muli %get3A_903, %mul3A_915 : i32
      %add3A_917 = arith.addi %mul3A_916, %get3A_912 : i32
      %mul3A_918 = arith.constant 48 : i32
      %mul3A_919 = arith.muli %get3A_903, %mul3A_918 : i32
      %add3A_920 = arith.addi %mul3A_919, %get3A_906 : i32
      %mul3A_921 = arith.constant 48 : i32
      %mul3A_922 = arith.muli %add3A_920, %mul3A_921 : i32
      %add3A_923 = arith.addi %mul3A_922, %get3A_909 : i32
      %mul3A_924 = arith.constant 48 : i32
      %mul3A_925 = arith.muli %add3A_923, %mul3A_924 : i32
      %add3A_926 = arith.addi %mul3A_925, %get3A_912 : i32
      %add3A_927 = arith.constant 6000000 : i32
      %add3A_928 = arith.addi %add3A_926, %add3A_927 : i32
      %select_n3A_929 = arith.select %lt3A_914, %add3A_917, %add3A_928 : i32
      %get3A_930 = arith.constant 25 : index
      %get3A_931 = arith.constant 0 : index
      %get3A_932 = memref.load %arg1[%get3A_930, %get3A_931] : memref<40x5xi32, #tpu.memory_space<smem>>
      %get3A_933 = arith.constant 25 : index
      %get3A_934 = arith.constant 1 : index
      %get3A_935 = memref.load %arg1[%get3A_933, %get3A_934] : memref<40x5xi32, #tpu.memory_space<smem>>
      %get3A_936 = arith.constant 25 : index
      %get3A_937 = arith.constant 2 : index
      %get3A_938 = memref.load %arg1[%get3A_936, %get3A_937] : memref<40x5xi32, #tpu.memory_space<smem>>
      %get3A_939 = arith.constant 25 : index
      %get3A_940 = arith.constant 3 : index
      %get3A_941 = memref.load %arg1[%get3A_939, %get3A_940] : memref<40x5xi32, #tpu.memory_space<smem>>
      %get3A_942 = arith.constant 25 : index
      %get3A_943 = arith.constant 4 : index
      %get3A_944 = memref.load %arg1[%get3A_942, %get3A_943] : memref<40x5xi32, #tpu.memory_space<smem>>
      %lt3A_945 = arith.constant 0 : i32
      %lt3A_946 = arith.cmpi slt, %get3A_938, %lt3A_945 : i32
      %mul3A_947 = arith.constant 48 : i32
      %mul3A_948 = arith.muli %get3A_935, %mul3A_947 : i32
      %add3A_949 = arith.addi %mul3A_948, %get3A_944 : i32
      %mul3A_950 = arith.constant 48 : i32
      %mul3A_951 = arith.muli %get3A_935, %mul3A_950 : i32
      %add3A_952 = arith.addi %mul3A_951, %get3A_938 : i32
      %mul3A_953 = arith.constant 48 : i32
      %mul3A_954 = arith.muli %add3A_952, %mul3A_953 : i32
      %add3A_955 = arith.addi %mul3A_954, %get3A_941 : i32
      %mul3A_956 = arith.constant 48 : i32
      %mul3A_957 = arith.muli %add3A_955, %mul3A_956 : i32
      %add3A_958 = arith.addi %mul3A_957, %get3A_944 : i32
      %add3A_959 = arith.constant 6000000 : i32
      %add3A_960 = arith.addi %add3A_958, %add3A_959 : i32
      %select_n3A_961 = arith.select %lt3A_946, %add3A_949, %add3A_960 : i32
      %get3A_962 = arith.constant 26 : index
      %get3A_963 = arith.constant 0 : index
      %get3A_964 = memref.load %arg1[%get3A_962, %get3A_963] : memref<40x5xi32, #tpu.memory_space<smem>>
      %get3A_965 = arith.constant 26 : index
      %get3A_966 = arith.constant 1 : index
      %get3A_967 = memref.load %arg1[%get3A_965, %get3A_966] : memref<40x5xi32, #tpu.memory_space<smem>>
      %get3A_968 = arith.constant 26 : index
      %get3A_969 = arith.constant 2 : index
      %get3A_970 = memref.load %arg1[%get3A_968, %get3A_969] : memref<40x5xi32, #tpu.memory_space<smem>>
      %get3A_971 = arith.constant 26 : index
      %get3A_972 = arith.constant 3 : index
      %get3A_973 = memref.load %arg1[%get3A_971, %get3A_972] : memref<40x5xi32, #tpu.memory_space<smem>>
      %get3A_974 = arith.constant 26 : index
      %get3A_975 = arith.constant 4 : index
      %get3A_976 = memref.load %arg1[%get3A_974, %get3A_975] : memref<40x5xi32, #tpu.memory_space<smem>>
      %lt3A_977 = arith.constant 0 : i32
      %lt3A_978 = arith.cmpi slt, %get3A_970, %lt3A_977 : i32
      %mul3A_979 = arith.constant 48 : i32
      %mul3A_980 = arith.muli %get3A_967, %mul3A_979 : i32
      %add3A_981 = arith.addi %mul3A_980, %get3A_976 : i32
      %mul3A_982 = arith.constant 48 : i32
      %mul3A_983 = arith.muli %get3A_967, %mul3A_982 : i32
      %add3A_984 = arith.addi %mul3A_983, %get3A_970 : i32
      %mul3A_985 = arith.constant 48 : i32
      %mul3A_986 = arith.muli %add3A_984, %mul3A_985 : i32
      %add3A_987 = arith.addi %mul3A_986, %get3A_973 : i32
      %mul3A_988 = arith.constant 48 : i32
      %mul3A_989 = arith.muli %add3A_987, %mul3A_988 : i32
      %add3A_990 = arith.addi %mul3A_989, %get3A_976 : i32
      %add3A_991 = arith.constant 6000000 : i32
      %add3A_992 = arith.addi %add3A_990, %add3A_991 : i32
      %select_n3A_993 = arith.select %lt3A_978, %add3A_981, %add3A_992 : i32
      %get3A_994 = arith.constant 27 : index
      %get3A_995 = arith.constant 0 : index
      %get3A_996 = memref.load %arg1[%get3A_994, %get3A_995] : memref<40x5xi32, #tpu.memory_space<smem>>
      %get3A_997 = arith.constant 27 : index
      %get3A_998 = arith.constant 1 : index
      %get3A_999 = memref.load %arg1[%get3A_997, %get3A_998] : memref<40x5xi32, #tpu.memory_space<smem>>
      %get3A_1000 = arith.constant 27 : index
      %get3A_1001 = arith.constant 2 : index
      %get3A_1002 = memref.load %arg1[%get3A_1000, %get3A_1001] : memref<40x5xi32, #tpu.memory_space<smem>>
      %get3A_1003 = arith.constant 27 : index
      %get3A_1004 = arith.constant 3 : index
      %get3A_1005 = memref.load %arg1[%get3A_1003, %get3A_1004] : memref<40x5xi32, #tpu.memory_space<smem>>
      %get3A_1006 = arith.constant 27 : index
      %get3A_1007 = arith.constant 4 : index
      %get3A_1008 = memref.load %arg1[%get3A_1006, %get3A_1007] : memref<40x5xi32, #tpu.memory_space<smem>>
      %lt3A_1009 = arith.constant 0 : i32
      %lt3A_1010 = arith.cmpi slt, %get3A_1002, %lt3A_1009 : i32
      %mul3A_1011 = arith.constant 48 : i32
      %mul3A_1012 = arith.muli %get3A_999, %mul3A_1011 : i32
      %add3A_1013 = arith.addi %mul3A_1012, %get3A_1008 : i32
      %mul3A_1014 = arith.constant 48 : i32
      %mul3A_1015 = arith.muli %get3A_999, %mul3A_1014 : i32
      %add3A_1016 = arith.addi %mul3A_1015, %get3A_1002 : i32
      %mul3A_1017 = arith.constant 48 : i32
      %mul3A_1018 = arith.muli %add3A_1016, %mul3A_1017 : i32
      %add3A_1019 = arith.addi %mul3A_1018, %get3A_1005 : i32
      %mul3A_1020 = arith.constant 48 : i32
      %mul3A_1021 = arith.muli %add3A_1019, %mul3A_1020 : i32
      %add3A_1022 = arith.addi %mul3A_1021, %get3A_1008 : i32
      %add3A_1023 = arith.constant 6000000 : i32
      %add3A_1024 = arith.addi %add3A_1022, %add3A_1023 : i32
      %select_n3A_1025 = arith.select %lt3A_1010, %add3A_1013, %add3A_1024 : i32
      %get3A_1026 = arith.constant 28 : index
      %get3A_1027 = arith.constant 0 : index
      %get3A_1028 = memref.load %arg1[%get3A_1026, %get3A_1027] : memref<40x5xi32, #tpu.memory_space<smem>>
      %get3A_1029 = arith.constant 28 : index
      %get3A_1030 = arith.constant 1 : index
      %get3A_1031 = memref.load %arg1[%get3A_1029, %get3A_1030] : memref<40x5xi32, #tpu.memory_space<smem>>
      %get3A_1032 = arith.constant 28 : index
      %get3A_1033 = arith.constant 2 : index
      %get3A_1034 = memref.load %arg1[%get3A_1032, %get3A_1033] : memref<40x5xi32, #tpu.memory_space<smem>>
      %get3A_1035 = arith.constant 28 : index
      %get3A_1036 = arith.constant 3 : index
      %get3A_1037 = memref.load %arg1[%get3A_1035, %get3A_1036] : memref<40x5xi32, #tpu.memory_space<smem>>
      %get3A_1038 = arith.constant 28 : index
      %get3A_1039 = arith.constant 4 : index
      %get3A_1040 = memref.load %arg1[%get3A_1038, %get3A_1039] : memref<40x5xi32, #tpu.memory_space<smem>>
      %lt3A_1041 = arith.constant 0 : i32
      %lt3A_1042 = arith.cmpi slt, %get3A_1034, %lt3A_1041 : i32
      %mul3A_1043 = arith.constant 48 : i32
      %mul3A_1044 = arith.muli %get3A_1031, %mul3A_1043 : i32
      %add3A_1045 = arith.addi %mul3A_1044, %get3A_1040 : i32
      %mul3A_1046 = arith.constant 48 : i32
      %mul3A_1047 = arith.muli %get3A_1031, %mul3A_1046 : i32
      %add3A_1048 = arith.addi %mul3A_1047, %get3A_1034 : i32
      %mul3A_1049 = arith.constant 48 : i32
      %mul3A_1050 = arith.muli %add3A_1048, %mul3A_1049 : i32
      %add3A_1051 = arith.addi %mul3A_1050, %get3A_1037 : i32
      %mul3A_1052 = arith.constant 48 : i32
      %mul3A_1053 = arith.muli %add3A_1051, %mul3A_1052 : i32
      %add3A_1054 = arith.addi %mul3A_1053, %get3A_1040 : i32
      %add3A_1055 = arith.constant 6000000 : i32
      %add3A_1056 = arith.addi %add3A_1054, %add3A_1055 : i32
      %select_n3A_1057 = arith.select %lt3A_1042, %add3A_1045, %add3A_1056 : i32
      %get3A_1058 = arith.constant 29 : index
      %get3A_1059 = arith.constant 0 : index
      %get3A_1060 = memref.load %arg1[%get3A_1058, %get3A_1059] : memref<40x5xi32, #tpu.memory_space<smem>>
      %get3A_1061 = arith.constant 29 : index
      %get3A_1062 = arith.constant 1 : index
      %get3A_1063 = memref.load %arg1[%get3A_1061, %get3A_1062] : memref<40x5xi32, #tpu.memory_space<smem>>
      %get3A_1064 = arith.constant 29 : index
      %get3A_1065 = arith.constant 2 : index
      %get3A_1066 = memref.load %arg1[%get3A_1064, %get3A_1065] : memref<40x5xi32, #tpu.memory_space<smem>>
      %get3A_1067 = arith.constant 29 : index
      %get3A_1068 = arith.constant 3 : index
      %get3A_1069 = memref.load %arg1[%get3A_1067, %get3A_1068] : memref<40x5xi32, #tpu.memory_space<smem>>
      %get3A_1070 = arith.constant 29 : index
      %get3A_1071 = arith.constant 4 : index
      %get3A_1072 = memref.load %arg1[%get3A_1070, %get3A_1071] : memref<40x5xi32, #tpu.memory_space<smem>>
      %lt3A_1073 = arith.constant 0 : i32
      %lt3A_1074 = arith.cmpi slt, %get3A_1066, %lt3A_1073 : i32
      %mul3A_1075 = arith.constant 48 : i32
      %mul3A_1076 = arith.muli %get3A_1063, %mul3A_1075 : i32
      %add3A_1077 = arith.addi %mul3A_1076, %get3A_1072 : i32
      %mul3A_1078 = arith.constant 48 : i32
      %mul3A_1079 = arith.muli %get3A_1063, %mul3A_1078 : i32
      %add3A_1080 = arith.addi %mul3A_1079, %get3A_1066 : i32
      %mul3A_1081 = arith.constant 48 : i32
      %mul3A_1082 = arith.muli %add3A_1080, %mul3A_1081 : i32
      %add3A_1083 = arith.addi %mul3A_1082, %get3A_1069 : i32
      %mul3A_1084 = arith.constant 48 : i32
      %mul3A_1085 = arith.muli %add3A_1083, %mul3A_1084 : i32
      %add3A_1086 = arith.addi %mul3A_1085, %get3A_1072 : i32
      %add3A_1087 = arith.constant 6000000 : i32
      %add3A_1088 = arith.addi %add3A_1086, %add3A_1087 : i32
      %select_n3A_1089 = arith.select %lt3A_1074, %add3A_1077, %add3A_1088 : i32
      %get3A_1090 = arith.constant 30 : index
      %get3A_1091 = arith.constant 0 : index
      %get3A_1092 = memref.load %arg1[%get3A_1090, %get3A_1091] : memref<40x5xi32, #tpu.memory_space<smem>>
      %get3A_1093 = arith.constant 30 : index
      %get3A_1094 = arith.constant 1 : index
      %get3A_1095 = memref.load %arg1[%get3A_1093, %get3A_1094] : memref<40x5xi32, #tpu.memory_space<smem>>
      %get3A_1096 = arith.constant 30 : index
      %get3A_1097 = arith.constant 2 : index
      %get3A_1098 = memref.load %arg1[%get3A_1096, %get3A_1097] : memref<40x5xi32, #tpu.memory_space<smem>>
      %get3A_1099 = arith.constant 30 : index
      %get3A_1100 = arith.constant 3 : index
      %get3A_1101 = memref.load %arg1[%get3A_1099, %get3A_1100] : memref<40x5xi32, #tpu.memory_space<smem>>
      %get3A_1102 = arith.constant 30 : index
      %get3A_1103 = arith.constant 4 : index
      %get3A_1104 = memref.load %arg1[%get3A_1102, %get3A_1103] : memref<40x5xi32, #tpu.memory_space<smem>>
      %lt3A_1105 = arith.constant 0 : i32
      %lt3A_1106 = arith.cmpi slt, %get3A_1098, %lt3A_1105 : i32
      %mul3A_1107 = arith.constant 48 : i32
      %mul3A_1108 = arith.muli %get3A_1095, %mul3A_1107 : i32
      %add3A_1109 = arith.addi %mul3A_1108, %get3A_1104 : i32
      %mul3A_1110 = arith.constant 48 : i32
      %mul3A_1111 = arith.muli %get3A_1095, %mul3A_1110 : i32
      %add3A_1112 = arith.addi %mul3A_1111, %get3A_1098 : i32
      %mul3A_1113 = arith.constant 48 : i32
      %mul3A_1114 = arith.muli %add3A_1112, %mul3A_1113 : i32
      %add3A_1115 = arith.addi %mul3A_1114, %get3A_1101 : i32
      %mul3A_1116 = arith.constant 48 : i32
      %mul3A_1117 = arith.muli %add3A_1115, %mul3A_1116 : i32
      %add3A_1118 = arith.addi %mul3A_1117, %get3A_1104 : i32
      %add3A_1119 = arith.constant 6000000 : i32
      %add3A_1120 = arith.addi %add3A_1118, %add3A_1119 : i32
      %select_n3A_1121 = arith.select %lt3A_1106, %add3A_1109, %add3A_1120 : i32
      %get3A_1122 = arith.constant 31 : index
      %get3A_1123 = arith.constant 0 : index
      %get3A_1124 = memref.load %arg1[%get3A_1122, %get3A_1123] : memref<40x5xi32, #tpu.memory_space<smem>>
      %get3A_1125 = arith.constant 31 : index
      %get3A_1126 = arith.constant 1 : index
      %get3A_1127 = memref.load %arg1[%get3A_1125, %get3A_1126] : memref<40x5xi32, #tpu.memory_space<smem>>
      %get3A_1128 = arith.constant 31 : index
      %get3A_1129 = arith.constant 2 : index
      %get3A_1130 = memref.load %arg1[%get3A_1128, %get3A_1129] : memref<40x5xi32, #tpu.memory_space<smem>>
      %get3A_1131 = arith.constant 31 : index
      %get3A_1132 = arith.constant 3 : index
      %get3A_1133 = memref.load %arg1[%get3A_1131, %get3A_1132] : memref<40x5xi32, #tpu.memory_space<smem>>
      %get3A_1134 = arith.constant 31 : index
      %get3A_1135 = arith.constant 4 : index
      %get3A_1136 = memref.load %arg1[%get3A_1134, %get3A_1135] : memref<40x5xi32, #tpu.memory_space<smem>>
      %lt3A_1137 = arith.constant 0 : i32
      %lt3A_1138 = arith.cmpi slt, %get3A_1130, %lt3A_1137 : i32
      %mul3A_1139 = arith.constant 48 : i32
      %mul3A_1140 = arith.muli %get3A_1127, %mul3A_1139 : i32
      %add3A_1141 = arith.addi %mul3A_1140, %get3A_1136 : i32
      %mul3A_1142 = arith.constant 48 : i32
      %mul3A_1143 = arith.muli %get3A_1127, %mul3A_1142 : i32
      %add3A_1144 = arith.addi %mul3A_1143, %get3A_1130 : i32
      %mul3A_1145 = arith.constant 48 : i32
      %mul3A_1146 = arith.muli %add3A_1144, %mul3A_1145 : i32
      %add3A_1147 = arith.addi %mul3A_1146, %get3A_1133 : i32
      %mul3A_1148 = arith.constant 48 : i32
      %mul3A_1149 = arith.muli %add3A_1147, %mul3A_1148 : i32
      %add3A_1150 = arith.addi %mul3A_1149, %get3A_1136 : i32
      %add3A_1151 = arith.constant 6000000 : i32
      %add3A_1152 = arith.addi %add3A_1150, %add3A_1151 : i32
      %select_n3A_1153 = arith.select %lt3A_1138, %add3A_1141, %add3A_1152 : i32
      %get3A_1154 = arith.constant 32 : index
      %get3A_1155 = arith.constant 0 : index
      %get3A_1156 = memref.load %arg1[%get3A_1154, %get3A_1155] : memref<40x5xi32, #tpu.memory_space<smem>>
      %get3A_1157 = arith.constant 32 : index
      %get3A_1158 = arith.constant 1 : index
      %get3A_1159 = memref.load %arg1[%get3A_1157, %get3A_1158] : memref<40x5xi32, #tpu.memory_space<smem>>
      %get3A_1160 = arith.constant 32 : index
      %get3A_1161 = arith.constant 2 : index
      %get3A_1162 = memref.load %arg1[%get3A_1160, %get3A_1161] : memref<40x5xi32, #tpu.memory_space<smem>>
      %get3A_1163 = arith.constant 32 : index
      %get3A_1164 = arith.constant 3 : index
      %get3A_1165 = memref.load %arg1[%get3A_1163, %get3A_1164] : memref<40x5xi32, #tpu.memory_space<smem>>
      %get3A_1166 = arith.constant 32 : index
      %get3A_1167 = arith.constant 4 : index
      %get3A_1168 = memref.load %arg1[%get3A_1166, %get3A_1167] : memref<40x5xi32, #tpu.memory_space<smem>>
      %lt3A_1169 = arith.constant 0 : i32
      %lt3A_1170 = arith.cmpi slt, %get3A_1162, %lt3A_1169 : i32
      %mul3A_1171 = arith.constant 48 : i32
      %mul3A_1172 = arith.muli %get3A_1159, %mul3A_1171 : i32
      %add3A_1173 = arith.addi %mul3A_1172, %get3A_1168 : i32
      %mul3A_1174 = arith.constant 48 : i32
      %mul3A_1175 = arith.muli %get3A_1159, %mul3A_1174 : i32
      %add3A_1176 = arith.addi %mul3A_1175, %get3A_1162 : i32
      %mul3A_1177 = arith.constant 48 : i32
      %mul3A_1178 = arith.muli %add3A_1176, %mul3A_1177 : i32
      %add3A_1179 = arith.addi %mul3A_1178, %get3A_1165 : i32
      %mul3A_1180 = arith.constant 48 : i32
      %mul3A_1181 = arith.muli %add3A_1179, %mul3A_1180 : i32
      %add3A_1182 = arith.addi %mul3A_1181, %get3A_1168 : i32
      %add3A_1183 = arith.constant 6000000 : i32
      %add3A_1184 = arith.addi %add3A_1182, %add3A_1183 : i32
      %select_n3A_1185 = arith.select %lt3A_1170, %add3A_1173, %add3A_1184 : i32
      %get3A_1186 = arith.constant 33 : index
      %get3A_1187 = arith.constant 0 : index
      %get3A_1188 = memref.load %arg1[%get3A_1186, %get3A_1187] : memref<40x5xi32, #tpu.memory_space<smem>>
      %get3A_1189 = arith.constant 33 : index
      %get3A_1190 = arith.constant 1 : index
      %get3A_1191 = memref.load %arg1[%get3A_1189, %get3A_1190] : memref<40x5xi32, #tpu.memory_space<smem>>
      %get3A_1192 = arith.constant 33 : index
      %get3A_1193 = arith.constant 2 : index
      %get3A_1194 = memref.load %arg1[%get3A_1192, %get3A_1193] : memref<40x5xi32, #tpu.memory_space<smem>>
      %get3A_1195 = arith.constant 33 : index
      %get3A_1196 = arith.constant 3 : index
      %get3A_1197 = memref.load %arg1[%get3A_1195, %get3A_1196] : memref<40x5xi32, #tpu.memory_space<smem>>
      %get3A_1198 = arith.constant 33 : index
      %get3A_1199 = arith.constant 4 : index
      %get3A_1200 = memref.load %arg1[%get3A_1198, %get3A_1199] : memref<40x5xi32, #tpu.memory_space<smem>>
      %lt3A_1201 = arith.constant 0 : i32
      %lt3A_1202 = arith.cmpi slt, %get3A_1194, %lt3A_1201 : i32
      %mul3A_1203 = arith.constant 48 : i32
      %mul3A_1204 = arith.muli %get3A_1191, %mul3A_1203 : i32
      %add3A_1205 = arith.addi %mul3A_1204, %get3A_1200 : i32
      %mul3A_1206 = arith.constant 48 : i32
      %mul3A_1207 = arith.muli %get3A_1191, %mul3A_1206 : i32
      %add3A_1208 = arith.addi %mul3A_1207, %get3A_1194 : i32
      %mul3A_1209 = arith.constant 48 : i32
      %mul3A_1210 = arith.muli %add3A_1208, %mul3A_1209 : i32
      %add3A_1211 = arith.addi %mul3A_1210, %get3A_1197 : i32
      %mul3A_1212 = arith.constant 48 : i32
      %mul3A_1213 = arith.muli %add3A_1211, %mul3A_1212 : i32
      %add3A_1214 = arith.addi %mul3A_1213, %get3A_1200 : i32
      %add3A_1215 = arith.constant 6000000 : i32
      %add3A_1216 = arith.addi %add3A_1214, %add3A_1215 : i32
      %select_n3A_1217 = arith.select %lt3A_1202, %add3A_1205, %add3A_1216 : i32
      %get3A_1218 = arith.constant 34 : index
      %get3A_1219 = arith.constant 0 : index
      %get3A_1220 = memref.load %arg1[%get3A_1218, %get3A_1219] : memref<40x5xi32, #tpu.memory_space<smem>>
      %get3A_1221 = arith.constant 34 : index
      %get3A_1222 = arith.constant 1 : index
      %get3A_1223 = memref.load %arg1[%get3A_1221, %get3A_1222] : memref<40x5xi32, #tpu.memory_space<smem>>
      %get3A_1224 = arith.constant 34 : index
      %get3A_1225 = arith.constant 2 : index
      %get3A_1226 = memref.load %arg1[%get3A_1224, %get3A_1225] : memref<40x5xi32, #tpu.memory_space<smem>>
      %get3A_1227 = arith.constant 34 : index
      %get3A_1228 = arith.constant 3 : index
      %get3A_1229 = memref.load %arg1[%get3A_1227, %get3A_1228] : memref<40x5xi32, #tpu.memory_space<smem>>
      %get3A_1230 = arith.constant 34 : index
      %get3A_1231 = arith.constant 4 : index
      %get3A_1232 = memref.load %arg1[%get3A_1230, %get3A_1231] : memref<40x5xi32, #tpu.memory_space<smem>>
      %lt3A_1233 = arith.constant 0 : i32
      %lt3A_1234 = arith.cmpi slt, %get3A_1226, %lt3A_1233 : i32
      %mul3A_1235 = arith.constant 48 : i32
      %mul3A_1236 = arith.muli %get3A_1223, %mul3A_1235 : i32
      %add3A_1237 = arith.addi %mul3A_1236, %get3A_1232 : i32
      %mul3A_1238 = arith.constant 48 : i32
      %mul3A_1239 = arith.muli %get3A_1223, %mul3A_1238 : i32
      %add3A_1240 = arith.addi %mul3A_1239, %get3A_1226 : i32
      %mul3A_1241 = arith.constant 48 : i32
      %mul3A_1242 = arith.muli %add3A_1240, %mul3A_1241 : i32
      %add3A_1243 = arith.addi %mul3A_1242, %get3A_1229 : i32
      %mul3A_1244 = arith.constant 48 : i32
      %mul3A_1245 = arith.muli %add3A_1243, %mul3A_1244 : i32
      %add3A_1246 = arith.addi %mul3A_1245, %get3A_1232 : i32
      %add3A_1247 = arith.constant 6000000 : i32
      %add3A_1248 = arith.addi %add3A_1246, %add3A_1247 : i32
      %select_n3A_1249 = arith.select %lt3A_1234, %add3A_1237, %add3A_1248 : i32
      %get3A_1250 = arith.constant 35 : index
      %get3A_1251 = arith.constant 0 : index
      %get3A_1252 = memref.load %arg1[%get3A_1250, %get3A_1251] : memref<40x5xi32, #tpu.memory_space<smem>>
      %get3A_1253 = arith.constant 35 : index
      %get3A_1254 = arith.constant 1 : index
      %get3A_1255 = memref.load %arg1[%get3A_1253, %get3A_1254] : memref<40x5xi32, #tpu.memory_space<smem>>
      %get3A_1256 = arith.constant 35 : index
      %get3A_1257 = arith.constant 2 : index
      %get3A_1258 = memref.load %arg1[%get3A_1256, %get3A_1257] : memref<40x5xi32, #tpu.memory_space<smem>>
      %get3A_1259 = arith.constant 35 : index
      %get3A_1260 = arith.constant 3 : index
      %get3A_1261 = memref.load %arg1[%get3A_1259, %get3A_1260] : memref<40x5xi32, #tpu.memory_space<smem>>
      %get3A_1262 = arith.constant 35 : index
      %get3A_1263 = arith.constant 4 : index
      %get3A_1264 = memref.load %arg1[%get3A_1262, %get3A_1263] : memref<40x5xi32, #tpu.memory_space<smem>>
      %lt3A_1265 = arith.constant 0 : i32
      %lt3A_1266 = arith.cmpi slt, %get3A_1258, %lt3A_1265 : i32
      %mul3A_1267 = arith.constant 48 : i32
      %mul3A_1268 = arith.muli %get3A_1255, %mul3A_1267 : i32
      %add3A_1269 = arith.addi %mul3A_1268, %get3A_1264 : i32
      %mul3A_1270 = arith.constant 48 : i32
      %mul3A_1271 = arith.muli %get3A_1255, %mul3A_1270 : i32
      %add3A_1272 = arith.addi %mul3A_1271, %get3A_1258 : i32
      %mul3A_1273 = arith.constant 48 : i32
      %mul3A_1274 = arith.muli %add3A_1272, %mul3A_1273 : i32
      %add3A_1275 = arith.addi %mul3A_1274, %get3A_1261 : i32
      %mul3A_1276 = arith.constant 48 : i32
      %mul3A_1277 = arith.muli %add3A_1275, %mul3A_1276 : i32
      %add3A_1278 = arith.addi %mul3A_1277, %get3A_1264 : i32
      %add3A_1279 = arith.constant 6000000 : i32
      %add3A_1280 = arith.addi %add3A_1278, %add3A_1279 : i32
      %select_n3A_1281 = arith.select %lt3A_1266, %add3A_1269, %add3A_1280 : i32
      %get3A_1282 = arith.constant 36 : index
      %get3A_1283 = arith.constant 0 : index
      %get3A_1284 = memref.load %arg1[%get3A_1282, %get3A_1283] : memref<40x5xi32, #tpu.memory_space<smem>>
      %get3A_1285 = arith.constant 36 : index
      %get3A_1286 = arith.constant 1 : index
      %get3A_1287 = memref.load %arg1[%get3A_1285, %get3A_1286] : memref<40x5xi32, #tpu.memory_space<smem>>
      %get3A_1288 = arith.constant 36 : index
      %get3A_1289 = arith.constant 2 : index
      %get3A_1290 = memref.load %arg1[%get3A_1288, %get3A_1289] : memref<40x5xi32, #tpu.memory_space<smem>>
      %get3A_1291 = arith.constant 36 : index
      %get3A_1292 = arith.constant 3 : index
      %get3A_1293 = memref.load %arg1[%get3A_1291, %get3A_1292] : memref<40x5xi32, #tpu.memory_space<smem>>
      %get3A_1294 = arith.constant 36 : index
      %get3A_1295 = arith.constant 4 : index
      %get3A_1296 = memref.load %arg1[%get3A_1294, %get3A_1295] : memref<40x5xi32, #tpu.memory_space<smem>>
      %lt3A_1297 = arith.constant 0 : i32
      %lt3A_1298 = arith.cmpi slt, %get3A_1290, %lt3A_1297 : i32
      %mul3A_1299 = arith.constant 48 : i32
      %mul3A_1300 = arith.muli %get3A_1287, %mul3A_1299 : i32
      %add3A_1301 = arith.addi %mul3A_1300, %get3A_1296 : i32
      %mul3A_1302 = arith.constant 48 : i32
      %mul3A_1303 = arith.muli %get3A_1287, %mul3A_1302 : i32
      %add3A_1304 = arith.addi %mul3A_1303, %get3A_1290 : i32
      %mul3A_1305 = arith.constant 48 : i32
      %mul3A_1306 = arith.muli %add3A_1304, %mul3A_1305 : i32
      %add3A_1307 = arith.addi %mul3A_1306, %get3A_1293 : i32
      %mul3A_1308 = arith.constant 48 : i32
      %mul3A_1309 = arith.muli %add3A_1307, %mul3A_1308 : i32
      %add3A_1310 = arith.addi %mul3A_1309, %get3A_1296 : i32
      %add3A_1311 = arith.constant 6000000 : i32
      %add3A_1312 = arith.addi %add3A_1310, %add3A_1311 : i32
      %select_n3A_1313 = arith.select %lt3A_1298, %add3A_1301, %add3A_1312 : i32
      %get3A_1314 = arith.constant 37 : index
      %get3A_1315 = arith.constant 0 : index
      %get3A_1316 = memref.load %arg1[%get3A_1314, %get3A_1315] : memref<40x5xi32, #tpu.memory_space<smem>>
      %get3A_1317 = arith.constant 37 : index
      %get3A_1318 = arith.constant 1 : index
      %get3A_1319 = memref.load %arg1[%get3A_1317, %get3A_1318] : memref<40x5xi32, #tpu.memory_space<smem>>
      %get3A_1320 = arith.constant 37 : index
      %get3A_1321 = arith.constant 2 : index
      %get3A_1322 = memref.load %arg1[%get3A_1320, %get3A_1321] : memref<40x5xi32, #tpu.memory_space<smem>>
      %get3A_1323 = arith.constant 37 : index
      %get3A_1324 = arith.constant 3 : index
      %get3A_1325 = memref.load %arg1[%get3A_1323, %get3A_1324] : memref<40x5xi32, #tpu.memory_space<smem>>
      %get3A_1326 = arith.constant 37 : index
      %get3A_1327 = arith.constant 4 : index
      %get3A_1328 = memref.load %arg1[%get3A_1326, %get3A_1327] : memref<40x5xi32, #tpu.memory_space<smem>>
      %lt3A_1329 = arith.constant 0 : i32
      %lt3A_1330 = arith.cmpi slt, %get3A_1322, %lt3A_1329 : i32
      %mul3A_1331 = arith.constant 48 : i32
      %mul3A_1332 = arith.muli %get3A_1319, %mul3A_1331 : i32
      %add3A_1333 = arith.addi %mul3A_1332, %get3A_1328 : i32
      %mul3A_1334 = arith.constant 48 : i32
      %mul3A_1335 = arith.muli %get3A_1319, %mul3A_1334 : i32
      %add3A_1336 = arith.addi %mul3A_1335, %get3A_1322 : i32
      %mul3A_1337 = arith.constant 48 : i32
      %mul3A_1338 = arith.muli %add3A_1336, %mul3A_1337 : i32
      %add3A_1339 = arith.addi %mul3A_1338, %get3A_1325 : i32
      %mul3A_1340 = arith.constant 48 : i32
      %mul3A_1341 = arith.muli %add3A_1339, %mul3A_1340 : i32
      %add3A_1342 = arith.addi %mul3A_1341, %get3A_1328 : i32
      %add3A_1343 = arith.constant 6000000 : i32
      %add3A_1344 = arith.addi %add3A_1342, %add3A_1343 : i32
      %select_n3A_1345 = arith.select %lt3A_1330, %add3A_1333, %add3A_1344 : i32
      %get3A_1346 = arith.constant 38 : index
      %get3A_1347 = arith.constant 0 : index
      %get3A_1348 = memref.load %arg1[%get3A_1346, %get3A_1347] : memref<40x5xi32, #tpu.memory_space<smem>>
      %get3A_1349 = arith.constant 38 : index
      %get3A_1350 = arith.constant 1 : index
      %get3A_1351 = memref.load %arg1[%get3A_1349, %get3A_1350] : memref<40x5xi32, #tpu.memory_space<smem>>
      %get3A_1352 = arith.constant 38 : index
      %get3A_1353 = arith.constant 2 : index
      %get3A_1354 = memref.load %arg1[%get3A_1352, %get3A_1353] : memref<40x5xi32, #tpu.memory_space<smem>>
      %get3A_1355 = arith.constant 38 : index
      %get3A_1356 = arith.constant 3 : index
      %get3A_1357 = memref.load %arg1[%get3A_1355, %get3A_1356] : memref<40x5xi32, #tpu.memory_space<smem>>
      %get3A_1358 = arith.constant 38 : index
      %get3A_1359 = arith.constant 4 : index
      %get3A_1360 = memref.load %arg1[%get3A_1358, %get3A_1359] : memref<40x5xi32, #tpu.memory_space<smem>>
      %lt3A_1361 = arith.constant 0 : i32
      %lt3A_1362 = arith.cmpi slt, %get3A_1354, %lt3A_1361 : i32
      %mul3A_1363 = arith.constant 48 : i32
      %mul3A_1364 = arith.muli %get3A_1351, %mul3A_1363 : i32
      %add3A_1365 = arith.addi %mul3A_1364, %get3A_1360 : i32
      %mul3A_1366 = arith.constant 48 : i32
      %mul3A_1367 = arith.muli %get3A_1351, %mul3A_1366 : i32
      %add3A_1368 = arith.addi %mul3A_1367, %get3A_1354 : i32
      %mul3A_1369 = arith.constant 48 : i32
      %mul3A_1370 = arith.muli %add3A_1368, %mul3A_1369 : i32
      %add3A_1371 = arith.addi %mul3A_1370, %get3A_1357 : i32
      %mul3A_1372 = arith.constant 48 : i32
      %mul3A_1373 = arith.muli %add3A_1371, %mul3A_1372 : i32
      %add3A_1374 = arith.addi %mul3A_1373, %get3A_1360 : i32
      %add3A_1375 = arith.constant 6000000 : i32
      %add3A_1376 = arith.addi %add3A_1374, %add3A_1375 : i32
      %select_n3A_1377 = arith.select %lt3A_1362, %add3A_1365, %add3A_1376 : i32
      %get3A_1378 = arith.constant 39 : index
      %get3A_1379 = arith.constant 0 : index
      %get3A_1380 = memref.load %arg1[%get3A_1378, %get3A_1379] : memref<40x5xi32, #tpu.memory_space<smem>>
      %get3A_1381 = arith.constant 39 : index
      %get3A_1382 = arith.constant 1 : index
      %get3A_1383 = memref.load %arg1[%get3A_1381, %get3A_1382] : memref<40x5xi32, #tpu.memory_space<smem>>
      %get3A_1384 = arith.constant 39 : index
      %get3A_1385 = arith.constant 2 : index
      %get3A_1386 = memref.load %arg1[%get3A_1384, %get3A_1385] : memref<40x5xi32, #tpu.memory_space<smem>>
      %get3A_1387 = arith.constant 39 : index
      %get3A_1388 = arith.constant 3 : index
      %get3A_1389 = memref.load %arg1[%get3A_1387, %get3A_1388] : memref<40x5xi32, #tpu.memory_space<smem>>
      %get3A_1390 = arith.constant 39 : index
      %get3A_1391 = arith.constant 4 : index
      %get3A_1392 = memref.load %arg1[%get3A_1390, %get3A_1391] : memref<40x5xi32, #tpu.memory_space<smem>>
      %lt3A_1393 = arith.constant 0 : i32
      %lt3A_1394 = arith.cmpi slt, %get3A_1386, %lt3A_1393 : i32
      %mul3A_1395 = arith.constant 48 : i32
      %mul3A_1396 = arith.muli %get3A_1383, %mul3A_1395 : i32
      %add3A_1397 = arith.addi %mul3A_1396, %get3A_1392 : i32
      %mul3A_1398 = arith.constant 48 : i32
      %mul3A_1399 = arith.muli %get3A_1383, %mul3A_1398 : i32
      %add3A_1400 = arith.addi %mul3A_1399, %get3A_1386 : i32
      %mul3A_1401 = arith.constant 48 : i32
      %mul3A_1402 = arith.muli %add3A_1400, %mul3A_1401 : i32
      %add3A_1403 = arith.addi %mul3A_1402, %get3A_1389 : i32
      %mul3A_1404 = arith.constant 48 : i32
      %mul3A_1405 = arith.muli %add3A_1403, %mul3A_1404 : i32
      %add3A_1406 = arith.addi %mul3A_1405, %get3A_1392 : i32
      %add3A_1407 = arith.constant 6000000 : i32
      %add3A_1408 = arith.addi %add3A_1406, %add3A_1407 : i32
      %select_n3A_1409 = arith.select %lt3A_1394, %add3A_1397, %add3A_1408 : i32
      %iota3A_1410 = tpu.iota {dimensions = array<i32: 1>} : vector<1x32xi32>
      %iota3A_1411 = tpu.iota {dimensions = array<i32: 1>} : vector<1x16xi32>
      %ne3A_1412 = arith.cmpi ne, %select_n3A_161, %select_n3A_193 : i32
      %and3A_1413 = arith.constant true
      %and3A_1414 = arith.andi %and3A_1413, %ne3A_1412 : i1
      %ne3A_1415 = arith.cmpi ne, %select_n3A_161, %select_n3A_225 : i32
      %and3A_1416 = arith.andi %and3A_1414, %ne3A_1415 : i1
      %ne3A_1417 = arith.cmpi ne, %select_n3A_161, %select_n3A_257 : i32
      %and3A_1418 = arith.andi %and3A_1416, %ne3A_1417 : i1
      %ne3A_1419 = arith.cmpi ne, %select_n3A_161, %select_n3A_289 : i32
      %and3A_1420 = arith.andi %and3A_1418, %ne3A_1419 : i1
      %ne3A_1421 = arith.cmpi ne, %select_n3A_161, %select_n3A_321 : i32
      %and3A_1422 = arith.andi %and3A_1420, %ne3A_1421 : i1
      %ne3A_1423 = arith.cmpi ne, %select_n3A_161, %select_n3A_353 : i32
      %and3A_1424 = arith.andi %and3A_1422, %ne3A_1423 : i1
      %ne3A_1425 = arith.cmpi ne, %select_n3A_161, %select_n3A_385 : i32
      %and3A_1426 = arith.andi %and3A_1424, %ne3A_1425 : i1
      %ne3A_1427 = arith.cmpi ne, %select_n3A_161, %select_n3A_417 : i32
      %and3A_1428 = arith.andi %and3A_1426, %ne3A_1427 : i1
      %ne3A_1429 = arith.cmpi ne, %select_n3A_161, %select_n3A_449 : i32
      %and3A_1430 = arith.andi %and3A_1428, %ne3A_1429 : i1
      %ne3A_1431 = arith.cmpi ne, %select_n3A_161, %select_n3A_481 : i32
      %and3A_1432 = arith.andi %and3A_1430, %ne3A_1431 : i1
      %ne3A_1433 = arith.cmpi ne, %select_n3A_161, %select_n3A_513 : i32
      %and3A_1434 = arith.andi %and3A_1432, %ne3A_1433 : i1
      %ne3A_1435 = arith.cmpi ne, %select_n3A_161, %select_n3A_545 : i32
      %and3A_1436 = arith.andi %and3A_1434, %ne3A_1435 : i1
      %ne3A_1437 = arith.cmpi ne, %select_n3A_161, %select_n3A_577 : i32
      %and3A_1438 = arith.andi %and3A_1436, %ne3A_1437 : i1
      %ne3A_1439 = arith.cmpi ne, %select_n3A_161, %select_n3A_609 : i32
      %and3A_1440 = arith.andi %and3A_1438, %ne3A_1439 : i1
      %ne3A_1441 = arith.cmpi ne, %select_n3A_161, %select_n3A_641 : i32
      %and3A_1442 = arith.andi %and3A_1440, %ne3A_1441 : i1
      %ne3A_1443 = arith.cmpi ne, %select_n3A_161, %select_n3A_673 : i32
      %and3A_1444 = arith.andi %and3A_1442, %ne3A_1443 : i1
      %ne3A_1445 = arith.cmpi ne, %select_n3A_161, %select_n3A_705 : i32
      %and3A_1446 = arith.andi %and3A_1444, %ne3A_1445 : i1
      %ne3A_1447 = arith.cmpi ne, %select_n3A_161, %select_n3A_737 : i32
      %and3A_1448 = arith.andi %and3A_1446, %ne3A_1447 : i1
      %ne3A_1449 = arith.cmpi ne, %select_n3A_161, %select_n3A_769 : i32
      %and3A_1450 = arith.andi %and3A_1448, %ne3A_1449 : i1
      %ne3A_1451 = arith.cmpi ne, %select_n3A_161, %select_n3A_801 : i32
      %and3A_1452 = arith.andi %and3A_1450, %ne3A_1451 : i1
      %ne3A_1453 = arith.cmpi ne, %select_n3A_161, %select_n3A_833 : i32
      %and3A_1454 = arith.andi %and3A_1452, %ne3A_1453 : i1
      %ne3A_1455 = arith.cmpi ne, %select_n3A_161, %select_n3A_865 : i32
      %and3A_1456 = arith.andi %and3A_1454, %ne3A_1455 : i1
      %ne3A_1457 = arith.cmpi ne, %select_n3A_161, %select_n3A_897 : i32
      %and3A_1458 = arith.andi %and3A_1456, %ne3A_1457 : i1
      %ne3A_1459 = arith.cmpi ne, %select_n3A_161, %select_n3A_929 : i32
      %and3A_1460 = arith.andi %and3A_1458, %ne3A_1459 : i1
      %ne3A_1461 = arith.cmpi ne, %select_n3A_161, %select_n3A_961 : i32
      %and3A_1462 = arith.andi %and3A_1460, %ne3A_1461 : i1
      %ne3A_1463 = arith.cmpi ne, %select_n3A_161, %select_n3A_993 : i32
      %and3A_1464 = arith.andi %and3A_1462, %ne3A_1463 : i1
      %ne3A_1465 = arith.cmpi ne, %select_n3A_161, %select_n3A_1025 : i32
      %and3A_1466 = arith.andi %and3A_1464, %ne3A_1465 : i1
      %ne3A_1467 = arith.cmpi ne, %select_n3A_161, %select_n3A_1057 : i32
      %and3A_1468 = arith.andi %and3A_1466, %ne3A_1467 : i1
      %ne3A_1469 = arith.cmpi ne, %select_n3A_161, %select_n3A_1089 : i32
      %and3A_1470 = arith.andi %and3A_1468, %ne3A_1469 : i1
      %ne3A_1471 = arith.cmpi ne, %select_n3A_161, %select_n3A_1121 : i32
      %and3A_1472 = arith.andi %and3A_1470, %ne3A_1471 : i1
      %ne3A_1473 = arith.cmpi ne, %select_n3A_161, %select_n3A_1153 : i32
      %and3A_1474 = arith.andi %and3A_1472, %ne3A_1473 : i1
      %ne3A_1475 = arith.cmpi ne, %select_n3A_161, %select_n3A_1185 : i32
      %and3A_1476 = arith.andi %and3A_1474, %ne3A_1475 : i1
      %ne3A_1477 = arith.cmpi ne, %select_n3A_161, %select_n3A_1217 : i32
      %and3A_1478 = arith.andi %and3A_1476, %ne3A_1477 : i1
      %ne3A_1479 = arith.cmpi ne, %select_n3A_161, %select_n3A_1249 : i32
      %and3A_1480 = arith.andi %and3A_1478, %ne3A_1479 : i1
      %ne3A_1481 = arith.cmpi ne, %select_n3A_161, %select_n3A_1281 : i32
      %and3A_1482 = arith.andi %and3A_1480, %ne3A_1481 : i1
      %ne3A_1483 = arith.cmpi ne, %select_n3A_161, %select_n3A_1313 : i32
      %and3A_1484 = arith.andi %and3A_1482, %ne3A_1483 : i1
      %ne3A_1485 = arith.cmpi ne, %select_n3A_161, %select_n3A_1345 : i32
      %and3A_1486 = arith.andi %and3A_1484, %ne3A_1485 : i1
      %ne3A_1487 = arith.cmpi ne, %select_n3A_161, %select_n3A_1377 : i32
      %and3A_1488 = arith.andi %and3A_1486, %ne3A_1487 : i1
      %ne3A_1489 = arith.cmpi ne, %select_n3A_161, %select_n3A_1409 : i32
      %and3A_1490 = arith.andi %and3A_1488, %ne3A_1489 : i1
      %mul3A_1491 = arith.constant 48 : i32
      %mul3A_1492 = arith.muli %get3A_136, %mul3A_1491 : i32
      %add3A_1493 = arith.addi %mul3A_1492, %get3A_145 : i32
      %add3A_1494 = arith.constant 1 : i32
      %add3A_1495 = arith.addi %get3A_139, %add3A_1494 : i32
      %mul3A_1496 = arith.constant 48 : i32
      %mul3A_1497 = arith.muli %add3A_1495, %mul3A_1496 : i32
      %sub3A_1498 = arith.constant 1 : i32
      %sub3A_1499 = arith.subi %get3A_142, %sub3A_1498 : i32
      %add3A_1500 = arith.addi %mul3A_1497, %sub3A_1499 : i32
      %jit3A_1501 = arith.constant 0 : i32
      %select_n3A_1502 = arith.select %lt3A_146, %jit3A_1501, %add3A_1500 : i32
      %eq3A_1503 = vector.broadcast %get3A_133 : i32 to vector<1x32xi32>
      %eq3A_1504 = arith.cmpi eq, %iota3A_1410, %eq3A_1503 : vector<1x32xi32>
      %convert_element_type3A_1505 = arith.extui %eq3A_1504 : vector<1x32xi1> to vector<1x32xi32>
      %convert_element_type3A_1506 = arith.sitofp %convert_element_type3A_1505 : vector<1x32xi32> to vector<1x32xf32>
      %eq3A_1507 = vector.broadcast %get3A_133 : i32 to vector<1x16xi32>
      %eq3A_1508 = arith.cmpi eq, %iota3A_1411, %eq3A_1507 : vector<1x16xi32>
      %convert_element_type3A_1509 = arith.extui %eq3A_1508 : vector<1x16xi1> to vector<1x16xi32>
      %convert_element_type3A_1510 = arith.sitofp %convert_element_type3A_1509 : vector<1x16xi32> to vector<1x16xf32>
      %get3A_1511 = arith.index_cast %add3A_1493 : i32 to index
      %get3A_1512 = arith.constant 0 : index
      %get3A_1513 = vector.load %arg2[%get3A_1511, %get3A_1512] : memref<2304x32xf32, #tpu.memory_space<vmem>>, vector<1x32xf32>
      %mul3A_1514 = arith.mulf %get3A_1513, %convert_element_type3A_1506 : vector<1x32xf32>
      %reduce_sum3A_1515 = vector.shape_cast %mul3A_1514 : vector<1x32xf32> to vector<1x1x32xf32>
      %reduce_sum3A_1516 = arith.constant dense<0.000000e+00> : vector<1xf32>
      %reduce_sum3A_1517 = vector.multi_reduction <add>, %reduce_sum3A_1515, %reduce_sum3A_1516 [1, 2] : vector<1x1x32xf32> to vector<1xf32>
      %reduce_sum3A_1518 = vector.shape_cast %reduce_sum3A_1517 : vector<1xf32> to vector<1x1x1xf32>
      %reduce_sum3A_1519 = vector.extract %reduce_sum3A_1518[0, 0, 0] : f32 from vector<1x1x1xf32>
      %get3A_1520 = arith.index_cast %add3A_1493 : i32 to index
      %get3A_1521 = arith.constant 0 : index
      %get3A_1522 = vector.load %arg3[%get3A_1520, %get3A_1521] : memref<2304x16xf32, #tpu.memory_space<vmem>>, vector<1x16xf32>
      %get3A_1523 = arith.index_cast %select_n3A_1502 : i32 to index
      %get3A_1524 = arith.constant 0 : index
      %get3A_1525 = vector.load %arg9[%get3A_1523, %get3A_1524] : memref<2304x16xf32, #tpu.memory_space<vmem>>, vector<1x16xf32>
      %add3A_1526 = arith.addf %get3A_1522, %get3A_1525 : vector<1x16xf32>
      %mul3A_1527 = arith.mulf %add3A_1526, %convert_element_type3A_1510 : vector<1x16xf32>
      %reduce_sum3A_1528 = vector.shape_cast %mul3A_1527 : vector<1x16xf32> to vector<1x1x16xf32>
      %reduce_sum3A_1529 = arith.constant dense<0.000000e+00> : vector<1xf32>
      %reduce_sum3A_1530 = vector.multi_reduction <add>, %reduce_sum3A_1528, %reduce_sum3A_1529 [1, 2] : vector<1x1x16xf32> to vector<1xf32>
      %reduce_sum3A_1531 = vector.shape_cast %reduce_sum3A_1530 : vector<1xf32> to vector<1x1x1xf32>
      %reduce_sum3A_1532 = vector.extract %reduce_sum3A_1531[0, 0, 0] : f32 from vector<1x1x1xf32>
      %select_n3A_1533 = arith.select %lt3A_146, %reduce_sum3A_1519, %reduce_sum3A_1532 : f32
      %jit3A_1534 = arith.constant 0.000000e+00 : f32
      %select_n3A_1535 = arith.select %and3A_1490, %select_n3A_1533, %jit3A_1534 : f32
      %add3A_1536 = arith.constant 0.000000e+00 : f32
      %add3A_1537 = arith.addf %add3A_1536, %select_n3A_1535 : f32
      %ne3A_1538 = arith.cmpi ne, %select_n3A_193, %select_n3A_225 : i32
      %and3A_1539 = arith.constant true
      %and3A_1540 = arith.andi %and3A_1539, %ne3A_1538 : i1
      %ne3A_1541 = arith.cmpi ne, %select_n3A_193, %select_n3A_257 : i32
      %and3A_1542 = arith.andi %and3A_1540, %ne3A_1541 : i1
      %ne3A_1543 = arith.cmpi ne, %select_n3A_193, %select_n3A_289 : i32
      %and3A_1544 = arith.andi %and3A_1542, %ne3A_1543 : i1
      %ne3A_1545 = arith.cmpi ne, %select_n3A_193, %select_n3A_321 : i32
      %and3A_1546 = arith.andi %and3A_1544, %ne3A_1545 : i1
      %ne3A_1547 = arith.cmpi ne, %select_n3A_193, %select_n3A_353 : i32
      %and3A_1548 = arith.andi %and3A_1546, %ne3A_1547 : i1
      %ne3A_1549 = arith.cmpi ne, %select_n3A_193, %select_n3A_385 : i32
      %and3A_1550 = arith.andi %and3A_1548, %ne3A_1549 : i1
      %ne3A_1551 = arith.cmpi ne, %select_n3A_193, %select_n3A_417 : i32
      %and3A_1552 = arith.andi %and3A_1550, %ne3A_1551 : i1
      %ne3A_1553 = arith.cmpi ne, %select_n3A_193, %select_n3A_449 : i32
      %and3A_1554 = arith.andi %and3A_1552, %ne3A_1553 : i1
      %ne3A_1555 = arith.cmpi ne, %select_n3A_193, %select_n3A_481 : i32
      %and3A_1556 = arith.andi %and3A_1554, %ne3A_1555 : i1
      %ne3A_1557 = arith.cmpi ne, %select_n3A_193, %select_n3A_513 : i32
      %and3A_1558 = arith.andi %and3A_1556, %ne3A_1557 : i1
      %ne3A_1559 = arith.cmpi ne, %select_n3A_193, %select_n3A_545 : i32
      %and3A_1560 = arith.andi %and3A_1558, %ne3A_1559 : i1
      %ne3A_1561 = arith.cmpi ne, %select_n3A_193, %select_n3A_577 : i32
      %and3A_1562 = arith.andi %and3A_1560, %ne3A_1561 : i1
      %ne3A_1563 = arith.cmpi ne, %select_n3A_193, %select_n3A_609 : i32
      %and3A_1564 = arith.andi %and3A_1562, %ne3A_1563 : i1
      %ne3A_1565 = arith.cmpi ne, %select_n3A_193, %select_n3A_641 : i32
      %and3A_1566 = arith.andi %and3A_1564, %ne3A_1565 : i1
      %ne3A_1567 = arith.cmpi ne, %select_n3A_193, %select_n3A_673 : i32
      %and3A_1568 = arith.andi %and3A_1566, %ne3A_1567 : i1
      %ne3A_1569 = arith.cmpi ne, %select_n3A_193, %select_n3A_705 : i32
      %and3A_1570 = arith.andi %and3A_1568, %ne3A_1569 : i1
      %ne3A_1571 = arith.cmpi ne, %select_n3A_193, %select_n3A_737 : i32
      %and3A_1572 = arith.andi %and3A_1570, %ne3A_1571 : i1
      %ne3A_1573 = arith.cmpi ne, %select_n3A_193, %select_n3A_769 : i32
      %and3A_1574 = arith.andi %and3A_1572, %ne3A_1573 : i1
      %ne3A_1575 = arith.cmpi ne, %select_n3A_193, %select_n3A_801 : i32
      %and3A_1576 = arith.andi %and3A_1574, %ne3A_1575 : i1
      %ne3A_1577 = arith.cmpi ne, %select_n3A_193, %select_n3A_833 : i32
      %and3A_1578 = arith.andi %and3A_1576, %ne3A_1577 : i1
      %ne3A_1579 = arith.cmpi ne, %select_n3A_193, %select_n3A_865 : i32
      %and3A_1580 = arith.andi %and3A_1578, %ne3A_1579 : i1
      %ne3A_1581 = arith.cmpi ne, %select_n3A_193, %select_n3A_897 : i32
      %and3A_1582 = arith.andi %and3A_1580, %ne3A_1581 : i1
      %ne3A_1583 = arith.cmpi ne, %select_n3A_193, %select_n3A_929 : i32
      %and3A_1584 = arith.andi %and3A_1582, %ne3A_1583 : i1
      %ne3A_1585 = arith.cmpi ne, %select_n3A_193, %select_n3A_961 : i32
      %and3A_1586 = arith.andi %and3A_1584, %ne3A_1585 : i1
      %ne3A_1587 = arith.cmpi ne, %select_n3A_193, %select_n3A_993 : i32
      %and3A_1588 = arith.andi %and3A_1586, %ne3A_1587 : i1
      %ne3A_1589 = arith.cmpi ne, %select_n3A_193, %select_n3A_1025 : i32
      %and3A_1590 = arith.andi %and3A_1588, %ne3A_1589 : i1
      %ne3A_1591 = arith.cmpi ne, %select_n3A_193, %select_n3A_1057 : i32
      %and3A_1592 = arith.andi %and3A_1590, %ne3A_1591 : i1
      %ne3A_1593 = arith.cmpi ne, %select_n3A_193, %select_n3A_1089 : i32
      %and3A_1594 = arith.andi %and3A_1592, %ne3A_1593 : i1
      %ne3A_1595 = arith.cmpi ne, %select_n3A_193, %select_n3A_1121 : i32
      %and3A_1596 = arith.andi %and3A_1594, %ne3A_1595 : i1
      %ne3A_1597 = arith.cmpi ne, %select_n3A_193, %select_n3A_1153 : i32
      %and3A_1598 = arith.andi %and3A_1596, %ne3A_1597 : i1
      %ne3A_1599 = arith.cmpi ne, %select_n3A_193, %select_n3A_1185 : i32
      %and3A_1600 = arith.andi %and3A_1598, %ne3A_1599 : i1
      %ne3A_1601 = arith.cmpi ne, %select_n3A_193, %select_n3A_1217 : i32
      %and3A_1602 = arith.andi %and3A_1600, %ne3A_1601 : i1
      %ne3A_1603 = arith.cmpi ne, %select_n3A_193, %select_n3A_1249 : i32
      %and3A_1604 = arith.andi %and3A_1602, %ne3A_1603 : i1
      %ne3A_1605 = arith.cmpi ne, %select_n3A_193, %select_n3A_1281 : i32
      %and3A_1606 = arith.andi %and3A_1604, %ne3A_1605 : i1
      %ne3A_1607 = arith.cmpi ne, %select_n3A_193, %select_n3A_1313 : i32
      %and3A_1608 = arith.andi %and3A_1606, %ne3A_1607 : i1
      %ne3A_1609 = arith.cmpi ne, %select_n3A_193, %select_n3A_1345 : i32
      %and3A_1610 = arith.andi %and3A_1608, %ne3A_1609 : i1
      %ne3A_1611 = arith.cmpi ne, %select_n3A_193, %select_n3A_1377 : i32
      %and3A_1612 = arith.andi %and3A_1610, %ne3A_1611 : i1
      %ne3A_1613 = arith.cmpi ne, %select_n3A_193, %select_n3A_1409 : i32
      %and3A_1614 = arith.andi %and3A_1612, %ne3A_1613 : i1
      %mul3A_1615 = arith.constant 48 : i32
      %mul3A_1616 = arith.muli %get3A_167, %mul3A_1615 : i32
      %add3A_1617 = arith.addi %mul3A_1616, %get3A_176 : i32
      %add3A_1618 = arith.constant 1 : i32
      %add3A_1619 = arith.addi %get3A_170, %add3A_1618 : i32
      %mul3A_1620 = arith.constant 48 : i32
      %mul3A_1621 = arith.muli %add3A_1619, %mul3A_1620 : i32
      %sub3A_1622 = arith.constant 1 : i32
      %sub3A_1623 = arith.subi %get3A_173, %sub3A_1622 : i32
      %add3A_1624 = arith.addi %mul3A_1621, %sub3A_1623 : i32
      %jit3A_1625 = arith.constant 0 : i32
      %select_n3A_1626 = arith.select %lt3A_178, %jit3A_1625, %add3A_1624 : i32
      %eq3A_1627 = vector.broadcast %get3A_164 : i32 to vector<1x32xi32>
      %eq3A_1628 = arith.cmpi eq, %iota3A_1410, %eq3A_1627 : vector<1x32xi32>
      %convert_element_type3A_1629 = arith.extui %eq3A_1628 : vector<1x32xi1> to vector<1x32xi32>
      %convert_element_type3A_1630 = arith.sitofp %convert_element_type3A_1629 : vector<1x32xi32> to vector<1x32xf32>
      %eq3A_1631 = vector.broadcast %get3A_164 : i32 to vector<1x16xi32>
      %eq3A_1632 = arith.cmpi eq, %iota3A_1411, %eq3A_1631 : vector<1x16xi32>
      %convert_element_type3A_1633 = arith.extui %eq3A_1632 : vector<1x16xi1> to vector<1x16xi32>
      %convert_element_type3A_1634 = arith.sitofp %convert_element_type3A_1633 : vector<1x16xi32> to vector<1x16xf32>
      %get3A_1635 = arith.index_cast %add3A_1617 : i32 to index
      %get3A_1636 = arith.constant 0 : index
      %get3A_1637 = vector.load %arg2[%get3A_1635, %get3A_1636] : memref<2304x32xf32, #tpu.memory_space<vmem>>, vector<1x32xf32>
      %mul3A_1638 = arith.mulf %get3A_1637, %convert_element_type3A_1630 : vector<1x32xf32>
      %reduce_sum3A_1639 = vector.shape_cast %mul3A_1638 : vector<1x32xf32> to vector<1x1x32xf32>
      %reduce_sum3A_1640 = arith.constant dense<0.000000e+00> : vector<1xf32>
      %reduce_sum3A_1641 = vector.multi_reduction <add>, %reduce_sum3A_1639, %reduce_sum3A_1640 [1, 2] : vector<1x1x32xf32> to vector<1xf32>
      %reduce_sum3A_1642 = vector.shape_cast %reduce_sum3A_1641 : vector<1xf32> to vector<1x1x1xf32>
      %reduce_sum3A_1643 = vector.extract %reduce_sum3A_1642[0, 0, 0] : f32 from vector<1x1x1xf32>
      %get3A_1644 = arith.index_cast %add3A_1617 : i32 to index
      %get3A_1645 = arith.constant 0 : index
      %get3A_1646 = vector.load %arg3[%get3A_1644, %get3A_1645] : memref<2304x16xf32, #tpu.memory_space<vmem>>, vector<1x16xf32>
      %get3A_1647 = arith.index_cast %select_n3A_1626 : i32 to index
      %get3A_1648 = arith.constant 0 : index
      %get3A_1649 = vector.load %arg9[%get3A_1647, %get3A_1648] : memref<2304x16xf32, #tpu.memory_space<vmem>>, vector<1x16xf32>
      %add3A_1650 = arith.addf %get3A_1646, %get3A_1649 : vector<1x16xf32>
      %mul3A_1651 = arith.mulf %add3A_1650, %convert_element_type3A_1634 : vector<1x16xf32>
      %reduce_sum3A_1652 = vector.shape_cast %mul3A_1651 : vector<1x16xf32> to vector<1x1x16xf32>
      %reduce_sum3A_1653 = arith.constant dense<0.000000e+00> : vector<1xf32>
      %reduce_sum3A_1654 = vector.multi_reduction <add>, %reduce_sum3A_1652, %reduce_sum3A_1653 [1, 2] : vector<1x1x16xf32> to vector<1xf32>
      %reduce_sum3A_1655 = vector.shape_cast %reduce_sum3A_1654 : vector<1xf32> to vector<1x1x1xf32>
      %reduce_sum3A_1656 = vector.extract %reduce_sum3A_1655[0, 0, 0] : f32 from vector<1x1x1xf32>
      %select_n3A_1657 = arith.select %lt3A_178, %reduce_sum3A_1643, %reduce_sum3A_1656 : f32
      %jit3A_1658 = arith.constant 0.000000e+00 : f32
      %select_n3A_1659 = arith.select %and3A_1614, %select_n3A_1657, %jit3A_1658 : f32
      %add3A_1660 = arith.addf %add3A_1537, %select_n3A_1659 : f32
      %ne3A_1661 = arith.cmpi ne, %select_n3A_225, %select_n3A_257 : i32
      %and3A_1662 = arith.constant true
      %and3A_1663 = arith.andi %and3A_1662, %ne3A_1661 : i1
      %ne3A_1664 = arith.cmpi ne, %select_n3A_225, %select_n3A_289 : i32
      %and3A_1665 = arith.andi %and3A_1663, %ne3A_1664 : i1
      %ne3A_1666 = arith.cmpi ne, %select_n3A_225, %select_n3A_321 : i32
      %and3A_1667 = arith.andi %and3A_1665, %ne3A_1666 : i1
      %ne3A_1668 = arith.cmpi ne, %select_n3A_225, %select_n3A_353 : i32
      %and3A_1669 = arith.andi %and3A_1667, %ne3A_1668 : i1
      %ne3A_1670 = arith.cmpi ne, %select_n3A_225, %select_n3A_385 : i32
      %and3A_1671 = arith.andi %and3A_1669, %ne3A_1670 : i1
      %ne3A_1672 = arith.cmpi ne, %select_n3A_225, %select_n3A_417 : i32
      %and3A_1673 = arith.andi %and3A_1671, %ne3A_1672 : i1
      %ne3A_1674 = arith.cmpi ne, %select_n3A_225, %select_n3A_449 : i32
      %and3A_1675 = arith.andi %and3A_1673, %ne3A_1674 : i1
      %ne3A_1676 = arith.cmpi ne, %select_n3A_225, %select_n3A_481 : i32
      %and3A_1677 = arith.andi %and3A_1675, %ne3A_1676 : i1
      %ne3A_1678 = arith.cmpi ne, %select_n3A_225, %select_n3A_513 : i32
      %and3A_1679 = arith.andi %and3A_1677, %ne3A_1678 : i1
      %ne3A_1680 = arith.cmpi ne, %select_n3A_225, %select_n3A_545 : i32
      %and3A_1681 = arith.andi %and3A_1679, %ne3A_1680 : i1
      %ne3A_1682 = arith.cmpi ne, %select_n3A_225, %select_n3A_577 : i32
      %and3A_1683 = arith.andi %and3A_1681, %ne3A_1682 : i1
      %ne3A_1684 = arith.cmpi ne, %select_n3A_225, %select_n3A_609 : i32
      %and3A_1685 = arith.andi %and3A_1683, %ne3A_1684 : i1
      %ne3A_1686 = arith.cmpi ne, %select_n3A_225, %select_n3A_641 : i32
      %and3A_1687 = arith.andi %and3A_1685, %ne3A_1686 : i1
      %ne3A_1688 = arith.cmpi ne, %select_n3A_225, %select_n3A_673 : i32
      %and3A_1689 = arith.andi %and3A_1687, %ne3A_1688 : i1
      %ne3A_1690 = arith.cmpi ne, %select_n3A_225, %select_n3A_705 : i32
      %and3A_1691 = arith.andi %and3A_1689, %ne3A_1690 : i1
      %ne3A_1692 = arith.cmpi ne, %select_n3A_225, %select_n3A_737 : i32
      %and3A_1693 = arith.andi %and3A_1691, %ne3A_1692 : i1
      %ne3A_1694 = arith.cmpi ne, %select_n3A_225, %select_n3A_769 : i32
      %and3A_1695 = arith.andi %and3A_1693, %ne3A_1694 : i1
      %ne3A_1696 = arith.cmpi ne, %select_n3A_225, %select_n3A_801 : i32
      %and3A_1697 = arith.andi %and3A_1695, %ne3A_1696 : i1
      %ne3A_1698 = arith.cmpi ne, %select_n3A_225, %select_n3A_833 : i32
      %and3A_1699 = arith.andi %and3A_1697, %ne3A_1698 : i1
      %ne3A_1700 = arith.cmpi ne, %select_n3A_225, %select_n3A_865 : i32
      %and3A_1701 = arith.andi %and3A_1699, %ne3A_1700 : i1
      %ne3A_1702 = arith.cmpi ne, %select_n3A_225, %select_n3A_897 : i32
      %and3A_1703 = arith.andi %and3A_1701, %ne3A_1702 : i1
      %ne3A_1704 = arith.cmpi ne, %select_n3A_225, %select_n3A_929 : i32
      %and3A_1705 = arith.andi %and3A_1703, %ne3A_1704 : i1
      %ne3A_1706 = arith.cmpi ne, %select_n3A_225, %select_n3A_961 : i32
      %and3A_1707 = arith.andi %and3A_1705, %ne3A_1706 : i1
      %ne3A_1708 = arith.cmpi ne, %select_n3A_225, %select_n3A_993 : i32
      %and3A_1709 = arith.andi %and3A_1707, %ne3A_1708 : i1
      %ne3A_1710 = arith.cmpi ne, %select_n3A_225, %select_n3A_1025 : i32
      %and3A_1711 = arith.andi %and3A_1709, %ne3A_1710 : i1
      %ne3A_1712 = arith.cmpi ne, %select_n3A_225, %select_n3A_1057 : i32
      %and3A_1713 = arith.andi %and3A_1711, %ne3A_1712 : i1
      %ne3A_1714 = arith.cmpi ne, %select_n3A_225, %select_n3A_1089 : i32
      %and3A_1715 = arith.andi %and3A_1713, %ne3A_1714 : i1
      %ne3A_1716 = arith.cmpi ne, %select_n3A_225, %select_n3A_1121 : i32
      %and3A_1717 = arith.andi %and3A_1715, %ne3A_1716 : i1
      %ne3A_1718 = arith.cmpi ne, %select_n3A_225, %select_n3A_1153 : i32
      %and3A_1719 = arith.andi %and3A_1717, %ne3A_1718 : i1
      %ne3A_1720 = arith.cmpi ne, %select_n3A_225, %select_n3A_1185 : i32
      %and3A_1721 = arith.andi %and3A_1719, %ne3A_1720 : i1
      %ne3A_1722 = arith.cmpi ne, %select_n3A_225, %select_n3A_1217 : i32
      %and3A_1723 = arith.andi %and3A_1721, %ne3A_1722 : i1
      %ne3A_1724 = arith.cmpi ne, %select_n3A_225, %select_n3A_1249 : i32
      %and3A_1725 = arith.andi %and3A_1723, %ne3A_1724 : i1
      %ne3A_1726 = arith.cmpi ne, %select_n3A_225, %select_n3A_1281 : i32
      %and3A_1727 = arith.andi %and3A_1725, %ne3A_1726 : i1
      %ne3A_1728 = arith.cmpi ne, %select_n3A_225, %select_n3A_1313 : i32
      %and3A_1729 = arith.andi %and3A_1727, %ne3A_1728 : i1
      %ne3A_1730 = arith.cmpi ne, %select_n3A_225, %select_n3A_1345 : i32
      %and3A_1731 = arith.andi %and3A_1729, %ne3A_1730 : i1
      %ne3A_1732 = arith.cmpi ne, %select_n3A_225, %select_n3A_1377 : i32
      %and3A_1733 = arith.andi %and3A_1731, %ne3A_1732 : i1
      %ne3A_1734 = arith.cmpi ne, %select_n3A_225, %select_n3A_1409 : i32
      %and3A_1735 = arith.andi %and3A_1733, %ne3A_1734 : i1
      %mul3A_1736 = arith.constant 48 : i32
      %mul3A_1737 = arith.muli %get3A_199, %mul3A_1736 : i32
      %add3A_1738 = arith.addi %mul3A_1737, %get3A_208 : i32
      %add3A_1739 = arith.constant 1 : i32
      %add3A_1740 = arith.addi %get3A_202, %add3A_1739 : i32
      %mul3A_1741 = arith.constant 48 : i32
      %mul3A_1742 = arith.muli %add3A_1740, %mul3A_1741 : i32
      %sub3A_1743 = arith.constant 1 : i32
      %sub3A_1744 = arith.subi %get3A_205, %sub3A_1743 : i32
      %add3A_1745 = arith.addi %mul3A_1742, %sub3A_1744 : i32
      %jit3A_1746 = arith.constant 0 : i32
      %select_n3A_1747 = arith.select %lt3A_210, %jit3A_1746, %add3A_1745 : i32
      %eq3A_1748 = vector.broadcast %get3A_196 : i32 to vector<1x32xi32>
      %eq3A_1749 = arith.cmpi eq, %iota3A_1410, %eq3A_1748 : vector<1x32xi32>
      %convert_element_type3A_1750 = arith.extui %eq3A_1749 : vector<1x32xi1> to vector<1x32xi32>
      %convert_element_type3A_1751 = arith.sitofp %convert_element_type3A_1750 : vector<1x32xi32> to vector<1x32xf32>
      %eq3A_1752 = vector.broadcast %get3A_196 : i32 to vector<1x16xi32>
      %eq3A_1753 = arith.cmpi eq, %iota3A_1411, %eq3A_1752 : vector<1x16xi32>
      %convert_element_type3A_1754 = arith.extui %eq3A_1753 : vector<1x16xi1> to vector<1x16xi32>
      %convert_element_type3A_1755 = arith.sitofp %convert_element_type3A_1754 : vector<1x16xi32> to vector<1x16xf32>
      %get3A_1756 = arith.index_cast %add3A_1738 : i32 to index
      %get3A_1757 = arith.constant 0 : index
      %get3A_1758 = vector.load %arg2[%get3A_1756, %get3A_1757] : memref<2304x32xf32, #tpu.memory_space<vmem>>, vector<1x32xf32>
      %mul3A_1759 = arith.mulf %get3A_1758, %convert_element_type3A_1751 : vector<1x32xf32>
      %reduce_sum3A_1760 = vector.shape_cast %mul3A_1759 : vector<1x32xf32> to vector<1x1x32xf32>
      %reduce_sum3A_1761 = arith.constant dense<0.000000e+00> : vector<1xf32>
      %reduce_sum3A_1762 = vector.multi_reduction <add>, %reduce_sum3A_1760, %reduce_sum3A_1761 [1, 2] : vector<1x1x32xf32> to vector<1xf32>
      %reduce_sum3A_1763 = vector.shape_cast %reduce_sum3A_1762 : vector<1xf32> to vector<1x1x1xf32>
      %reduce_sum3A_1764 = vector.extract %reduce_sum3A_1763[0, 0, 0] : f32 from vector<1x1x1xf32>
      %get3A_1765 = arith.index_cast %add3A_1738 : i32 to index
      %get3A_1766 = arith.constant 0 : index
      %get3A_1767 = vector.load %arg3[%get3A_1765, %get3A_1766] : memref<2304x16xf32, #tpu.memory_space<vmem>>, vector<1x16xf32>
      %get3A_1768 = arith.index_cast %select_n3A_1747 : i32 to index
      %get3A_1769 = arith.constant 0 : index
      %get3A_1770 = vector.load %arg9[%get3A_1768, %get3A_1769] : memref<2304x16xf32, #tpu.memory_space<vmem>>, vector<1x16xf32>
      %add3A_1771 = arith.addf %get3A_1767, %get3A_1770 : vector<1x16xf32>
      %mul3A_1772 = arith.mulf %add3A_1771, %convert_element_type3A_1755 : vector<1x16xf32>
      %reduce_sum3A_1773 = vector.shape_cast %mul3A_1772 : vector<1x16xf32> to vector<1x1x16xf32>
      %reduce_sum3A_1774 = arith.constant dense<0.000000e+00> : vector<1xf32>
      %reduce_sum3A_1775 = vector.multi_reduction <add>, %reduce_sum3A_1773, %reduce_sum3A_1774 [1, 2] : vector<1x1x16xf32> to vector<1xf32>
      %reduce_sum3A_1776 = vector.shape_cast %reduce_sum3A_1775 : vector<1xf32> to vector<1x1x1xf32>
      %reduce_sum3A_1777 = vector.extract %reduce_sum3A_1776[0, 0, 0] : f32 from vector<1x1x1xf32>
      %select_n3A_1778 = arith.select %lt3A_210, %reduce_sum3A_1764, %reduce_sum3A_1777 : f32
      %jit3A_1779 = arith.constant 0.000000e+00 : f32
      %select_n3A_1780 = arith.select %and3A_1735, %select_n3A_1778, %jit3A_1779 : f32
      %add3A_1781 = arith.addf %add3A_1660, %select_n3A_1780 : f32
      %ne3A_1782 = arith.cmpi ne, %select_n3A_257, %select_n3A_289 : i32
      %and3A_1783 = arith.constant true
      %and3A_1784 = arith.andi %and3A_1783, %ne3A_1782 : i1
      %ne3A_1785 = arith.cmpi ne, %select_n3A_257, %select_n3A_321 : i32
      %and3A_1786 = arith.andi %and3A_1784, %ne3A_1785 : i1
      %ne3A_1787 = arith.cmpi ne, %select_n3A_257, %select_n3A_353 : i32
      %and3A_1788 = arith.andi %and3A_1786, %ne3A_1787 : i1
      %ne3A_1789 = arith.cmpi ne, %select_n3A_257, %select_n3A_385 : i32
      %and3A_1790 = arith.andi %and3A_1788, %ne3A_1789 : i1
      %ne3A_1791 = arith.cmpi ne, %select_n3A_257, %select_n3A_417 : i32
      %and3A_1792 = arith.andi %and3A_1790, %ne3A_1791 : i1
      %ne3A_1793 = arith.cmpi ne, %select_n3A_257, %select_n3A_449 : i32
      %and3A_1794 = arith.andi %and3A_1792, %ne3A_1793 : i1
      %ne3A_1795 = arith.cmpi ne, %select_n3A_257, %select_n3A_481 : i32
      %and3A_1796 = arith.andi %and3A_1794, %ne3A_1795 : i1
      %ne3A_1797 = arith.cmpi ne, %select_n3A_257, %select_n3A_513 : i32
      %and3A_1798 = arith.andi %and3A_1796, %ne3A_1797 : i1
      %ne3A_1799 = arith.cmpi ne, %select_n3A_257, %select_n3A_545 : i32
      %and3A_1800 = arith.andi %and3A_1798, %ne3A_1799 : i1
      %ne3A_1801 = arith.cmpi ne, %select_n3A_257, %select_n3A_577 : i32
      %and3A_1802 = arith.andi %and3A_1800, %ne3A_1801 : i1
      %ne3A_1803 = arith.cmpi ne, %select_n3A_257, %select_n3A_609 : i32
      %and3A_1804 = arith.andi %and3A_1802, %ne3A_1803 : i1
      %ne3A_1805 = arith.cmpi ne, %select_n3A_257, %select_n3A_641 : i32
      %and3A_1806 = arith.andi %and3A_1804, %ne3A_1805 : i1
      %ne3A_1807 = arith.cmpi ne, %select_n3A_257, %select_n3A_673 : i32
      %and3A_1808 = arith.andi %and3A_1806, %ne3A_1807 : i1
      %ne3A_1809 = arith.cmpi ne, %select_n3A_257, %select_n3A_705 : i32
      %and3A_1810 = arith.andi %and3A_1808, %ne3A_1809 : i1
      %ne3A_1811 = arith.cmpi ne, %select_n3A_257, %select_n3A_737 : i32
      %and3A_1812 = arith.andi %and3A_1810, %ne3A_1811 : i1
      %ne3A_1813 = arith.cmpi ne, %select_n3A_257, %select_n3A_769 : i32
      %and3A_1814 = arith.andi %and3A_1812, %ne3A_1813 : i1
      %ne3A_1815 = arith.cmpi ne, %select_n3A_257, %select_n3A_801 : i32
      %and3A_1816 = arith.andi %and3A_1814, %ne3A_1815 : i1
      %ne3A_1817 = arith.cmpi ne, %select_n3A_257, %select_n3A_833 : i32
      %and3A_1818 = arith.andi %and3A_1816, %ne3A_1817 : i1
      %ne3A_1819 = arith.cmpi ne, %select_n3A_257, %select_n3A_865 : i32
      %and3A_1820 = arith.andi %and3A_1818, %ne3A_1819 : i1
      %ne3A_1821 = arith.cmpi ne, %select_n3A_257, %select_n3A_897 : i32
      %and3A_1822 = arith.andi %and3A_1820, %ne3A_1821 : i1
      %ne3A_1823 = arith.cmpi ne, %select_n3A_257, %select_n3A_929 : i32
      %and3A_1824 = arith.andi %and3A_1822, %ne3A_1823 : i1
      %ne3A_1825 = arith.cmpi ne, %select_n3A_257, %select_n3A_961 : i32
      %and3A_1826 = arith.andi %and3A_1824, %ne3A_1825 : i1
      %ne3A_1827 = arith.cmpi ne, %select_n3A_257, %select_n3A_993 : i32
      %and3A_1828 = arith.andi %and3A_1826, %ne3A_1827 : i1
      %ne3A_1829 = arith.cmpi ne, %select_n3A_257, %select_n3A_1025 : i32
      %and3A_1830 = arith.andi %and3A_1828, %ne3A_1829 : i1
      %ne3A_1831 = arith.cmpi ne, %select_n3A_257, %select_n3A_1057 : i32
      %and3A_1832 = arith.andi %and3A_1830, %ne3A_1831 : i1
      %ne3A_1833 = arith.cmpi ne, %select_n3A_257, %select_n3A_1089 : i32
      %and3A_1834 = arith.andi %and3A_1832, %ne3A_1833 : i1
      %ne3A_1835 = arith.cmpi ne, %select_n3A_257, %select_n3A_1121 : i32
      %and3A_1836 = arith.andi %and3A_1834, %ne3A_1835 : i1
      %ne3A_1837 = arith.cmpi ne, %select_n3A_257, %select_n3A_1153 : i32
      %and3A_1838 = arith.andi %and3A_1836, %ne3A_1837 : i1
      %ne3A_1839 = arith.cmpi ne, %select_n3A_257, %select_n3A_1185 : i32
      %and3A_1840 = arith.andi %and3A_1838, %ne3A_1839 : i1
      %ne3A_1841 = arith.cmpi ne, %select_n3A_257, %select_n3A_1217 : i32
      %and3A_1842 = arith.andi %and3A_1840, %ne3A_1841 : i1
      %ne3A_1843 = arith.cmpi ne, %select_n3A_257, %select_n3A_1249 : i32
      %and3A_1844 = arith.andi %and3A_1842, %ne3A_1843 : i1
      %ne3A_1845 = arith.cmpi ne, %select_n3A_257, %select_n3A_1281 : i32
      %and3A_1846 = arith.andi %and3A_1844, %ne3A_1845 : i1
      %ne3A_1847 = arith.cmpi ne, %select_n3A_257, %select_n3A_1313 : i32
      %and3A_1848 = arith.andi %and3A_1846, %ne3A_1847 : i1
      %ne3A_1849 = arith.cmpi ne, %select_n3A_257, %select_n3A_1345 : i32
      %and3A_1850 = arith.andi %and3A_1848, %ne3A_1849 : i1
      %ne3A_1851 = arith.cmpi ne, %select_n3A_257, %select_n3A_1377 : i32
      %and3A_1852 = arith.andi %and3A_1850, %ne3A_1851 : i1
      %ne3A_1853 = arith.cmpi ne, %select_n3A_257, %select_n3A_1409 : i32
      %and3A_1854 = arith.andi %and3A_1852, %ne3A_1853 : i1
      %mul3A_1855 = arith.constant 48 : i32
      %mul3A_1856 = arith.muli %get3A_231, %mul3A_1855 : i32
      %add3A_1857 = arith.addi %mul3A_1856, %get3A_240 : i32
      %add3A_1858 = arith.constant 1 : i32
      %add3A_1859 = arith.addi %get3A_234, %add3A_1858 : i32
      %mul3A_1860 = arith.constant 48 : i32
      %mul3A_1861 = arith.muli %add3A_1859, %mul3A_1860 : i32
      %sub3A_1862 = arith.constant 1 : i32
      %sub3A_1863 = arith.subi %get3A_237, %sub3A_1862 : i32
      %add3A_1864 = arith.addi %mul3A_1861, %sub3A_1863 : i32
      %jit3A_1865 = arith.constant 0 : i32
      %select_n3A_1866 = arith.select %lt3A_242, %jit3A_1865, %add3A_1864 : i32
      %eq3A_1867 = vector.broadcast %get3A_228 : i32 to vector<1x32xi32>
      %eq3A_1868 = arith.cmpi eq, %iota3A_1410, %eq3A_1867 : vector<1x32xi32>
      %convert_element_type3A_1869 = arith.extui %eq3A_1868 : vector<1x32xi1> to vector<1x32xi32>
      %convert_element_type3A_1870 = arith.sitofp %convert_element_type3A_1869 : vector<1x32xi32> to vector<1x32xf32>
      %eq3A_1871 = vector.broadcast %get3A_228 : i32 to vector<1x16xi32>
      %eq3A_1872 = arith.cmpi eq, %iota3A_1411, %eq3A_1871 : vector<1x16xi32>
      %convert_element_type3A_1873 = arith.extui %eq3A_1872 : vector<1x16xi1> to vector<1x16xi32>
      %convert_element_type3A_1874 = arith.sitofp %convert_element_type3A_1873 : vector<1x16xi32> to vector<1x16xf32>
      %get3A_1875 = arith.index_cast %add3A_1857 : i32 to index
      %get3A_1876 = arith.constant 0 : index
      %get3A_1877 = vector.load %arg2[%get3A_1875, %get3A_1876] : memref<2304x32xf32, #tpu.memory_space<vmem>>, vector<1x32xf32>
      %mul3A_1878 = arith.mulf %get3A_1877, %convert_element_type3A_1870 : vector<1x32xf32>
      %reduce_sum3A_1879 = vector.shape_cast %mul3A_1878 : vector<1x32xf32> to vector<1x1x32xf32>
      %reduce_sum3A_1880 = arith.constant dense<0.000000e+00> : vector<1xf32>
      %reduce_sum3A_1881 = vector.multi_reduction <add>, %reduce_sum3A_1879, %reduce_sum3A_1880 [1, 2] : vector<1x1x32xf32> to vector<1xf32>
      %reduce_sum3A_1882 = vector.shape_cast %reduce_sum3A_1881 : vector<1xf32> to vector<1x1x1xf32>
      %reduce_sum3A_1883 = vector.extract %reduce_sum3A_1882[0, 0, 0] : f32 from vector<1x1x1xf32>
      %get3A_1884 = arith.index_cast %add3A_1857 : i32 to index
      %get3A_1885 = arith.constant 0 : index
      %get3A_1886 = vector.load %arg3[%get3A_1884, %get3A_1885] : memref<2304x16xf32, #tpu.memory_space<vmem>>, vector<1x16xf32>
      %get3A_1887 = arith.index_cast %select_n3A_1866 : i32 to index
      %get3A_1888 = arith.constant 0 : index
      %get3A_1889 = vector.load %arg9[%get3A_1887, %get3A_1888] : memref<2304x16xf32, #tpu.memory_space<vmem>>, vector<1x16xf32>
      %add3A_1890 = arith.addf %get3A_1886, %get3A_1889 : vector<1x16xf32>
      %mul3A_1891 = arith.mulf %add3A_1890, %convert_element_type3A_1874 : vector<1x16xf32>
      %reduce_sum3A_1892 = vector.shape_cast %mul3A_1891 : vector<1x16xf32> to vector<1x1x16xf32>
      %reduce_sum3A_1893 = arith.constant dense<0.000000e+00> : vector<1xf32>
      %reduce_sum3A_1894 = vector.multi_reduction <add>, %reduce_sum3A_1892, %reduce_sum3A_1893 [1, 2] : vector<1x1x16xf32> to vector<1xf32>
      %reduce_sum3A_1895 = vector.shape_cast %reduce_sum3A_1894 : vector<1xf32> to vector<1x1x1xf32>
      %reduce_sum3A_1896 = vector.extract %reduce_sum3A_1895[0, 0, 0] : f32 from vector<1x1x1xf32>
      %select_n3A_1897 = arith.select %lt3A_242, %reduce_sum3A_1883, %reduce_sum3A_1896 : f32
      %jit3A_1898 = arith.constant 0.000000e+00 : f32
      %select_n3A_1899 = arith.select %and3A_1854, %select_n3A_1897, %jit3A_1898 : f32
      %add3A_1900 = arith.addf %add3A_1781, %select_n3A_1899 : f32
      %ne3A_1901 = arith.cmpi ne, %select_n3A_289, %select_n3A_321 : i32
      %and3A_1902 = arith.constant true
      %and3A_1903 = arith.andi %and3A_1902, %ne3A_1901 : i1
      %ne3A_1904 = arith.cmpi ne, %select_n3A_289, %select_n3A_353 : i32
      %and3A_1905 = arith.andi %and3A_1903, %ne3A_1904 : i1
      %ne3A_1906 = arith.cmpi ne, %select_n3A_289, %select_n3A_385 : i32
      %and3A_1907 = arith.andi %and3A_1905, %ne3A_1906 : i1
      %ne3A_1908 = arith.cmpi ne, %select_n3A_289, %select_n3A_417 : i32
      %and3A_1909 = arith.andi %and3A_1907, %ne3A_1908 : i1
      %ne3A_1910 = arith.cmpi ne, %select_n3A_289, %select_n3A_449 : i32
      %and3A_1911 = arith.andi %and3A_1909, %ne3A_1910 : i1
      %ne3A_1912 = arith.cmpi ne, %select_n3A_289, %select_n3A_481 : i32
      %and3A_1913 = arith.andi %and3A_1911, %ne3A_1912 : i1
      %ne3A_1914 = arith.cmpi ne, %select_n3A_289, %select_n3A_513 : i32
      %and3A_1915 = arith.andi %and3A_1913, %ne3A_1914 : i1
      %ne3A_1916 = arith.cmpi ne, %select_n3A_289, %select_n3A_545 : i32
      %and3A_1917 = arith.andi %and3A_1915, %ne3A_1916 : i1
      %ne3A_1918 = arith.cmpi ne, %select_n3A_289, %select_n3A_577 : i32
      %and3A_1919 = arith.andi %and3A_1917, %ne3A_1918 : i1
      %ne3A_1920 = arith.cmpi ne, %select_n3A_289, %select_n3A_609 : i32
      %and3A_1921 = arith.andi %and3A_1919, %ne3A_1920 : i1
      %ne3A_1922 = arith.cmpi ne, %select_n3A_289, %select_n3A_641 : i32
      %and3A_1923 = arith.andi %and3A_1921, %ne3A_1922 : i1
      %ne3A_1924 = arith.cmpi ne, %select_n3A_289, %select_n3A_673 : i32
      %and3A_1925 = arith.andi %and3A_1923, %ne3A_1924 : i1
      %ne3A_1926 = arith.cmpi ne, %select_n3A_289, %select_n3A_705 : i32
      %and3A_1927 = arith.andi %and3A_1925, %ne3A_1926 : i1
      %ne3A_1928 = arith.cmpi ne, %select_n3A_289, %select_n3A_737 : i32
      %and3A_1929 = arith.andi %and3A_1927, %ne3A_1928 : i1
      %ne3A_1930 = arith.cmpi ne, %select_n3A_289, %select_n3A_769 : i32
      %and3A_1931 = arith.andi %and3A_1929, %ne3A_1930 : i1
      %ne3A_1932 = arith.cmpi ne, %select_n3A_289, %select_n3A_801 : i32
      %and3A_1933 = arith.andi %and3A_1931, %ne3A_1932 : i1
      %ne3A_1934 = arith.cmpi ne, %select_n3A_289, %select_n3A_833 : i32
      %and3A_1935 = arith.andi %and3A_1933, %ne3A_1934 : i1
      %ne3A_1936 = arith.cmpi ne, %select_n3A_289, %select_n3A_865 : i32
      %and3A_1937 = arith.andi %and3A_1935, %ne3A_1936 : i1
      %ne3A_1938 = arith.cmpi ne, %select_n3A_289, %select_n3A_897 : i32
      %and3A_1939 = arith.andi %and3A_1937, %ne3A_1938 : i1
      %ne3A_1940 = arith.cmpi ne, %select_n3A_289, %select_n3A_929 : i32
      %and3A_1941 = arith.andi %and3A_1939, %ne3A_1940 : i1
      %ne3A_1942 = arith.cmpi ne, %select_n3A_289, %select_n3A_961 : i32
      %and3A_1943 = arith.andi %and3A_1941, %ne3A_1942 : i1
      %ne3A_1944 = arith.cmpi ne, %select_n3A_289, %select_n3A_993 : i32
      %and3A_1945 = arith.andi %and3A_1943, %ne3A_1944 : i1
      %ne3A_1946 = arith.cmpi ne, %select_n3A_289, %select_n3A_1025 : i32
      %and3A_1947 = arith.andi %and3A_1945, %ne3A_1946 : i1
      %ne3A_1948 = arith.cmpi ne, %select_n3A_289, %select_n3A_1057 : i32
      %and3A_1949 = arith.andi %and3A_1947, %ne3A_1948 : i1
      %ne3A_1950 = arith.cmpi ne, %select_n3A_289, %select_n3A_1089 : i32
      %and3A_1951 = arith.andi %and3A_1949, %ne3A_1950 : i1
      %ne3A_1952 = arith.cmpi ne, %select_n3A_289, %select_n3A_1121 : i32
      %and3A_1953 = arith.andi %and3A_1951, %ne3A_1952 : i1
      %ne3A_1954 = arith.cmpi ne, %select_n3A_289, %select_n3A_1153 : i32
      %and3A_1955 = arith.andi %and3A_1953, %ne3A_1954 : i1
      %ne3A_1956 = arith.cmpi ne, %select_n3A_289, %select_n3A_1185 : i32
      %and3A_1957 = arith.andi %and3A_1955, %ne3A_1956 : i1
      %ne3A_1958 = arith.cmpi ne, %select_n3A_289, %select_n3A_1217 : i32
      %and3A_1959 = arith.andi %and3A_1957, %ne3A_1958 : i1
      %ne3A_1960 = arith.cmpi ne, %select_n3A_289, %select_n3A_1249 : i32
      %and3A_1961 = arith.andi %and3A_1959, %ne3A_1960 : i1
      %ne3A_1962 = arith.cmpi ne, %select_n3A_289, %select_n3A_1281 : i32
      %and3A_1963 = arith.andi %and3A_1961, %ne3A_1962 : i1
      %ne3A_1964 = arith.cmpi ne, %select_n3A_289, %select_n3A_1313 : i32
      %and3A_1965 = arith.andi %and3A_1963, %ne3A_1964 : i1
      %ne3A_1966 = arith.cmpi ne, %select_n3A_289, %select_n3A_1345 : i32
      %and3A_1967 = arith.andi %and3A_1965, %ne3A_1966 : i1
      %ne3A_1968 = arith.cmpi ne, %select_n3A_289, %select_n3A_1377 : i32
      %and3A_1969 = arith.andi %and3A_1967, %ne3A_1968 : i1
      %ne3A_1970 = arith.cmpi ne, %select_n3A_289, %select_n3A_1409 : i32
      %and3A_1971 = arith.andi %and3A_1969, %ne3A_1970 : i1
      %mul3A_1972 = arith.constant 48 : i32
      %mul3A_1973 = arith.muli %get3A_263, %mul3A_1972 : i32
      %add3A_1974 = arith.addi %mul3A_1973, %get3A_272 : i32
      %add3A_1975 = arith.constant 1 : i32
      %add3A_1976 = arith.addi %get3A_266, %add3A_1975 : i32
      %mul3A_1977 = arith.constant 48 : i32
      %mul3A_1978 = arith.muli %add3A_1976, %mul3A_1977 : i32
      %sub3A_1979 = arith.constant 1 : i32
      %sub3A_1980 = arith.subi %get3A_269, %sub3A_1979 : i32
      %add3A_1981 = arith.addi %mul3A_1978, %sub3A_1980 : i32
      %jit3A_1982 = arith.constant 0 : i32
      %select_n3A_1983 = arith.select %lt3A_274, %jit3A_1982, %add3A_1981 : i32
      %eq3A_1984 = vector.broadcast %get3A_260 : i32 to vector<1x32xi32>
      %eq3A_1985 = arith.cmpi eq, %iota3A_1410, %eq3A_1984 : vector<1x32xi32>
      %convert_element_type3A_1986 = arith.extui %eq3A_1985 : vector<1x32xi1> to vector<1x32xi32>
      %convert_element_type3A_1987 = arith.sitofp %convert_element_type3A_1986 : vector<1x32xi32> to vector<1x32xf32>
      %eq3A_1988 = vector.broadcast %get3A_260 : i32 to vector<1x16xi32>
      %eq3A_1989 = arith.cmpi eq, %iota3A_1411, %eq3A_1988 : vector<1x16xi32>
      %convert_element_type3A_1990 = arith.extui %eq3A_1989 : vector<1x16xi1> to vector<1x16xi32>
      %convert_element_type3A_1991 = arith.sitofp %convert_element_type3A_1990 : vector<1x16xi32> to vector<1x16xf32>
      %get3A_1992 = arith.index_cast %add3A_1974 : i32 to index
      %get3A_1993 = arith.constant 0 : index
      %get3A_1994 = vector.load %arg2[%get3A_1992, %get3A_1993] : memref<2304x32xf32, #tpu.memory_space<vmem>>, vector<1x32xf32>
      %mul3A_1995 = arith.mulf %get3A_1994, %convert_element_type3A_1987 : vector<1x32xf32>
      %reduce_sum3A_1996 = vector.shape_cast %mul3A_1995 : vector<1x32xf32> to vector<1x1x32xf32>
      %reduce_sum3A_1997 = arith.constant dense<0.000000e+00> : vector<1xf32>
      %reduce_sum3A_1998 = vector.multi_reduction <add>, %reduce_sum3A_1996, %reduce_sum3A_1997 [1, 2] : vector<1x1x32xf32> to vector<1xf32>
      %reduce_sum3A_1999 = vector.shape_cast %reduce_sum3A_1998 : vector<1xf32> to vector<1x1x1xf32>
      %reduce_sum3A_2000 = vector.extract %reduce_sum3A_1999[0, 0, 0] : f32 from vector<1x1x1xf32>
      %get3A_2001 = arith.index_cast %add3A_1974 : i32 to index
      %get3A_2002 = arith.constant 0 : index
      %get3A_2003 = vector.load %arg3[%get3A_2001, %get3A_2002] : memref<2304x16xf32, #tpu.memory_space<vmem>>, vector<1x16xf32>
      %get3A_2004 = arith.index_cast %select_n3A_1983 : i32 to index
      %get3A_2005 = arith.constant 0 : index
      %get3A_2006 = vector.load %arg9[%get3A_2004, %get3A_2005] : memref<2304x16xf32, #tpu.memory_space<vmem>>, vector<1x16xf32>
      %add3A_2007 = arith.addf %get3A_2003, %get3A_2006 : vector<1x16xf32>
      %mul3A_2008 = arith.mulf %add3A_2007, %convert_element_type3A_1991 : vector<1x16xf32>
      %reduce_sum3A_2009 = vector.shape_cast %mul3A_2008 : vector<1x16xf32> to vector<1x1x16xf32>
      %reduce_sum3A_2010 = arith.constant dense<0.000000e+00> : vector<1xf32>
      %reduce_sum3A_2011 = vector.multi_reduction <add>, %reduce_sum3A_2009, %reduce_sum3A_2010 [1, 2] : vector<1x1x16xf32> to vector<1xf32>
      %reduce_sum3A_2012 = vector.shape_cast %reduce_sum3A_2011 : vector<1xf32> to vector<1x1x1xf32>
      %reduce_sum3A_2013 = vector.extract %reduce_sum3A_2012[0, 0, 0] : f32 from vector<1x1x1xf32>
      %select_n3A_2014 = arith.select %lt3A_274, %reduce_sum3A_2000, %reduce_sum3A_2013 : f32
      %jit3A_2015 = arith.constant 0.000000e+00 : f32
      %select_n3A_2016 = arith.select %and3A_1971, %select_n3A_2014, %jit3A_2015 : f32
      %add3A_2017 = arith.addf %add3A_1900, %select_n3A_2016 : f32
      %ne3A_2018 = arith.cmpi ne, %select_n3A_321, %select_n3A_353 : i32
      %and3A_2019 = arith.constant true
      %and3A_2020 = arith.andi %and3A_2019, %ne3A_2018 : i1
      %ne3A_2021 = arith.cmpi ne, %select_n3A_321, %select_n3A_385 : i32
      %and3A_2022 = arith.andi %and3A_2020, %ne3A_2021 : i1
      %ne3A_2023 = arith.cmpi ne, %select_n3A_321, %select_n3A_417 : i32
      %and3A_2024 = arith.andi %and3A_2022, %ne3A_2023 : i1
      %ne3A_2025 = arith.cmpi ne, %select_n3A_321, %select_n3A_449 : i32
      %and3A_2026 = arith.andi %and3A_2024, %ne3A_2025 : i1
      %ne3A_2027 = arith.cmpi ne, %select_n3A_321, %select_n3A_481 : i32
      %and3A_2028 = arith.andi %and3A_2026, %ne3A_2027 : i1
      %ne3A_2029 = arith.cmpi ne, %select_n3A_321, %select_n3A_513 : i32
      %and3A_2030 = arith.andi %and3A_2028, %ne3A_2029 : i1
      %ne3A_2031 = arith.cmpi ne, %select_n3A_321, %select_n3A_545 : i32
      %and3A_2032 = arith.andi %and3A_2030, %ne3A_2031 : i1
      %ne3A_2033 = arith.cmpi ne, %select_n3A_321, %select_n3A_577 : i32
      %and3A_2034 = arith.andi %and3A_2032, %ne3A_2033 : i1
      %ne3A_2035 = arith.cmpi ne, %select_n3A_321, %select_n3A_609 : i32
      %and3A_2036 = arith.andi %and3A_2034, %ne3A_2035 : i1
      %ne3A_2037 = arith.cmpi ne, %select_n3A_321, %select_n3A_641 : i32
      %and3A_2038 = arith.andi %and3A_2036, %ne3A_2037 : i1
      %ne3A_2039 = arith.cmpi ne, %select_n3A_321, %select_n3A_673 : i32
      %and3A_2040 = arith.andi %and3A_2038, %ne3A_2039 : i1
      %ne3A_2041 = arith.cmpi ne, %select_n3A_321, %select_n3A_705 : i32
      %and3A_2042 = arith.andi %and3A_2040, %ne3A_2041 : i1
      %ne3A_2043 = arith.cmpi ne, %select_n3A_321, %select_n3A_737 : i32
      %and3A_2044 = arith.andi %and3A_2042, %ne3A_2043 : i1
      %ne3A_2045 = arith.cmpi ne, %select_n3A_321, %select_n3A_769 : i32
      %and3A_2046 = arith.andi %and3A_2044, %ne3A_2045 : i1
      %ne3A_2047 = arith.cmpi ne, %select_n3A_321, %select_n3A_801 : i32
      %and3A_2048 = arith.andi %and3A_2046, %ne3A_2047 : i1
      %ne3A_2049 = arith.cmpi ne, %select_n3A_321, %select_n3A_833 : i32
      %and3A_2050 = arith.andi %and3A_2048, %ne3A_2049 : i1
      %ne3A_2051 = arith.cmpi ne, %select_n3A_321, %select_n3A_865 : i32
      %and3A_2052 = arith.andi %and3A_2050, %ne3A_2051 : i1
      %ne3A_2053 = arith.cmpi ne, %select_n3A_321, %select_n3A_897 : i32
      %and3A_2054 = arith.andi %and3A_2052, %ne3A_2053 : i1
      %ne3A_2055 = arith.cmpi ne, %select_n3A_321, %select_n3A_929 : i32
      %and3A_2056 = arith.andi %and3A_2054, %ne3A_2055 : i1
      %ne3A_2057 = arith.cmpi ne, %select_n3A_321, %select_n3A_961 : i32
      %and3A_2058 = arith.andi %and3A_2056, %ne3A_2057 : i1
      %ne3A_2059 = arith.cmpi ne, %select_n3A_321, %select_n3A_993 : i32
      %and3A_2060 = arith.andi %and3A_2058, %ne3A_2059 : i1
      %ne3A_2061 = arith.cmpi ne, %select_n3A_321, %select_n3A_1025 : i32
      %and3A_2062 = arith.andi %and3A_2060, %ne3A_2061 : i1
      %ne3A_2063 = arith.cmpi ne, %select_n3A_321, %select_n3A_1057 : i32
      %and3A_2064 = arith.andi %and3A_2062, %ne3A_2063 : i1
      %ne3A_2065 = arith.cmpi ne, %select_n3A_321, %select_n3A_1089 : i32
      %and3A_2066 = arith.andi %and3A_2064, %ne3A_2065 : i1
      %ne3A_2067 = arith.cmpi ne, %select_n3A_321, %select_n3A_1121 : i32
      %and3A_2068 = arith.andi %and3A_2066, %ne3A_2067 : i1
      %ne3A_2069 = arith.cmpi ne, %select_n3A_321, %select_n3A_1153 : i32
      %and3A_2070 = arith.andi %and3A_2068, %ne3A_2069 : i1
      %ne3A_2071 = arith.cmpi ne, %select_n3A_321, %select_n3A_1185 : i32
      %and3A_2072 = arith.andi %and3A_2070, %ne3A_2071 : i1
      %ne3A_2073 = arith.cmpi ne, %select_n3A_321, %select_n3A_1217 : i32
      %and3A_2074 = arith.andi %and3A_2072, %ne3A_2073 : i1
      %ne3A_2075 = arith.cmpi ne, %select_n3A_321, %select_n3A_1249 : i32
      %and3A_2076 = arith.andi %and3A_2074, %ne3A_2075 : i1
      %ne3A_2077 = arith.cmpi ne, %select_n3A_321, %select_n3A_1281 : i32
      %and3A_2078 = arith.andi %and3A_2076, %ne3A_2077 : i1
      %ne3A_2079 = arith.cmpi ne, %select_n3A_321, %select_n3A_1313 : i32
      %and3A_2080 = arith.andi %and3A_2078, %ne3A_2079 : i1
      %ne3A_2081 = arith.cmpi ne, %select_n3A_321, %select_n3A_1345 : i32
      %and3A_2082 = arith.andi %and3A_2080, %ne3A_2081 : i1
      %ne3A_2083 = arith.cmpi ne, %select_n3A_321, %select_n3A_1377 : i32
      %and3A_2084 = arith.andi %and3A_2082, %ne3A_2083 : i1
      %ne3A_2085 = arith.cmpi ne, %select_n3A_321, %select_n3A_1409 : i32
      %and3A_2086 = arith.andi %and3A_2084, %ne3A_2085 : i1
      %mul3A_2087 = arith.constant 48 : i32
      %mul3A_2088 = arith.muli %get3A_295, %mul3A_2087 : i32
      %add3A_2089 = arith.addi %mul3A_2088, %get3A_304 : i32
      %add3A_2090 = arith.constant 1 : i32
      %add3A_2091 = arith.addi %get3A_298, %add3A_2090 : i32
      %mul3A_2092 = arith.constant 48 : i32
      %mul3A_2093 = arith.muli %add3A_2091, %mul3A_2092 : i32
      %sub3A_2094 = arith.constant 1 : i32
      %sub3A_2095 = arith.subi %get3A_301, %sub3A_2094 : i32
      %add3A_2096 = arith.addi %mul3A_2093, %sub3A_2095 : i32
      %jit3A_2097 = arith.constant 0 : i32
      %select_n3A_2098 = arith.select %lt3A_306, %jit3A_2097, %add3A_2096 : i32
      %eq3A_2099 = vector.broadcast %get3A_292 : i32 to vector<1x32xi32>
      %eq3A_2100 = arith.cmpi eq, %iota3A_1410, %eq3A_2099 : vector<1x32xi32>
      %convert_element_type3A_2101 = arith.extui %eq3A_2100 : vector<1x32xi1> to vector<1x32xi32>
      %convert_element_type3A_2102 = arith.sitofp %convert_element_type3A_2101 : vector<1x32xi32> to vector<1x32xf32>
      %eq3A_2103 = vector.broadcast %get3A_292 : i32 to vector<1x16xi32>
      %eq3A_2104 = arith.cmpi eq, %iota3A_1411, %eq3A_2103 : vector<1x16xi32>
      %convert_element_type3A_2105 = arith.extui %eq3A_2104 : vector<1x16xi1> to vector<1x16xi32>
      %convert_element_type3A_2106 = arith.sitofp %convert_element_type3A_2105 : vector<1x16xi32> to vector<1x16xf32>
      %get3A_2107 = arith.index_cast %add3A_2089 : i32 to index
      %get3A_2108 = arith.constant 0 : index
      %get3A_2109 = vector.load %arg2[%get3A_2107, %get3A_2108] : memref<2304x32xf32, #tpu.memory_space<vmem>>, vector<1x32xf32>
      %mul3A_2110 = arith.mulf %get3A_2109, %convert_element_type3A_2102 : vector<1x32xf32>
      %reduce_sum3A_2111 = vector.shape_cast %mul3A_2110 : vector<1x32xf32> to vector<1x1x32xf32>
      %reduce_sum3A_2112 = arith.constant dense<0.000000e+00> : vector<1xf32>
      %reduce_sum3A_2113 = vector.multi_reduction <add>, %reduce_sum3A_2111, %reduce_sum3A_2112 [1, 2] : vector<1x1x32xf32> to vector<1xf32>
      %reduce_sum3A_2114 = vector.shape_cast %reduce_sum3A_2113 : vector<1xf32> to vector<1x1x1xf32>
      %reduce_sum3A_2115 = vector.extract %reduce_sum3A_2114[0, 0, 0] : f32 from vector<1x1x1xf32>
      %get3A_2116 = arith.index_cast %add3A_2089 : i32 to index
      %get3A_2117 = arith.constant 0 : index
      %get3A_2118 = vector.load %arg3[%get3A_2116, %get3A_2117] : memref<2304x16xf32, #tpu.memory_space<vmem>>, vector<1x16xf32>
      %get3A_2119 = arith.index_cast %select_n3A_2098 : i32 to index
      %get3A_2120 = arith.constant 0 : index
      %get3A_2121 = vector.load %arg9[%get3A_2119, %get3A_2120] : memref<2304x16xf32, #tpu.memory_space<vmem>>, vector<1x16xf32>
      %add3A_2122 = arith.addf %get3A_2118, %get3A_2121 : vector<1x16xf32>
      %mul3A_2123 = arith.mulf %add3A_2122, %convert_element_type3A_2106 : vector<1x16xf32>
      %reduce_sum3A_2124 = vector.shape_cast %mul3A_2123 : vector<1x16xf32> to vector<1x1x16xf32>
      %reduce_sum3A_2125 = arith.constant dense<0.000000e+00> : vector<1xf32>
      %reduce_sum3A_2126 = vector.multi_reduction <add>, %reduce_sum3A_2124, %reduce_sum3A_2125 [1, 2] : vector<1x1x16xf32> to vector<1xf32>
      %reduce_sum3A_2127 = vector.shape_cast %reduce_sum3A_2126 : vector<1xf32> to vector<1x1x1xf32>
      %reduce_sum3A_2128 = vector.extract %reduce_sum3A_2127[0, 0, 0] : f32 from vector<1x1x1xf32>
      %select_n3A_2129 = arith.select %lt3A_306, %reduce_sum3A_2115, %reduce_sum3A_2128 : f32
      %jit3A_2130 = arith.constant 0.000000e+00 : f32
      %select_n3A_2131 = arith.select %and3A_2086, %select_n3A_2129, %jit3A_2130 : f32
      %add3A_2132 = arith.addf %add3A_2017, %select_n3A_2131 : f32
      %ne3A_2133 = arith.cmpi ne, %select_n3A_353, %select_n3A_385 : i32
      %and3A_2134 = arith.constant true
      %and3A_2135 = arith.andi %and3A_2134, %ne3A_2133 : i1
      %ne3A_2136 = arith.cmpi ne, %select_n3A_353, %select_n3A_417 : i32
      %and3A_2137 = arith.andi %and3A_2135, %ne3A_2136 : i1
      %ne3A_2138 = arith.cmpi ne, %select_n3A_353, %select_n3A_449 : i32
      %and3A_2139 = arith.andi %and3A_2137, %ne3A_2138 : i1
      %ne3A_2140 = arith.cmpi ne, %select_n3A_353, %select_n3A_481 : i32
      %and3A_2141 = arith.andi %and3A_2139, %ne3A_2140 : i1
      %ne3A_2142 = arith.cmpi ne, %select_n3A_353, %select_n3A_513 : i32
      %and3A_2143 = arith.andi %and3A_2141, %ne3A_2142 : i1
      %ne3A_2144 = arith.cmpi ne, %select_n3A_353, %select_n3A_545 : i32
      %and3A_2145 = arith.andi %and3A_2143, %ne3A_2144 : i1
      %ne3A_2146 = arith.cmpi ne, %select_n3A_353, %select_n3A_577 : i32
      %and3A_2147 = arith.andi %and3A_2145, %ne3A_2146 : i1
      %ne3A_2148 = arith.cmpi ne, %select_n3A_353, %select_n3A_609 : i32
      %and3A_2149 = arith.andi %and3A_2147, %ne3A_2148 : i1
      %ne3A_2150 = arith.cmpi ne, %select_n3A_353, %select_n3A_641 : i32
      %and3A_2151 = arith.andi %and3A_2149, %ne3A_2150 : i1
      %ne3A_2152 = arith.cmpi ne, %select_n3A_353, %select_n3A_673 : i32
      %and3A_2153 = arith.andi %and3A_2151, %ne3A_2152 : i1
      %ne3A_2154 = arith.cmpi ne, %select_n3A_353, %select_n3A_705 : i32
      %and3A_2155 = arith.andi %and3A_2153, %ne3A_2154 : i1
      %ne3A_2156 = arith.cmpi ne, %select_n3A_353, %select_n3A_737 : i32
      %and3A_2157 = arith.andi %and3A_2155, %ne3A_2156 : i1
      %ne3A_2158 = arith.cmpi ne, %select_n3A_353, %select_n3A_769 : i32
      %and3A_2159 = arith.andi %and3A_2157, %ne3A_2158 : i1
      %ne3A_2160 = arith.cmpi ne, %select_n3A_353, %select_n3A_801 : i32
      %and3A_2161 = arith.andi %and3A_2159, %ne3A_2160 : i1
      %ne3A_2162 = arith.cmpi ne, %select_n3A_353, %select_n3A_833 : i32
      %and3A_2163 = arith.andi %and3A_2161, %ne3A_2162 : i1
      %ne3A_2164 = arith.cmpi ne, %select_n3A_353, %select_n3A_865 : i32
      %and3A_2165 = arith.andi %and3A_2163, %ne3A_2164 : i1
      %ne3A_2166 = arith.cmpi ne, %select_n3A_353, %select_n3A_897 : i32
      %and3A_2167 = arith.andi %and3A_2165, %ne3A_2166 : i1
      %ne3A_2168 = arith.cmpi ne, %select_n3A_353, %select_n3A_929 : i32
      %and3A_2169 = arith.andi %and3A_2167, %ne3A_2168 : i1
      %ne3A_2170 = arith.cmpi ne, %select_n3A_353, %select_n3A_961 : i32
      %and3A_2171 = arith.andi %and3A_2169, %ne3A_2170 : i1
      %ne3A_2172 = arith.cmpi ne, %select_n3A_353, %select_n3A_993 : i32
      %and3A_2173 = arith.andi %and3A_2171, %ne3A_2172 : i1
      %ne3A_2174 = arith.cmpi ne, %select_n3A_353, %select_n3A_1025 : i32
      %and3A_2175 = arith.andi %and3A_2173, %ne3A_2174 : i1
      %ne3A_2176 = arith.cmpi ne, %select_n3A_353, %select_n3A_1057 : i32
      %and3A_2177 = arith.andi %and3A_2175, %ne3A_2176 : i1
      %ne3A_2178 = arith.cmpi ne, %select_n3A_353, %select_n3A_1089 : i32
      %and3A_2179 = arith.andi %and3A_2177, %ne3A_2178 : i1
      %ne3A_2180 = arith.cmpi ne, %select_n3A_353, %select_n3A_1121 : i32
      %and3A_2181 = arith.andi %and3A_2179, %ne3A_2180 : i1
      %ne3A_2182 = arith.cmpi ne, %select_n3A_353, %select_n3A_1153 : i32
      %and3A_2183 = arith.andi %and3A_2181, %ne3A_2182 : i1
      %ne3A_2184 = arith.cmpi ne, %select_n3A_353, %select_n3A_1185 : i32
      %and3A_2185 = arith.andi %and3A_2183, %ne3A_2184 : i1
      %ne3A_2186 = arith.cmpi ne, %select_n3A_353, %select_n3A_1217 : i32
      %and3A_2187 = arith.andi %and3A_2185, %ne3A_2186 : i1
      %ne3A_2188 = arith.cmpi ne, %select_n3A_353, %select_n3A_1249 : i32
      %and3A_2189 = arith.andi %and3A_2187, %ne3A_2188 : i1
      %ne3A_2190 = arith.cmpi ne, %select_n3A_353, %select_n3A_1281 : i32
      %and3A_2191 = arith.andi %and3A_2189, %ne3A_2190 : i1
      %ne3A_2192 = arith.cmpi ne, %select_n3A_353, %select_n3A_1313 : i32
      %and3A_2193 = arith.andi %and3A_2191, %ne3A_2192 : i1
      %ne3A_2194 = arith.cmpi ne, %select_n3A_353, %select_n3A_1345 : i32
      %and3A_2195 = arith.andi %and3A_2193, %ne3A_2194 : i1
      %ne3A_2196 = arith.cmpi ne, %select_n3A_353, %select_n3A_1377 : i32
      %and3A_2197 = arith.andi %and3A_2195, %ne3A_2196 : i1
      %ne3A_2198 = arith.cmpi ne, %select_n3A_353, %select_n3A_1409 : i32
      %and3A_2199 = arith.andi %and3A_2197, %ne3A_2198 : i1
      %mul3A_2200 = arith.constant 48 : i32
      %mul3A_2201 = arith.muli %get3A_327, %mul3A_2200 : i32
      %add3A_2202 = arith.addi %mul3A_2201, %get3A_336 : i32
      %add3A_2203 = arith.constant 1 : i32
      %add3A_2204 = arith.addi %get3A_330, %add3A_2203 : i32
      %mul3A_2205 = arith.constant 48 : i32
      %mul3A_2206 = arith.muli %add3A_2204, %mul3A_2205 : i32
      %sub3A_2207 = arith.constant 1 : i32
      %sub3A_2208 = arith.subi %get3A_333, %sub3A_2207 : i32
      %add3A_2209 = arith.addi %mul3A_2206, %sub3A_2208 : i32
      %jit3A_2210 = arith.constant 0 : i32
      %select_n3A_2211 = arith.select %lt3A_338, %jit3A_2210, %add3A_2209 : i32
      %eq3A_2212 = vector.broadcast %get3A_324 : i32 to vector<1x32xi32>
      %eq3A_2213 = arith.cmpi eq, %iota3A_1410, %eq3A_2212 : vector<1x32xi32>
      %convert_element_type3A_2214 = arith.extui %eq3A_2213 : vector<1x32xi1> to vector<1x32xi32>
      %convert_element_type3A_2215 = arith.sitofp %convert_element_type3A_2214 : vector<1x32xi32> to vector<1x32xf32>
      %eq3A_2216 = vector.broadcast %get3A_324 : i32 to vector<1x16xi32>
      %eq3A_2217 = arith.cmpi eq, %iota3A_1411, %eq3A_2216 : vector<1x16xi32>
      %convert_element_type3A_2218 = arith.extui %eq3A_2217 : vector<1x16xi1> to vector<1x16xi32>
      %convert_element_type3A_2219 = arith.sitofp %convert_element_type3A_2218 : vector<1x16xi32> to vector<1x16xf32>
      %get3A_2220 = arith.index_cast %add3A_2202 : i32 to index
      %get3A_2221 = arith.constant 0 : index
      %get3A_2222 = vector.load %arg2[%get3A_2220, %get3A_2221] : memref<2304x32xf32, #tpu.memory_space<vmem>>, vector<1x32xf32>
      %mul3A_2223 = arith.mulf %get3A_2222, %convert_element_type3A_2215 : vector<1x32xf32>
      %reduce_sum3A_2224 = vector.shape_cast %mul3A_2223 : vector<1x32xf32> to vector<1x1x32xf32>
      %reduce_sum3A_2225 = arith.constant dense<0.000000e+00> : vector<1xf32>
      %reduce_sum3A_2226 = vector.multi_reduction <add>, %reduce_sum3A_2224, %reduce_sum3A_2225 [1, 2] : vector<1x1x32xf32> to vector<1xf32>
      %reduce_sum3A_2227 = vector.shape_cast %reduce_sum3A_2226 : vector<1xf32> to vector<1x1x1xf32>
      %reduce_sum3A_2228 = vector.extract %reduce_sum3A_2227[0, 0, 0] : f32 from vector<1x1x1xf32>
      %get3A_2229 = arith.index_cast %add3A_2202 : i32 to index
      %get3A_2230 = arith.constant 0 : index
      %get3A_2231 = vector.load %arg3[%get3A_2229, %get3A_2230] : memref<2304x16xf32, #tpu.memory_space<vmem>>, vector<1x16xf32>
      %get3A_2232 = arith.index_cast %select_n3A_2211 : i32 to index
      %get3A_2233 = arith.constant 0 : index
      %get3A_2234 = vector.load %arg9[%get3A_2232, %get3A_2233] : memref<2304x16xf32, #tpu.memory_space<vmem>>, vector<1x16xf32>
      %add3A_2235 = arith.addf %get3A_2231, %get3A_2234 : vector<1x16xf32>
      %mul3A_2236 = arith.mulf %add3A_2235, %convert_element_type3A_2219 : vector<1x16xf32>
      %reduce_sum3A_2237 = vector.shape_cast %mul3A_2236 : vector<1x16xf32> to vector<1x1x16xf32>
      %reduce_sum3A_2238 = arith.constant dense<0.000000e+00> : vector<1xf32>
      %reduce_sum3A_2239 = vector.multi_reduction <add>, %reduce_sum3A_2237, %reduce_sum3A_2238 [1, 2] : vector<1x1x16xf32> to vector<1xf32>
      %reduce_sum3A_2240 = vector.shape_cast %reduce_sum3A_2239 : vector<1xf32> to vector<1x1x1xf32>
      %reduce_sum3A_2241 = vector.extract %reduce_sum3A_2240[0, 0, 0] : f32 from vector<1x1x1xf32>
      %select_n3A_2242 = arith.select %lt3A_338, %reduce_sum3A_2228, %reduce_sum3A_2241 : f32
      %jit3A_2243 = arith.constant 0.000000e+00 : f32
      %select_n3A_2244 = arith.select %and3A_2199, %select_n3A_2242, %jit3A_2243 : f32
      %add3A_2245 = arith.addf %add3A_2132, %select_n3A_2244 : f32
      %ne3A_2246 = arith.cmpi ne, %select_n3A_385, %select_n3A_417 : i32
      %and3A_2247 = arith.constant true
      %and3A_2248 = arith.andi %and3A_2247, %ne3A_2246 : i1
      %ne3A_2249 = arith.cmpi ne, %select_n3A_385, %select_n3A_449 : i32
      %and3A_2250 = arith.andi %and3A_2248, %ne3A_2249 : i1
      %ne3A_2251 = arith.cmpi ne, %select_n3A_385, %select_n3A_481 : i32
      %and3A_2252 = arith.andi %and3A_2250, %ne3A_2251 : i1
      %ne3A_2253 = arith.cmpi ne, %select_n3A_385, %select_n3A_513 : i32
      %and3A_2254 = arith.andi %and3A_2252, %ne3A_2253 : i1
      %ne3A_2255 = arith.cmpi ne, %select_n3A_385, %select_n3A_545 : i32
      %and3A_2256 = arith.andi %and3A_2254, %ne3A_2255 : i1
      %ne3A_2257 = arith.cmpi ne, %select_n3A_385, %select_n3A_577 : i32
      %and3A_2258 = arith.andi %and3A_2256, %ne3A_2257 : i1
      %ne3A_2259 = arith.cmpi ne, %select_n3A_385, %select_n3A_609 : i32
      %and3A_2260 = arith.andi %and3A_2258, %ne3A_2259 : i1
      %ne3A_2261 = arith.cmpi ne, %select_n3A_385, %select_n3A_641 : i32
      %and3A_2262 = arith.andi %and3A_2260, %ne3A_2261 : i1
      %ne3A_2263 = arith.cmpi ne, %select_n3A_385, %select_n3A_673 : i32
      %and3A_2264 = arith.andi %and3A_2262, %ne3A_2263 : i1
      %ne3A_2265 = arith.cmpi ne, %select_n3A_385, %select_n3A_705 : i32
      %and3A_2266 = arith.andi %and3A_2264, %ne3A_2265 : i1
      %ne3A_2267 = arith.cmpi ne, %select_n3A_385, %select_n3A_737 : i32
      %and3A_2268 = arith.andi %and3A_2266, %ne3A_2267 : i1
      %ne3A_2269 = arith.cmpi ne, %select_n3A_385, %select_n3A_769 : i32
      %and3A_2270 = arith.andi %and3A_2268, %ne3A_2269 : i1
      %ne3A_2271 = arith.cmpi ne, %select_n3A_385, %select_n3A_801 : i32
      %and3A_2272 = arith.andi %and3A_2270, %ne3A_2271 : i1
      %ne3A_2273 = arith.cmpi ne, %select_n3A_385, %select_n3A_833 : i32
      %and3A_2274 = arith.andi %and3A_2272, %ne3A_2273 : i1
      %ne3A_2275 = arith.cmpi ne, %select_n3A_385, %select_n3A_865 : i32
      %and3A_2276 = arith.andi %and3A_2274, %ne3A_2275 : i1
      %ne3A_2277 = arith.cmpi ne, %select_n3A_385, %select_n3A_897 : i32
      %and3A_2278 = arith.andi %and3A_2276, %ne3A_2277 : i1
      %ne3A_2279 = arith.cmpi ne, %select_n3A_385, %select_n3A_929 : i32
      %and3A_2280 = arith.andi %and3A_2278, %ne3A_2279 : i1
      %ne3A_2281 = arith.cmpi ne, %select_n3A_385, %select_n3A_961 : i32
      %and3A_2282 = arith.andi %and3A_2280, %ne3A_2281 : i1
      %ne3A_2283 = arith.cmpi ne, %select_n3A_385, %select_n3A_993 : i32
      %and3A_2284 = arith.andi %and3A_2282, %ne3A_2283 : i1
      %ne3A_2285 = arith.cmpi ne, %select_n3A_385, %select_n3A_1025 : i32
      %and3A_2286 = arith.andi %and3A_2284, %ne3A_2285 : i1
      %ne3A_2287 = arith.cmpi ne, %select_n3A_385, %select_n3A_1057 : i32
      %and3A_2288 = arith.andi %and3A_2286, %ne3A_2287 : i1
      %ne3A_2289 = arith.cmpi ne, %select_n3A_385, %select_n3A_1089 : i32
      %and3A_2290 = arith.andi %and3A_2288, %ne3A_2289 : i1
      %ne3A_2291 = arith.cmpi ne, %select_n3A_385, %select_n3A_1121 : i32
      %and3A_2292 = arith.andi %and3A_2290, %ne3A_2291 : i1
      %ne3A_2293 = arith.cmpi ne, %select_n3A_385, %select_n3A_1153 : i32
      %and3A_2294 = arith.andi %and3A_2292, %ne3A_2293 : i1
      %ne3A_2295 = arith.cmpi ne, %select_n3A_385, %select_n3A_1185 : i32
      %and3A_2296 = arith.andi %and3A_2294, %ne3A_2295 : i1
      %ne3A_2297 = arith.cmpi ne, %select_n3A_385, %select_n3A_1217 : i32
      %and3A_2298 = arith.andi %and3A_2296, %ne3A_2297 : i1
      %ne3A_2299 = arith.cmpi ne, %select_n3A_385, %select_n3A_1249 : i32
      %and3A_2300 = arith.andi %and3A_2298, %ne3A_2299 : i1
      %ne3A_2301 = arith.cmpi ne, %select_n3A_385, %select_n3A_1281 : i32
      %and3A_2302 = arith.andi %and3A_2300, %ne3A_2301 : i1
      %ne3A_2303 = arith.cmpi ne, %select_n3A_385, %select_n3A_1313 : i32
      %and3A_2304 = arith.andi %and3A_2302, %ne3A_2303 : i1
      %ne3A_2305 = arith.cmpi ne, %select_n3A_385, %select_n3A_1345 : i32
      %and3A_2306 = arith.andi %and3A_2304, %ne3A_2305 : i1
      %ne3A_2307 = arith.cmpi ne, %select_n3A_385, %select_n3A_1377 : i32
      %and3A_2308 = arith.andi %and3A_2306, %ne3A_2307 : i1
      %ne3A_2309 = arith.cmpi ne, %select_n3A_385, %select_n3A_1409 : i32
      %and3A_2310 = arith.andi %and3A_2308, %ne3A_2309 : i1
      %mul3A_2311 = arith.constant 48 : i32
      %mul3A_2312 = arith.muli %get3A_359, %mul3A_2311 : i32
      %add3A_2313 = arith.addi %mul3A_2312, %get3A_368 : i32
      %add3A_2314 = arith.constant 1 : i32
      %add3A_2315 = arith.addi %get3A_362, %add3A_2314 : i32
      %mul3A_2316 = arith.constant 48 : i32
      %mul3A_2317 = arith.muli %add3A_2315, %mul3A_2316 : i32
      %sub3A_2318 = arith.constant 1 : i32
      %sub3A_2319 = arith.subi %get3A_365, %sub3A_2318 : i32
      %add3A_2320 = arith.addi %mul3A_2317, %sub3A_2319 : i32
      %jit3A_2321 = arith.constant 0 : i32
      %select_n3A_2322 = arith.select %lt3A_370, %jit3A_2321, %add3A_2320 : i32
      %eq3A_2323 = vector.broadcast %get3A_356 : i32 to vector<1x32xi32>
      %eq3A_2324 = arith.cmpi eq, %iota3A_1410, %eq3A_2323 : vector<1x32xi32>
      %convert_element_type3A_2325 = arith.extui %eq3A_2324 : vector<1x32xi1> to vector<1x32xi32>
      %convert_element_type3A_2326 = arith.sitofp %convert_element_type3A_2325 : vector<1x32xi32> to vector<1x32xf32>
      %eq3A_2327 = vector.broadcast %get3A_356 : i32 to vector<1x16xi32>
      %eq3A_2328 = arith.cmpi eq, %iota3A_1411, %eq3A_2327 : vector<1x16xi32>
      %convert_element_type3A_2329 = arith.extui %eq3A_2328 : vector<1x16xi1> to vector<1x16xi32>
      %convert_element_type3A_2330 = arith.sitofp %convert_element_type3A_2329 : vector<1x16xi32> to vector<1x16xf32>
      %get3A_2331 = arith.index_cast %add3A_2313 : i32 to index
      %get3A_2332 = arith.constant 0 : index
      %get3A_2333 = vector.load %arg2[%get3A_2331, %get3A_2332] : memref<2304x32xf32, #tpu.memory_space<vmem>>, vector<1x32xf32>
      %mul3A_2334 = arith.mulf %get3A_2333, %convert_element_type3A_2326 : vector<1x32xf32>
      %reduce_sum3A_2335 = vector.shape_cast %mul3A_2334 : vector<1x32xf32> to vector<1x1x32xf32>
      %reduce_sum3A_2336 = arith.constant dense<0.000000e+00> : vector<1xf32>
      %reduce_sum3A_2337 = vector.multi_reduction <add>, %reduce_sum3A_2335, %reduce_sum3A_2336 [1, 2] : vector<1x1x32xf32> to vector<1xf32>
      %reduce_sum3A_2338 = vector.shape_cast %reduce_sum3A_2337 : vector<1xf32> to vector<1x1x1xf32>
      %reduce_sum3A_2339 = vector.extract %reduce_sum3A_2338[0, 0, 0] : f32 from vector<1x1x1xf32>
      %get3A_2340 = arith.index_cast %add3A_2313 : i32 to index
      %get3A_2341 = arith.constant 0 : index
      %get3A_2342 = vector.load %arg3[%get3A_2340, %get3A_2341] : memref<2304x16xf32, #tpu.memory_space<vmem>>, vector<1x16xf32>
      %get3A_2343 = arith.index_cast %select_n3A_2322 : i32 to index
      %get3A_2344 = arith.constant 0 : index
      %get3A_2345 = vector.load %arg9[%get3A_2343, %get3A_2344] : memref<2304x16xf32, #tpu.memory_space<vmem>>, vector<1x16xf32>
      %add3A_2346 = arith.addf %get3A_2342, %get3A_2345 : vector<1x16xf32>
      %mul3A_2347 = arith.mulf %add3A_2346, %convert_element_type3A_2330 : vector<1x16xf32>
      %reduce_sum3A_2348 = vector.shape_cast %mul3A_2347 : vector<1x16xf32> to vector<1x1x16xf32>
      %reduce_sum3A_2349 = arith.constant dense<0.000000e+00> : vector<1xf32>
      %reduce_sum3A_2350 = vector.multi_reduction <add>, %reduce_sum3A_2348, %reduce_sum3A_2349 [1, 2] : vector<1x1x16xf32> to vector<1xf32>
      %reduce_sum3A_2351 = vector.shape_cast %reduce_sum3A_2350 : vector<1xf32> to vector<1x1x1xf32>
      %reduce_sum3A_2352 = vector.extract %reduce_sum3A_2351[0, 0, 0] : f32 from vector<1x1x1xf32>
      %select_n3A_2353 = arith.select %lt3A_370, %reduce_sum3A_2339, %reduce_sum3A_2352 : f32
      %jit3A_2354 = arith.constant 0.000000e+00 : f32
      %select_n3A_2355 = arith.select %and3A_2310, %select_n3A_2353, %jit3A_2354 : f32
      %add3A_2356 = arith.addf %add3A_2245, %select_n3A_2355 : f32
      %ne3A_2357 = arith.cmpi ne, %select_n3A_417, %select_n3A_449 : i32
      %and3A_2358 = arith.constant true
      %and3A_2359 = arith.andi %and3A_2358, %ne3A_2357 : i1
      %ne3A_2360 = arith.cmpi ne, %select_n3A_417, %select_n3A_481 : i32
      %and3A_2361 = arith.andi %and3A_2359, %ne3A_2360 : i1
      %ne3A_2362 = arith.cmpi ne, %select_n3A_417, %select_n3A_513 : i32
      %and3A_2363 = arith.andi %and3A_2361, %ne3A_2362 : i1
      %ne3A_2364 = arith.cmpi ne, %select_n3A_417, %select_n3A_545 : i32
      %and3A_2365 = arith.andi %and3A_2363, %ne3A_2364 : i1
      %ne3A_2366 = arith.cmpi ne, %select_n3A_417, %select_n3A_577 : i32
      %and3A_2367 = arith.andi %and3A_2365, %ne3A_2366 : i1
      %ne3A_2368 = arith.cmpi ne, %select_n3A_417, %select_n3A_609 : i32
      %and3A_2369 = arith.andi %and3A_2367, %ne3A_2368 : i1
      %ne3A_2370 = arith.cmpi ne, %select_n3A_417, %select_n3A_641 : i32
      %and3A_2371 = arith.andi %and3A_2369, %ne3A_2370 : i1
      %ne3A_2372 = arith.cmpi ne, %select_n3A_417, %select_n3A_673 : i32
      %and3A_2373 = arith.andi %and3A_2371, %ne3A_2372 : i1
      %ne3A_2374 = arith.cmpi ne, %select_n3A_417, %select_n3A_705 : i32
      %and3A_2375 = arith.andi %and3A_2373, %ne3A_2374 : i1
      %ne3A_2376 = arith.cmpi ne, %select_n3A_417, %select_n3A_737 : i32
      %and3A_2377 = arith.andi %and3A_2375, %ne3A_2376 : i1
      %ne3A_2378 = arith.cmpi ne, %select_n3A_417, %select_n3A_769 : i32
      %and3A_2379 = arith.andi %and3A_2377, %ne3A_2378 : i1
      %ne3A_2380 = arith.cmpi ne, %select_n3A_417, %select_n3A_801 : i32
      %and3A_2381 = arith.andi %and3A_2379, %ne3A_2380 : i1
      %ne3A_2382 = arith.cmpi ne, %select_n3A_417, %select_n3A_833 : i32
      %and3A_2383 = arith.andi %and3A_2381, %ne3A_2382 : i1
      %ne3A_2384 = arith.cmpi ne, %select_n3A_417, %select_n3A_865 : i32
      %and3A_2385 = arith.andi %and3A_2383, %ne3A_2384 : i1
      %ne3A_2386 = arith.cmpi ne, %select_n3A_417, %select_n3A_897 : i32
      %and3A_2387 = arith.andi %and3A_2385, %ne3A_2386 : i1
      %ne3A_2388 = arith.cmpi ne, %select_n3A_417, %select_n3A_929 : i32
      %and3A_2389 = arith.andi %and3A_2387, %ne3A_2388 : i1
      %ne3A_2390 = arith.cmpi ne, %select_n3A_417, %select_n3A_961 : i32
      %and3A_2391 = arith.andi %and3A_2389, %ne3A_2390 : i1
      %ne3A_2392 = arith.cmpi ne, %select_n3A_417, %select_n3A_993 : i32
      %and3A_2393 = arith.andi %and3A_2391, %ne3A_2392 : i1
      %ne3A_2394 = arith.cmpi ne, %select_n3A_417, %select_n3A_1025 : i32
      %and3A_2395 = arith.andi %and3A_2393, %ne3A_2394 : i1
      %ne3A_2396 = arith.cmpi ne, %select_n3A_417, %select_n3A_1057 : i32
      %and3A_2397 = arith.andi %and3A_2395, %ne3A_2396 : i1
      %ne3A_2398 = arith.cmpi ne, %select_n3A_417, %select_n3A_1089 : i32
      %and3A_2399 = arith.andi %and3A_2397, %ne3A_2398 : i1
      %ne3A_2400 = arith.cmpi ne, %select_n3A_417, %select_n3A_1121 : i32
      %and3A_2401 = arith.andi %and3A_2399, %ne3A_2400 : i1
      %ne3A_2402 = arith.cmpi ne, %select_n3A_417, %select_n3A_1153 : i32
      %and3A_2403 = arith.andi %and3A_2401, %ne3A_2402 : i1
      %ne3A_2404 = arith.cmpi ne, %select_n3A_417, %select_n3A_1185 : i32
      %and3A_2405 = arith.andi %and3A_2403, %ne3A_2404 : i1
      %ne3A_2406 = arith.cmpi ne, %select_n3A_417, %select_n3A_1217 : i32
      %and3A_2407 = arith.andi %and3A_2405, %ne3A_2406 : i1
      %ne3A_2408 = arith.cmpi ne, %select_n3A_417, %select_n3A_1249 : i32
      %and3A_2409 = arith.andi %and3A_2407, %ne3A_2408 : i1
      %ne3A_2410 = arith.cmpi ne, %select_n3A_417, %select_n3A_1281 : i32
      %and3A_2411 = arith.andi %and3A_2409, %ne3A_2410 : i1
      %ne3A_2412 = arith.cmpi ne, %select_n3A_417, %select_n3A_1313 : i32
      %and3A_2413 = arith.andi %and3A_2411, %ne3A_2412 : i1
      %ne3A_2414 = arith.cmpi ne, %select_n3A_417, %select_n3A_1345 : i32
      %and3A_2415 = arith.andi %and3A_2413, %ne3A_2414 : i1
      %ne3A_2416 = arith.cmpi ne, %select_n3A_417, %select_n3A_1377 : i32
      %and3A_2417 = arith.andi %and3A_2415, %ne3A_2416 : i1
      %ne3A_2418 = arith.cmpi ne, %select_n3A_417, %select_n3A_1409 : i32
      %and3A_2419 = arith.andi %and3A_2417, %ne3A_2418 : i1
      %mul3A_2420 = arith.constant 48 : i32
      %mul3A_2421 = arith.muli %get3A_391, %mul3A_2420 : i32
      %add3A_2422 = arith.addi %mul3A_2421, %get3A_400 : i32
      %add3A_2423 = arith.constant 1 : i32
      %add3A_2424 = arith.addi %get3A_394, %add3A_2423 : i32
      %mul3A_2425 = arith.constant 48 : i32
      %mul3A_2426 = arith.muli %add3A_2424, %mul3A_2425 : i32
      %sub3A_2427 = arith.constant 1 : i32
      %sub3A_2428 = arith.subi %get3A_397, %sub3A_2427 : i32
      %add3A_2429 = arith.addi %mul3A_2426, %sub3A_2428 : i32
      %jit3A_2430 = arith.constant 0 : i32
      %select_n3A_2431 = arith.select %lt3A_402, %jit3A_2430, %add3A_2429 : i32
      %eq3A_2432 = vector.broadcast %get3A_388 : i32 to vector<1x32xi32>
      %eq3A_2433 = arith.cmpi eq, %iota3A_1410, %eq3A_2432 : vector<1x32xi32>
      %convert_element_type3A_2434 = arith.extui %eq3A_2433 : vector<1x32xi1> to vector<1x32xi32>
      %convert_element_type3A_2435 = arith.sitofp %convert_element_type3A_2434 : vector<1x32xi32> to vector<1x32xf32>
      %eq3A_2436 = vector.broadcast %get3A_388 : i32 to vector<1x16xi32>
      %eq3A_2437 = arith.cmpi eq, %iota3A_1411, %eq3A_2436 : vector<1x16xi32>
      %convert_element_type3A_2438 = arith.extui %eq3A_2437 : vector<1x16xi1> to vector<1x16xi32>
      %convert_element_type3A_2439 = arith.sitofp %convert_element_type3A_2438 : vector<1x16xi32> to vector<1x16xf32>
      %get3A_2440 = arith.index_cast %add3A_2422 : i32 to index
      %get3A_2441 = arith.constant 0 : index
      %get3A_2442 = vector.load %arg2[%get3A_2440, %get3A_2441] : memref<2304x32xf32, #tpu.memory_space<vmem>>, vector<1x32xf32>
      %mul3A_2443 = arith.mulf %get3A_2442, %convert_element_type3A_2435 : vector<1x32xf32>
      %reduce_sum3A_2444 = vector.shape_cast %mul3A_2443 : vector<1x32xf32> to vector<1x1x32xf32>
      %reduce_sum3A_2445 = arith.constant dense<0.000000e+00> : vector<1xf32>
      %reduce_sum3A_2446 = vector.multi_reduction <add>, %reduce_sum3A_2444, %reduce_sum3A_2445 [1, 2] : vector<1x1x32xf32> to vector<1xf32>
      %reduce_sum3A_2447 = vector.shape_cast %reduce_sum3A_2446 : vector<1xf32> to vector<1x1x1xf32>
      %reduce_sum3A_2448 = vector.extract %reduce_sum3A_2447[0, 0, 0] : f32 from vector<1x1x1xf32>
      %get3A_2449 = arith.index_cast %add3A_2422 : i32 to index
      %get3A_2450 = arith.constant 0 : index
      %get3A_2451 = vector.load %arg3[%get3A_2449, %get3A_2450] : memref<2304x16xf32, #tpu.memory_space<vmem>>, vector<1x16xf32>
      %get3A_2452 = arith.index_cast %select_n3A_2431 : i32 to index
      %get3A_2453 = arith.constant 0 : index
      %get3A_2454 = vector.load %arg9[%get3A_2452, %get3A_2453] : memref<2304x16xf32, #tpu.memory_space<vmem>>, vector<1x16xf32>
      %add3A_2455 = arith.addf %get3A_2451, %get3A_2454 : vector<1x16xf32>
      %mul3A_2456 = arith.mulf %add3A_2455, %convert_element_type3A_2439 : vector<1x16xf32>
      %reduce_sum3A_2457 = vector.shape_cast %mul3A_2456 : vector<1x16xf32> to vector<1x1x16xf32>
      %reduce_sum3A_2458 = arith.constant dense<0.000000e+00> : vector<1xf32>
      %reduce_sum3A_2459 = vector.multi_reduction <add>, %reduce_sum3A_2457, %reduce_sum3A_2458 [1, 2] : vector<1x1x16xf32> to vector<1xf32>
      %reduce_sum3A_2460 = vector.shape_cast %reduce_sum3A_2459 : vector<1xf32> to vector<1x1x1xf32>
      %reduce_sum3A_2461 = vector.extract %reduce_sum3A_2460[0, 0, 0] : f32 from vector<1x1x1xf32>
      %select_n3A_2462 = arith.select %lt3A_402, %reduce_sum3A_2448, %reduce_sum3A_2461 : f32
      %jit3A_2463 = arith.constant 0.000000e+00 : f32
      %select_n3A_2464 = arith.select %and3A_2419, %select_n3A_2462, %jit3A_2463 : f32
      %add3A_2465 = arith.addf %add3A_2356, %select_n3A_2464 : f32
      %ne3A_2466 = arith.cmpi ne, %select_n3A_449, %select_n3A_481 : i32
      %and3A_2467 = arith.constant true
      %and3A_2468 = arith.andi %and3A_2467, %ne3A_2466 : i1
      %ne3A_2469 = arith.cmpi ne, %select_n3A_449, %select_n3A_513 : i32
      %and3A_2470 = arith.andi %and3A_2468, %ne3A_2469 : i1
      %ne3A_2471 = arith.cmpi ne, %select_n3A_449, %select_n3A_545 : i32
      %and3A_2472 = arith.andi %and3A_2470, %ne3A_2471 : i1
      %ne3A_2473 = arith.cmpi ne, %select_n3A_449, %select_n3A_577 : i32
      %and3A_2474 = arith.andi %and3A_2472, %ne3A_2473 : i1
      %ne3A_2475 = arith.cmpi ne, %select_n3A_449, %select_n3A_609 : i32
      %and3A_2476 = arith.andi %and3A_2474, %ne3A_2475 : i1
      %ne3A_2477 = arith.cmpi ne, %select_n3A_449, %select_n3A_641 : i32
      %and3A_2478 = arith.andi %and3A_2476, %ne3A_2477 : i1
      %ne3A_2479 = arith.cmpi ne, %select_n3A_449, %select_n3A_673 : i32
      %and3A_2480 = arith.andi %and3A_2478, %ne3A_2479 : i1
      %ne3A_2481 = arith.cmpi ne, %select_n3A_449, %select_n3A_705 : i32
      %and3A_2482 = arith.andi %and3A_2480, %ne3A_2481 : i1
      %ne3A_2483 = arith.cmpi ne, %select_n3A_449, %select_n3A_737 : i32
      %and3A_2484 = arith.andi %and3A_2482, %ne3A_2483 : i1
      %ne3A_2485 = arith.cmpi ne, %select_n3A_449, %select_n3A_769 : i32
      %and3A_2486 = arith.andi %and3A_2484, %ne3A_2485 : i1
      %ne3A_2487 = arith.cmpi ne, %select_n3A_449, %select_n3A_801 : i32
      %and3A_2488 = arith.andi %and3A_2486, %ne3A_2487 : i1
      %ne3A_2489 = arith.cmpi ne, %select_n3A_449, %select_n3A_833 : i32
      %and3A_2490 = arith.andi %and3A_2488, %ne3A_2489 : i1
      %ne3A_2491 = arith.cmpi ne, %select_n3A_449, %select_n3A_865 : i32
      %and3A_2492 = arith.andi %and3A_2490, %ne3A_2491 : i1
      %ne3A_2493 = arith.cmpi ne, %select_n3A_449, %select_n3A_897 : i32
      %and3A_2494 = arith.andi %and3A_2492, %ne3A_2493 : i1
      %ne3A_2495 = arith.cmpi ne, %select_n3A_449, %select_n3A_929 : i32
      %and3A_2496 = arith.andi %and3A_2494, %ne3A_2495 : i1
      %ne3A_2497 = arith.cmpi ne, %select_n3A_449, %select_n3A_961 : i32
      %and3A_2498 = arith.andi %and3A_2496, %ne3A_2497 : i1
      %ne3A_2499 = arith.cmpi ne, %select_n3A_449, %select_n3A_993 : i32
      %and3A_2500 = arith.andi %and3A_2498, %ne3A_2499 : i1
      %ne3A_2501 = arith.cmpi ne, %select_n3A_449, %select_n3A_1025 : i32
      %and3A_2502 = arith.andi %and3A_2500, %ne3A_2501 : i1
      %ne3A_2503 = arith.cmpi ne, %select_n3A_449, %select_n3A_1057 : i32
      %and3A_2504 = arith.andi %and3A_2502, %ne3A_2503 : i1
      %ne3A_2505 = arith.cmpi ne, %select_n3A_449, %select_n3A_1089 : i32
      %and3A_2506 = arith.andi %and3A_2504, %ne3A_2505 : i1
      %ne3A_2507 = arith.cmpi ne, %select_n3A_449, %select_n3A_1121 : i32
      %and3A_2508 = arith.andi %and3A_2506, %ne3A_2507 : i1
      %ne3A_2509 = arith.cmpi ne, %select_n3A_449, %select_n3A_1153 : i32
      %and3A_2510 = arith.andi %and3A_2508, %ne3A_2509 : i1
      %ne3A_2511 = arith.cmpi ne, %select_n3A_449, %select_n3A_1185 : i32
      %and3A_2512 = arith.andi %and3A_2510, %ne3A_2511 : i1
      %ne3A_2513 = arith.cmpi ne, %select_n3A_449, %select_n3A_1217 : i32
      %and3A_2514 = arith.andi %and3A_2512, %ne3A_2513 : i1
      %ne3A_2515 = arith.cmpi ne, %select_n3A_449, %select_n3A_1249 : i32
      %and3A_2516 = arith.andi %and3A_2514, %ne3A_2515 : i1
      %ne3A_2517 = arith.cmpi ne, %select_n3A_449, %select_n3A_1281 : i32
      %and3A_2518 = arith.andi %and3A_2516, %ne3A_2517 : i1
      %ne3A_2519 = arith.cmpi ne, %select_n3A_449, %select_n3A_1313 : i32
      %and3A_2520 = arith.andi %and3A_2518, %ne3A_2519 : i1
      %ne3A_2521 = arith.cmpi ne, %select_n3A_449, %select_n3A_1345 : i32
      %and3A_2522 = arith.andi %and3A_2520, %ne3A_2521 : i1
      %ne3A_2523 = arith.cmpi ne, %select_n3A_449, %select_n3A_1377 : i32
      %and3A_2524 = arith.andi %and3A_2522, %ne3A_2523 : i1
      %ne3A_2525 = arith.cmpi ne, %select_n3A_449, %select_n3A_1409 : i32
      %and3A_2526 = arith.andi %and3A_2524, %ne3A_2525 : i1
      %mul3A_2527 = arith.constant 48 : i32
      %mul3A_2528 = arith.muli %get3A_423, %mul3A_2527 : i32
      %add3A_2529 = arith.addi %mul3A_2528, %get3A_432 : i32
      %add3A_2530 = arith.constant 1 : i32
      %add3A_2531 = arith.addi %get3A_426, %add3A_2530 : i32
      %mul3A_2532 = arith.constant 48 : i32
      %mul3A_2533 = arith.muli %add3A_2531, %mul3A_2532 : i32
      %sub3A_2534 = arith.constant 1 : i32
      %sub3A_2535 = arith.subi %get3A_429, %sub3A_2534 : i32
      %add3A_2536 = arith.addi %mul3A_2533, %sub3A_2535 : i32
      %jit3A_2537 = arith.constant 0 : i32
      %select_n3A_2538 = arith.select %lt3A_434, %jit3A_2537, %add3A_2536 : i32
      %eq3A_2539 = vector.broadcast %get3A_420 : i32 to vector<1x32xi32>
      %eq3A_2540 = arith.cmpi eq, %iota3A_1410, %eq3A_2539 : vector<1x32xi32>
      %convert_element_type3A_2541 = arith.extui %eq3A_2540 : vector<1x32xi1> to vector<1x32xi32>
      %convert_element_type3A_2542 = arith.sitofp %convert_element_type3A_2541 : vector<1x32xi32> to vector<1x32xf32>
      %eq3A_2543 = vector.broadcast %get3A_420 : i32 to vector<1x16xi32>
      %eq3A_2544 = arith.cmpi eq, %iota3A_1411, %eq3A_2543 : vector<1x16xi32>
      %convert_element_type3A_2545 = arith.extui %eq3A_2544 : vector<1x16xi1> to vector<1x16xi32>
      %convert_element_type3A_2546 = arith.sitofp %convert_element_type3A_2545 : vector<1x16xi32> to vector<1x16xf32>
      %get3A_2547 = arith.index_cast %add3A_2529 : i32 to index
      %get3A_2548 = arith.constant 0 : index
      %get3A_2549 = vector.load %arg2[%get3A_2547, %get3A_2548] : memref<2304x32xf32, #tpu.memory_space<vmem>>, vector<1x32xf32>
      %mul3A_2550 = arith.mulf %get3A_2549, %convert_element_type3A_2542 : vector<1x32xf32>
      %reduce_sum3A_2551 = vector.shape_cast %mul3A_2550 : vector<1x32xf32> to vector<1x1x32xf32>
      %reduce_sum3A_2552 = arith.constant dense<0.000000e+00> : vector<1xf32>
      %reduce_sum3A_2553 = vector.multi_reduction <add>, %reduce_sum3A_2551, %reduce_sum3A_2552 [1, 2] : vector<1x1x32xf32> to vector<1xf32>
      %reduce_sum3A_2554 = vector.shape_cast %reduce_sum3A_2553 : vector<1xf32> to vector<1x1x1xf32>
      %reduce_sum3A_2555 = vector.extract %reduce_sum3A_2554[0, 0, 0] : f32 from vector<1x1x1xf32>
      %get3A_2556 = arith.index_cast %add3A_2529 : i32 to index
      %get3A_2557 = arith.constant 0 : index
      %get3A_2558 = vector.load %arg3[%get3A_2556, %get3A_2557] : memref<2304x16xf32, #tpu.memory_space<vmem>>, vector<1x16xf32>
      %get3A_2559 = arith.index_cast %select_n3A_2538 : i32 to index
      %get3A_2560 = arith.constant 0 : index
      %get3A_2561 = vector.load %arg9[%get3A_2559, %get3A_2560] : memref<2304x16xf32, #tpu.memory_space<vmem>>, vector<1x16xf32>
      %add3A_2562 = arith.addf %get3A_2558, %get3A_2561 : vector<1x16xf32>
      %mul3A_2563 = arith.mulf %add3A_2562, %convert_element_type3A_2546 : vector<1x16xf32>
      %reduce_sum3A_2564 = vector.shape_cast %mul3A_2563 : vector<1x16xf32> to vector<1x1x16xf32>
      %reduce_sum3A_2565 = arith.constant dense<0.000000e+00> : vector<1xf32>
      %reduce_sum3A_2566 = vector.multi_reduction <add>, %reduce_sum3A_2564, %reduce_sum3A_2565 [1, 2] : vector<1x1x16xf32> to vector<1xf32>
      %reduce_sum3A_2567 = vector.shape_cast %reduce_sum3A_2566 : vector<1xf32> to vector<1x1x1xf32>
      %reduce_sum3A_2568 = vector.extract %reduce_sum3A_2567[0, 0, 0] : f32 from vector<1x1x1xf32>
      %select_n3A_2569 = arith.select %lt3A_434, %reduce_sum3A_2555, %reduce_sum3A_2568 : f32
      %jit3A_2570 = arith.constant 0.000000e+00 : f32
      %select_n3A_2571 = arith.select %and3A_2526, %select_n3A_2569, %jit3A_2570 : f32
      %add3A_2572 = arith.addf %add3A_2465, %select_n3A_2571 : f32
      %ne3A_2573 = arith.cmpi ne, %select_n3A_481, %select_n3A_513 : i32
      %and3A_2574 = arith.constant true
      %and3A_2575 = arith.andi %and3A_2574, %ne3A_2573 : i1
      %ne3A_2576 = arith.cmpi ne, %select_n3A_481, %select_n3A_545 : i32
      %and3A_2577 = arith.andi %and3A_2575, %ne3A_2576 : i1
      %ne3A_2578 = arith.cmpi ne, %select_n3A_481, %select_n3A_577 : i32
      %and3A_2579 = arith.andi %and3A_2577, %ne3A_2578 : i1
      %ne3A_2580 = arith.cmpi ne, %select_n3A_481, %select_n3A_609 : i32
      %and3A_2581 = arith.andi %and3A_2579, %ne3A_2580 : i1
      %ne3A_2582 = arith.cmpi ne, %select_n3A_481, %select_n3A_641 : i32
      %and3A_2583 = arith.andi %and3A_2581, %ne3A_2582 : i1
      %ne3A_2584 = arith.cmpi ne, %select_n3A_481, %select_n3A_673 : i32
      %and3A_2585 = arith.andi %and3A_2583, %ne3A_2584 : i1
      %ne3A_2586 = arith.cmpi ne, %select_n3A_481, %select_n3A_705 : i32
      %and3A_2587 = arith.andi %and3A_2585, %ne3A_2586 : i1
      %ne3A_2588 = arith.cmpi ne, %select_n3A_481, %select_n3A_737 : i32
      %and3A_2589 = arith.andi %and3A_2587, %ne3A_2588 : i1
      %ne3A_2590 = arith.cmpi ne, %select_n3A_481, %select_n3A_769 : i32
      %and3A_2591 = arith.andi %and3A_2589, %ne3A_2590 : i1
      %ne3A_2592 = arith.cmpi ne, %select_n3A_481, %select_n3A_801 : i32
      %and3A_2593 = arith.andi %and3A_2591, %ne3A_2592 : i1
      %ne3A_2594 = arith.cmpi ne, %select_n3A_481, %select_n3A_833 : i32
      %and3A_2595 = arith.andi %and3A_2593, %ne3A_2594 : i1
      %ne3A_2596 = arith.cmpi ne, %select_n3A_481, %select_n3A_865 : i32
      %and3A_2597 = arith.andi %and3A_2595, %ne3A_2596 : i1
      %ne3A_2598 = arith.cmpi ne, %select_n3A_481, %select_n3A_897 : i32
      %and3A_2599 = arith.andi %and3A_2597, %ne3A_2598 : i1
      %ne3A_2600 = arith.cmpi ne, %select_n3A_481, %select_n3A_929 : i32
      %and3A_2601 = arith.andi %and3A_2599, %ne3A_2600 : i1
      %ne3A_2602 = arith.cmpi ne, %select_n3A_481, %select_n3A_961 : i32
      %and3A_2603 = arith.andi %and3A_2601, %ne3A_2602 : i1
      %ne3A_2604 = arith.cmpi ne, %select_n3A_481, %select_n3A_993 : i32
      %and3A_2605 = arith.andi %and3A_2603, %ne3A_2604 : i1
      %ne3A_2606 = arith.cmpi ne, %select_n3A_481, %select_n3A_1025 : i32
      %and3A_2607 = arith.andi %and3A_2605, %ne3A_2606 : i1
      %ne3A_2608 = arith.cmpi ne, %select_n3A_481, %select_n3A_1057 : i32
      %and3A_2609 = arith.andi %and3A_2607, %ne3A_2608 : i1
      %ne3A_2610 = arith.cmpi ne, %select_n3A_481, %select_n3A_1089 : i32
      %and3A_2611 = arith.andi %and3A_2609, %ne3A_2610 : i1
      %ne3A_2612 = arith.cmpi ne, %select_n3A_481, %select_n3A_1121 : i32
      %and3A_2613 = arith.andi %and3A_2611, %ne3A_2612 : i1
      %ne3A_2614 = arith.cmpi ne, %select_n3A_481, %select_n3A_1153 : i32
      %and3A_2615 = arith.andi %and3A_2613, %ne3A_2614 : i1
      %ne3A_2616 = arith.cmpi ne, %select_n3A_481, %select_n3A_1185 : i32
      %and3A_2617 = arith.andi %and3A_2615, %ne3A_2616 : i1
      %ne3A_2618 = arith.cmpi ne, %select_n3A_481, %select_n3A_1217 : i32
      %and3A_2619 = arith.andi %and3A_2617, %ne3A_2618 : i1
      %ne3A_2620 = arith.cmpi ne, %select_n3A_481, %select_n3A_1249 : i32
      %and3A_2621 = arith.andi %and3A_2619, %ne3A_2620 : i1
      %ne3A_2622 = arith.cmpi ne, %select_n3A_481, %select_n3A_1281 : i32
      %and3A_2623 = arith.andi %and3A_2621, %ne3A_2622 : i1
      %ne3A_2624 = arith.cmpi ne, %select_n3A_481, %select_n3A_1313 : i32
      %and3A_2625 = arith.andi %and3A_2623, %ne3A_2624 : i1
      %ne3A_2626 = arith.cmpi ne, %select_n3A_481, %select_n3A_1345 : i32
      %and3A_2627 = arith.andi %and3A_2625, %ne3A_2626 : i1
      %ne3A_2628 = arith.cmpi ne, %select_n3A_481, %select_n3A_1377 : i32
      %and3A_2629 = arith.andi %and3A_2627, %ne3A_2628 : i1
      %ne3A_2630 = arith.cmpi ne, %select_n3A_481, %select_n3A_1409 : i32
      %and3A_2631 = arith.andi %and3A_2629, %ne3A_2630 : i1
      %mul3A_2632 = arith.constant 48 : i32
      %mul3A_2633 = arith.muli %get3A_455, %mul3A_2632 : i32
      %add3A_2634 = arith.addi %mul3A_2633, %get3A_464 : i32
      %add3A_2635 = arith.constant 1 : i32
      %add3A_2636 = arith.addi %get3A_458, %add3A_2635 : i32
      %mul3A_2637 = arith.constant 48 : i32
      %mul3A_2638 = arith.muli %add3A_2636, %mul3A_2637 : i32
      %sub3A_2639 = arith.constant 1 : i32
      %sub3A_2640 = arith.subi %get3A_461, %sub3A_2639 : i32
      %add3A_2641 = arith.addi %mul3A_2638, %sub3A_2640 : i32
      %jit3A_2642 = arith.constant 0 : i32
      %select_n3A_2643 = arith.select %lt3A_466, %jit3A_2642, %add3A_2641 : i32
      %eq3A_2644 = vector.broadcast %get3A_452 : i32 to vector<1x32xi32>
      %eq3A_2645 = arith.cmpi eq, %iota3A_1410, %eq3A_2644 : vector<1x32xi32>
      %convert_element_type3A_2646 = arith.extui %eq3A_2645 : vector<1x32xi1> to vector<1x32xi32>
      %convert_element_type3A_2647 = arith.sitofp %convert_element_type3A_2646 : vector<1x32xi32> to vector<1x32xf32>
      %eq3A_2648 = vector.broadcast %get3A_452 : i32 to vector<1x16xi32>
      %eq3A_2649 = arith.cmpi eq, %iota3A_1411, %eq3A_2648 : vector<1x16xi32>
      %convert_element_type3A_2650 = arith.extui %eq3A_2649 : vector<1x16xi1> to vector<1x16xi32>
      %convert_element_type3A_2651 = arith.sitofp %convert_element_type3A_2650 : vector<1x16xi32> to vector<1x16xf32>
      %get3A_2652 = arith.index_cast %add3A_2634 : i32 to index
      %get3A_2653 = arith.constant 0 : index
      %get3A_2654 = vector.load %arg2[%get3A_2652, %get3A_2653] : memref<2304x32xf32, #tpu.memory_space<vmem>>, vector<1x32xf32>
      %mul3A_2655 = arith.mulf %get3A_2654, %convert_element_type3A_2647 : vector<1x32xf32>
      %reduce_sum3A_2656 = vector.shape_cast %mul3A_2655 : vector<1x32xf32> to vector<1x1x32xf32>
      %reduce_sum3A_2657 = arith.constant dense<0.000000e+00> : vector<1xf32>
      %reduce_sum3A_2658 = vector.multi_reduction <add>, %reduce_sum3A_2656, %reduce_sum3A_2657 [1, 2] : vector<1x1x32xf32> to vector<1xf32>
      %reduce_sum3A_2659 = vector.shape_cast %reduce_sum3A_2658 : vector<1xf32> to vector<1x1x1xf32>
      %reduce_sum3A_2660 = vector.extract %reduce_sum3A_2659[0, 0, 0] : f32 from vector<1x1x1xf32>
      %get3A_2661 = arith.index_cast %add3A_2634 : i32 to index
      %get3A_2662 = arith.constant 0 : index
      %get3A_2663 = vector.load %arg3[%get3A_2661, %get3A_2662] : memref<2304x16xf32, #tpu.memory_space<vmem>>, vector<1x16xf32>
      %get3A_2664 = arith.index_cast %select_n3A_2643 : i32 to index
      %get3A_2665 = arith.constant 0 : index
      %get3A_2666 = vector.load %arg9[%get3A_2664, %get3A_2665] : memref<2304x16xf32, #tpu.memory_space<vmem>>, vector<1x16xf32>
      %add3A_2667 = arith.addf %get3A_2663, %get3A_2666 : vector<1x16xf32>
      %mul3A_2668 = arith.mulf %add3A_2667, %convert_element_type3A_2651 : vector<1x16xf32>
      %reduce_sum3A_2669 = vector.shape_cast %mul3A_2668 : vector<1x16xf32> to vector<1x1x16xf32>
      %reduce_sum3A_2670 = arith.constant dense<0.000000e+00> : vector<1xf32>
      %reduce_sum3A_2671 = vector.multi_reduction <add>, %reduce_sum3A_2669, %reduce_sum3A_2670 [1, 2] : vector<1x1x16xf32> to vector<1xf32>
      %reduce_sum3A_2672 = vector.shape_cast %reduce_sum3A_2671 : vector<1xf32> to vector<1x1x1xf32>
      %reduce_sum3A_2673 = vector.extract %reduce_sum3A_2672[0, 0, 0] : f32 from vector<1x1x1xf32>
      %select_n3A_2674 = arith.select %lt3A_466, %reduce_sum3A_2660, %reduce_sum3A_2673 : f32
      %jit3A_2675 = arith.constant 0.000000e+00 : f32
      %select_n3A_2676 = arith.select %and3A_2631, %select_n3A_2674, %jit3A_2675 : f32
      %add3A_2677 = arith.addf %add3A_2572, %select_n3A_2676 : f32
      %ne3A_2678 = arith.cmpi ne, %select_n3A_513, %select_n3A_545 : i32
      %and3A_2679 = arith.constant true
      %and3A_2680 = arith.andi %and3A_2679, %ne3A_2678 : i1
      %ne3A_2681 = arith.cmpi ne, %select_n3A_513, %select_n3A_577 : i32
      %and3A_2682 = arith.andi %and3A_2680, %ne3A_2681 : i1
      %ne3A_2683 = arith.cmpi ne, %select_n3A_513, %select_n3A_609 : i32
      %and3A_2684 = arith.andi %and3A_2682, %ne3A_2683 : i1
      %ne3A_2685 = arith.cmpi ne, %select_n3A_513, %select_n3A_641 : i32
      %and3A_2686 = arith.andi %and3A_2684, %ne3A_2685 : i1
      %ne3A_2687 = arith.cmpi ne, %select_n3A_513, %select_n3A_673 : i32
      %and3A_2688 = arith.andi %and3A_2686, %ne3A_2687 : i1
      %ne3A_2689 = arith.cmpi ne, %select_n3A_513, %select_n3A_705 : i32
      %and3A_2690 = arith.andi %and3A_2688, %ne3A_2689 : i1
      %ne3A_2691 = arith.cmpi ne, %select_n3A_513, %select_n3A_737 : i32
      %and3A_2692 = arith.andi %and3A_2690, %ne3A_2691 : i1
      %ne3A_2693 = arith.cmpi ne, %select_n3A_513, %select_n3A_769 : i32
      %and3A_2694 = arith.andi %and3A_2692, %ne3A_2693 : i1
      %ne3A_2695 = arith.cmpi ne, %select_n3A_513, %select_n3A_801 : i32
      %and3A_2696 = arith.andi %and3A_2694, %ne3A_2695 : i1
      %ne3A_2697 = arith.cmpi ne, %select_n3A_513, %select_n3A_833 : i32
      %and3A_2698 = arith.andi %and3A_2696, %ne3A_2697 : i1
      %ne3A_2699 = arith.cmpi ne, %select_n3A_513, %select_n3A_865 : i32
      %and3A_2700 = arith.andi %and3A_2698, %ne3A_2699 : i1
      %ne3A_2701 = arith.cmpi ne, %select_n3A_513, %select_n3A_897 : i32
      %and3A_2702 = arith.andi %and3A_2700, %ne3A_2701 : i1
      %ne3A_2703 = arith.cmpi ne, %select_n3A_513, %select_n3A_929 : i32
      %and3A_2704 = arith.andi %and3A_2702, %ne3A_2703 : i1
      %ne3A_2705 = arith.cmpi ne, %select_n3A_513, %select_n3A_961 : i32
      %and3A_2706 = arith.andi %and3A_2704, %ne3A_2705 : i1
      %ne3A_2707 = arith.cmpi ne, %select_n3A_513, %select_n3A_993 : i32
      %and3A_2708 = arith.andi %and3A_2706, %ne3A_2707 : i1
      %ne3A_2709 = arith.cmpi ne, %select_n3A_513, %select_n3A_1025 : i32
      %and3A_2710 = arith.andi %and3A_2708, %ne3A_2709 : i1
      %ne3A_2711 = arith.cmpi ne, %select_n3A_513, %select_n3A_1057 : i32
      %and3A_2712 = arith.andi %and3A_2710, %ne3A_2711 : i1
      %ne3A_2713 = arith.cmpi ne, %select_n3A_513, %select_n3A_1089 : i32
      %and3A_2714 = arith.andi %and3A_2712, %ne3A_2713 : i1
      %ne3A_2715 = arith.cmpi ne, %select_n3A_513, %select_n3A_1121 : i32
      %and3A_2716 = arith.andi %and3A_2714, %ne3A_2715 : i1
      %ne3A_2717 = arith.cmpi ne, %select_n3A_513, %select_n3A_1153 : i32
      %and3A_2718 = arith.andi %and3A_2716, %ne3A_2717 : i1
      %ne3A_2719 = arith.cmpi ne, %select_n3A_513, %select_n3A_1185 : i32
      %and3A_2720 = arith.andi %and3A_2718, %ne3A_2719 : i1
      %ne3A_2721 = arith.cmpi ne, %select_n3A_513, %select_n3A_1217 : i32
      %and3A_2722 = arith.andi %and3A_2720, %ne3A_2721 : i1
      %ne3A_2723 = arith.cmpi ne, %select_n3A_513, %select_n3A_1249 : i32
      %and3A_2724 = arith.andi %and3A_2722, %ne3A_2723 : i1
      %ne3A_2725 = arith.cmpi ne, %select_n3A_513, %select_n3A_1281 : i32
      %and3A_2726 = arith.andi %and3A_2724, %ne3A_2725 : i1
      %ne3A_2727 = arith.cmpi ne, %select_n3A_513, %select_n3A_1313 : i32
      %and3A_2728 = arith.andi %and3A_2726, %ne3A_2727 : i1
      %ne3A_2729 = arith.cmpi ne, %select_n3A_513, %select_n3A_1345 : i32
      %and3A_2730 = arith.andi %and3A_2728, %ne3A_2729 : i1
      %ne3A_2731 = arith.cmpi ne, %select_n3A_513, %select_n3A_1377 : i32
      %and3A_2732 = arith.andi %and3A_2730, %ne3A_2731 : i1
      %ne3A_2733 = arith.cmpi ne, %select_n3A_513, %select_n3A_1409 : i32
      %and3A_2734 = arith.andi %and3A_2732, %ne3A_2733 : i1
      %mul3A_2735 = arith.constant 48 : i32
      %mul3A_2736 = arith.muli %get3A_487, %mul3A_2735 : i32
      %add3A_2737 = arith.addi %mul3A_2736, %get3A_496 : i32
      %add3A_2738 = arith.constant 1 : i32
      %add3A_2739 = arith.addi %get3A_490, %add3A_2738 : i32
      %mul3A_2740 = arith.constant 48 : i32
      %mul3A_2741 = arith.muli %add3A_2739, %mul3A_2740 : i32
      %sub3A_2742 = arith.constant 1 : i32
      %sub3A_2743 = arith.subi %get3A_493, %sub3A_2742 : i32
      %add3A_2744 = arith.addi %mul3A_2741, %sub3A_2743 : i32
      %jit3A_2745 = arith.constant 0 : i32
      %select_n3A_2746 = arith.select %lt3A_498, %jit3A_2745, %add3A_2744 : i32
      %eq3A_2747 = vector.broadcast %get3A_484 : i32 to vector<1x32xi32>
      %eq3A_2748 = arith.cmpi eq, %iota3A_1410, %eq3A_2747 : vector<1x32xi32>
      %convert_element_type3A_2749 = arith.extui %eq3A_2748 : vector<1x32xi1> to vector<1x32xi32>
      %convert_element_type3A_2750 = arith.sitofp %convert_element_type3A_2749 : vector<1x32xi32> to vector<1x32xf32>
      %eq3A_2751 = vector.broadcast %get3A_484 : i32 to vector<1x16xi32>
      %eq3A_2752 = arith.cmpi eq, %iota3A_1411, %eq3A_2751 : vector<1x16xi32>
      %convert_element_type3A_2753 = arith.extui %eq3A_2752 : vector<1x16xi1> to vector<1x16xi32>
      %convert_element_type3A_2754 = arith.sitofp %convert_element_type3A_2753 : vector<1x16xi32> to vector<1x16xf32>
      %get3A_2755 = arith.index_cast %add3A_2737 : i32 to index
      %get3A_2756 = arith.constant 0 : index
      %get3A_2757 = vector.load %arg2[%get3A_2755, %get3A_2756] : memref<2304x32xf32, #tpu.memory_space<vmem>>, vector<1x32xf32>
      %mul3A_2758 = arith.mulf %get3A_2757, %convert_element_type3A_2750 : vector<1x32xf32>
      %reduce_sum3A_2759 = vector.shape_cast %mul3A_2758 : vector<1x32xf32> to vector<1x1x32xf32>
      %reduce_sum3A_2760 = arith.constant dense<0.000000e+00> : vector<1xf32>
      %reduce_sum3A_2761 = vector.multi_reduction <add>, %reduce_sum3A_2759, %reduce_sum3A_2760 [1, 2] : vector<1x1x32xf32> to vector<1xf32>
      %reduce_sum3A_2762 = vector.shape_cast %reduce_sum3A_2761 : vector<1xf32> to vector<1x1x1xf32>
      %reduce_sum3A_2763 = vector.extract %reduce_sum3A_2762[0, 0, 0] : f32 from vector<1x1x1xf32>
      %get3A_2764 = arith.index_cast %add3A_2737 : i32 to index
      %get3A_2765 = arith.constant 0 : index
      %get3A_2766 = vector.load %arg3[%get3A_2764, %get3A_2765] : memref<2304x16xf32, #tpu.memory_space<vmem>>, vector<1x16xf32>
      %get3A_2767 = arith.index_cast %select_n3A_2746 : i32 to index
      %get3A_2768 = arith.constant 0 : index
      %get3A_2769 = vector.load %arg9[%get3A_2767, %get3A_2768] : memref<2304x16xf32, #tpu.memory_space<vmem>>, vector<1x16xf32>
      %add3A_2770 = arith.addf %get3A_2766, %get3A_2769 : vector<1x16xf32>
      %mul3A_2771 = arith.mulf %add3A_2770, %convert_element_type3A_2754 : vector<1x16xf32>
      %reduce_sum3A_2772 = vector.shape_cast %mul3A_2771 : vector<1x16xf32> to vector<1x1x16xf32>
      %reduce_sum3A_2773 = arith.constant dense<0.000000e+00> : vector<1xf32>
      %reduce_sum3A_2774 = vector.multi_reduction <add>, %reduce_sum3A_2772, %reduce_sum3A_2773 [1, 2] : vector<1x1x16xf32> to vector<1xf32>
      %reduce_sum3A_2775 = vector.shape_cast %reduce_sum3A_2774 : vector<1xf32> to vector<1x1x1xf32>
      %reduce_sum3A_2776 = vector.extract %reduce_sum3A_2775[0, 0, 0] : f32 from vector<1x1x1xf32>
      %select_n3A_2777 = arith.select %lt3A_498, %reduce_sum3A_2763, %reduce_sum3A_2776 : f32
      %jit3A_2778 = arith.constant 0.000000e+00 : f32
      %select_n3A_2779 = arith.select %and3A_2734, %select_n3A_2777, %jit3A_2778 : f32
      %add3A_2780 = arith.addf %add3A_2677, %select_n3A_2779 : f32
      %ne3A_2781 = arith.cmpi ne, %select_n3A_545, %select_n3A_577 : i32
      %and3A_2782 = arith.constant true
      %and3A_2783 = arith.andi %and3A_2782, %ne3A_2781 : i1
      %ne3A_2784 = arith.cmpi ne, %select_n3A_545, %select_n3A_609 : i32
      %and3A_2785 = arith.andi %and3A_2783, %ne3A_2784 : i1
      %ne3A_2786 = arith.cmpi ne, %select_n3A_545, %select_n3A_641 : i32
      %and3A_2787 = arith.andi %and3A_2785, %ne3A_2786 : i1
      %ne3A_2788 = arith.cmpi ne, %select_n3A_545, %select_n3A_673 : i32
      %and3A_2789 = arith.andi %and3A_2787, %ne3A_2788 : i1
      %ne3A_2790 = arith.cmpi ne, %select_n3A_545, %select_n3A_705 : i32
      %and3A_2791 = arith.andi %and3A_2789, %ne3A_2790 : i1
      %ne3A_2792 = arith.cmpi ne, %select_n3A_545, %select_n3A_737 : i32
      %and3A_2793 = arith.andi %and3A_2791, %ne3A_2792 : i1
      %ne3A_2794 = arith.cmpi ne, %select_n3A_545, %select_n3A_769 : i32
      %and3A_2795 = arith.andi %and3A_2793, %ne3A_2794 : i1
      %ne3A_2796 = arith.cmpi ne, %select_n3A_545, %select_n3A_801 : i32
      %and3A_2797 = arith.andi %and3A_2795, %ne3A_2796 : i1
      %ne3A_2798 = arith.cmpi ne, %select_n3A_545, %select_n3A_833 : i32
      %and3A_2799 = arith.andi %and3A_2797, %ne3A_2798 : i1
      %ne3A_2800 = arith.cmpi ne, %select_n3A_545, %select_n3A_865 : i32
      %and3A_2801 = arith.andi %and3A_2799, %ne3A_2800 : i1
      %ne3A_2802 = arith.cmpi ne, %select_n3A_545, %select_n3A_897 : i32
      %and3A_2803 = arith.andi %and3A_2801, %ne3A_2802 : i1
      %ne3A_2804 = arith.cmpi ne, %select_n3A_545, %select_n3A_929 : i32
      %and3A_2805 = arith.andi %and3A_2803, %ne3A_2804 : i1
      %ne3A_2806 = arith.cmpi ne, %select_n3A_545, %select_n3A_961 : i32
      %and3A_2807 = arith.andi %and3A_2805, %ne3A_2806 : i1
      %ne3A_2808 = arith.cmpi ne, %select_n3A_545, %select_n3A_993 : i32
      %and3A_2809 = arith.andi %and3A_2807, %ne3A_2808 : i1
      %ne3A_2810 = arith.cmpi ne, %select_n3A_545, %select_n3A_1025 : i32
      %and3A_2811 = arith.andi %and3A_2809, %ne3A_2810 : i1
      %ne3A_2812 = arith.cmpi ne, %select_n3A_545, %select_n3A_1057 : i32
      %and3A_2813 = arith.andi %and3A_2811, %ne3A_2812 : i1
      %ne3A_2814 = arith.cmpi ne, %select_n3A_545, %select_n3A_1089 : i32
      %and3A_2815 = arith.andi %and3A_2813, %ne3A_2814 : i1
      %ne3A_2816 = arith.cmpi ne, %select_n3A_545, %select_n3A_1121 : i32
      %and3A_2817 = arith.andi %and3A_2815, %ne3A_2816 : i1
      %ne3A_2818 = arith.cmpi ne, %select_n3A_545, %select_n3A_1153 : i32
      %and3A_2819 = arith.andi %and3A_2817, %ne3A_2818 : i1
      %ne3A_2820 = arith.cmpi ne, %select_n3A_545, %select_n3A_1185 : i32
      %and3A_2821 = arith.andi %and3A_2819, %ne3A_2820 : i1
      %ne3A_2822 = arith.cmpi ne, %select_n3A_545, %select_n3A_1217 : i32
      %and3A_2823 = arith.andi %and3A_2821, %ne3A_2822 : i1
      %ne3A_2824 = arith.cmpi ne, %select_n3A_545, %select_n3A_1249 : i32
      %and3A_2825 = arith.andi %and3A_2823, %ne3A_2824 : i1
      %ne3A_2826 = arith.cmpi ne, %select_n3A_545, %select_n3A_1281 : i32
      %and3A_2827 = arith.andi %and3A_2825, %ne3A_2826 : i1
      %ne3A_2828 = arith.cmpi ne, %select_n3A_545, %select_n3A_1313 : i32
      %and3A_2829 = arith.andi %and3A_2827, %ne3A_2828 : i1
      %ne3A_2830 = arith.cmpi ne, %select_n3A_545, %select_n3A_1345 : i32
      %and3A_2831 = arith.andi %and3A_2829, %ne3A_2830 : i1
      %ne3A_2832 = arith.cmpi ne, %select_n3A_545, %select_n3A_1377 : i32
      %and3A_2833 = arith.andi %and3A_2831, %ne3A_2832 : i1
      %ne3A_2834 = arith.cmpi ne, %select_n3A_545, %select_n3A_1409 : i32
      %and3A_2835 = arith.andi %and3A_2833, %ne3A_2834 : i1
      %mul3A_2836 = arith.constant 48 : i32
      %mul3A_2837 = arith.muli %get3A_519, %mul3A_2836 : i32
      %add3A_2838 = arith.addi %mul3A_2837, %get3A_528 : i32
      %add3A_2839 = arith.constant 1 : i32
      %add3A_2840 = arith.addi %get3A_522, %add3A_2839 : i32
      %mul3A_2841 = arith.constant 48 : i32
      %mul3A_2842 = arith.muli %add3A_2840, %mul3A_2841 : i32
      %sub3A_2843 = arith.constant 1 : i32
      %sub3A_2844 = arith.subi %get3A_525, %sub3A_2843 : i32
      %add3A_2845 = arith.addi %mul3A_2842, %sub3A_2844 : i32
      %jit3A_2846 = arith.constant 0 : i32
      %select_n3A_2847 = arith.select %lt3A_530, %jit3A_2846, %add3A_2845 : i32
      %eq3A_2848 = vector.broadcast %get3A_516 : i32 to vector<1x32xi32>
      %eq3A_2849 = arith.cmpi eq, %iota3A_1410, %eq3A_2848 : vector<1x32xi32>
      %convert_element_type3A_2850 = arith.extui %eq3A_2849 : vector<1x32xi1> to vector<1x32xi32>
      %convert_element_type3A_2851 = arith.sitofp %convert_element_type3A_2850 : vector<1x32xi32> to vector<1x32xf32>
      %eq3A_2852 = vector.broadcast %get3A_516 : i32 to vector<1x16xi32>
      %eq3A_2853 = arith.cmpi eq, %iota3A_1411, %eq3A_2852 : vector<1x16xi32>
      %convert_element_type3A_2854 = arith.extui %eq3A_2853 : vector<1x16xi1> to vector<1x16xi32>
      %convert_element_type3A_2855 = arith.sitofp %convert_element_type3A_2854 : vector<1x16xi32> to vector<1x16xf32>
      %get3A_2856 = arith.index_cast %add3A_2838 : i32 to index
      %get3A_2857 = arith.constant 0 : index
      %get3A_2858 = vector.load %arg2[%get3A_2856, %get3A_2857] : memref<2304x32xf32, #tpu.memory_space<vmem>>, vector<1x32xf32>
      %mul3A_2859 = arith.mulf %get3A_2858, %convert_element_type3A_2851 : vector<1x32xf32>
      %reduce_sum3A_2860 = vector.shape_cast %mul3A_2859 : vector<1x32xf32> to vector<1x1x32xf32>
      %reduce_sum3A_2861 = arith.constant dense<0.000000e+00> : vector<1xf32>
      %reduce_sum3A_2862 = vector.multi_reduction <add>, %reduce_sum3A_2860, %reduce_sum3A_2861 [1, 2] : vector<1x1x32xf32> to vector<1xf32>
      %reduce_sum3A_2863 = vector.shape_cast %reduce_sum3A_2862 : vector<1xf32> to vector<1x1x1xf32>
      %reduce_sum3A_2864 = vector.extract %reduce_sum3A_2863[0, 0, 0] : f32 from vector<1x1x1xf32>
      %get3A_2865 = arith.index_cast %add3A_2838 : i32 to index
      %get3A_2866 = arith.constant 0 : index
      %get3A_2867 = vector.load %arg3[%get3A_2865, %get3A_2866] : memref<2304x16xf32, #tpu.memory_space<vmem>>, vector<1x16xf32>
      %get3A_2868 = arith.index_cast %select_n3A_2847 : i32 to index
      %get3A_2869 = arith.constant 0 : index
      %get3A_2870 = vector.load %arg9[%get3A_2868, %get3A_2869] : memref<2304x16xf32, #tpu.memory_space<vmem>>, vector<1x16xf32>
      %add3A_2871 = arith.addf %get3A_2867, %get3A_2870 : vector<1x16xf32>
      %mul3A_2872 = arith.mulf %add3A_2871, %convert_element_type3A_2855 : vector<1x16xf32>
      %reduce_sum3A_2873 = vector.shape_cast %mul3A_2872 : vector<1x16xf32> to vector<1x1x16xf32>
      %reduce_sum3A_2874 = arith.constant dense<0.000000e+00> : vector<1xf32>
      %reduce_sum3A_2875 = vector.multi_reduction <add>, %reduce_sum3A_2873, %reduce_sum3A_2874 [1, 2] : vector<1x1x16xf32> to vector<1xf32>
      %reduce_sum3A_2876 = vector.shape_cast %reduce_sum3A_2875 : vector<1xf32> to vector<1x1x1xf32>
      %reduce_sum3A_2877 = vector.extract %reduce_sum3A_2876[0, 0, 0] : f32 from vector<1x1x1xf32>
      %select_n3A_2878 = arith.select %lt3A_530, %reduce_sum3A_2864, %reduce_sum3A_2877 : f32
      %jit3A_2879 = arith.constant 0.000000e+00 : f32
      %select_n3A_2880 = arith.select %and3A_2835, %select_n3A_2878, %jit3A_2879 : f32
      %add3A_2881 = arith.addf %add3A_2780, %select_n3A_2880 : f32
      %ne3A_2882 = arith.cmpi ne, %select_n3A_577, %select_n3A_609 : i32
      %and3A_2883 = arith.constant true
      %and3A_2884 = arith.andi %and3A_2883, %ne3A_2882 : i1
      %ne3A_2885 = arith.cmpi ne, %select_n3A_577, %select_n3A_641 : i32
      %and3A_2886 = arith.andi %and3A_2884, %ne3A_2885 : i1
      %ne3A_2887 = arith.cmpi ne, %select_n3A_577, %select_n3A_673 : i32
      %and3A_2888 = arith.andi %and3A_2886, %ne3A_2887 : i1
      %ne3A_2889 = arith.cmpi ne, %select_n3A_577, %select_n3A_705 : i32
      %and3A_2890 = arith.andi %and3A_2888, %ne3A_2889 : i1
      %ne3A_2891 = arith.cmpi ne, %select_n3A_577, %select_n3A_737 : i32
      %and3A_2892 = arith.andi %and3A_2890, %ne3A_2891 : i1
      %ne3A_2893 = arith.cmpi ne, %select_n3A_577, %select_n3A_769 : i32
      %and3A_2894 = arith.andi %and3A_2892, %ne3A_2893 : i1
      %ne3A_2895 = arith.cmpi ne, %select_n3A_577, %select_n3A_801 : i32
      %and3A_2896 = arith.andi %and3A_2894, %ne3A_2895 : i1
      %ne3A_2897 = arith.cmpi ne, %select_n3A_577, %select_n3A_833 : i32
      %and3A_2898 = arith.andi %and3A_2896, %ne3A_2897 : i1
      %ne3A_2899 = arith.cmpi ne, %select_n3A_577, %select_n3A_865 : i32
      %and3A_2900 = arith.andi %and3A_2898, %ne3A_2899 : i1
      %ne3A_2901 = arith.cmpi ne, %select_n3A_577, %select_n3A_897 : i32
      %and3A_2902 = arith.andi %and3A_2900, %ne3A_2901 : i1
      %ne3A_2903 = arith.cmpi ne, %select_n3A_577, %select_n3A_929 : i32
      %and3A_2904 = arith.andi %and3A_2902, %ne3A_2903 : i1
      %ne3A_2905 = arith.cmpi ne, %select_n3A_577, %select_n3A_961 : i32
      %and3A_2906 = arith.andi %and3A_2904, %ne3A_2905 : i1
      %ne3A_2907 = arith.cmpi ne, %select_n3A_577, %select_n3A_993 : i32
      %and3A_2908 = arith.andi %and3A_2906, %ne3A_2907 : i1
      %ne3A_2909 = arith.cmpi ne, %select_n3A_577, %select_n3A_1025 : i32
      %and3A_2910 = arith.andi %and3A_2908, %ne3A_2909 : i1
      %ne3A_2911 = arith.cmpi ne, %select_n3A_577, %select_n3A_1057 : i32
      %and3A_2912 = arith.andi %and3A_2910, %ne3A_2911 : i1
      %ne3A_2913 = arith.cmpi ne, %select_n3A_577, %select_n3A_1089 : i32
      %and3A_2914 = arith.andi %and3A_2912, %ne3A_2913 : i1
      %ne3A_2915 = arith.cmpi ne, %select_n3A_577, %select_n3A_1121 : i32
      %and3A_2916 = arith.andi %and3A_2914, %ne3A_2915 : i1
      %ne3A_2917 = arith.cmpi ne, %select_n3A_577, %select_n3A_1153 : i32
      %and3A_2918 = arith.andi %and3A_2916, %ne3A_2917 : i1
      %ne3A_2919 = arith.cmpi ne, %select_n3A_577, %select_n3A_1185 : i32
      %and3A_2920 = arith.andi %and3A_2918, %ne3A_2919 : i1
      %ne3A_2921 = arith.cmpi ne, %select_n3A_577, %select_n3A_1217 : i32
      %and3A_2922 = arith.andi %and3A_2920, %ne3A_2921 : i1
      %ne3A_2923 = arith.cmpi ne, %select_n3A_577, %select_n3A_1249 : i32
      %and3A_2924 = arith.andi %and3A_2922, %ne3A_2923 : i1
      %ne3A_2925 = arith.cmpi ne, %select_n3A_577, %select_n3A_1281 : i32
      %and3A_2926 = arith.andi %and3A_2924, %ne3A_2925 : i1
      %ne3A_2927 = arith.cmpi ne, %select_n3A_577, %select_n3A_1313 : i32
      %and3A_2928 = arith.andi %and3A_2926, %ne3A_2927 : i1
      %ne3A_2929 = arith.cmpi ne, %select_n3A_577, %select_n3A_1345 : i32
      %and3A_2930 = arith.andi %and3A_2928, %ne3A_2929 : i1
      %ne3A_2931 = arith.cmpi ne, %select_n3A_577, %select_n3A_1377 : i32
      %and3A_2932 = arith.andi %and3A_2930, %ne3A_2931 : i1
      %ne3A_2933 = arith.cmpi ne, %select_n3A_577, %select_n3A_1409 : i32
      %and3A_2934 = arith.andi %and3A_2932, %ne3A_2933 : i1
      %mul3A_2935 = arith.constant 48 : i32
      %mul3A_2936 = arith.muli %get3A_551, %mul3A_2935 : i32
      %add3A_2937 = arith.addi %mul3A_2936, %get3A_560 : i32
      %add3A_2938 = arith.constant 1 : i32
      %add3A_2939 = arith.addi %get3A_554, %add3A_2938 : i32
      %mul3A_2940 = arith.constant 48 : i32
      %mul3A_2941 = arith.muli %add3A_2939, %mul3A_2940 : i32
      %sub3A_2942 = arith.constant 1 : i32
      %sub3A_2943 = arith.subi %get3A_557, %sub3A_2942 : i32
      %add3A_2944 = arith.addi %mul3A_2941, %sub3A_2943 : i32
      %jit3A_2945 = arith.constant 0 : i32
      %select_n3A_2946 = arith.select %lt3A_562, %jit3A_2945, %add3A_2944 : i32
      %eq3A_2947 = vector.broadcast %get3A_548 : i32 to vector<1x32xi32>
      %eq3A_2948 = arith.cmpi eq, %iota3A_1410, %eq3A_2947 : vector<1x32xi32>
      %convert_element_type3A_2949 = arith.extui %eq3A_2948 : vector<1x32xi1> to vector<1x32xi32>
      %convert_element_type3A_2950 = arith.sitofp %convert_element_type3A_2949 : vector<1x32xi32> to vector<1x32xf32>
      %eq3A_2951 = vector.broadcast %get3A_548 : i32 to vector<1x16xi32>
      %eq3A_2952 = arith.cmpi eq, %iota3A_1411, %eq3A_2951 : vector<1x16xi32>
      %convert_element_type3A_2953 = arith.extui %eq3A_2952 : vector<1x16xi1> to vector<1x16xi32>
      %convert_element_type3A_2954 = arith.sitofp %convert_element_type3A_2953 : vector<1x16xi32> to vector<1x16xf32>
      %get3A_2955 = arith.index_cast %add3A_2937 : i32 to index
      %get3A_2956 = arith.constant 0 : index
      %get3A_2957 = vector.load %arg2[%get3A_2955, %get3A_2956] : memref<2304x32xf32, #tpu.memory_space<vmem>>, vector<1x32xf32>
      %mul3A_2958 = arith.mulf %get3A_2957, %convert_element_type3A_2950 : vector<1x32xf32>
      %reduce_sum3A_2959 = vector.shape_cast %mul3A_2958 : vector<1x32xf32> to vector<1x1x32xf32>
      %reduce_sum3A_2960 = arith.constant dense<0.000000e+00> : vector<1xf32>
      %reduce_sum3A_2961 = vector.multi_reduction <add>, %reduce_sum3A_2959, %reduce_sum3A_2960 [1, 2] : vector<1x1x32xf32> to vector<1xf32>
      %reduce_sum3A_2962 = vector.shape_cast %reduce_sum3A_2961 : vector<1xf32> to vector<1x1x1xf32>
      %reduce_sum3A_2963 = vector.extract %reduce_sum3A_2962[0, 0, 0] : f32 from vector<1x1x1xf32>
      %get3A_2964 = arith.index_cast %add3A_2937 : i32 to index
      %get3A_2965 = arith.constant 0 : index
      %get3A_2966 = vector.load %arg3[%get3A_2964, %get3A_2965] : memref<2304x16xf32, #tpu.memory_space<vmem>>, vector<1x16xf32>
      %get3A_2967 = arith.index_cast %select_n3A_2946 : i32 to index
      %get3A_2968 = arith.constant 0 : index
      %get3A_2969 = vector.load %arg9[%get3A_2967, %get3A_2968] : memref<2304x16xf32, #tpu.memory_space<vmem>>, vector<1x16xf32>
      %add3A_2970 = arith.addf %get3A_2966, %get3A_2969 : vector<1x16xf32>
      %mul3A_2971 = arith.mulf %add3A_2970, %convert_element_type3A_2954 : vector<1x16xf32>
      %reduce_sum3A_2972 = vector.shape_cast %mul3A_2971 : vector<1x16xf32> to vector<1x1x16xf32>
      %reduce_sum3A_2973 = arith.constant dense<0.000000e+00> : vector<1xf32>
      %reduce_sum3A_2974 = vector.multi_reduction <add>, %reduce_sum3A_2972, %reduce_sum3A_2973 [1, 2] : vector<1x1x16xf32> to vector<1xf32>
      %reduce_sum3A_2975 = vector.shape_cast %reduce_sum3A_2974 : vector<1xf32> to vector<1x1x1xf32>
      %reduce_sum3A_2976 = vector.extract %reduce_sum3A_2975[0, 0, 0] : f32 from vector<1x1x1xf32>
      %select_n3A_2977 = arith.select %lt3A_562, %reduce_sum3A_2963, %reduce_sum3A_2976 : f32
      %jit3A_2978 = arith.constant 0.000000e+00 : f32
      %select_n3A_2979 = arith.select %and3A_2934, %select_n3A_2977, %jit3A_2978 : f32
      %add3A_2980 = arith.addf %add3A_2881, %select_n3A_2979 : f32
      %ne3A_2981 = arith.cmpi ne, %select_n3A_609, %select_n3A_641 : i32
      %and3A_2982 = arith.constant true
      %and3A_2983 = arith.andi %and3A_2982, %ne3A_2981 : i1
      %ne3A_2984 = arith.cmpi ne, %select_n3A_609, %select_n3A_673 : i32
      %and3A_2985 = arith.andi %and3A_2983, %ne3A_2984 : i1
      %ne3A_2986 = arith.cmpi ne, %select_n3A_609, %select_n3A_705 : i32
      %and3A_2987 = arith.andi %and3A_2985, %ne3A_2986 : i1
      %ne3A_2988 = arith.cmpi ne, %select_n3A_609, %select_n3A_737 : i32
      %and3A_2989 = arith.andi %and3A_2987, %ne3A_2988 : i1
      %ne3A_2990 = arith.cmpi ne, %select_n3A_609, %select_n3A_769 : i32
      %and3A_2991 = arith.andi %and3A_2989, %ne3A_2990 : i1
      %ne3A_2992 = arith.cmpi ne, %select_n3A_609, %select_n3A_801 : i32
      %and3A_2993 = arith.andi %and3A_2991, %ne3A_2992 : i1
      %ne3A_2994 = arith.cmpi ne, %select_n3A_609, %select_n3A_833 : i32
      %and3A_2995 = arith.andi %and3A_2993, %ne3A_2994 : i1
      %ne3A_2996 = arith.cmpi ne, %select_n3A_609, %select_n3A_865 : i32
      %and3A_2997 = arith.andi %and3A_2995, %ne3A_2996 : i1
      %ne3A_2998 = arith.cmpi ne, %select_n3A_609, %select_n3A_897 : i32
      %and3A_2999 = arith.andi %and3A_2997, %ne3A_2998 : i1
      %ne3A_3000 = arith.cmpi ne, %select_n3A_609, %select_n3A_929 : i32
      %and3A_3001 = arith.andi %and3A_2999, %ne3A_3000 : i1
      %ne3A_3002 = arith.cmpi ne, %select_n3A_609, %select_n3A_961 : i32
      %and3A_3003 = arith.andi %and3A_3001, %ne3A_3002 : i1
      %ne3A_3004 = arith.cmpi ne, %select_n3A_609, %select_n3A_993 : i32
      %and3A_3005 = arith.andi %and3A_3003, %ne3A_3004 : i1
      %ne3A_3006 = arith.cmpi ne, %select_n3A_609, %select_n3A_1025 : i32
      %and3A_3007 = arith.andi %and3A_3005, %ne3A_3006 : i1
      %ne3A_3008 = arith.cmpi ne, %select_n3A_609, %select_n3A_1057 : i32
      %and3A_3009 = arith.andi %and3A_3007, %ne3A_3008 : i1
      %ne3A_3010 = arith.cmpi ne, %select_n3A_609, %select_n3A_1089 : i32
      %and3A_3011 = arith.andi %and3A_3009, %ne3A_3010 : i1
      %ne3A_3012 = arith.cmpi ne, %select_n3A_609, %select_n3A_1121 : i32
      %and3A_3013 = arith.andi %and3A_3011, %ne3A_3012 : i1
      %ne3A_3014 = arith.cmpi ne, %select_n3A_609, %select_n3A_1153 : i32
      %and3A_3015 = arith.andi %and3A_3013, %ne3A_3014 : i1
      %ne3A_3016 = arith.cmpi ne, %select_n3A_609, %select_n3A_1185 : i32
      %and3A_3017 = arith.andi %and3A_3015, %ne3A_3016 : i1
      %ne3A_3018 = arith.cmpi ne, %select_n3A_609, %select_n3A_1217 : i32
      %and3A_3019 = arith.andi %and3A_3017, %ne3A_3018 : i1
      %ne3A_3020 = arith.cmpi ne, %select_n3A_609, %select_n3A_1249 : i32
      %and3A_3021 = arith.andi %and3A_3019, %ne3A_3020 : i1
      %ne3A_3022 = arith.cmpi ne, %select_n3A_609, %select_n3A_1281 : i32
      %and3A_3023 = arith.andi %and3A_3021, %ne3A_3022 : i1
      %ne3A_3024 = arith.cmpi ne, %select_n3A_609, %select_n3A_1313 : i32
      %and3A_3025 = arith.andi %and3A_3023, %ne3A_3024 : i1
      %ne3A_3026 = arith.cmpi ne, %select_n3A_609, %select_n3A_1345 : i32
      %and3A_3027 = arith.andi %and3A_3025, %ne3A_3026 : i1
      %ne3A_3028 = arith.cmpi ne, %select_n3A_609, %select_n3A_1377 : i32
      %and3A_3029 = arith.andi %and3A_3027, %ne3A_3028 : i1
      %ne3A_3030 = arith.cmpi ne, %select_n3A_609, %select_n3A_1409 : i32
      %and3A_3031 = arith.andi %and3A_3029, %ne3A_3030 : i1
      %mul3A_3032 = arith.constant 48 : i32
      %mul3A_3033 = arith.muli %get3A_583, %mul3A_3032 : i32
      %add3A_3034 = arith.addi %mul3A_3033, %get3A_592 : i32
      %add3A_3035 = arith.constant 1 : i32
      %add3A_3036 = arith.addi %get3A_586, %add3A_3035 : i32
      %mul3A_3037 = arith.constant 48 : i32
      %mul3A_3038 = arith.muli %add3A_3036, %mul3A_3037 : i32
      %sub3A_3039 = arith.constant 1 : i32
      %sub3A_3040 = arith.subi %get3A_589, %sub3A_3039 : i32
      %add3A_3041 = arith.addi %mul3A_3038, %sub3A_3040 : i32
      %jit3A_3042 = arith.constant 0 : i32
      %select_n3A_3043 = arith.select %lt3A_594, %jit3A_3042, %add3A_3041 : i32
      %eq3A_3044 = vector.broadcast %get3A_580 : i32 to vector<1x32xi32>
      %eq3A_3045 = arith.cmpi eq, %iota3A_1410, %eq3A_3044 : vector<1x32xi32>
      %convert_element_type3A_3046 = arith.extui %eq3A_3045 : vector<1x32xi1> to vector<1x32xi32>
      %convert_element_type3A_3047 = arith.sitofp %convert_element_type3A_3046 : vector<1x32xi32> to vector<1x32xf32>
      %eq3A_3048 = vector.broadcast %get3A_580 : i32 to vector<1x16xi32>
      %eq3A_3049 = arith.cmpi eq, %iota3A_1411, %eq3A_3048 : vector<1x16xi32>
      %convert_element_type3A_3050 = arith.extui %eq3A_3049 : vector<1x16xi1> to vector<1x16xi32>
      %convert_element_type3A_3051 = arith.sitofp %convert_element_type3A_3050 : vector<1x16xi32> to vector<1x16xf32>
      %get3A_3052 = arith.index_cast %add3A_3034 : i32 to index
      %get3A_3053 = arith.constant 0 : index
      %get3A_3054 = vector.load %arg2[%get3A_3052, %get3A_3053] : memref<2304x32xf32, #tpu.memory_space<vmem>>, vector<1x32xf32>
      %mul3A_3055 = arith.mulf %get3A_3054, %convert_element_type3A_3047 : vector<1x32xf32>
      %reduce_sum3A_3056 = vector.shape_cast %mul3A_3055 : vector<1x32xf32> to vector<1x1x32xf32>
      %reduce_sum3A_3057 = arith.constant dense<0.000000e+00> : vector<1xf32>
      %reduce_sum3A_3058 = vector.multi_reduction <add>, %reduce_sum3A_3056, %reduce_sum3A_3057 [1, 2] : vector<1x1x32xf32> to vector<1xf32>
      %reduce_sum3A_3059 = vector.shape_cast %reduce_sum3A_3058 : vector<1xf32> to vector<1x1x1xf32>
      %reduce_sum3A_3060 = vector.extract %reduce_sum3A_3059[0, 0, 0] : f32 from vector<1x1x1xf32>
      %get3A_3061 = arith.index_cast %add3A_3034 : i32 to index
      %get3A_3062 = arith.constant 0 : index
      %get3A_3063 = vector.load %arg3[%get3A_3061, %get3A_3062] : memref<2304x16xf32, #tpu.memory_space<vmem>>, vector<1x16xf32>
      %get3A_3064 = arith.index_cast %select_n3A_3043 : i32 to index
      %get3A_3065 = arith.constant 0 : index
      %get3A_3066 = vector.load %arg9[%get3A_3064, %get3A_3065] : memref<2304x16xf32, #tpu.memory_space<vmem>>, vector<1x16xf32>
      %add3A_3067 = arith.addf %get3A_3063, %get3A_3066 : vector<1x16xf32>
      %mul3A_3068 = arith.mulf %add3A_3067, %convert_element_type3A_3051 : vector<1x16xf32>
      %reduce_sum3A_3069 = vector.shape_cast %mul3A_3068 : vector<1x16xf32> to vector<1x1x16xf32>
      %reduce_sum3A_3070 = arith.constant dense<0.000000e+00> : vector<1xf32>
      %reduce_sum3A_3071 = vector.multi_reduction <add>, %reduce_sum3A_3069, %reduce_sum3A_3070 [1, 2] : vector<1x1x16xf32> to vector<1xf32>
      %reduce_sum3A_3072 = vector.shape_cast %reduce_sum3A_3071 : vector<1xf32> to vector<1x1x1xf32>
      %reduce_sum3A_3073 = vector.extract %reduce_sum3A_3072[0, 0, 0] : f32 from vector<1x1x1xf32>
      %select_n3A_3074 = arith.select %lt3A_594, %reduce_sum3A_3060, %reduce_sum3A_3073 : f32
      %jit3A_3075 = arith.constant 0.000000e+00 : f32
      %select_n3A_3076 = arith.select %and3A_3031, %select_n3A_3074, %jit3A_3075 : f32
      %add3A_3077 = arith.addf %add3A_2980, %select_n3A_3076 : f32
      %ne3A_3078 = arith.cmpi ne, %select_n3A_641, %select_n3A_673 : i32
      %and3A_3079 = arith.constant true
      %and3A_3080 = arith.andi %and3A_3079, %ne3A_3078 : i1
      %ne3A_3081 = arith.cmpi ne, %select_n3A_641, %select_n3A_705 : i32
      %and3A_3082 = arith.andi %and3A_3080, %ne3A_3081 : i1
      %ne3A_3083 = arith.cmpi ne, %select_n3A_641, %select_n3A_737 : i32
      %and3A_3084 = arith.andi %and3A_3082, %ne3A_3083 : i1
      %ne3A_3085 = arith.cmpi ne, %select_n3A_641, %select_n3A_769 : i32
      %and3A_3086 = arith.andi %and3A_3084, %ne3A_3085 : i1
      %ne3A_3087 = arith.cmpi ne, %select_n3A_641, %select_n3A_801 : i32
      %and3A_3088 = arith.andi %and3A_3086, %ne3A_3087 : i1
      %ne3A_3089 = arith.cmpi ne, %select_n3A_641, %select_n3A_833 : i32
      %and3A_3090 = arith.andi %and3A_3088, %ne3A_3089 : i1
      %ne3A_3091 = arith.cmpi ne, %select_n3A_641, %select_n3A_865 : i32
      %and3A_3092 = arith.andi %and3A_3090, %ne3A_3091 : i1
      %ne3A_3093 = arith.cmpi ne, %select_n3A_641, %select_n3A_897 : i32
      %and3A_3094 = arith.andi %and3A_3092, %ne3A_3093 : i1
      %ne3A_3095 = arith.cmpi ne, %select_n3A_641, %select_n3A_929 : i32
      %and3A_3096 = arith.andi %and3A_3094, %ne3A_3095 : i1
      %ne3A_3097 = arith.cmpi ne, %select_n3A_641, %select_n3A_961 : i32
      %and3A_3098 = arith.andi %and3A_3096, %ne3A_3097 : i1
      %ne3A_3099 = arith.cmpi ne, %select_n3A_641, %select_n3A_993 : i32
      %and3A_3100 = arith.andi %and3A_3098, %ne3A_3099 : i1
      %ne3A_3101 = arith.cmpi ne, %select_n3A_641, %select_n3A_1025 : i32
      %and3A_3102 = arith.andi %and3A_3100, %ne3A_3101 : i1
      %ne3A_3103 = arith.cmpi ne, %select_n3A_641, %select_n3A_1057 : i32
      %and3A_3104 = arith.andi %and3A_3102, %ne3A_3103 : i1
      %ne3A_3105 = arith.cmpi ne, %select_n3A_641, %select_n3A_1089 : i32
      %and3A_3106 = arith.andi %and3A_3104, %ne3A_3105 : i1
      %ne3A_3107 = arith.cmpi ne, %select_n3A_641, %select_n3A_1121 : i32
      %and3A_3108 = arith.andi %and3A_3106, %ne3A_3107 : i1
      %ne3A_3109 = arith.cmpi ne, %select_n3A_641, %select_n3A_1153 : i32
      %and3A_3110 = arith.andi %and3A_3108, %ne3A_3109 : i1
      %ne3A_3111 = arith.cmpi ne, %select_n3A_641, %select_n3A_1185 : i32
      %and3A_3112 = arith.andi %and3A_3110, %ne3A_3111 : i1
      %ne3A_3113 = arith.cmpi ne, %select_n3A_641, %select_n3A_1217 : i32
      %and3A_3114 = arith.andi %and3A_3112, %ne3A_3113 : i1
      %ne3A_3115 = arith.cmpi ne, %select_n3A_641, %select_n3A_1249 : i32
      %and3A_3116 = arith.andi %and3A_3114, %ne3A_3115 : i1
      %ne3A_3117 = arith.cmpi ne, %select_n3A_641, %select_n3A_1281 : i32
      %and3A_3118 = arith.andi %and3A_3116, %ne3A_3117 : i1
      %ne3A_3119 = arith.cmpi ne, %select_n3A_641, %select_n3A_1313 : i32
      %and3A_3120 = arith.andi %and3A_3118, %ne3A_3119 : i1
      %ne3A_3121 = arith.cmpi ne, %select_n3A_641, %select_n3A_1345 : i32
      %and3A_3122 = arith.andi %and3A_3120, %ne3A_3121 : i1
      %ne3A_3123 = arith.cmpi ne, %select_n3A_641, %select_n3A_1377 : i32
      %and3A_3124 = arith.andi %and3A_3122, %ne3A_3123 : i1
      %ne3A_3125 = arith.cmpi ne, %select_n3A_641, %select_n3A_1409 : i32
      %and3A_3126 = arith.andi %and3A_3124, %ne3A_3125 : i1
      %mul3A_3127 = arith.constant 48 : i32
      %mul3A_3128 = arith.muli %get3A_615, %mul3A_3127 : i32
      %add3A_3129 = arith.addi %mul3A_3128, %get3A_624 : i32
      %add3A_3130 = arith.constant 1 : i32
      %add3A_3131 = arith.addi %get3A_618, %add3A_3130 : i32
      %mul3A_3132 = arith.constant 48 : i32
      %mul3A_3133 = arith.muli %add3A_3131, %mul3A_3132 : i32
      %sub3A_3134 = arith.constant 1 : i32
      %sub3A_3135 = arith.subi %get3A_621, %sub3A_3134 : i32
      %add3A_3136 = arith.addi %mul3A_3133, %sub3A_3135 : i32
      %jit3A_3137 = arith.constant 0 : i32
      %select_n3A_3138 = arith.select %lt3A_626, %jit3A_3137, %add3A_3136 : i32
      %eq3A_3139 = vector.broadcast %get3A_612 : i32 to vector<1x32xi32>
      %eq3A_3140 = arith.cmpi eq, %iota3A_1410, %eq3A_3139 : vector<1x32xi32>
      %convert_element_type3A_3141 = arith.extui %eq3A_3140 : vector<1x32xi1> to vector<1x32xi32>
      %convert_element_type3A_3142 = arith.sitofp %convert_element_type3A_3141 : vector<1x32xi32> to vector<1x32xf32>
      %eq3A_3143 = vector.broadcast %get3A_612 : i32 to vector<1x16xi32>
      %eq3A_3144 = arith.cmpi eq, %iota3A_1411, %eq3A_3143 : vector<1x16xi32>
      %convert_element_type3A_3145 = arith.extui %eq3A_3144 : vector<1x16xi1> to vector<1x16xi32>
      %convert_element_type3A_3146 = arith.sitofp %convert_element_type3A_3145 : vector<1x16xi32> to vector<1x16xf32>
      %get3A_3147 = arith.index_cast %add3A_3129 : i32 to index
      %get3A_3148 = arith.constant 0 : index
      %get3A_3149 = vector.load %arg2[%get3A_3147, %get3A_3148] : memref<2304x32xf32, #tpu.memory_space<vmem>>, vector<1x32xf32>
      %mul3A_3150 = arith.mulf %get3A_3149, %convert_element_type3A_3142 : vector<1x32xf32>
      %reduce_sum3A_3151 = vector.shape_cast %mul3A_3150 : vector<1x32xf32> to vector<1x1x32xf32>
      %reduce_sum3A_3152 = arith.constant dense<0.000000e+00> : vector<1xf32>
      %reduce_sum3A_3153 = vector.multi_reduction <add>, %reduce_sum3A_3151, %reduce_sum3A_3152 [1, 2] : vector<1x1x32xf32> to vector<1xf32>
      %reduce_sum3A_3154 = vector.shape_cast %reduce_sum3A_3153 : vector<1xf32> to vector<1x1x1xf32>
      %reduce_sum3A_3155 = vector.extract %reduce_sum3A_3154[0, 0, 0] : f32 from vector<1x1x1xf32>
      %get3A_3156 = arith.index_cast %add3A_3129 : i32 to index
      %get3A_3157 = arith.constant 0 : index
      %get3A_3158 = vector.load %arg3[%get3A_3156, %get3A_3157] : memref<2304x16xf32, #tpu.memory_space<vmem>>, vector<1x16xf32>
      %get3A_3159 = arith.index_cast %select_n3A_3138 : i32 to index
      %get3A_3160 = arith.constant 0 : index
      %get3A_3161 = vector.load %arg9[%get3A_3159, %get3A_3160] : memref<2304x16xf32, #tpu.memory_space<vmem>>, vector<1x16xf32>
      %add3A_3162 = arith.addf %get3A_3158, %get3A_3161 : vector<1x16xf32>
      %mul3A_3163 = arith.mulf %add3A_3162, %convert_element_type3A_3146 : vector<1x16xf32>
      %reduce_sum3A_3164 = vector.shape_cast %mul3A_3163 : vector<1x16xf32> to vector<1x1x16xf32>
      %reduce_sum3A_3165 = arith.constant dense<0.000000e+00> : vector<1xf32>
      %reduce_sum3A_3166 = vector.multi_reduction <add>, %reduce_sum3A_3164, %reduce_sum3A_3165 [1, 2] : vector<1x1x16xf32> to vector<1xf32>
      %reduce_sum3A_3167 = vector.shape_cast %reduce_sum3A_3166 : vector<1xf32> to vector<1x1x1xf32>
      %reduce_sum3A_3168 = vector.extract %reduce_sum3A_3167[0, 0, 0] : f32 from vector<1x1x1xf32>
      %select_n3A_3169 = arith.select %lt3A_626, %reduce_sum3A_3155, %reduce_sum3A_3168 : f32
      %jit3A_3170 = arith.constant 0.000000e+00 : f32
      %select_n3A_3171 = arith.select %and3A_3126, %select_n3A_3169, %jit3A_3170 : f32
      %add3A_3172 = arith.addf %add3A_3077, %select_n3A_3171 : f32
      %ne3A_3173 = arith.cmpi ne, %select_n3A_673, %select_n3A_705 : i32
      %and3A_3174 = arith.constant true
      %and3A_3175 = arith.andi %and3A_3174, %ne3A_3173 : i1
      %ne3A_3176 = arith.cmpi ne, %select_n3A_673, %select_n3A_737 : i32
      %and3A_3177 = arith.andi %and3A_3175, %ne3A_3176 : i1
      %ne3A_3178 = arith.cmpi ne, %select_n3A_673, %select_n3A_769 : i32
      %and3A_3179 = arith.andi %and3A_3177, %ne3A_3178 : i1
      %ne3A_3180 = arith.cmpi ne, %select_n3A_673, %select_n3A_801 : i32
      %and3A_3181 = arith.andi %and3A_3179, %ne3A_3180 : i1
      %ne3A_3182 = arith.cmpi ne, %select_n3A_673, %select_n3A_833 : i32
      %and3A_3183 = arith.andi %and3A_3181, %ne3A_3182 : i1
      %ne3A_3184 = arith.cmpi ne, %select_n3A_673, %select_n3A_865 : i32
      %and3A_3185 = arith.andi %and3A_3183, %ne3A_3184 : i1
      %ne3A_3186 = arith.cmpi ne, %select_n3A_673, %select_n3A_897 : i32
      %and3A_3187 = arith.andi %and3A_3185, %ne3A_3186 : i1
      %ne3A_3188 = arith.cmpi ne, %select_n3A_673, %select_n3A_929 : i32
      %and3A_3189 = arith.andi %and3A_3187, %ne3A_3188 : i1
      %ne3A_3190 = arith.cmpi ne, %select_n3A_673, %select_n3A_961 : i32
      %and3A_3191 = arith.andi %and3A_3189, %ne3A_3190 : i1
      %ne3A_3192 = arith.cmpi ne, %select_n3A_673, %select_n3A_993 : i32
      %and3A_3193 = arith.andi %and3A_3191, %ne3A_3192 : i1
      %ne3A_3194 = arith.cmpi ne, %select_n3A_673, %select_n3A_1025 : i32
      %and3A_3195 = arith.andi %and3A_3193, %ne3A_3194 : i1
      %ne3A_3196 = arith.cmpi ne, %select_n3A_673, %select_n3A_1057 : i32
      %and3A_3197 = arith.andi %and3A_3195, %ne3A_3196 : i1
      %ne3A_3198 = arith.cmpi ne, %select_n3A_673, %select_n3A_1089 : i32
      %and3A_3199 = arith.andi %and3A_3197, %ne3A_3198 : i1
      %ne3A_3200 = arith.cmpi ne, %select_n3A_673, %select_n3A_1121 : i32
      %and3A_3201 = arith.andi %and3A_3199, %ne3A_3200 : i1
      %ne3A_3202 = arith.cmpi ne, %select_n3A_673, %select_n3A_1153 : i32
      %and3A_3203 = arith.andi %and3A_3201, %ne3A_3202 : i1
      %ne3A_3204 = arith.cmpi ne, %select_n3A_673, %select_n3A_1185 : i32
      %and3A_3205 = arith.andi %and3A_3203, %ne3A_3204 : i1
      %ne3A_3206 = arith.cmpi ne, %select_n3A_673, %select_n3A_1217 : i32
      %and3A_3207 = arith.andi %and3A_3205, %ne3A_3206 : i1
      %ne3A_3208 = arith.cmpi ne, %select_n3A_673, %select_n3A_1249 : i32
      %and3A_3209 = arith.andi %and3A_3207, %ne3A_3208 : i1
      %ne3A_3210 = arith.cmpi ne, %select_n3A_673, %select_n3A_1281 : i32
      %and3A_3211 = arith.andi %and3A_3209, %ne3A_3210 : i1
      %ne3A_3212 = arith.cmpi ne, %select_n3A_673, %select_n3A_1313 : i32
      %and3A_3213 = arith.andi %and3A_3211, %ne3A_3212 : i1
      %ne3A_3214 = arith.cmpi ne, %select_n3A_673, %select_n3A_1345 : i32
      %and3A_3215 = arith.andi %and3A_3213, %ne3A_3214 : i1
      %ne3A_3216 = arith.cmpi ne, %select_n3A_673, %select_n3A_1377 : i32
      %and3A_3217 = arith.andi %and3A_3215, %ne3A_3216 : i1
      %ne3A_3218 = arith.cmpi ne, %select_n3A_673, %select_n3A_1409 : i32
      %and3A_3219 = arith.andi %and3A_3217, %ne3A_3218 : i1
      %mul3A_3220 = arith.constant 48 : i32
      %mul3A_3221 = arith.muli %get3A_647, %mul3A_3220 : i32
      %add3A_3222 = arith.addi %mul3A_3221, %get3A_656 : i32
      %add3A_3223 = arith.constant 1 : i32
      %add3A_3224 = arith.addi %get3A_650, %add3A_3223 : i32
      %mul3A_3225 = arith.constant 48 : i32
      %mul3A_3226 = arith.muli %add3A_3224, %mul3A_3225 : i32
      %sub3A_3227 = arith.constant 1 : i32
      %sub3A_3228 = arith.subi %get3A_653, %sub3A_3227 : i32
      %add3A_3229 = arith.addi %mul3A_3226, %sub3A_3228 : i32
      %jit3A_3230 = arith.constant 0 : i32
      %select_n3A_3231 = arith.select %lt3A_658, %jit3A_3230, %add3A_3229 : i32
      %eq3A_3232 = vector.broadcast %get3A_644 : i32 to vector<1x32xi32>
      %eq3A_3233 = arith.cmpi eq, %iota3A_1410, %eq3A_3232 : vector<1x32xi32>
      %convert_element_type3A_3234 = arith.extui %eq3A_3233 : vector<1x32xi1> to vector<1x32xi32>
      %convert_element_type3A_3235 = arith.sitofp %convert_element_type3A_3234 : vector<1x32xi32> to vector<1x32xf32>
      %eq3A_3236 = vector.broadcast %get3A_644 : i32 to vector<1x16xi32>
      %eq3A_3237 = arith.cmpi eq, %iota3A_1411, %eq3A_3236 : vector<1x16xi32>
      %convert_element_type3A_3238 = arith.extui %eq3A_3237 : vector<1x16xi1> to vector<1x16xi32>
      %convert_element_type3A_3239 = arith.sitofp %convert_element_type3A_3238 : vector<1x16xi32> to vector<1x16xf32>
      %get3A_3240 = arith.index_cast %add3A_3222 : i32 to index
      %get3A_3241 = arith.constant 0 : index
      %get3A_3242 = vector.load %arg2[%get3A_3240, %get3A_3241] : memref<2304x32xf32, #tpu.memory_space<vmem>>, vector<1x32xf32>
      %mul3A_3243 = arith.mulf %get3A_3242, %convert_element_type3A_3235 : vector<1x32xf32>
      %reduce_sum3A_3244 = vector.shape_cast %mul3A_3243 : vector<1x32xf32> to vector<1x1x32xf32>
      %reduce_sum3A_3245 = arith.constant dense<0.000000e+00> : vector<1xf32>
      %reduce_sum3A_3246 = vector.multi_reduction <add>, %reduce_sum3A_3244, %reduce_sum3A_3245 [1, 2] : vector<1x1x32xf32> to vector<1xf32>
      %reduce_sum3A_3247 = vector.shape_cast %reduce_sum3A_3246 : vector<1xf32> to vector<1x1x1xf32>
      %reduce_sum3A_3248 = vector.extract %reduce_sum3A_3247[0, 0, 0] : f32 from vector<1x1x1xf32>
      %get3A_3249 = arith.index_cast %add3A_3222 : i32 to index
      %get3A_3250 = arith.constant 0 : index
      %get3A_3251 = vector.load %arg3[%get3A_3249, %get3A_3250] : memref<2304x16xf32, #tpu.memory_space<vmem>>, vector<1x16xf32>
      %get3A_3252 = arith.index_cast %select_n3A_3231 : i32 to index
      %get3A_3253 = arith.constant 0 : index
      %get3A_3254 = vector.load %arg9[%get3A_3252, %get3A_3253] : memref<2304x16xf32, #tpu.memory_space<vmem>>, vector<1x16xf32>
      %add3A_3255 = arith.addf %get3A_3251, %get3A_3254 : vector<1x16xf32>
      %mul3A_3256 = arith.mulf %add3A_3255, %convert_element_type3A_3239 : vector<1x16xf32>
      %reduce_sum3A_3257 = vector.shape_cast %mul3A_3256 : vector<1x16xf32> to vector<1x1x16xf32>
      %reduce_sum3A_3258 = arith.constant dense<0.000000e+00> : vector<1xf32>
      %reduce_sum3A_3259 = vector.multi_reduction <add>, %reduce_sum3A_3257, %reduce_sum3A_3258 [1, 2] : vector<1x1x16xf32> to vector<1xf32>
      %reduce_sum3A_3260 = vector.shape_cast %reduce_sum3A_3259 : vector<1xf32> to vector<1x1x1xf32>
      %reduce_sum3A_3261 = vector.extract %reduce_sum3A_3260[0, 0, 0] : f32 from vector<1x1x1xf32>
      %select_n3A_3262 = arith.select %lt3A_658, %reduce_sum3A_3248, %reduce_sum3A_3261 : f32
      %jit3A_3263 = arith.constant 0.000000e+00 : f32
      %select_n3A_3264 = arith.select %and3A_3219, %select_n3A_3262, %jit3A_3263 : f32
      %add3A_3265 = arith.addf %add3A_3172, %select_n3A_3264 : f32
      %ne3A_3266 = arith.cmpi ne, %select_n3A_705, %select_n3A_737 : i32
      %and3A_3267 = arith.constant true
      %and3A_3268 = arith.andi %and3A_3267, %ne3A_3266 : i1
      %ne3A_3269 = arith.cmpi ne, %select_n3A_705, %select_n3A_769 : i32
      %and3A_3270 = arith.andi %and3A_3268, %ne3A_3269 : i1
      %ne3A_3271 = arith.cmpi ne, %select_n3A_705, %select_n3A_801 : i32
      %and3A_3272 = arith.andi %and3A_3270, %ne3A_3271 : i1
      %ne3A_3273 = arith.cmpi ne, %select_n3A_705, %select_n3A_833 : i32
      %and3A_3274 = arith.andi %and3A_3272, %ne3A_3273 : i1
      %ne3A_3275 = arith.cmpi ne, %select_n3A_705, %select_n3A_865 : i32
      %and3A_3276 = arith.andi %and3A_3274, %ne3A_3275 : i1
      %ne3A_3277 = arith.cmpi ne, %select_n3A_705, %select_n3A_897 : i32
      %and3A_3278 = arith.andi %and3A_3276, %ne3A_3277 : i1
      %ne3A_3279 = arith.cmpi ne, %select_n3A_705, %select_n3A_929 : i32
      %and3A_3280 = arith.andi %and3A_3278, %ne3A_3279 : i1
      %ne3A_3281 = arith.cmpi ne, %select_n3A_705, %select_n3A_961 : i32
      %and3A_3282 = arith.andi %and3A_3280, %ne3A_3281 : i1
      %ne3A_3283 = arith.cmpi ne, %select_n3A_705, %select_n3A_993 : i32
      %and3A_3284 = arith.andi %and3A_3282, %ne3A_3283 : i1
      %ne3A_3285 = arith.cmpi ne, %select_n3A_705, %select_n3A_1025 : i32
      %and3A_3286 = arith.andi %and3A_3284, %ne3A_3285 : i1
      %ne3A_3287 = arith.cmpi ne, %select_n3A_705, %select_n3A_1057 : i32
      %and3A_3288 = arith.andi %and3A_3286, %ne3A_3287 : i1
      %ne3A_3289 = arith.cmpi ne, %select_n3A_705, %select_n3A_1089 : i32
      %and3A_3290 = arith.andi %and3A_3288, %ne3A_3289 : i1
      %ne3A_3291 = arith.cmpi ne, %select_n3A_705, %select_n3A_1121 : i32
      %and3A_3292 = arith.andi %and3A_3290, %ne3A_3291 : i1
      %ne3A_3293 = arith.cmpi ne, %select_n3A_705, %select_n3A_1153 : i32
      %and3A_3294 = arith.andi %and3A_3292, %ne3A_3293 : i1
      %ne3A_3295 = arith.cmpi ne, %select_n3A_705, %select_n3A_1185 : i32
      %and3A_3296 = arith.andi %and3A_3294, %ne3A_3295 : i1
      %ne3A_3297 = arith.cmpi ne, %select_n3A_705, %select_n3A_1217 : i32
      %and3A_3298 = arith.andi %and3A_3296, %ne3A_3297 : i1
      %ne3A_3299 = arith.cmpi ne, %select_n3A_705, %select_n3A_1249 : i32
      %and3A_3300 = arith.andi %and3A_3298, %ne3A_3299 : i1
      %ne3A_3301 = arith.cmpi ne, %select_n3A_705, %select_n3A_1281 : i32
      %and3A_3302 = arith.andi %and3A_3300, %ne3A_3301 : i1
      %ne3A_3303 = arith.cmpi ne, %select_n3A_705, %select_n3A_1313 : i32
      %and3A_3304 = arith.andi %and3A_3302, %ne3A_3303 : i1
      %ne3A_3305 = arith.cmpi ne, %select_n3A_705, %select_n3A_1345 : i32
      %and3A_3306 = arith.andi %and3A_3304, %ne3A_3305 : i1
      %ne3A_3307 = arith.cmpi ne, %select_n3A_705, %select_n3A_1377 : i32
      %and3A_3308 = arith.andi %and3A_3306, %ne3A_3307 : i1
      %ne3A_3309 = arith.cmpi ne, %select_n3A_705, %select_n3A_1409 : i32
      %and3A_3310 = arith.andi %and3A_3308, %ne3A_3309 : i1
      %mul3A_3311 = arith.constant 48 : i32
      %mul3A_3312 = arith.muli %get3A_679, %mul3A_3311 : i32
      %add3A_3313 = arith.addi %mul3A_3312, %get3A_688 : i32
      %add3A_3314 = arith.constant 1 : i32
      %add3A_3315 = arith.addi %get3A_682, %add3A_3314 : i32
      %mul3A_3316 = arith.constant 48 : i32
      %mul3A_3317 = arith.muli %add3A_3315, %mul3A_3316 : i32
      %sub3A_3318 = arith.constant 1 : i32
      %sub3A_3319 = arith.subi %get3A_685, %sub3A_3318 : i32
      %add3A_3320 = arith.addi %mul3A_3317, %sub3A_3319 : i32
      %jit3A_3321 = arith.constant 0 : i32
      %select_n3A_3322 = arith.select %lt3A_690, %jit3A_3321, %add3A_3320 : i32
      %eq3A_3323 = vector.broadcast %get3A_676 : i32 to vector<1x32xi32>
      %eq3A_3324 = arith.cmpi eq, %iota3A_1410, %eq3A_3323 : vector<1x32xi32>
      %convert_element_type3A_3325 = arith.extui %eq3A_3324 : vector<1x32xi1> to vector<1x32xi32>
      %convert_element_type3A_3326 = arith.sitofp %convert_element_type3A_3325 : vector<1x32xi32> to vector<1x32xf32>
      %eq3A_3327 = vector.broadcast %get3A_676 : i32 to vector<1x16xi32>
      %eq3A_3328 = arith.cmpi eq, %iota3A_1411, %eq3A_3327 : vector<1x16xi32>
      %convert_element_type3A_3329 = arith.extui %eq3A_3328 : vector<1x16xi1> to vector<1x16xi32>
      %convert_element_type3A_3330 = arith.sitofp %convert_element_type3A_3329 : vector<1x16xi32> to vector<1x16xf32>
      %get3A_3331 = arith.index_cast %add3A_3313 : i32 to index
      %get3A_3332 = arith.constant 0 : index
      %get3A_3333 = vector.load %arg2[%get3A_3331, %get3A_3332] : memref<2304x32xf32, #tpu.memory_space<vmem>>, vector<1x32xf32>
      %mul3A_3334 = arith.mulf %get3A_3333, %convert_element_type3A_3326 : vector<1x32xf32>
      %reduce_sum3A_3335 = vector.shape_cast %mul3A_3334 : vector<1x32xf32> to vector<1x1x32xf32>
      %reduce_sum3A_3336 = arith.constant dense<0.000000e+00> : vector<1xf32>
      %reduce_sum3A_3337 = vector.multi_reduction <add>, %reduce_sum3A_3335, %reduce_sum3A_3336 [1, 2] : vector<1x1x32xf32> to vector<1xf32>
      %reduce_sum3A_3338 = vector.shape_cast %reduce_sum3A_3337 : vector<1xf32> to vector<1x1x1xf32>
      %reduce_sum3A_3339 = vector.extract %reduce_sum3A_3338[0, 0, 0] : f32 from vector<1x1x1xf32>
      %get3A_3340 = arith.index_cast %add3A_3313 : i32 to index
      %get3A_3341 = arith.constant 0 : index
      %get3A_3342 = vector.load %arg3[%get3A_3340, %get3A_3341] : memref<2304x16xf32, #tpu.memory_space<vmem>>, vector<1x16xf32>
      %get3A_3343 = arith.index_cast %select_n3A_3322 : i32 to index
      %get3A_3344 = arith.constant 0 : index
      %get3A_3345 = vector.load %arg9[%get3A_3343, %get3A_3344] : memref<2304x16xf32, #tpu.memory_space<vmem>>, vector<1x16xf32>
      %add3A_3346 = arith.addf %get3A_3342, %get3A_3345 : vector<1x16xf32>
      %mul3A_3347 = arith.mulf %add3A_3346, %convert_element_type3A_3330 : vector<1x16xf32>
      %reduce_sum3A_3348 = vector.shape_cast %mul3A_3347 : vector<1x16xf32> to vector<1x1x16xf32>
      %reduce_sum3A_3349 = arith.constant dense<0.000000e+00> : vector<1xf32>
      %reduce_sum3A_3350 = vector.multi_reduction <add>, %reduce_sum3A_3348, %reduce_sum3A_3349 [1, 2] : vector<1x1x16xf32> to vector<1xf32>
      %reduce_sum3A_3351 = vector.shape_cast %reduce_sum3A_3350 : vector<1xf32> to vector<1x1x1xf32>
      %reduce_sum3A_3352 = vector.extract %reduce_sum3A_3351[0, 0, 0] : f32 from vector<1x1x1xf32>
      %select_n3A_3353 = arith.select %lt3A_690, %reduce_sum3A_3339, %reduce_sum3A_3352 : f32
      %jit3A_3354 = arith.constant 0.000000e+00 : f32
      %select_n3A_3355 = arith.select %and3A_3310, %select_n3A_3353, %jit3A_3354 : f32
      %add3A_3356 = arith.addf %add3A_3265, %select_n3A_3355 : f32
      %ne3A_3357 = arith.cmpi ne, %select_n3A_737, %select_n3A_769 : i32
      %and3A_3358 = arith.constant true
      %and3A_3359 = arith.andi %and3A_3358, %ne3A_3357 : i1
      %ne3A_3360 = arith.cmpi ne, %select_n3A_737, %select_n3A_801 : i32
      %and3A_3361 = arith.andi %and3A_3359, %ne3A_3360 : i1
      %ne3A_3362 = arith.cmpi ne, %select_n3A_737, %select_n3A_833 : i32
      %and3A_3363 = arith.andi %and3A_3361, %ne3A_3362 : i1
      %ne3A_3364 = arith.cmpi ne, %select_n3A_737, %select_n3A_865 : i32
      %and3A_3365 = arith.andi %and3A_3363, %ne3A_3364 : i1
      %ne3A_3366 = arith.cmpi ne, %select_n3A_737, %select_n3A_897 : i32
      %and3A_3367 = arith.andi %and3A_3365, %ne3A_3366 : i1
      %ne3A_3368 = arith.cmpi ne, %select_n3A_737, %select_n3A_929 : i32
      %and3A_3369 = arith.andi %and3A_3367, %ne3A_3368 : i1
      %ne3A_3370 = arith.cmpi ne, %select_n3A_737, %select_n3A_961 : i32
      %and3A_3371 = arith.andi %and3A_3369, %ne3A_3370 : i1
      %ne3A_3372 = arith.cmpi ne, %select_n3A_737, %select_n3A_993 : i32
      %and3A_3373 = arith.andi %and3A_3371, %ne3A_3372 : i1
      %ne3A_3374 = arith.cmpi ne, %select_n3A_737, %select_n3A_1025 : i32
      %and3A_3375 = arith.andi %and3A_3373, %ne3A_3374 : i1
      %ne3A_3376 = arith.cmpi ne, %select_n3A_737, %select_n3A_1057 : i32
      %and3A_3377 = arith.andi %and3A_3375, %ne3A_3376 : i1
      %ne3A_3378 = arith.cmpi ne, %select_n3A_737, %select_n3A_1089 : i32
      %and3A_3379 = arith.andi %and3A_3377, %ne3A_3378 : i1
      %ne3A_3380 = arith.cmpi ne, %select_n3A_737, %select_n3A_1121 : i32
      %and3A_3381 = arith.andi %and3A_3379, %ne3A_3380 : i1
      %ne3A_3382 = arith.cmpi ne, %select_n3A_737, %select_n3A_1153 : i32
      %and3A_3383 = arith.andi %and3A_3381, %ne3A_3382 : i1
      %ne3A_3384 = arith.cmpi ne, %select_n3A_737, %select_n3A_1185 : i32
      %and3A_3385 = arith.andi %and3A_3383, %ne3A_3384 : i1
      %ne3A_3386 = arith.cmpi ne, %select_n3A_737, %select_n3A_1217 : i32
      %and3A_3387 = arith.andi %and3A_3385, %ne3A_3386 : i1
      %ne3A_3388 = arith.cmpi ne, %select_n3A_737, %select_n3A_1249 : i32
      %and3A_3389 = arith.andi %and3A_3387, %ne3A_3388 : i1
      %ne3A_3390 = arith.cmpi ne, %select_n3A_737, %select_n3A_1281 : i32
      %and3A_3391 = arith.andi %and3A_3389, %ne3A_3390 : i1
      %ne3A_3392 = arith.cmpi ne, %select_n3A_737, %select_n3A_1313 : i32
      %and3A_3393 = arith.andi %and3A_3391, %ne3A_3392 : i1
      %ne3A_3394 = arith.cmpi ne, %select_n3A_737, %select_n3A_1345 : i32
      %and3A_3395 = arith.andi %and3A_3393, %ne3A_3394 : i1
      %ne3A_3396 = arith.cmpi ne, %select_n3A_737, %select_n3A_1377 : i32
      %and3A_3397 = arith.andi %and3A_3395, %ne3A_3396 : i1
      %ne3A_3398 = arith.cmpi ne, %select_n3A_737, %select_n3A_1409 : i32
      %and3A_3399 = arith.andi %and3A_3397, %ne3A_3398 : i1
      %mul3A_3400 = arith.constant 48 : i32
      %mul3A_3401 = arith.muli %get3A_711, %mul3A_3400 : i32
      %add3A_3402 = arith.addi %mul3A_3401, %get3A_720 : i32
      %add3A_3403 = arith.constant 1 : i32
      %add3A_3404 = arith.addi %get3A_714, %add3A_3403 : i32
      %mul3A_3405 = arith.constant 48 : i32
      %mul3A_3406 = arith.muli %add3A_3404, %mul3A_3405 : i32
      %sub3A_3407 = arith.constant 1 : i32
      %sub3A_3408 = arith.subi %get3A_717, %sub3A_3407 : i32
      %add3A_3409 = arith.addi %mul3A_3406, %sub3A_3408 : i32
      %jit3A_3410 = arith.constant 0 : i32
      %select_n3A_3411 = arith.select %lt3A_722, %jit3A_3410, %add3A_3409 : i32
      %eq3A_3412 = vector.broadcast %get3A_708 : i32 to vector<1x32xi32>
      %eq3A_3413 = arith.cmpi eq, %iota3A_1410, %eq3A_3412 : vector<1x32xi32>
      %convert_element_type3A_3414 = arith.extui %eq3A_3413 : vector<1x32xi1> to vector<1x32xi32>
      %convert_element_type3A_3415 = arith.sitofp %convert_element_type3A_3414 : vector<1x32xi32> to vector<1x32xf32>
      %eq3A_3416 = vector.broadcast %get3A_708 : i32 to vector<1x16xi32>
      %eq3A_3417 = arith.cmpi eq, %iota3A_1411, %eq3A_3416 : vector<1x16xi32>
      %convert_element_type3A_3418 = arith.extui %eq3A_3417 : vector<1x16xi1> to vector<1x16xi32>
      %convert_element_type3A_3419 = arith.sitofp %convert_element_type3A_3418 : vector<1x16xi32> to vector<1x16xf32>
      %get3A_3420 = arith.index_cast %add3A_3402 : i32 to index
      %get3A_3421 = arith.constant 0 : index
      %get3A_3422 = vector.load %arg2[%get3A_3420, %get3A_3421] : memref<2304x32xf32, #tpu.memory_space<vmem>>, vector<1x32xf32>
      %mul3A_3423 = arith.mulf %get3A_3422, %convert_element_type3A_3415 : vector<1x32xf32>
      %reduce_sum3A_3424 = vector.shape_cast %mul3A_3423 : vector<1x32xf32> to vector<1x1x32xf32>
      %reduce_sum3A_3425 = arith.constant dense<0.000000e+00> : vector<1xf32>
      %reduce_sum3A_3426 = vector.multi_reduction <add>, %reduce_sum3A_3424, %reduce_sum3A_3425 [1, 2] : vector<1x1x32xf32> to vector<1xf32>
      %reduce_sum3A_3427 = vector.shape_cast %reduce_sum3A_3426 : vector<1xf32> to vector<1x1x1xf32>
      %reduce_sum3A_3428 = vector.extract %reduce_sum3A_3427[0, 0, 0] : f32 from vector<1x1x1xf32>
      %get3A_3429 = arith.index_cast %add3A_3402 : i32 to index
      %get3A_3430 = arith.constant 0 : index
      %get3A_3431 = vector.load %arg3[%get3A_3429, %get3A_3430] : memref<2304x16xf32, #tpu.memory_space<vmem>>, vector<1x16xf32>
      %get3A_3432 = arith.index_cast %select_n3A_3411 : i32 to index
      %get3A_3433 = arith.constant 0 : index
      %get3A_3434 = vector.load %arg9[%get3A_3432, %get3A_3433] : memref<2304x16xf32, #tpu.memory_space<vmem>>, vector<1x16xf32>
      %add3A_3435 = arith.addf %get3A_3431, %get3A_3434 : vector<1x16xf32>
      %mul3A_3436 = arith.mulf %add3A_3435, %convert_element_type3A_3419 : vector<1x16xf32>
      %reduce_sum3A_3437 = vector.shape_cast %mul3A_3436 : vector<1x16xf32> to vector<1x1x16xf32>
      %reduce_sum3A_3438 = arith.constant dense<0.000000e+00> : vector<1xf32>
      %reduce_sum3A_3439 = vector.multi_reduction <add>, %reduce_sum3A_3437, %reduce_sum3A_3438 [1, 2] : vector<1x1x16xf32> to vector<1xf32>
      %reduce_sum3A_3440 = vector.shape_cast %reduce_sum3A_3439 : vector<1xf32> to vector<1x1x1xf32>
      %reduce_sum3A_3441 = vector.extract %reduce_sum3A_3440[0, 0, 0] : f32 from vector<1x1x1xf32>
      %select_n3A_3442 = arith.select %lt3A_722, %reduce_sum3A_3428, %reduce_sum3A_3441 : f32
      %jit3A_3443 = arith.constant 0.000000e+00 : f32
      %select_n3A_3444 = arith.select %and3A_3399, %select_n3A_3442, %jit3A_3443 : f32
      %add3A_3445 = arith.addf %add3A_3356, %select_n3A_3444 : f32
      %ne3A_3446 = arith.cmpi ne, %select_n3A_769, %select_n3A_801 : i32
      %and3A_3447 = arith.constant true
      %and3A_3448 = arith.andi %and3A_3447, %ne3A_3446 : i1
      %ne3A_3449 = arith.cmpi ne, %select_n3A_769, %select_n3A_833 : i32
      %and3A_3450 = arith.andi %and3A_3448, %ne3A_3449 : i1
      %ne3A_3451 = arith.cmpi ne, %select_n3A_769, %select_n3A_865 : i32
      %and3A_3452 = arith.andi %and3A_3450, %ne3A_3451 : i1
      %ne3A_3453 = arith.cmpi ne, %select_n3A_769, %select_n3A_897 : i32
      %and3A_3454 = arith.andi %and3A_3452, %ne3A_3453 : i1
      %ne3A_3455 = arith.cmpi ne, %select_n3A_769, %select_n3A_929 : i32
      %and3A_3456 = arith.andi %and3A_3454, %ne3A_3455 : i1
      %ne3A_3457 = arith.cmpi ne, %select_n3A_769, %select_n3A_961 : i32
      %and3A_3458 = arith.andi %and3A_3456, %ne3A_3457 : i1
      %ne3A_3459 = arith.cmpi ne, %select_n3A_769, %select_n3A_993 : i32
      %and3A_3460 = arith.andi %and3A_3458, %ne3A_3459 : i1
      %ne3A_3461 = arith.cmpi ne, %select_n3A_769, %select_n3A_1025 : i32
      %and3A_3462 = arith.andi %and3A_3460, %ne3A_3461 : i1
      %ne3A_3463 = arith.cmpi ne, %select_n3A_769, %select_n3A_1057 : i32
      %and3A_3464 = arith.andi %and3A_3462, %ne3A_3463 : i1
      %ne3A_3465 = arith.cmpi ne, %select_n3A_769, %select_n3A_1089 : i32
      %and3A_3466 = arith.andi %and3A_3464, %ne3A_3465 : i1
      %ne3A_3467 = arith.cmpi ne, %select_n3A_769, %select_n3A_1121 : i32
      %and3A_3468 = arith.andi %and3A_3466, %ne3A_3467 : i1
      %ne3A_3469 = arith.cmpi ne, %select_n3A_769, %select_n3A_1153 : i32
      %and3A_3470 = arith.andi %and3A_3468, %ne3A_3469 : i1
      %ne3A_3471 = arith.cmpi ne, %select_n3A_769, %select_n3A_1185 : i32
      %and3A_3472 = arith.andi %and3A_3470, %ne3A_3471 : i1
      %ne3A_3473 = arith.cmpi ne, %select_n3A_769, %select_n3A_1217 : i32
      %and3A_3474 = arith.andi %and3A_3472, %ne3A_3473 : i1
      %ne3A_3475 = arith.cmpi ne, %select_n3A_769, %select_n3A_1249 : i32
      %and3A_3476 = arith.andi %and3A_3474, %ne3A_3475 : i1
      %ne3A_3477 = arith.cmpi ne, %select_n3A_769, %select_n3A_1281 : i32
      %and3A_3478 = arith.andi %and3A_3476, %ne3A_3477 : i1
      %ne3A_3479 = arith.cmpi ne, %select_n3A_769, %select_n3A_1313 : i32
      %and3A_3480 = arith.andi %and3A_3478, %ne3A_3479 : i1
      %ne3A_3481 = arith.cmpi ne, %select_n3A_769, %select_n3A_1345 : i32
      %and3A_3482 = arith.andi %and3A_3480, %ne3A_3481 : i1
      %ne3A_3483 = arith.cmpi ne, %select_n3A_769, %select_n3A_1377 : i32
      %and3A_3484 = arith.andi %and3A_3482, %ne3A_3483 : i1
      %ne3A_3485 = arith.cmpi ne, %select_n3A_769, %select_n3A_1409 : i32
      %and3A_3486 = arith.andi %and3A_3484, %ne3A_3485 : i1
      %mul3A_3487 = arith.constant 48 : i32
      %mul3A_3488 = arith.muli %get3A_743, %mul3A_3487 : i32
      %add3A_3489 = arith.addi %mul3A_3488, %get3A_752 : i32
      %add3A_3490 = arith.constant 1 : i32
      %add3A_3491 = arith.addi %get3A_746, %add3A_3490 : i32
      %mul3A_3492 = arith.constant 48 : i32
      %mul3A_3493 = arith.muli %add3A_3491, %mul3A_3492 : i32
      %sub3A_3494 = arith.constant 1 : i32
      %sub3A_3495 = arith.subi %get3A_749, %sub3A_3494 : i32
      %add3A_3496 = arith.addi %mul3A_3493, %sub3A_3495 : i32
      %jit3A_3497 = arith.constant 0 : i32
      %select_n3A_3498 = arith.select %lt3A_754, %jit3A_3497, %add3A_3496 : i32
      %eq3A_3499 = vector.broadcast %get3A_740 : i32 to vector<1x32xi32>
      %eq3A_3500 = arith.cmpi eq, %iota3A_1410, %eq3A_3499 : vector<1x32xi32>
      %convert_element_type3A_3501 = arith.extui %eq3A_3500 : vector<1x32xi1> to vector<1x32xi32>
      %convert_element_type3A_3502 = arith.sitofp %convert_element_type3A_3501 : vector<1x32xi32> to vector<1x32xf32>
      %eq3A_3503 = vector.broadcast %get3A_740 : i32 to vector<1x16xi32>
      %eq3A_3504 = arith.cmpi eq, %iota3A_1411, %eq3A_3503 : vector<1x16xi32>
      %convert_element_type3A_3505 = arith.extui %eq3A_3504 : vector<1x16xi1> to vector<1x16xi32>
      %convert_element_type3A_3506 = arith.sitofp %convert_element_type3A_3505 : vector<1x16xi32> to vector<1x16xf32>
      %get3A_3507 = arith.index_cast %add3A_3489 : i32 to index
      %get3A_3508 = arith.constant 0 : index
      %get3A_3509 = vector.load %arg2[%get3A_3507, %get3A_3508] : memref<2304x32xf32, #tpu.memory_space<vmem>>, vector<1x32xf32>
      %mul3A_3510 = arith.mulf %get3A_3509, %convert_element_type3A_3502 : vector<1x32xf32>
      %reduce_sum3A_3511 = vector.shape_cast %mul3A_3510 : vector<1x32xf32> to vector<1x1x32xf32>
      %reduce_sum3A_3512 = arith.constant dense<0.000000e+00> : vector<1xf32>
      %reduce_sum3A_3513 = vector.multi_reduction <add>, %reduce_sum3A_3511, %reduce_sum3A_3512 [1, 2] : vector<1x1x32xf32> to vector<1xf32>
      %reduce_sum3A_3514 = vector.shape_cast %reduce_sum3A_3513 : vector<1xf32> to vector<1x1x1xf32>
      %reduce_sum3A_3515 = vector.extract %reduce_sum3A_3514[0, 0, 0] : f32 from vector<1x1x1xf32>
      %get3A_3516 = arith.index_cast %add3A_3489 : i32 to index
      %get3A_3517 = arith.constant 0 : index
      %get3A_3518 = vector.load %arg3[%get3A_3516, %get3A_3517] : memref<2304x16xf32, #tpu.memory_space<vmem>>, vector<1x16xf32>
      %get3A_3519 = arith.index_cast %select_n3A_3498 : i32 to index
      %get3A_3520 = arith.constant 0 : index
      %get3A_3521 = vector.load %arg9[%get3A_3519, %get3A_3520] : memref<2304x16xf32, #tpu.memory_space<vmem>>, vector<1x16xf32>
      %add3A_3522 = arith.addf %get3A_3518, %get3A_3521 : vector<1x16xf32>
      %mul3A_3523 = arith.mulf %add3A_3522, %convert_element_type3A_3506 : vector<1x16xf32>
      %reduce_sum3A_3524 = vector.shape_cast %mul3A_3523 : vector<1x16xf32> to vector<1x1x16xf32>
      %reduce_sum3A_3525 = arith.constant dense<0.000000e+00> : vector<1xf32>
      %reduce_sum3A_3526 = vector.multi_reduction <add>, %reduce_sum3A_3524, %reduce_sum3A_3525 [1, 2] : vector<1x1x16xf32> to vector<1xf32>
      %reduce_sum3A_3527 = vector.shape_cast %reduce_sum3A_3526 : vector<1xf32> to vector<1x1x1xf32>
      %reduce_sum3A_3528 = vector.extract %reduce_sum3A_3527[0, 0, 0] : f32 from vector<1x1x1xf32>
      %select_n3A_3529 = arith.select %lt3A_754, %reduce_sum3A_3515, %reduce_sum3A_3528 : f32
      %jit3A_3530 = arith.constant 0.000000e+00 : f32
      %select_n3A_3531 = arith.select %and3A_3486, %select_n3A_3529, %jit3A_3530 : f32
      %add3A_3532 = arith.addf %add3A_3445, %select_n3A_3531 : f32
      %ne3A_3533 = arith.cmpi ne, %select_n3A_801, %select_n3A_833 : i32
      %and3A_3534 = arith.constant true
      %and3A_3535 = arith.andi %and3A_3534, %ne3A_3533 : i1
      %ne3A_3536 = arith.cmpi ne, %select_n3A_801, %select_n3A_865 : i32
      %and3A_3537 = arith.andi %and3A_3535, %ne3A_3536 : i1
      %ne3A_3538 = arith.cmpi ne, %select_n3A_801, %select_n3A_897 : i32
      %and3A_3539 = arith.andi %and3A_3537, %ne3A_3538 : i1
      %ne3A_3540 = arith.cmpi ne, %select_n3A_801, %select_n3A_929 : i32
      %and3A_3541 = arith.andi %and3A_3539, %ne3A_3540 : i1
      %ne3A_3542 = arith.cmpi ne, %select_n3A_801, %select_n3A_961 : i32
      %and3A_3543 = arith.andi %and3A_3541, %ne3A_3542 : i1
      %ne3A_3544 = arith.cmpi ne, %select_n3A_801, %select_n3A_993 : i32
      %and3A_3545 = arith.andi %and3A_3543, %ne3A_3544 : i1
      %ne3A_3546 = arith.cmpi ne, %select_n3A_801, %select_n3A_1025 : i32
      %and3A_3547 = arith.andi %and3A_3545, %ne3A_3546 : i1
      %ne3A_3548 = arith.cmpi ne, %select_n3A_801, %select_n3A_1057 : i32
      %and3A_3549 = arith.andi %and3A_3547, %ne3A_3548 : i1
      %ne3A_3550 = arith.cmpi ne, %select_n3A_801, %select_n3A_1089 : i32
      %and3A_3551 = arith.andi %and3A_3549, %ne3A_3550 : i1
      %ne3A_3552 = arith.cmpi ne, %select_n3A_801, %select_n3A_1121 : i32
      %and3A_3553 = arith.andi %and3A_3551, %ne3A_3552 : i1
      %ne3A_3554 = arith.cmpi ne, %select_n3A_801, %select_n3A_1153 : i32
      %and3A_3555 = arith.andi %and3A_3553, %ne3A_3554 : i1
      %ne3A_3556 = arith.cmpi ne, %select_n3A_801, %select_n3A_1185 : i32
      %and3A_3557 = arith.andi %and3A_3555, %ne3A_3556 : i1
      %ne3A_3558 = arith.cmpi ne, %select_n3A_801, %select_n3A_1217 : i32
      %and3A_3559 = arith.andi %and3A_3557, %ne3A_3558 : i1
      %ne3A_3560 = arith.cmpi ne, %select_n3A_801, %select_n3A_1249 : i32
      %and3A_3561 = arith.andi %and3A_3559, %ne3A_3560 : i1
      %ne3A_3562 = arith.cmpi ne, %select_n3A_801, %select_n3A_1281 : i32
      %and3A_3563 = arith.andi %and3A_3561, %ne3A_3562 : i1
      %ne3A_3564 = arith.cmpi ne, %select_n3A_801, %select_n3A_1313 : i32
      %and3A_3565 = arith.andi %and3A_3563, %ne3A_3564 : i1
      %ne3A_3566 = arith.cmpi ne, %select_n3A_801, %select_n3A_1345 : i32
      %and3A_3567 = arith.andi %and3A_3565, %ne3A_3566 : i1
      %ne3A_3568 = arith.cmpi ne, %select_n3A_801, %select_n3A_1377 : i32
      %and3A_3569 = arith.andi %and3A_3567, %ne3A_3568 : i1
      %ne3A_3570 = arith.cmpi ne, %select_n3A_801, %select_n3A_1409 : i32
      %and3A_3571 = arith.andi %and3A_3569, %ne3A_3570 : i1
      %mul3A_3572 = arith.constant 48 : i32
      %mul3A_3573 = arith.muli %get3A_775, %mul3A_3572 : i32
      %add3A_3574 = arith.addi %mul3A_3573, %get3A_784 : i32
      %add3A_3575 = arith.constant 1 : i32
      %add3A_3576 = arith.addi %get3A_778, %add3A_3575 : i32
      %mul3A_3577 = arith.constant 48 : i32
      %mul3A_3578 = arith.muli %add3A_3576, %mul3A_3577 : i32
      %sub3A_3579 = arith.constant 1 : i32
      %sub3A_3580 = arith.subi %get3A_781, %sub3A_3579 : i32
      %add3A_3581 = arith.addi %mul3A_3578, %sub3A_3580 : i32
      %jit3A_3582 = arith.constant 0 : i32
      %select_n3A_3583 = arith.select %lt3A_786, %jit3A_3582, %add3A_3581 : i32
      %eq3A_3584 = vector.broadcast %get3A_772 : i32 to vector<1x32xi32>
      %eq3A_3585 = arith.cmpi eq, %iota3A_1410, %eq3A_3584 : vector<1x32xi32>
      %convert_element_type3A_3586 = arith.extui %eq3A_3585 : vector<1x32xi1> to vector<1x32xi32>
      %convert_element_type3A_3587 = arith.sitofp %convert_element_type3A_3586 : vector<1x32xi32> to vector<1x32xf32>
      %eq3A_3588 = vector.broadcast %get3A_772 : i32 to vector<1x16xi32>
      %eq3A_3589 = arith.cmpi eq, %iota3A_1411, %eq3A_3588 : vector<1x16xi32>
      %convert_element_type3A_3590 = arith.extui %eq3A_3589 : vector<1x16xi1> to vector<1x16xi32>
      %convert_element_type3A_3591 = arith.sitofp %convert_element_type3A_3590 : vector<1x16xi32> to vector<1x16xf32>
      %get3A_3592 = arith.index_cast %add3A_3574 : i32 to index
      %get3A_3593 = arith.constant 0 : index
      %get3A_3594 = vector.load %arg2[%get3A_3592, %get3A_3593] : memref<2304x32xf32, #tpu.memory_space<vmem>>, vector<1x32xf32>
      %mul3A_3595 = arith.mulf %get3A_3594, %convert_element_type3A_3587 : vector<1x32xf32>
      %reduce_sum3A_3596 = vector.shape_cast %mul3A_3595 : vector<1x32xf32> to vector<1x1x32xf32>
      %reduce_sum3A_3597 = arith.constant dense<0.000000e+00> : vector<1xf32>
      %reduce_sum3A_3598 = vector.multi_reduction <add>, %reduce_sum3A_3596, %reduce_sum3A_3597 [1, 2] : vector<1x1x32xf32> to vector<1xf32>
      %reduce_sum3A_3599 = vector.shape_cast %reduce_sum3A_3598 : vector<1xf32> to vector<1x1x1xf32>
      %reduce_sum3A_3600 = vector.extract %reduce_sum3A_3599[0, 0, 0] : f32 from vector<1x1x1xf32>
      %get3A_3601 = arith.index_cast %add3A_3574 : i32 to index
      %get3A_3602 = arith.constant 0 : index
      %get3A_3603 = vector.load %arg3[%get3A_3601, %get3A_3602] : memref<2304x16xf32, #tpu.memory_space<vmem>>, vector<1x16xf32>
      %get3A_3604 = arith.index_cast %select_n3A_3583 : i32 to index
      %get3A_3605 = arith.constant 0 : index
      %get3A_3606 = vector.load %arg9[%get3A_3604, %get3A_3605] : memref<2304x16xf32, #tpu.memory_space<vmem>>, vector<1x16xf32>
      %add3A_3607 = arith.addf %get3A_3603, %get3A_3606 : vector<1x16xf32>
      %mul3A_3608 = arith.mulf %add3A_3607, %convert_element_type3A_3591 : vector<1x16xf32>
      %reduce_sum3A_3609 = vector.shape_cast %mul3A_3608 : vector<1x16xf32> to vector<1x1x16xf32>
      %reduce_sum3A_3610 = arith.constant dense<0.000000e+00> : vector<1xf32>
      %reduce_sum3A_3611 = vector.multi_reduction <add>, %reduce_sum3A_3609, %reduce_sum3A_3610 [1, 2] : vector<1x1x16xf32> to vector<1xf32>
      %reduce_sum3A_3612 = vector.shape_cast %reduce_sum3A_3611 : vector<1xf32> to vector<1x1x1xf32>
      %reduce_sum3A_3613 = vector.extract %reduce_sum3A_3612[0, 0, 0] : f32 from vector<1x1x1xf32>
      %select_n3A_3614 = arith.select %lt3A_786, %reduce_sum3A_3600, %reduce_sum3A_3613 : f32
      %jit3A_3615 = arith.constant 0.000000e+00 : f32
      %select_n3A_3616 = arith.select %and3A_3571, %select_n3A_3614, %jit3A_3615 : f32
      %add3A_3617 = arith.addf %add3A_3532, %select_n3A_3616 : f32
      %ne3A_3618 = arith.cmpi ne, %select_n3A_833, %select_n3A_865 : i32
      %and3A_3619 = arith.constant true
      %and3A_3620 = arith.andi %and3A_3619, %ne3A_3618 : i1
      %ne3A_3621 = arith.cmpi ne, %select_n3A_833, %select_n3A_897 : i32
      %and3A_3622 = arith.andi %and3A_3620, %ne3A_3621 : i1
      %ne3A_3623 = arith.cmpi ne, %select_n3A_833, %select_n3A_929 : i32
      %and3A_3624 = arith.andi %and3A_3622, %ne3A_3623 : i1
      %ne3A_3625 = arith.cmpi ne, %select_n3A_833, %select_n3A_961 : i32
      %and3A_3626 = arith.andi %and3A_3624, %ne3A_3625 : i1
      %ne3A_3627 = arith.cmpi ne, %select_n3A_833, %select_n3A_993 : i32
      %and3A_3628 = arith.andi %and3A_3626, %ne3A_3627 : i1
      %ne3A_3629 = arith.cmpi ne, %select_n3A_833, %select_n3A_1025 : i32
      %and3A_3630 = arith.andi %and3A_3628, %ne3A_3629 : i1
      %ne3A_3631 = arith.cmpi ne, %select_n3A_833, %select_n3A_1057 : i32
      %and3A_3632 = arith.andi %and3A_3630, %ne3A_3631 : i1
      %ne3A_3633 = arith.cmpi ne, %select_n3A_833, %select_n3A_1089 : i32
      %and3A_3634 = arith.andi %and3A_3632, %ne3A_3633 : i1
      %ne3A_3635 = arith.cmpi ne, %select_n3A_833, %select_n3A_1121 : i32
      %and3A_3636 = arith.andi %and3A_3634, %ne3A_3635 : i1
      %ne3A_3637 = arith.cmpi ne, %select_n3A_833, %select_n3A_1153 : i32
      %and3A_3638 = arith.andi %and3A_3636, %ne3A_3637 : i1
      %ne3A_3639 = arith.cmpi ne, %select_n3A_833, %select_n3A_1185 : i32
      %and3A_3640 = arith.andi %and3A_3638, %ne3A_3639 : i1
      %ne3A_3641 = arith.cmpi ne, %select_n3A_833, %select_n3A_1217 : i32
      %and3A_3642 = arith.andi %and3A_3640, %ne3A_3641 : i1
      %ne3A_3643 = arith.cmpi ne, %select_n3A_833, %select_n3A_1249 : i32
      %and3A_3644 = arith.andi %and3A_3642, %ne3A_3643 : i1
      %ne3A_3645 = arith.cmpi ne, %select_n3A_833, %select_n3A_1281 : i32
      %and3A_3646 = arith.andi %and3A_3644, %ne3A_3645 : i1
      %ne3A_3647 = arith.cmpi ne, %select_n3A_833, %select_n3A_1313 : i32
      %and3A_3648 = arith.andi %and3A_3646, %ne3A_3647 : i1
      %ne3A_3649 = arith.cmpi ne, %select_n3A_833, %select_n3A_1345 : i32
      %and3A_3650 = arith.andi %and3A_3648, %ne3A_3649 : i1
      %ne3A_3651 = arith.cmpi ne, %select_n3A_833, %select_n3A_1377 : i32
      %and3A_3652 = arith.andi %and3A_3650, %ne3A_3651 : i1
      %ne3A_3653 = arith.cmpi ne, %select_n3A_833, %select_n3A_1409 : i32
      %and3A_3654 = arith.andi %and3A_3652, %ne3A_3653 : i1
      %mul3A_3655 = arith.constant 48 : i32
      %mul3A_3656 = arith.muli %get3A_807, %mul3A_3655 : i32
      %add3A_3657 = arith.addi %mul3A_3656, %get3A_816 : i32
      %add3A_3658 = arith.constant 1 : i32
      %add3A_3659 = arith.addi %get3A_810, %add3A_3658 : i32
      %mul3A_3660 = arith.constant 48 : i32
      %mul3A_3661 = arith.muli %add3A_3659, %mul3A_3660 : i32
      %sub3A_3662 = arith.constant 1 : i32
      %sub3A_3663 = arith.subi %get3A_813, %sub3A_3662 : i32
      %add3A_3664 = arith.addi %mul3A_3661, %sub3A_3663 : i32
      %jit3A_3665 = arith.constant 0 : i32
      %select_n3A_3666 = arith.select %lt3A_818, %jit3A_3665, %add3A_3664 : i32
      %eq3A_3667 = vector.broadcast %get3A_804 : i32 to vector<1x32xi32>
      %eq3A_3668 = arith.cmpi eq, %iota3A_1410, %eq3A_3667 : vector<1x32xi32>
      %convert_element_type3A_3669 = arith.extui %eq3A_3668 : vector<1x32xi1> to vector<1x32xi32>
      %convert_element_type3A_3670 = arith.sitofp %convert_element_type3A_3669 : vector<1x32xi32> to vector<1x32xf32>
      %eq3A_3671 = vector.broadcast %get3A_804 : i32 to vector<1x16xi32>
      %eq3A_3672 = arith.cmpi eq, %iota3A_1411, %eq3A_3671 : vector<1x16xi32>
      %convert_element_type3A_3673 = arith.extui %eq3A_3672 : vector<1x16xi1> to vector<1x16xi32>
      %convert_element_type3A_3674 = arith.sitofp %convert_element_type3A_3673 : vector<1x16xi32> to vector<1x16xf32>
      %get3A_3675 = arith.index_cast %add3A_3657 : i32 to index
      %get3A_3676 = arith.constant 0 : index
      %get3A_3677 = vector.load %arg2[%get3A_3675, %get3A_3676] : memref<2304x32xf32, #tpu.memory_space<vmem>>, vector<1x32xf32>
      %mul3A_3678 = arith.mulf %get3A_3677, %convert_element_type3A_3670 : vector<1x32xf32>
      %reduce_sum3A_3679 = vector.shape_cast %mul3A_3678 : vector<1x32xf32> to vector<1x1x32xf32>
      %reduce_sum3A_3680 = arith.constant dense<0.000000e+00> : vector<1xf32>
      %reduce_sum3A_3681 = vector.multi_reduction <add>, %reduce_sum3A_3679, %reduce_sum3A_3680 [1, 2] : vector<1x1x32xf32> to vector<1xf32>
      %reduce_sum3A_3682 = vector.shape_cast %reduce_sum3A_3681 : vector<1xf32> to vector<1x1x1xf32>
      %reduce_sum3A_3683 = vector.extract %reduce_sum3A_3682[0, 0, 0] : f32 from vector<1x1x1xf32>
      %get3A_3684 = arith.index_cast %add3A_3657 : i32 to index
      %get3A_3685 = arith.constant 0 : index
      %get3A_3686 = vector.load %arg3[%get3A_3684, %get3A_3685] : memref<2304x16xf32, #tpu.memory_space<vmem>>, vector<1x16xf32>
      %get3A_3687 = arith.index_cast %select_n3A_3666 : i32 to index
      %get3A_3688 = arith.constant 0 : index
      %get3A_3689 = vector.load %arg9[%get3A_3687, %get3A_3688] : memref<2304x16xf32, #tpu.memory_space<vmem>>, vector<1x16xf32>
      %add3A_3690 = arith.addf %get3A_3686, %get3A_3689 : vector<1x16xf32>
      %mul3A_3691 = arith.mulf %add3A_3690, %convert_element_type3A_3674 : vector<1x16xf32>
      %reduce_sum3A_3692 = vector.shape_cast %mul3A_3691 : vector<1x16xf32> to vector<1x1x16xf32>
      %reduce_sum3A_3693 = arith.constant dense<0.000000e+00> : vector<1xf32>
      %reduce_sum3A_3694 = vector.multi_reduction <add>, %reduce_sum3A_3692, %reduce_sum3A_3693 [1, 2] : vector<1x1x16xf32> to vector<1xf32>
      %reduce_sum3A_3695 = vector.shape_cast %reduce_sum3A_3694 : vector<1xf32> to vector<1x1x1xf32>
      %reduce_sum3A_3696 = vector.extract %reduce_sum3A_3695[0, 0, 0] : f32 from vector<1x1x1xf32>
      %select_n3A_3697 = arith.select %lt3A_818, %reduce_sum3A_3683, %reduce_sum3A_3696 : f32
      %jit3A_3698 = arith.constant 0.000000e+00 : f32
      %select_n3A_3699 = arith.select %and3A_3654, %select_n3A_3697, %jit3A_3698 : f32
      %add3A_3700 = arith.addf %add3A_3617, %select_n3A_3699 : f32
      %ne3A_3701 = arith.cmpi ne, %select_n3A_865, %select_n3A_897 : i32
      %and3A_3702 = arith.constant true
      %and3A_3703 = arith.andi %and3A_3702, %ne3A_3701 : i1
      %ne3A_3704 = arith.cmpi ne, %select_n3A_865, %select_n3A_929 : i32
      %and3A_3705 = arith.andi %and3A_3703, %ne3A_3704 : i1
      %ne3A_3706 = arith.cmpi ne, %select_n3A_865, %select_n3A_961 : i32
      %and3A_3707 = arith.andi %and3A_3705, %ne3A_3706 : i1
      %ne3A_3708 = arith.cmpi ne, %select_n3A_865, %select_n3A_993 : i32
      %and3A_3709 = arith.andi %and3A_3707, %ne3A_3708 : i1
      %ne3A_3710 = arith.cmpi ne, %select_n3A_865, %select_n3A_1025 : i32
      %and3A_3711 = arith.andi %and3A_3709, %ne3A_3710 : i1
      %ne3A_3712 = arith.cmpi ne, %select_n3A_865, %select_n3A_1057 : i32
      %and3A_3713 = arith.andi %and3A_3711, %ne3A_3712 : i1
      %ne3A_3714 = arith.cmpi ne, %select_n3A_865, %select_n3A_1089 : i32
      %and3A_3715 = arith.andi %and3A_3713, %ne3A_3714 : i1
      %ne3A_3716 = arith.cmpi ne, %select_n3A_865, %select_n3A_1121 : i32
      %and3A_3717 = arith.andi %and3A_3715, %ne3A_3716 : i1
      %ne3A_3718 = arith.cmpi ne, %select_n3A_865, %select_n3A_1153 : i32
      %and3A_3719 = arith.andi %and3A_3717, %ne3A_3718 : i1
      %ne3A_3720 = arith.cmpi ne, %select_n3A_865, %select_n3A_1185 : i32
      %and3A_3721 = arith.andi %and3A_3719, %ne3A_3720 : i1
      %ne3A_3722 = arith.cmpi ne, %select_n3A_865, %select_n3A_1217 : i32
      %and3A_3723 = arith.andi %and3A_3721, %ne3A_3722 : i1
      %ne3A_3724 = arith.cmpi ne, %select_n3A_865, %select_n3A_1249 : i32
      %and3A_3725 = arith.andi %and3A_3723, %ne3A_3724 : i1
      %ne3A_3726 = arith.cmpi ne, %select_n3A_865, %select_n3A_1281 : i32
      %and3A_3727 = arith.andi %and3A_3725, %ne3A_3726 : i1
      %ne3A_3728 = arith.cmpi ne, %select_n3A_865, %select_n3A_1313 : i32
      %and3A_3729 = arith.andi %and3A_3727, %ne3A_3728 : i1
      %ne3A_3730 = arith.cmpi ne, %select_n3A_865, %select_n3A_1345 : i32
      %and3A_3731 = arith.andi %and3A_3729, %ne3A_3730 : i1
      %ne3A_3732 = arith.cmpi ne, %select_n3A_865, %select_n3A_1377 : i32
      %and3A_3733 = arith.andi %and3A_3731, %ne3A_3732 : i1
      %ne3A_3734 = arith.cmpi ne, %select_n3A_865, %select_n3A_1409 : i32
      %and3A_3735 = arith.andi %and3A_3733, %ne3A_3734 : i1
      %mul3A_3736 = arith.constant 48 : i32
      %mul3A_3737 = arith.muli %get3A_839, %mul3A_3736 : i32
      %add3A_3738 = arith.addi %mul3A_3737, %get3A_848 : i32
      %add3A_3739 = arith.constant 1 : i32
      %add3A_3740 = arith.addi %get3A_842, %add3A_3739 : i32
      %mul3A_3741 = arith.constant 48 : i32
      %mul3A_3742 = arith.muli %add3A_3740, %mul3A_3741 : i32
      %sub3A_3743 = arith.constant 1 : i32
      %sub3A_3744 = arith.subi %get3A_845, %sub3A_3743 : i32
      %add3A_3745 = arith.addi %mul3A_3742, %sub3A_3744 : i32
      %jit3A_3746 = arith.constant 0 : i32
      %select_n3A_3747 = arith.select %lt3A_850, %jit3A_3746, %add3A_3745 : i32
      %eq3A_3748 = vector.broadcast %get3A_836 : i32 to vector<1x32xi32>
      %eq3A_3749 = arith.cmpi eq, %iota3A_1410, %eq3A_3748 : vector<1x32xi32>
      %convert_element_type3A_3750 = arith.extui %eq3A_3749 : vector<1x32xi1> to vector<1x32xi32>
      %convert_element_type3A_3751 = arith.sitofp %convert_element_type3A_3750 : vector<1x32xi32> to vector<1x32xf32>
      %eq3A_3752 = vector.broadcast %get3A_836 : i32 to vector<1x16xi32>
      %eq3A_3753 = arith.cmpi eq, %iota3A_1411, %eq3A_3752 : vector<1x16xi32>
      %convert_element_type3A_3754 = arith.extui %eq3A_3753 : vector<1x16xi1> to vector<1x16xi32>
      %convert_element_type3A_3755 = arith.sitofp %convert_element_type3A_3754 : vector<1x16xi32> to vector<1x16xf32>
      %get3A_3756 = arith.index_cast %add3A_3738 : i32 to index
      %get3A_3757 = arith.constant 0 : index
      %get3A_3758 = vector.load %arg2[%get3A_3756, %get3A_3757] : memref<2304x32xf32, #tpu.memory_space<vmem>>, vector<1x32xf32>
      %mul3A_3759 = arith.mulf %get3A_3758, %convert_element_type3A_3751 : vector<1x32xf32>
      %reduce_sum3A_3760 = vector.shape_cast %mul3A_3759 : vector<1x32xf32> to vector<1x1x32xf32>
      %reduce_sum3A_3761 = arith.constant dense<0.000000e+00> : vector<1xf32>
      %reduce_sum3A_3762 = vector.multi_reduction <add>, %reduce_sum3A_3760, %reduce_sum3A_3761 [1, 2] : vector<1x1x32xf32> to vector<1xf32>
      %reduce_sum3A_3763 = vector.shape_cast %reduce_sum3A_3762 : vector<1xf32> to vector<1x1x1xf32>
      %reduce_sum3A_3764 = vector.extract %reduce_sum3A_3763[0, 0, 0] : f32 from vector<1x1x1xf32>
      %get3A_3765 = arith.index_cast %add3A_3738 : i32 to index
      %get3A_3766 = arith.constant 0 : index
      %get3A_3767 = vector.load %arg3[%get3A_3765, %get3A_3766] : memref<2304x16xf32, #tpu.memory_space<vmem>>, vector<1x16xf32>
      %get3A_3768 = arith.index_cast %select_n3A_3747 : i32 to index
      %get3A_3769 = arith.constant 0 : index
      %get3A_3770 = vector.load %arg9[%get3A_3768, %get3A_3769] : memref<2304x16xf32, #tpu.memory_space<vmem>>, vector<1x16xf32>
      %add3A_3771 = arith.addf %get3A_3767, %get3A_3770 : vector<1x16xf32>
      %mul3A_3772 = arith.mulf %add3A_3771, %convert_element_type3A_3755 : vector<1x16xf32>
      %reduce_sum3A_3773 = vector.shape_cast %mul3A_3772 : vector<1x16xf32> to vector<1x1x16xf32>
      %reduce_sum3A_3774 = arith.constant dense<0.000000e+00> : vector<1xf32>
      %reduce_sum3A_3775 = vector.multi_reduction <add>, %reduce_sum3A_3773, %reduce_sum3A_3774 [1, 2] : vector<1x1x16xf32> to vector<1xf32>
      %reduce_sum3A_3776 = vector.shape_cast %reduce_sum3A_3775 : vector<1xf32> to vector<1x1x1xf32>
      %reduce_sum3A_3777 = vector.extract %reduce_sum3A_3776[0, 0, 0] : f32 from vector<1x1x1xf32>
      %select_n3A_3778 = arith.select %lt3A_850, %reduce_sum3A_3764, %reduce_sum3A_3777 : f32
      %jit3A_3779 = arith.constant 0.000000e+00 : f32
      %select_n3A_3780 = arith.select %and3A_3735, %select_n3A_3778, %jit3A_3779 : f32
      %add3A_3781 = arith.addf %add3A_3700, %select_n3A_3780 : f32
      %ne3A_3782 = arith.cmpi ne, %select_n3A_897, %select_n3A_929 : i32
      %and3A_3783 = arith.constant true
      %and3A_3784 = arith.andi %and3A_3783, %ne3A_3782 : i1
      %ne3A_3785 = arith.cmpi ne, %select_n3A_897, %select_n3A_961 : i32
      %and3A_3786 = arith.andi %and3A_3784, %ne3A_3785 : i1
      %ne3A_3787 = arith.cmpi ne, %select_n3A_897, %select_n3A_993 : i32
      %and3A_3788 = arith.andi %and3A_3786, %ne3A_3787 : i1
      %ne3A_3789 = arith.cmpi ne, %select_n3A_897, %select_n3A_1025 : i32
      %and3A_3790 = arith.andi %and3A_3788, %ne3A_3789 : i1
      %ne3A_3791 = arith.cmpi ne, %select_n3A_897, %select_n3A_1057 : i32
      %and3A_3792 = arith.andi %and3A_3790, %ne3A_3791 : i1
      %ne3A_3793 = arith.cmpi ne, %select_n3A_897, %select_n3A_1089 : i32
      %and3A_3794 = arith.andi %and3A_3792, %ne3A_3793 : i1
      %ne3A_3795 = arith.cmpi ne, %select_n3A_897, %select_n3A_1121 : i32
      %and3A_3796 = arith.andi %and3A_3794, %ne3A_3795 : i1
      %ne3A_3797 = arith.cmpi ne, %select_n3A_897, %select_n3A_1153 : i32
      %and3A_3798 = arith.andi %and3A_3796, %ne3A_3797 : i1
      %ne3A_3799 = arith.cmpi ne, %select_n3A_897, %select_n3A_1185 : i32
      %and3A_3800 = arith.andi %and3A_3798, %ne3A_3799 : i1
      %ne3A_3801 = arith.cmpi ne, %select_n3A_897, %select_n3A_1217 : i32
      %and3A_3802 = arith.andi %and3A_3800, %ne3A_3801 : i1
      %ne3A_3803 = arith.cmpi ne, %select_n3A_897, %select_n3A_1249 : i32
      %and3A_3804 = arith.andi %and3A_3802, %ne3A_3803 : i1
      %ne3A_3805 = arith.cmpi ne, %select_n3A_897, %select_n3A_1281 : i32
      %and3A_3806 = arith.andi %and3A_3804, %ne3A_3805 : i1
      %ne3A_3807 = arith.cmpi ne, %select_n3A_897, %select_n3A_1313 : i32
      %and3A_3808 = arith.andi %and3A_3806, %ne3A_3807 : i1
      %ne3A_3809 = arith.cmpi ne, %select_n3A_897, %select_n3A_1345 : i32
      %and3A_3810 = arith.andi %and3A_3808, %ne3A_3809 : i1
      %ne3A_3811 = arith.cmpi ne, %select_n3A_897, %select_n3A_1377 : i32
      %and3A_3812 = arith.andi %and3A_3810, %ne3A_3811 : i1
      %ne3A_3813 = arith.cmpi ne, %select_n3A_897, %select_n3A_1409 : i32
      %and3A_3814 = arith.andi %and3A_3812, %ne3A_3813 : i1
      %mul3A_3815 = arith.constant 48 : i32
      %mul3A_3816 = arith.muli %get3A_871, %mul3A_3815 : i32
      %add3A_3817 = arith.addi %mul3A_3816, %get3A_880 : i32
      %add3A_3818 = arith.constant 1 : i32
      %add3A_3819 = arith.addi %get3A_874, %add3A_3818 : i32
      %mul3A_3820 = arith.constant 48 : i32
      %mul3A_3821 = arith.muli %add3A_3819, %mul3A_3820 : i32
      %sub3A_3822 = arith.constant 1 : i32
      %sub3A_3823 = arith.subi %get3A_877, %sub3A_3822 : i32
      %add3A_3824 = arith.addi %mul3A_3821, %sub3A_3823 : i32
      %jit3A_3825 = arith.constant 0 : i32
      %select_n3A_3826 = arith.select %lt3A_882, %jit3A_3825, %add3A_3824 : i32
      %eq3A_3827 = vector.broadcast %get3A_868 : i32 to vector<1x32xi32>
      %eq3A_3828 = arith.cmpi eq, %iota3A_1410, %eq3A_3827 : vector<1x32xi32>
      %convert_element_type3A_3829 = arith.extui %eq3A_3828 : vector<1x32xi1> to vector<1x32xi32>
      %convert_element_type3A_3830 = arith.sitofp %convert_element_type3A_3829 : vector<1x32xi32> to vector<1x32xf32>
      %eq3A_3831 = vector.broadcast %get3A_868 : i32 to vector<1x16xi32>
      %eq3A_3832 = arith.cmpi eq, %iota3A_1411, %eq3A_3831 : vector<1x16xi32>
      %convert_element_type3A_3833 = arith.extui %eq3A_3832 : vector<1x16xi1> to vector<1x16xi32>
      %convert_element_type3A_3834 = arith.sitofp %convert_element_type3A_3833 : vector<1x16xi32> to vector<1x16xf32>
      %get3A_3835 = arith.index_cast %add3A_3817 : i32 to index
      %get3A_3836 = arith.constant 0 : index
      %get3A_3837 = vector.load %arg2[%get3A_3835, %get3A_3836] : memref<2304x32xf32, #tpu.memory_space<vmem>>, vector<1x32xf32>
      %mul3A_3838 = arith.mulf %get3A_3837, %convert_element_type3A_3830 : vector<1x32xf32>
      %reduce_sum3A_3839 = vector.shape_cast %mul3A_3838 : vector<1x32xf32> to vector<1x1x32xf32>
      %reduce_sum3A_3840 = arith.constant dense<0.000000e+00> : vector<1xf32>
      %reduce_sum3A_3841 = vector.multi_reduction <add>, %reduce_sum3A_3839, %reduce_sum3A_3840 [1, 2] : vector<1x1x32xf32> to vector<1xf32>
      %reduce_sum3A_3842 = vector.shape_cast %reduce_sum3A_3841 : vector<1xf32> to vector<1x1x1xf32>
      %reduce_sum3A_3843 = vector.extract %reduce_sum3A_3842[0, 0, 0] : f32 from vector<1x1x1xf32>
      %get3A_3844 = arith.index_cast %add3A_3817 : i32 to index
      %get3A_3845 = arith.constant 0 : index
      %get3A_3846 = vector.load %arg3[%get3A_3844, %get3A_3845] : memref<2304x16xf32, #tpu.memory_space<vmem>>, vector<1x16xf32>
      %get3A_3847 = arith.index_cast %select_n3A_3826 : i32 to index
      %get3A_3848 = arith.constant 0 : index
      %get3A_3849 = vector.load %arg9[%get3A_3847, %get3A_3848] : memref<2304x16xf32, #tpu.memory_space<vmem>>, vector<1x16xf32>
      %add3A_3850 = arith.addf %get3A_3846, %get3A_3849 : vector<1x16xf32>
      %mul3A_3851 = arith.mulf %add3A_3850, %convert_element_type3A_3834 : vector<1x16xf32>
      %reduce_sum3A_3852 = vector.shape_cast %mul3A_3851 : vector<1x16xf32> to vector<1x1x16xf32>
      %reduce_sum3A_3853 = arith.constant dense<0.000000e+00> : vector<1xf32>
      %reduce_sum3A_3854 = vector.multi_reduction <add>, %reduce_sum3A_3852, %reduce_sum3A_3853 [1, 2] : vector<1x1x16xf32> to vector<1xf32>
      %reduce_sum3A_3855 = vector.shape_cast %reduce_sum3A_3854 : vector<1xf32> to vector<1x1x1xf32>
      %reduce_sum3A_3856 = vector.extract %reduce_sum3A_3855[0, 0, 0] : f32 from vector<1x1x1xf32>
      %select_n3A_3857 = arith.select %lt3A_882, %reduce_sum3A_3843, %reduce_sum3A_3856 : f32
      %jit3A_3858 = arith.constant 0.000000e+00 : f32
      %select_n3A_3859 = arith.select %and3A_3814, %select_n3A_3857, %jit3A_3858 : f32
      %add3A_3860 = arith.addf %add3A_3781, %select_n3A_3859 : f32
      %ne3A_3861 = arith.cmpi ne, %select_n3A_929, %select_n3A_961 : i32
      %and3A_3862 = arith.constant true
      %and3A_3863 = arith.andi %and3A_3862, %ne3A_3861 : i1
      %ne3A_3864 = arith.cmpi ne, %select_n3A_929, %select_n3A_993 : i32
      %and3A_3865 = arith.andi %and3A_3863, %ne3A_3864 : i1
      %ne3A_3866 = arith.cmpi ne, %select_n3A_929, %select_n3A_1025 : i32
      %and3A_3867 = arith.andi %and3A_3865, %ne3A_3866 : i1
      %ne3A_3868 = arith.cmpi ne, %select_n3A_929, %select_n3A_1057 : i32
      %and3A_3869 = arith.andi %and3A_3867, %ne3A_3868 : i1
      %ne3A_3870 = arith.cmpi ne, %select_n3A_929, %select_n3A_1089 : i32
      %and3A_3871 = arith.andi %and3A_3869, %ne3A_3870 : i1
      %ne3A_3872 = arith.cmpi ne, %select_n3A_929, %select_n3A_1121 : i32
      %and3A_3873 = arith.andi %and3A_3871, %ne3A_3872 : i1
      %ne3A_3874 = arith.cmpi ne, %select_n3A_929, %select_n3A_1153 : i32
      %and3A_3875 = arith.andi %and3A_3873, %ne3A_3874 : i1
      %ne3A_3876 = arith.cmpi ne, %select_n3A_929, %select_n3A_1185 : i32
      %and3A_3877 = arith.andi %and3A_3875, %ne3A_3876 : i1
      %ne3A_3878 = arith.cmpi ne, %select_n3A_929, %select_n3A_1217 : i32
      %and3A_3879 = arith.andi %and3A_3877, %ne3A_3878 : i1
      %ne3A_3880 = arith.cmpi ne, %select_n3A_929, %select_n3A_1249 : i32
      %and3A_3881 = arith.andi %and3A_3879, %ne3A_3880 : i1
      %ne3A_3882 = arith.cmpi ne, %select_n3A_929, %select_n3A_1281 : i32
      %and3A_3883 = arith.andi %and3A_3881, %ne3A_3882 : i1
      %ne3A_3884 = arith.cmpi ne, %select_n3A_929, %select_n3A_1313 : i32
      %and3A_3885 = arith.andi %and3A_3883, %ne3A_3884 : i1
      %ne3A_3886 = arith.cmpi ne, %select_n3A_929, %select_n3A_1345 : i32
      %and3A_3887 = arith.andi %and3A_3885, %ne3A_3886 : i1
      %ne3A_3888 = arith.cmpi ne, %select_n3A_929, %select_n3A_1377 : i32
      %and3A_3889 = arith.andi %and3A_3887, %ne3A_3888 : i1
      %ne3A_3890 = arith.cmpi ne, %select_n3A_929, %select_n3A_1409 : i32
      %and3A_3891 = arith.andi %and3A_3889, %ne3A_3890 : i1
      %mul3A_3892 = arith.constant 48 : i32
      %mul3A_3893 = arith.muli %get3A_903, %mul3A_3892 : i32
      %add3A_3894 = arith.addi %mul3A_3893, %get3A_912 : i32
      %add3A_3895 = arith.constant 1 : i32
      %add3A_3896 = arith.addi %get3A_906, %add3A_3895 : i32
      %mul3A_3897 = arith.constant 48 : i32
      %mul3A_3898 = arith.muli %add3A_3896, %mul3A_3897 : i32
      %sub3A_3899 = arith.constant 1 : i32
      %sub3A_3900 = arith.subi %get3A_909, %sub3A_3899 : i32
      %add3A_3901 = arith.addi %mul3A_3898, %sub3A_3900 : i32
      %jit3A_3902 = arith.constant 0 : i32
      %select_n3A_3903 = arith.select %lt3A_914, %jit3A_3902, %add3A_3901 : i32
      %eq3A_3904 = vector.broadcast %get3A_900 : i32 to vector<1x32xi32>
      %eq3A_3905 = arith.cmpi eq, %iota3A_1410, %eq3A_3904 : vector<1x32xi32>
      %convert_element_type3A_3906 = arith.extui %eq3A_3905 : vector<1x32xi1> to vector<1x32xi32>
      %convert_element_type3A_3907 = arith.sitofp %convert_element_type3A_3906 : vector<1x32xi32> to vector<1x32xf32>
      %eq3A_3908 = vector.broadcast %get3A_900 : i32 to vector<1x16xi32>
      %eq3A_3909 = arith.cmpi eq, %iota3A_1411, %eq3A_3908 : vector<1x16xi32>
      %convert_element_type3A_3910 = arith.extui %eq3A_3909 : vector<1x16xi1> to vector<1x16xi32>
      %convert_element_type3A_3911 = arith.sitofp %convert_element_type3A_3910 : vector<1x16xi32> to vector<1x16xf32>
      %get3A_3912 = arith.index_cast %add3A_3894 : i32 to index
      %get3A_3913 = arith.constant 0 : index
      %get3A_3914 = vector.load %arg2[%get3A_3912, %get3A_3913] : memref<2304x32xf32, #tpu.memory_space<vmem>>, vector<1x32xf32>
      %mul3A_3915 = arith.mulf %get3A_3914, %convert_element_type3A_3907 : vector<1x32xf32>
      %reduce_sum3A_3916 = vector.shape_cast %mul3A_3915 : vector<1x32xf32> to vector<1x1x32xf32>
      %reduce_sum3A_3917 = arith.constant dense<0.000000e+00> : vector<1xf32>
      %reduce_sum3A_3918 = vector.multi_reduction <add>, %reduce_sum3A_3916, %reduce_sum3A_3917 [1, 2] : vector<1x1x32xf32> to vector<1xf32>
      %reduce_sum3A_3919 = vector.shape_cast %reduce_sum3A_3918 : vector<1xf32> to vector<1x1x1xf32>
      %reduce_sum3A_3920 = vector.extract %reduce_sum3A_3919[0, 0, 0] : f32 from vector<1x1x1xf32>
      %get3A_3921 = arith.index_cast %add3A_3894 : i32 to index
      %get3A_3922 = arith.constant 0 : index
      %get3A_3923 = vector.load %arg3[%get3A_3921, %get3A_3922] : memref<2304x16xf32, #tpu.memory_space<vmem>>, vector<1x16xf32>
      %get3A_3924 = arith.index_cast %select_n3A_3903 : i32 to index
      %get3A_3925 = arith.constant 0 : index
      %get3A_3926 = vector.load %arg9[%get3A_3924, %get3A_3925] : memref<2304x16xf32, #tpu.memory_space<vmem>>, vector<1x16xf32>
      %add3A_3927 = arith.addf %get3A_3923, %get3A_3926 : vector<1x16xf32>
      %mul3A_3928 = arith.mulf %add3A_3927, %convert_element_type3A_3911 : vector<1x16xf32>
      %reduce_sum3A_3929 = vector.shape_cast %mul3A_3928 : vector<1x16xf32> to vector<1x1x16xf32>
      %reduce_sum3A_3930 = arith.constant dense<0.000000e+00> : vector<1xf32>
      %reduce_sum3A_3931 = vector.multi_reduction <add>, %reduce_sum3A_3929, %reduce_sum3A_3930 [1, 2] : vector<1x1x16xf32> to vector<1xf32>
      %reduce_sum3A_3932 = vector.shape_cast %reduce_sum3A_3931 : vector<1xf32> to vector<1x1x1xf32>
      %reduce_sum3A_3933 = vector.extract %reduce_sum3A_3932[0, 0, 0] : f32 from vector<1x1x1xf32>
      %select_n3A_3934 = arith.select %lt3A_914, %reduce_sum3A_3920, %reduce_sum3A_3933 : f32
      %jit3A_3935 = arith.constant 0.000000e+00 : f32
      %select_n3A_3936 = arith.select %and3A_3891, %select_n3A_3934, %jit3A_3935 : f32
      %add3A_3937 = arith.addf %add3A_3860, %select_n3A_3936 : f32
      %ne3A_3938 = arith.cmpi ne, %select_n3A_961, %select_n3A_993 : i32
      %and3A_3939 = arith.constant true
      %and3A_3940 = arith.andi %and3A_3939, %ne3A_3938 : i1
      %ne3A_3941 = arith.cmpi ne, %select_n3A_961, %select_n3A_1025 : i32
      %and3A_3942 = arith.andi %and3A_3940, %ne3A_3941 : i1
      %ne3A_3943 = arith.cmpi ne, %select_n3A_961, %select_n3A_1057 : i32
      %and3A_3944 = arith.andi %and3A_3942, %ne3A_3943 : i1
      %ne3A_3945 = arith.cmpi ne, %select_n3A_961, %select_n3A_1089 : i32
      %and3A_3946 = arith.andi %and3A_3944, %ne3A_3945 : i1
      %ne3A_3947 = arith.cmpi ne, %select_n3A_961, %select_n3A_1121 : i32
      %and3A_3948 = arith.andi %and3A_3946, %ne3A_3947 : i1
      %ne3A_3949 = arith.cmpi ne, %select_n3A_961, %select_n3A_1153 : i32
      %and3A_3950 = arith.andi %and3A_3948, %ne3A_3949 : i1
      %ne3A_3951 = arith.cmpi ne, %select_n3A_961, %select_n3A_1185 : i32
      %and3A_3952 = arith.andi %and3A_3950, %ne3A_3951 : i1
      %ne3A_3953 = arith.cmpi ne, %select_n3A_961, %select_n3A_1217 : i32
      %and3A_3954 = arith.andi %and3A_3952, %ne3A_3953 : i1
      %ne3A_3955 = arith.cmpi ne, %select_n3A_961, %select_n3A_1249 : i32
      %and3A_3956 = arith.andi %and3A_3954, %ne3A_3955 : i1
      %ne3A_3957 = arith.cmpi ne, %select_n3A_961, %select_n3A_1281 : i32
      %and3A_3958 = arith.andi %and3A_3956, %ne3A_3957 : i1
      %ne3A_3959 = arith.cmpi ne, %select_n3A_961, %select_n3A_1313 : i32
      %and3A_3960 = arith.andi %and3A_3958, %ne3A_3959 : i1
      %ne3A_3961 = arith.cmpi ne, %select_n3A_961, %select_n3A_1345 : i32
      %and3A_3962 = arith.andi %and3A_3960, %ne3A_3961 : i1
      %ne3A_3963 = arith.cmpi ne, %select_n3A_961, %select_n3A_1377 : i32
      %and3A_3964 = arith.andi %and3A_3962, %ne3A_3963 : i1
      %ne3A_3965 = arith.cmpi ne, %select_n3A_961, %select_n3A_1409 : i32
      %and3A_3966 = arith.andi %and3A_3964, %ne3A_3965 : i1
      %mul3A_3967 = arith.constant 48 : i32
      %mul3A_3968 = arith.muli %get3A_935, %mul3A_3967 : i32
      %add3A_3969 = arith.addi %mul3A_3968, %get3A_944 : i32
      %add3A_3970 = arith.constant 1 : i32
      %add3A_3971 = arith.addi %get3A_938, %add3A_3970 : i32
      %mul3A_3972 = arith.constant 48 : i32
      %mul3A_3973 = arith.muli %add3A_3971, %mul3A_3972 : i32
      %sub3A_3974 = arith.constant 1 : i32
      %sub3A_3975 = arith.subi %get3A_941, %sub3A_3974 : i32
      %add3A_3976 = arith.addi %mul3A_3973, %sub3A_3975 : i32
      %jit3A_3977 = arith.constant 0 : i32
      %select_n3A_3978 = arith.select %lt3A_946, %jit3A_3977, %add3A_3976 : i32
      %eq3A_3979 = vector.broadcast %get3A_932 : i32 to vector<1x32xi32>
      %eq3A_3980 = arith.cmpi eq, %iota3A_1410, %eq3A_3979 : vector<1x32xi32>
      %convert_element_type3A_3981 = arith.extui %eq3A_3980 : vector<1x32xi1> to vector<1x32xi32>
      %convert_element_type3A_3982 = arith.sitofp %convert_element_type3A_3981 : vector<1x32xi32> to vector<1x32xf32>
      %eq3A_3983 = vector.broadcast %get3A_932 : i32 to vector<1x16xi32>
      %eq3A_3984 = arith.cmpi eq, %iota3A_1411, %eq3A_3983 : vector<1x16xi32>
      %convert_element_type3A_3985 = arith.extui %eq3A_3984 : vector<1x16xi1> to vector<1x16xi32>
      %convert_element_type3A_3986 = arith.sitofp %convert_element_type3A_3985 : vector<1x16xi32> to vector<1x16xf32>
      %get3A_3987 = arith.index_cast %add3A_3969 : i32 to index
      %get3A_3988 = arith.constant 0 : index
      %get3A_3989 = vector.load %arg2[%get3A_3987, %get3A_3988] : memref<2304x32xf32, #tpu.memory_space<vmem>>, vector<1x32xf32>
      %mul3A_3990 = arith.mulf %get3A_3989, %convert_element_type3A_3982 : vector<1x32xf32>
      %reduce_sum3A_3991 = vector.shape_cast %mul3A_3990 : vector<1x32xf32> to vector<1x1x32xf32>
      %reduce_sum3A_3992 = arith.constant dense<0.000000e+00> : vector<1xf32>
      %reduce_sum3A_3993 = vector.multi_reduction <add>, %reduce_sum3A_3991, %reduce_sum3A_3992 [1, 2] : vector<1x1x32xf32> to vector<1xf32>
      %reduce_sum3A_3994 = vector.shape_cast %reduce_sum3A_3993 : vector<1xf32> to vector<1x1x1xf32>
      %reduce_sum3A_3995 = vector.extract %reduce_sum3A_3994[0, 0, 0] : f32 from vector<1x1x1xf32>
      %get3A_3996 = arith.index_cast %add3A_3969 : i32 to index
      %get3A_3997 = arith.constant 0 : index
      %get3A_3998 = vector.load %arg3[%get3A_3996, %get3A_3997] : memref<2304x16xf32, #tpu.memory_space<vmem>>, vector<1x16xf32>
      %get3A_3999 = arith.index_cast %select_n3A_3978 : i32 to index
      %get3A_4000 = arith.constant 0 : index
      %get3A_4001 = vector.load %arg9[%get3A_3999, %get3A_4000] : memref<2304x16xf32, #tpu.memory_space<vmem>>, vector<1x16xf32>
      %add3A_4002 = arith.addf %get3A_3998, %get3A_4001 : vector<1x16xf32>
      %mul3A_4003 = arith.mulf %add3A_4002, %convert_element_type3A_3986 : vector<1x16xf32>
      %reduce_sum3A_4004 = vector.shape_cast %mul3A_4003 : vector<1x16xf32> to vector<1x1x16xf32>
      %reduce_sum3A_4005 = arith.constant dense<0.000000e+00> : vector<1xf32>
      %reduce_sum3A_4006 = vector.multi_reduction <add>, %reduce_sum3A_4004, %reduce_sum3A_4005 [1, 2] : vector<1x1x16xf32> to vector<1xf32>
      %reduce_sum3A_4007 = vector.shape_cast %reduce_sum3A_4006 : vector<1xf32> to vector<1x1x1xf32>
      %reduce_sum3A_4008 = vector.extract %reduce_sum3A_4007[0, 0, 0] : f32 from vector<1x1x1xf32>
      %select_n3A_4009 = arith.select %lt3A_946, %reduce_sum3A_3995, %reduce_sum3A_4008 : f32
      %jit3A_4010 = arith.constant 0.000000e+00 : f32
      %select_n3A_4011 = arith.select %and3A_3966, %select_n3A_4009, %jit3A_4010 : f32
      %add3A_4012 = arith.addf %add3A_3937, %select_n3A_4011 : f32
      %ne3A_4013 = arith.cmpi ne, %select_n3A_993, %select_n3A_1025 : i32
      %and3A_4014 = arith.constant true
      %and3A_4015 = arith.andi %and3A_4014, %ne3A_4013 : i1
      %ne3A_4016 = arith.cmpi ne, %select_n3A_993, %select_n3A_1057 : i32
      %and3A_4017 = arith.andi %and3A_4015, %ne3A_4016 : i1
      %ne3A_4018 = arith.cmpi ne, %select_n3A_993, %select_n3A_1089 : i32
      %and3A_4019 = arith.andi %and3A_4017, %ne3A_4018 : i1
      %ne3A_4020 = arith.cmpi ne, %select_n3A_993, %select_n3A_1121 : i32
      %and3A_4021 = arith.andi %and3A_4019, %ne3A_4020 : i1
      %ne3A_4022 = arith.cmpi ne, %select_n3A_993, %select_n3A_1153 : i32
      %and3A_4023 = arith.andi %and3A_4021, %ne3A_4022 : i1
      %ne3A_4024 = arith.cmpi ne, %select_n3A_993, %select_n3A_1185 : i32
      %and3A_4025 = arith.andi %and3A_4023, %ne3A_4024 : i1
      %ne3A_4026 = arith.cmpi ne, %select_n3A_993, %select_n3A_1217 : i32
      %and3A_4027 = arith.andi %and3A_4025, %ne3A_4026 : i1
      %ne3A_4028 = arith.cmpi ne, %select_n3A_993, %select_n3A_1249 : i32
      %and3A_4029 = arith.andi %and3A_4027, %ne3A_4028 : i1
      %ne3A_4030 = arith.cmpi ne, %select_n3A_993, %select_n3A_1281 : i32
      %and3A_4031 = arith.andi %and3A_4029, %ne3A_4030 : i1
      %ne3A_4032 = arith.cmpi ne, %select_n3A_993, %select_n3A_1313 : i32
      %and3A_4033 = arith.andi %and3A_4031, %ne3A_4032 : i1
      %ne3A_4034 = arith.cmpi ne, %select_n3A_993, %select_n3A_1345 : i32
      %and3A_4035 = arith.andi %and3A_4033, %ne3A_4034 : i1
      %ne3A_4036 = arith.cmpi ne, %select_n3A_993, %select_n3A_1377 : i32
      %and3A_4037 = arith.andi %and3A_4035, %ne3A_4036 : i1
      %ne3A_4038 = arith.cmpi ne, %select_n3A_993, %select_n3A_1409 : i32
      %and3A_4039 = arith.andi %and3A_4037, %ne3A_4038 : i1
      %mul3A_4040 = arith.constant 48 : i32
      %mul3A_4041 = arith.muli %get3A_967, %mul3A_4040 : i32
      %add3A_4042 = arith.addi %mul3A_4041, %get3A_976 : i32
      %add3A_4043 = arith.constant 1 : i32
      %add3A_4044 = arith.addi %get3A_970, %add3A_4043 : i32
      %mul3A_4045 = arith.constant 48 : i32
      %mul3A_4046 = arith.muli %add3A_4044, %mul3A_4045 : i32
      %sub3A_4047 = arith.constant 1 : i32
      %sub3A_4048 = arith.subi %get3A_973, %sub3A_4047 : i32
      %add3A_4049 = arith.addi %mul3A_4046, %sub3A_4048 : i32
      %jit3A_4050 = arith.constant 0 : i32
      %select_n3A_4051 = arith.select %lt3A_978, %jit3A_4050, %add3A_4049 : i32
      %eq3A_4052 = vector.broadcast %get3A_964 : i32 to vector<1x32xi32>
      %eq3A_4053 = arith.cmpi eq, %iota3A_1410, %eq3A_4052 : vector<1x32xi32>
      %convert_element_type3A_4054 = arith.extui %eq3A_4053 : vector<1x32xi1> to vector<1x32xi32>
      %convert_element_type3A_4055 = arith.sitofp %convert_element_type3A_4054 : vector<1x32xi32> to vector<1x32xf32>
      %eq3A_4056 = vector.broadcast %get3A_964 : i32 to vector<1x16xi32>
      %eq3A_4057 = arith.cmpi eq, %iota3A_1411, %eq3A_4056 : vector<1x16xi32>
      %convert_element_type3A_4058 = arith.extui %eq3A_4057 : vector<1x16xi1> to vector<1x16xi32>
      %convert_element_type3A_4059 = arith.sitofp %convert_element_type3A_4058 : vector<1x16xi32> to vector<1x16xf32>
      %get3A_4060 = arith.index_cast %add3A_4042 : i32 to index
      %get3A_4061 = arith.constant 0 : index
      %get3A_4062 = vector.load %arg2[%get3A_4060, %get3A_4061] : memref<2304x32xf32, #tpu.memory_space<vmem>>, vector<1x32xf32>
      %mul3A_4063 = arith.mulf %get3A_4062, %convert_element_type3A_4055 : vector<1x32xf32>
      %reduce_sum3A_4064 = vector.shape_cast %mul3A_4063 : vector<1x32xf32> to vector<1x1x32xf32>
      %reduce_sum3A_4065 = arith.constant dense<0.000000e+00> : vector<1xf32>
      %reduce_sum3A_4066 = vector.multi_reduction <add>, %reduce_sum3A_4064, %reduce_sum3A_4065 [1, 2] : vector<1x1x32xf32> to vector<1xf32>
      %reduce_sum3A_4067 = vector.shape_cast %reduce_sum3A_4066 : vector<1xf32> to vector<1x1x1xf32>
      %reduce_sum3A_4068 = vector.extract %reduce_sum3A_4067[0, 0, 0] : f32 from vector<1x1x1xf32>
      %get3A_4069 = arith.index_cast %add3A_4042 : i32 to index
      %get3A_4070 = arith.constant 0 : index
      %get3A_4071 = vector.load %arg3[%get3A_4069, %get3A_4070] : memref<2304x16xf32, #tpu.memory_space<vmem>>, vector<1x16xf32>
      %get3A_4072 = arith.index_cast %select_n3A_4051 : i32 to index
      %get3A_4073 = arith.constant 0 : index
      %get3A_4074 = vector.load %arg9[%get3A_4072, %get3A_4073] : memref<2304x16xf32, #tpu.memory_space<vmem>>, vector<1x16xf32>
      %add3A_4075 = arith.addf %get3A_4071, %get3A_4074 : vector<1x16xf32>
      %mul3A_4076 = arith.mulf %add3A_4075, %convert_element_type3A_4059 : vector<1x16xf32>
      %reduce_sum3A_4077 = vector.shape_cast %mul3A_4076 : vector<1x16xf32> to vector<1x1x16xf32>
      %reduce_sum3A_4078 = arith.constant dense<0.000000e+00> : vector<1xf32>
      %reduce_sum3A_4079 = vector.multi_reduction <add>, %reduce_sum3A_4077, %reduce_sum3A_4078 [1, 2] : vector<1x1x16xf32> to vector<1xf32>
      %reduce_sum3A_4080 = vector.shape_cast %reduce_sum3A_4079 : vector<1xf32> to vector<1x1x1xf32>
      %reduce_sum3A_4081 = vector.extract %reduce_sum3A_4080[0, 0, 0] : f32 from vector<1x1x1xf32>
      %select_n3A_4082 = arith.select %lt3A_978, %reduce_sum3A_4068, %reduce_sum3A_4081 : f32
      %jit3A_4083 = arith.constant 0.000000e+00 : f32
      %select_n3A_4084 = arith.select %and3A_4039, %select_n3A_4082, %jit3A_4083 : f32
      %add3A_4085 = arith.addf %add3A_4012, %select_n3A_4084 : f32
      %ne3A_4086 = arith.cmpi ne, %select_n3A_1025, %select_n3A_1057 : i32
      %and3A_4087 = arith.constant true
      %and3A_4088 = arith.andi %and3A_4087, %ne3A_4086 : i1
      %ne3A_4089 = arith.cmpi ne, %select_n3A_1025, %select_n3A_1089 : i32
      %and3A_4090 = arith.andi %and3A_4088, %ne3A_4089 : i1
      %ne3A_4091 = arith.cmpi ne, %select_n3A_1025, %select_n3A_1121 : i32
      %and3A_4092 = arith.andi %and3A_4090, %ne3A_4091 : i1
      %ne3A_4093 = arith.cmpi ne, %select_n3A_1025, %select_n3A_1153 : i32
      %and3A_4094 = arith.andi %and3A_4092, %ne3A_4093 : i1
      %ne3A_4095 = arith.cmpi ne, %select_n3A_1025, %select_n3A_1185 : i32
      %and3A_4096 = arith.andi %and3A_4094, %ne3A_4095 : i1
      %ne3A_4097 = arith.cmpi ne, %select_n3A_1025, %select_n3A_1217 : i32
      %and3A_4098 = arith.andi %and3A_4096, %ne3A_4097 : i1
      %ne3A_4099 = arith.cmpi ne, %select_n3A_1025, %select_n3A_1249 : i32
      %and3A_4100 = arith.andi %and3A_4098, %ne3A_4099 : i1
      %ne3A_4101 = arith.cmpi ne, %select_n3A_1025, %select_n3A_1281 : i32
      %and3A_4102 = arith.andi %and3A_4100, %ne3A_4101 : i1
      %ne3A_4103 = arith.cmpi ne, %select_n3A_1025, %select_n3A_1313 : i32
      %and3A_4104 = arith.andi %and3A_4102, %ne3A_4103 : i1
      %ne3A_4105 = arith.cmpi ne, %select_n3A_1025, %select_n3A_1345 : i32
      %and3A_4106 = arith.andi %and3A_4104, %ne3A_4105 : i1
      %ne3A_4107 = arith.cmpi ne, %select_n3A_1025, %select_n3A_1377 : i32
      %and3A_4108 = arith.andi %and3A_4106, %ne3A_4107 : i1
      %ne3A_4109 = arith.cmpi ne, %select_n3A_1025, %select_n3A_1409 : i32
      %and3A_4110 = arith.andi %and3A_4108, %ne3A_4109 : i1
      %mul3A_4111 = arith.constant 48 : i32
      %mul3A_4112 = arith.muli %get3A_999, %mul3A_4111 : i32
      %add3A_4113 = arith.addi %mul3A_4112, %get3A_1008 : i32
      %add3A_4114 = arith.constant 1 : i32
      %add3A_4115 = arith.addi %get3A_1002, %add3A_4114 : i32
      %mul3A_4116 = arith.constant 48 : i32
      %mul3A_4117 = arith.muli %add3A_4115, %mul3A_4116 : i32
      %sub3A_4118 = arith.constant 1 : i32
      %sub3A_4119 = arith.subi %get3A_1005, %sub3A_4118 : i32
      %add3A_4120 = arith.addi %mul3A_4117, %sub3A_4119 : i32
      %jit3A_4121 = arith.constant 0 : i32
      %select_n3A_4122 = arith.select %lt3A_1010, %jit3A_4121, %add3A_4120 : i32
      %eq3A_4123 = vector.broadcast %get3A_996 : i32 to vector<1x32xi32>
      %eq3A_4124 = arith.cmpi eq, %iota3A_1410, %eq3A_4123 : vector<1x32xi32>
      %convert_element_type3A_4125 = arith.extui %eq3A_4124 : vector<1x32xi1> to vector<1x32xi32>
      %convert_element_type3A_4126 = arith.sitofp %convert_element_type3A_4125 : vector<1x32xi32> to vector<1x32xf32>
      %eq3A_4127 = vector.broadcast %get3A_996 : i32 to vector<1x16xi32>
      %eq3A_4128 = arith.cmpi eq, %iota3A_1411, %eq3A_4127 : vector<1x16xi32>
      %convert_element_type3A_4129 = arith.extui %eq3A_4128 : vector<1x16xi1> to vector<1x16xi32>
      %convert_element_type3A_4130 = arith.sitofp %convert_element_type3A_4129 : vector<1x16xi32> to vector<1x16xf32>
      %get3A_4131 = arith.index_cast %add3A_4113 : i32 to index
      %get3A_4132 = arith.constant 0 : index
      %get3A_4133 = vector.load %arg2[%get3A_4131, %get3A_4132] : memref<2304x32xf32, #tpu.memory_space<vmem>>, vector<1x32xf32>
      %mul3A_4134 = arith.mulf %get3A_4133, %convert_element_type3A_4126 : vector<1x32xf32>
      %reduce_sum3A_4135 = vector.shape_cast %mul3A_4134 : vector<1x32xf32> to vector<1x1x32xf32>
      %reduce_sum3A_4136 = arith.constant dense<0.000000e+00> : vector<1xf32>
      %reduce_sum3A_4137 = vector.multi_reduction <add>, %reduce_sum3A_4135, %reduce_sum3A_4136 [1, 2] : vector<1x1x32xf32> to vector<1xf32>
      %reduce_sum3A_4138 = vector.shape_cast %reduce_sum3A_4137 : vector<1xf32> to vector<1x1x1xf32>
      %reduce_sum3A_4139 = vector.extract %reduce_sum3A_4138[0, 0, 0] : f32 from vector<1x1x1xf32>
      %get3A_4140 = arith.index_cast %add3A_4113 : i32 to index
      %get3A_4141 = arith.constant 0 : index
      %get3A_4142 = vector.load %arg3[%get3A_4140, %get3A_4141] : memref<2304x16xf32, #tpu.memory_space<vmem>>, vector<1x16xf32>
      %get3A_4143 = arith.index_cast %select_n3A_4122 : i32 to index
      %get3A_4144 = arith.constant 0 : index
      %get3A_4145 = vector.load %arg9[%get3A_4143, %get3A_4144] : memref<2304x16xf32, #tpu.memory_space<vmem>>, vector<1x16xf32>
      %add3A_4146 = arith.addf %get3A_4142, %get3A_4145 : vector<1x16xf32>
      %mul3A_4147 = arith.mulf %add3A_4146, %convert_element_type3A_4130 : vector<1x16xf32>
      %reduce_sum3A_4148 = vector.shape_cast %mul3A_4147 : vector<1x16xf32> to vector<1x1x16xf32>
      %reduce_sum3A_4149 = arith.constant dense<0.000000e+00> : vector<1xf32>
      %reduce_sum3A_4150 = vector.multi_reduction <add>, %reduce_sum3A_4148, %reduce_sum3A_4149 [1, 2] : vector<1x1x16xf32> to vector<1xf32>
      %reduce_sum3A_4151 = vector.shape_cast %reduce_sum3A_4150 : vector<1xf32> to vector<1x1x1xf32>
      %reduce_sum3A_4152 = vector.extract %reduce_sum3A_4151[0, 0, 0] : f32 from vector<1x1x1xf32>
      %select_n3A_4153 = arith.select %lt3A_1010, %reduce_sum3A_4139, %reduce_sum3A_4152 : f32
      %jit3A_4154 = arith.constant 0.000000e+00 : f32
      %select_n3A_4155 = arith.select %and3A_4110, %select_n3A_4153, %jit3A_4154 : f32
      %add3A_4156 = arith.addf %add3A_4085, %select_n3A_4155 : f32
      %ne3A_4157 = arith.cmpi ne, %select_n3A_1057, %select_n3A_1089 : i32
      %and3A_4158 = arith.constant true
      %and3A_4159 = arith.andi %and3A_4158, %ne3A_4157 : i1
      %ne3A_4160 = arith.cmpi ne, %select_n3A_1057, %select_n3A_1121 : i32
      %and3A_4161 = arith.andi %and3A_4159, %ne3A_4160 : i1
      %ne3A_4162 = arith.cmpi ne, %select_n3A_1057, %select_n3A_1153 : i32
      %and3A_4163 = arith.andi %and3A_4161, %ne3A_4162 : i1
      %ne3A_4164 = arith.cmpi ne, %select_n3A_1057, %select_n3A_1185 : i32
      %and3A_4165 = arith.andi %and3A_4163, %ne3A_4164 : i1
      %ne3A_4166 = arith.cmpi ne, %select_n3A_1057, %select_n3A_1217 : i32
      %and3A_4167 = arith.andi %and3A_4165, %ne3A_4166 : i1
      %ne3A_4168 = arith.cmpi ne, %select_n3A_1057, %select_n3A_1249 : i32
      %and3A_4169 = arith.andi %and3A_4167, %ne3A_4168 : i1
      %ne3A_4170 = arith.cmpi ne, %select_n3A_1057, %select_n3A_1281 : i32
      %and3A_4171 = arith.andi %and3A_4169, %ne3A_4170 : i1
      %ne3A_4172 = arith.cmpi ne, %select_n3A_1057, %select_n3A_1313 : i32
      %and3A_4173 = arith.andi %and3A_4171, %ne3A_4172 : i1
      %ne3A_4174 = arith.cmpi ne, %select_n3A_1057, %select_n3A_1345 : i32
      %and3A_4175 = arith.andi %and3A_4173, %ne3A_4174 : i1
      %ne3A_4176 = arith.cmpi ne, %select_n3A_1057, %select_n3A_1377 : i32
      %and3A_4177 = arith.andi %and3A_4175, %ne3A_4176 : i1
      %ne3A_4178 = arith.cmpi ne, %select_n3A_1057, %select_n3A_1409 : i32
      %and3A_4179 = arith.andi %and3A_4177, %ne3A_4178 : i1
      %mul3A_4180 = arith.constant 48 : i32
      %mul3A_4181 = arith.muli %get3A_1031, %mul3A_4180 : i32
      %add3A_4182 = arith.addi %mul3A_4181, %get3A_1040 : i32
      %add3A_4183 = arith.constant 1 : i32
      %add3A_4184 = arith.addi %get3A_1034, %add3A_4183 : i32
      %mul3A_4185 = arith.constant 48 : i32
      %mul3A_4186 = arith.muli %add3A_4184, %mul3A_4185 : i32
      %sub3A_4187 = arith.constant 1 : i32
      %sub3A_4188 = arith.subi %get3A_1037, %sub3A_4187 : i32
      %add3A_4189 = arith.addi %mul3A_4186, %sub3A_4188 : i32
      %jit3A_4190 = arith.constant 0 : i32
      %select_n3A_4191 = arith.select %lt3A_1042, %jit3A_4190, %add3A_4189 : i32
      %eq3A_4192 = vector.broadcast %get3A_1028 : i32 to vector<1x32xi32>
      %eq3A_4193 = arith.cmpi eq, %iota3A_1410, %eq3A_4192 : vector<1x32xi32>
      %convert_element_type3A_4194 = arith.extui %eq3A_4193 : vector<1x32xi1> to vector<1x32xi32>
      %convert_element_type3A_4195 = arith.sitofp %convert_element_type3A_4194 : vector<1x32xi32> to vector<1x32xf32>
      %eq3A_4196 = vector.broadcast %get3A_1028 : i32 to vector<1x16xi32>
      %eq3A_4197 = arith.cmpi eq, %iota3A_1411, %eq3A_4196 : vector<1x16xi32>
      %convert_element_type3A_4198 = arith.extui %eq3A_4197 : vector<1x16xi1> to vector<1x16xi32>
      %convert_element_type3A_4199 = arith.sitofp %convert_element_type3A_4198 : vector<1x16xi32> to vector<1x16xf32>
      %get3A_4200 = arith.index_cast %add3A_4182 : i32 to index
      %get3A_4201 = arith.constant 0 : index
      %get3A_4202 = vector.load %arg2[%get3A_4200, %get3A_4201] : memref<2304x32xf32, #tpu.memory_space<vmem>>, vector<1x32xf32>
      %mul3A_4203 = arith.mulf %get3A_4202, %convert_element_type3A_4195 : vector<1x32xf32>
      %reduce_sum3A_4204 = vector.shape_cast %mul3A_4203 : vector<1x32xf32> to vector<1x1x32xf32>
      %reduce_sum3A_4205 = arith.constant dense<0.000000e+00> : vector<1xf32>
      %reduce_sum3A_4206 = vector.multi_reduction <add>, %reduce_sum3A_4204, %reduce_sum3A_4205 [1, 2] : vector<1x1x32xf32> to vector<1xf32>
      %reduce_sum3A_4207 = vector.shape_cast %reduce_sum3A_4206 : vector<1xf32> to vector<1x1x1xf32>
      %reduce_sum3A_4208 = vector.extract %reduce_sum3A_4207[0, 0, 0] : f32 from vector<1x1x1xf32>
      %get3A_4209 = arith.index_cast %add3A_4182 : i32 to index
      %get3A_4210 = arith.constant 0 : index
      %get3A_4211 = vector.load %arg3[%get3A_4209, %get3A_4210] : memref<2304x16xf32, #tpu.memory_space<vmem>>, vector<1x16xf32>
      %get3A_4212 = arith.index_cast %select_n3A_4191 : i32 to index
      %get3A_4213 = arith.constant 0 : index
      %get3A_4214 = vector.load %arg9[%get3A_4212, %get3A_4213] : memref<2304x16xf32, #tpu.memory_space<vmem>>, vector<1x16xf32>
      %add3A_4215 = arith.addf %get3A_4211, %get3A_4214 : vector<1x16xf32>
      %mul3A_4216 = arith.mulf %add3A_4215, %convert_element_type3A_4199 : vector<1x16xf32>
      %reduce_sum3A_4217 = vector.shape_cast %mul3A_4216 : vector<1x16xf32> to vector<1x1x16xf32>
      %reduce_sum3A_4218 = arith.constant dense<0.000000e+00> : vector<1xf32>
      %reduce_sum3A_4219 = vector.multi_reduction <add>, %reduce_sum3A_4217, %reduce_sum3A_4218 [1, 2] : vector<1x1x16xf32> to vector<1xf32>
      %reduce_sum3A_4220 = vector.shape_cast %reduce_sum3A_4219 : vector<1xf32> to vector<1x1x1xf32>
      %reduce_sum3A_4221 = vector.extract %reduce_sum3A_4220[0, 0, 0] : f32 from vector<1x1x1xf32>
      %select_n3A_4222 = arith.select %lt3A_1042, %reduce_sum3A_4208, %reduce_sum3A_4221 : f32
      %jit3A_4223 = arith.constant 0.000000e+00 : f32
      %select_n3A_4224 = arith.select %and3A_4179, %select_n3A_4222, %jit3A_4223 : f32
      %add3A_4225 = arith.addf %add3A_4156, %select_n3A_4224 : f32
      %ne3A_4226 = arith.cmpi ne, %select_n3A_1089, %select_n3A_1121 : i32
      %and3A_4227 = arith.constant true
      %and3A_4228 = arith.andi %and3A_4227, %ne3A_4226 : i1
      %ne3A_4229 = arith.cmpi ne, %select_n3A_1089, %select_n3A_1153 : i32
      %and3A_4230 = arith.andi %and3A_4228, %ne3A_4229 : i1
      %ne3A_4231 = arith.cmpi ne, %select_n3A_1089, %select_n3A_1185 : i32
      %and3A_4232 = arith.andi %and3A_4230, %ne3A_4231 : i1
      %ne3A_4233 = arith.cmpi ne, %select_n3A_1089, %select_n3A_1217 : i32
      %and3A_4234 = arith.andi %and3A_4232, %ne3A_4233 : i1
      %ne3A_4235 = arith.cmpi ne, %select_n3A_1089, %select_n3A_1249 : i32
      %and3A_4236 = arith.andi %and3A_4234, %ne3A_4235 : i1
      %ne3A_4237 = arith.cmpi ne, %select_n3A_1089, %select_n3A_1281 : i32
      %and3A_4238 = arith.andi %and3A_4236, %ne3A_4237 : i1
      %ne3A_4239 = arith.cmpi ne, %select_n3A_1089, %select_n3A_1313 : i32
      %and3A_4240 = arith.andi %and3A_4238, %ne3A_4239 : i1
      %ne3A_4241 = arith.cmpi ne, %select_n3A_1089, %select_n3A_1345 : i32
      %and3A_4242 = arith.andi %and3A_4240, %ne3A_4241 : i1
      %ne3A_4243 = arith.cmpi ne, %select_n3A_1089, %select_n3A_1377 : i32
      %and3A_4244 = arith.andi %and3A_4242, %ne3A_4243 : i1
      %ne3A_4245 = arith.cmpi ne, %select_n3A_1089, %select_n3A_1409 : i32
      %and3A_4246 = arith.andi %and3A_4244, %ne3A_4245 : i1
      %mul3A_4247 = arith.constant 48 : i32
      %mul3A_4248 = arith.muli %get3A_1063, %mul3A_4247 : i32
      %add3A_4249 = arith.addi %mul3A_4248, %get3A_1072 : i32
      %add3A_4250 = arith.constant 1 : i32
      %add3A_4251 = arith.addi %get3A_1066, %add3A_4250 : i32
      %mul3A_4252 = arith.constant 48 : i32
      %mul3A_4253 = arith.muli %add3A_4251, %mul3A_4252 : i32
      %sub3A_4254 = arith.constant 1 : i32
      %sub3A_4255 = arith.subi %get3A_1069, %sub3A_4254 : i32
      %add3A_4256 = arith.addi %mul3A_4253, %sub3A_4255 : i32
      %jit3A_4257 = arith.constant 0 : i32
      %select_n3A_4258 = arith.select %lt3A_1074, %jit3A_4257, %add3A_4256 : i32
      %eq3A_4259 = vector.broadcast %get3A_1060 : i32 to vector<1x32xi32>
      %eq3A_4260 = arith.cmpi eq, %iota3A_1410, %eq3A_4259 : vector<1x32xi32>
      %convert_element_type3A_4261 = arith.extui %eq3A_4260 : vector<1x32xi1> to vector<1x32xi32>
      %convert_element_type3A_4262 = arith.sitofp %convert_element_type3A_4261 : vector<1x32xi32> to vector<1x32xf32>
      %eq3A_4263 = vector.broadcast %get3A_1060 : i32 to vector<1x16xi32>
      %eq3A_4264 = arith.cmpi eq, %iota3A_1411, %eq3A_4263 : vector<1x16xi32>
      %convert_element_type3A_4265 = arith.extui %eq3A_4264 : vector<1x16xi1> to vector<1x16xi32>
      %convert_element_type3A_4266 = arith.sitofp %convert_element_type3A_4265 : vector<1x16xi32> to vector<1x16xf32>
      %get3A_4267 = arith.index_cast %add3A_4249 : i32 to index
      %get3A_4268 = arith.constant 0 : index
      %get3A_4269 = vector.load %arg2[%get3A_4267, %get3A_4268] : memref<2304x32xf32, #tpu.memory_space<vmem>>, vector<1x32xf32>
      %mul3A_4270 = arith.mulf %get3A_4269, %convert_element_type3A_4262 : vector<1x32xf32>
      %reduce_sum3A_4271 = vector.shape_cast %mul3A_4270 : vector<1x32xf32> to vector<1x1x32xf32>
      %reduce_sum3A_4272 = arith.constant dense<0.000000e+00> : vector<1xf32>
      %reduce_sum3A_4273 = vector.multi_reduction <add>, %reduce_sum3A_4271, %reduce_sum3A_4272 [1, 2] : vector<1x1x32xf32> to vector<1xf32>
      %reduce_sum3A_4274 = vector.shape_cast %reduce_sum3A_4273 : vector<1xf32> to vector<1x1x1xf32>
      %reduce_sum3A_4275 = vector.extract %reduce_sum3A_4274[0, 0, 0] : f32 from vector<1x1x1xf32>
      %get3A_4276 = arith.index_cast %add3A_4249 : i32 to index
      %get3A_4277 = arith.constant 0 : index
      %get3A_4278 = vector.load %arg3[%get3A_4276, %get3A_4277] : memref<2304x16xf32, #tpu.memory_space<vmem>>, vector<1x16xf32>
      %get3A_4279 = arith.index_cast %select_n3A_4258 : i32 to index
      %get3A_4280 = arith.constant 0 : index
      %get3A_4281 = vector.load %arg9[%get3A_4279, %get3A_4280] : memref<2304x16xf32, #tpu.memory_space<vmem>>, vector<1x16xf32>
      %add3A_4282 = arith.addf %get3A_4278, %get3A_4281 : vector<1x16xf32>
      %mul3A_4283 = arith.mulf %add3A_4282, %convert_element_type3A_4266 : vector<1x16xf32>
      %reduce_sum3A_4284 = vector.shape_cast %mul3A_4283 : vector<1x16xf32> to vector<1x1x16xf32>
      %reduce_sum3A_4285 = arith.constant dense<0.000000e+00> : vector<1xf32>
      %reduce_sum3A_4286 = vector.multi_reduction <add>, %reduce_sum3A_4284, %reduce_sum3A_4285 [1, 2] : vector<1x1x16xf32> to vector<1xf32>
      %reduce_sum3A_4287 = vector.shape_cast %reduce_sum3A_4286 : vector<1xf32> to vector<1x1x1xf32>
      %reduce_sum3A_4288 = vector.extract %reduce_sum3A_4287[0, 0, 0] : f32 from vector<1x1x1xf32>
      %select_n3A_4289 = arith.select %lt3A_1074, %reduce_sum3A_4275, %reduce_sum3A_4288 : f32
      %jit3A_4290 = arith.constant 0.000000e+00 : f32
      %select_n3A_4291 = arith.select %and3A_4246, %select_n3A_4289, %jit3A_4290 : f32
      %add3A_4292 = arith.addf %add3A_4225, %select_n3A_4291 : f32
      %ne3A_4293 = arith.cmpi ne, %select_n3A_1121, %select_n3A_1153 : i32
      %and3A_4294 = arith.constant true
      %and3A_4295 = arith.andi %and3A_4294, %ne3A_4293 : i1
      %ne3A_4296 = arith.cmpi ne, %select_n3A_1121, %select_n3A_1185 : i32
      %and3A_4297 = arith.andi %and3A_4295, %ne3A_4296 : i1
      %ne3A_4298 = arith.cmpi ne, %select_n3A_1121, %select_n3A_1217 : i32
      %and3A_4299 = arith.andi %and3A_4297, %ne3A_4298 : i1
      %ne3A_4300 = arith.cmpi ne, %select_n3A_1121, %select_n3A_1249 : i32
      %and3A_4301 = arith.andi %and3A_4299, %ne3A_4300 : i1
      %ne3A_4302 = arith.cmpi ne, %select_n3A_1121, %select_n3A_1281 : i32
      %and3A_4303 = arith.andi %and3A_4301, %ne3A_4302 : i1
      %ne3A_4304 = arith.cmpi ne, %select_n3A_1121, %select_n3A_1313 : i32
      %and3A_4305 = arith.andi %and3A_4303, %ne3A_4304 : i1
      %ne3A_4306 = arith.cmpi ne, %select_n3A_1121, %select_n3A_1345 : i32
      %and3A_4307 = arith.andi %and3A_4305, %ne3A_4306 : i1
      %ne3A_4308 = arith.cmpi ne, %select_n3A_1121, %select_n3A_1377 : i32
      %and3A_4309 = arith.andi %and3A_4307, %ne3A_4308 : i1
      %ne3A_4310 = arith.cmpi ne, %select_n3A_1121, %select_n3A_1409 : i32
      %and3A_4311 = arith.andi %and3A_4309, %ne3A_4310 : i1
      %mul3A_4312 = arith.constant 48 : i32
      %mul3A_4313 = arith.muli %get3A_1095, %mul3A_4312 : i32
      %add3A_4314 = arith.addi %mul3A_4313, %get3A_1104 : i32
      %add3A_4315 = arith.constant 1 : i32
      %add3A_4316 = arith.addi %get3A_1098, %add3A_4315 : i32
      %mul3A_4317 = arith.constant 48 : i32
      %mul3A_4318 = arith.muli %add3A_4316, %mul3A_4317 : i32
      %sub3A_4319 = arith.constant 1 : i32
      %sub3A_4320 = arith.subi %get3A_1101, %sub3A_4319 : i32
      %add3A_4321 = arith.addi %mul3A_4318, %sub3A_4320 : i32
      %jit3A_4322 = arith.constant 0 : i32
      %select_n3A_4323 = arith.select %lt3A_1106, %jit3A_4322, %add3A_4321 : i32
      %eq3A_4324 = vector.broadcast %get3A_1092 : i32 to vector<1x32xi32>
      %eq3A_4325 = arith.cmpi eq, %iota3A_1410, %eq3A_4324 : vector<1x32xi32>
      %convert_element_type3A_4326 = arith.extui %eq3A_4325 : vector<1x32xi1> to vector<1x32xi32>
      %convert_element_type3A_4327 = arith.sitofp %convert_element_type3A_4326 : vector<1x32xi32> to vector<1x32xf32>
      %eq3A_4328 = vector.broadcast %get3A_1092 : i32 to vector<1x16xi32>
      %eq3A_4329 = arith.cmpi eq, %iota3A_1411, %eq3A_4328 : vector<1x16xi32>
      %convert_element_type3A_4330 = arith.extui %eq3A_4329 : vector<1x16xi1> to vector<1x16xi32>
      %convert_element_type3A_4331 = arith.sitofp %convert_element_type3A_4330 : vector<1x16xi32> to vector<1x16xf32>
      %get3A_4332 = arith.index_cast %add3A_4314 : i32 to index
      %get3A_4333 = arith.constant 0 : index
      %get3A_4334 = vector.load %arg2[%get3A_4332, %get3A_4333] : memref<2304x32xf32, #tpu.memory_space<vmem>>, vector<1x32xf32>
      %mul3A_4335 = arith.mulf %get3A_4334, %convert_element_type3A_4327 : vector<1x32xf32>
      %reduce_sum3A_4336 = vector.shape_cast %mul3A_4335 : vector<1x32xf32> to vector<1x1x32xf32>
      %reduce_sum3A_4337 = arith.constant dense<0.000000e+00> : vector<1xf32>
      %reduce_sum3A_4338 = vector.multi_reduction <add>, %reduce_sum3A_4336, %reduce_sum3A_4337 [1, 2] : vector<1x1x32xf32> to vector<1xf32>
      %reduce_sum3A_4339 = vector.shape_cast %reduce_sum3A_4338 : vector<1xf32> to vector<1x1x1xf32>
      %reduce_sum3A_4340 = vector.extract %reduce_sum3A_4339[0, 0, 0] : f32 from vector<1x1x1xf32>
      %get3A_4341 = arith.index_cast %add3A_4314 : i32 to index
      %get3A_4342 = arith.constant 0 : index
      %get3A_4343 = vector.load %arg3[%get3A_4341, %get3A_4342] : memref<2304x16xf32, #tpu.memory_space<vmem>>, vector<1x16xf32>
      %get3A_4344 = arith.index_cast %select_n3A_4323 : i32 to index
      %get3A_4345 = arith.constant 0 : index
      %get3A_4346 = vector.load %arg9[%get3A_4344, %get3A_4345] : memref<2304x16xf32, #tpu.memory_space<vmem>>, vector<1x16xf32>
      %add3A_4347 = arith.addf %get3A_4343, %get3A_4346 : vector<1x16xf32>
      %mul3A_4348 = arith.mulf %add3A_4347, %convert_element_type3A_4331 : vector<1x16xf32>
      %reduce_sum3A_4349 = vector.shape_cast %mul3A_4348 : vector<1x16xf32> to vector<1x1x16xf32>
      %reduce_sum3A_4350 = arith.constant dense<0.000000e+00> : vector<1xf32>
      %reduce_sum3A_4351 = vector.multi_reduction <add>, %reduce_sum3A_4349, %reduce_sum3A_4350 [1, 2] : vector<1x1x16xf32> to vector<1xf32>
      %reduce_sum3A_4352 = vector.shape_cast %reduce_sum3A_4351 : vector<1xf32> to vector<1x1x1xf32>
      %reduce_sum3A_4353 = vector.extract %reduce_sum3A_4352[0, 0, 0] : f32 from vector<1x1x1xf32>
      %select_n3A_4354 = arith.select %lt3A_1106, %reduce_sum3A_4340, %reduce_sum3A_4353 : f32
      %jit3A_4355 = arith.constant 0.000000e+00 : f32
      %select_n3A_4356 = arith.select %and3A_4311, %select_n3A_4354, %jit3A_4355 : f32
      %add3A_4357 = arith.addf %add3A_4292, %select_n3A_4356 : f32
      %ne3A_4358 = arith.cmpi ne, %select_n3A_1153, %select_n3A_1185 : i32
      %and3A_4359 = arith.constant true
      %and3A_4360 = arith.andi %and3A_4359, %ne3A_4358 : i1
      %ne3A_4361 = arith.cmpi ne, %select_n3A_1153, %select_n3A_1217 : i32
      %and3A_4362 = arith.andi %and3A_4360, %ne3A_4361 : i1
      %ne3A_4363 = arith.cmpi ne, %select_n3A_1153, %select_n3A_1249 : i32
      %and3A_4364 = arith.andi %and3A_4362, %ne3A_4363 : i1
      %ne3A_4365 = arith.cmpi ne, %select_n3A_1153, %select_n3A_1281 : i32
      %and3A_4366 = arith.andi %and3A_4364, %ne3A_4365 : i1
      %ne3A_4367 = arith.cmpi ne, %select_n3A_1153, %select_n3A_1313 : i32
      %and3A_4368 = arith.andi %and3A_4366, %ne3A_4367 : i1
      %ne3A_4369 = arith.cmpi ne, %select_n3A_1153, %select_n3A_1345 : i32
      %and3A_4370 = arith.andi %and3A_4368, %ne3A_4369 : i1
      %ne3A_4371 = arith.cmpi ne, %select_n3A_1153, %select_n3A_1377 : i32
      %and3A_4372 = arith.andi %and3A_4370, %ne3A_4371 : i1
      %ne3A_4373 = arith.cmpi ne, %select_n3A_1153, %select_n3A_1409 : i32
      %and3A_4374 = arith.andi %and3A_4372, %ne3A_4373 : i1
      %mul3A_4375 = arith.constant 48 : i32
      %mul3A_4376 = arith.muli %get3A_1127, %mul3A_4375 : i32
      %add3A_4377 = arith.addi %mul3A_4376, %get3A_1136 : i32
      %add3A_4378 = arith.constant 1 : i32
      %add3A_4379 = arith.addi %get3A_1130, %add3A_4378 : i32
      %mul3A_4380 = arith.constant 48 : i32
      %mul3A_4381 = arith.muli %add3A_4379, %mul3A_4380 : i32
      %sub3A_4382 = arith.constant 1 : i32
      %sub3A_4383 = arith.subi %get3A_1133, %sub3A_4382 : i32
      %add3A_4384 = arith.addi %mul3A_4381, %sub3A_4383 : i32
      %jit3A_4385 = arith.constant 0 : i32
      %select_n3A_4386 = arith.select %lt3A_1138, %jit3A_4385, %add3A_4384 : i32
      %eq3A_4387 = vector.broadcast %get3A_1124 : i32 to vector<1x32xi32>
      %eq3A_4388 = arith.cmpi eq, %iota3A_1410, %eq3A_4387 : vector<1x32xi32>
      %convert_element_type3A_4389 = arith.extui %eq3A_4388 : vector<1x32xi1> to vector<1x32xi32>
      %convert_element_type3A_4390 = arith.sitofp %convert_element_type3A_4389 : vector<1x32xi32> to vector<1x32xf32>
      %eq3A_4391 = vector.broadcast %get3A_1124 : i32 to vector<1x16xi32>
      %eq3A_4392 = arith.cmpi eq, %iota3A_1411, %eq3A_4391 : vector<1x16xi32>
      %convert_element_type3A_4393 = arith.extui %eq3A_4392 : vector<1x16xi1> to vector<1x16xi32>
      %convert_element_type3A_4394 = arith.sitofp %convert_element_type3A_4393 : vector<1x16xi32> to vector<1x16xf32>
      %get3A_4395 = arith.index_cast %add3A_4377 : i32 to index
      %get3A_4396 = arith.constant 0 : index
      %get3A_4397 = vector.load %arg2[%get3A_4395, %get3A_4396] : memref<2304x32xf32, #tpu.memory_space<vmem>>, vector<1x32xf32>
      %mul3A_4398 = arith.mulf %get3A_4397, %convert_element_type3A_4390 : vector<1x32xf32>
      %reduce_sum3A_4399 = vector.shape_cast %mul3A_4398 : vector<1x32xf32> to vector<1x1x32xf32>
      %reduce_sum3A_4400 = arith.constant dense<0.000000e+00> : vector<1xf32>
      %reduce_sum3A_4401 = vector.multi_reduction <add>, %reduce_sum3A_4399, %reduce_sum3A_4400 [1, 2] : vector<1x1x32xf32> to vector<1xf32>
      %reduce_sum3A_4402 = vector.shape_cast %reduce_sum3A_4401 : vector<1xf32> to vector<1x1x1xf32>
      %reduce_sum3A_4403 = vector.extract %reduce_sum3A_4402[0, 0, 0] : f32 from vector<1x1x1xf32>
      %get3A_4404 = arith.index_cast %add3A_4377 : i32 to index
      %get3A_4405 = arith.constant 0 : index
      %get3A_4406 = vector.load %arg3[%get3A_4404, %get3A_4405] : memref<2304x16xf32, #tpu.memory_space<vmem>>, vector<1x16xf32>
      %get3A_4407 = arith.index_cast %select_n3A_4386 : i32 to index
      %get3A_4408 = arith.constant 0 : index
      %get3A_4409 = vector.load %arg9[%get3A_4407, %get3A_4408] : memref<2304x16xf32, #tpu.memory_space<vmem>>, vector<1x16xf32>
      %add3A_4410 = arith.addf %get3A_4406, %get3A_4409 : vector<1x16xf32>
      %mul3A_4411 = arith.mulf %add3A_4410, %convert_element_type3A_4394 : vector<1x16xf32>
      %reduce_sum3A_4412 = vector.shape_cast %mul3A_4411 : vector<1x16xf32> to vector<1x1x16xf32>
      %reduce_sum3A_4413 = arith.constant dense<0.000000e+00> : vector<1xf32>
      %reduce_sum3A_4414 = vector.multi_reduction <add>, %reduce_sum3A_4412, %reduce_sum3A_4413 [1, 2] : vector<1x1x16xf32> to vector<1xf32>
      %reduce_sum3A_4415 = vector.shape_cast %reduce_sum3A_4414 : vector<1xf32> to vector<1x1x1xf32>
      %reduce_sum3A_4416 = vector.extract %reduce_sum3A_4415[0, 0, 0] : f32 from vector<1x1x1xf32>
      %select_n3A_4417 = arith.select %lt3A_1138, %reduce_sum3A_4403, %reduce_sum3A_4416 : f32
      %jit3A_4418 = arith.constant 0.000000e+00 : f32
      %select_n3A_4419 = arith.select %and3A_4374, %select_n3A_4417, %jit3A_4418 : f32
      %add3A_4420 = arith.addf %add3A_4357, %select_n3A_4419 : f32
      %ne3A_4421 = arith.cmpi ne, %select_n3A_1185, %select_n3A_1217 : i32
      %and3A_4422 = arith.constant true
      %and3A_4423 = arith.andi %and3A_4422, %ne3A_4421 : i1
      %ne3A_4424 = arith.cmpi ne, %select_n3A_1185, %select_n3A_1249 : i32
      %and3A_4425 = arith.andi %and3A_4423, %ne3A_4424 : i1
      %ne3A_4426 = arith.cmpi ne, %select_n3A_1185, %select_n3A_1281 : i32
      %and3A_4427 = arith.andi %and3A_4425, %ne3A_4426 : i1
      %ne3A_4428 = arith.cmpi ne, %select_n3A_1185, %select_n3A_1313 : i32
      %and3A_4429 = arith.andi %and3A_4427, %ne3A_4428 : i1
      %ne3A_4430 = arith.cmpi ne, %select_n3A_1185, %select_n3A_1345 : i32
      %and3A_4431 = arith.andi %and3A_4429, %ne3A_4430 : i1
      %ne3A_4432 = arith.cmpi ne, %select_n3A_1185, %select_n3A_1377 : i32
      %and3A_4433 = arith.andi %and3A_4431, %ne3A_4432 : i1
      %ne3A_4434 = arith.cmpi ne, %select_n3A_1185, %select_n3A_1409 : i32
      %and3A_4435 = arith.andi %and3A_4433, %ne3A_4434 : i1
      %mul3A_4436 = arith.constant 48 : i32
      %mul3A_4437 = arith.muli %get3A_1159, %mul3A_4436 : i32
      %add3A_4438 = arith.addi %mul3A_4437, %get3A_1168 : i32
      %add3A_4439 = arith.constant 1 : i32
      %add3A_4440 = arith.addi %get3A_1162, %add3A_4439 : i32
      %mul3A_4441 = arith.constant 48 : i32
      %mul3A_4442 = arith.muli %add3A_4440, %mul3A_4441 : i32
      %sub3A_4443 = arith.constant 1 : i32
      %sub3A_4444 = arith.subi %get3A_1165, %sub3A_4443 : i32
      %add3A_4445 = arith.addi %mul3A_4442, %sub3A_4444 : i32
      %jit3A_4446 = arith.constant 0 : i32
      %select_n3A_4447 = arith.select %lt3A_1170, %jit3A_4446, %add3A_4445 : i32
      %eq3A_4448 = vector.broadcast %get3A_1156 : i32 to vector<1x32xi32>
      %eq3A_4449 = arith.cmpi eq, %iota3A_1410, %eq3A_4448 : vector<1x32xi32>
      %convert_element_type3A_4450 = arith.extui %eq3A_4449 : vector<1x32xi1> to vector<1x32xi32>
      %convert_element_type3A_4451 = arith.sitofp %convert_element_type3A_4450 : vector<1x32xi32> to vector<1x32xf32>
      %eq3A_4452 = vector.broadcast %get3A_1156 : i32 to vector<1x16xi32>
      %eq3A_4453 = arith.cmpi eq, %iota3A_1411, %eq3A_4452 : vector<1x16xi32>
      %convert_element_type3A_4454 = arith.extui %eq3A_4453 : vector<1x16xi1> to vector<1x16xi32>
      %convert_element_type3A_4455 = arith.sitofp %convert_element_type3A_4454 : vector<1x16xi32> to vector<1x16xf32>
      %get3A_4456 = arith.index_cast %add3A_4438 : i32 to index
      %get3A_4457 = arith.constant 0 : index
      %get3A_4458 = vector.load %arg2[%get3A_4456, %get3A_4457] : memref<2304x32xf32, #tpu.memory_space<vmem>>, vector<1x32xf32>
      %mul3A_4459 = arith.mulf %get3A_4458, %convert_element_type3A_4451 : vector<1x32xf32>
      %reduce_sum3A_4460 = vector.shape_cast %mul3A_4459 : vector<1x32xf32> to vector<1x1x32xf32>
      %reduce_sum3A_4461 = arith.constant dense<0.000000e+00> : vector<1xf32>
      %reduce_sum3A_4462 = vector.multi_reduction <add>, %reduce_sum3A_4460, %reduce_sum3A_4461 [1, 2] : vector<1x1x32xf32> to vector<1xf32>
      %reduce_sum3A_4463 = vector.shape_cast %reduce_sum3A_4462 : vector<1xf32> to vector<1x1x1xf32>
      %reduce_sum3A_4464 = vector.extract %reduce_sum3A_4463[0, 0, 0] : f32 from vector<1x1x1xf32>
      %get3A_4465 = arith.index_cast %add3A_4438 : i32 to index
      %get3A_4466 = arith.constant 0 : index
      %get3A_4467 = vector.load %arg3[%get3A_4465, %get3A_4466] : memref<2304x16xf32, #tpu.memory_space<vmem>>, vector<1x16xf32>
      %get3A_4468 = arith.index_cast %select_n3A_4447 : i32 to index
      %get3A_4469 = arith.constant 0 : index
      %get3A_4470 = vector.load %arg9[%get3A_4468, %get3A_4469] : memref<2304x16xf32, #tpu.memory_space<vmem>>, vector<1x16xf32>
      %add3A_4471 = arith.addf %get3A_4467, %get3A_4470 : vector<1x16xf32>
      %mul3A_4472 = arith.mulf %add3A_4471, %convert_element_type3A_4455 : vector<1x16xf32>
      %reduce_sum3A_4473 = vector.shape_cast %mul3A_4472 : vector<1x16xf32> to vector<1x1x16xf32>
      %reduce_sum3A_4474 = arith.constant dense<0.000000e+00> : vector<1xf32>
      %reduce_sum3A_4475 = vector.multi_reduction <add>, %reduce_sum3A_4473, %reduce_sum3A_4474 [1, 2] : vector<1x1x16xf32> to vector<1xf32>
      %reduce_sum3A_4476 = vector.shape_cast %reduce_sum3A_4475 : vector<1xf32> to vector<1x1x1xf32>
      %reduce_sum3A_4477 = vector.extract %reduce_sum3A_4476[0, 0, 0] : f32 from vector<1x1x1xf32>
      %select_n3A_4478 = arith.select %lt3A_1170, %reduce_sum3A_4464, %reduce_sum3A_4477 : f32
      %jit3A_4479 = arith.constant 0.000000e+00 : f32
      %select_n3A_4480 = arith.select %and3A_4435, %select_n3A_4478, %jit3A_4479 : f32
      %add3A_4481 = arith.addf %add3A_4420, %select_n3A_4480 : f32
      %ne3A_4482 = arith.cmpi ne, %select_n3A_1217, %select_n3A_1249 : i32
      %and3A_4483 = arith.constant true
      %and3A_4484 = arith.andi %and3A_4483, %ne3A_4482 : i1
      %ne3A_4485 = arith.cmpi ne, %select_n3A_1217, %select_n3A_1281 : i32
      %and3A_4486 = arith.andi %and3A_4484, %ne3A_4485 : i1
      %ne3A_4487 = arith.cmpi ne, %select_n3A_1217, %select_n3A_1313 : i32
      %and3A_4488 = arith.andi %and3A_4486, %ne3A_4487 : i1
      %ne3A_4489 = arith.cmpi ne, %select_n3A_1217, %select_n3A_1345 : i32
      %and3A_4490 = arith.andi %and3A_4488, %ne3A_4489 : i1
      %ne3A_4491 = arith.cmpi ne, %select_n3A_1217, %select_n3A_1377 : i32
      %and3A_4492 = arith.andi %and3A_4490, %ne3A_4491 : i1
      %ne3A_4493 = arith.cmpi ne, %select_n3A_1217, %select_n3A_1409 : i32
      %and3A_4494 = arith.andi %and3A_4492, %ne3A_4493 : i1
      %mul3A_4495 = arith.constant 48 : i32
      %mul3A_4496 = arith.muli %get3A_1191, %mul3A_4495 : i32
      %add3A_4497 = arith.addi %mul3A_4496, %get3A_1200 : i32
      %add3A_4498 = arith.constant 1 : i32
      %add3A_4499 = arith.addi %get3A_1194, %add3A_4498 : i32
      %mul3A_4500 = arith.constant 48 : i32
      %mul3A_4501 = arith.muli %add3A_4499, %mul3A_4500 : i32
      %sub3A_4502 = arith.constant 1 : i32
      %sub3A_4503 = arith.subi %get3A_1197, %sub3A_4502 : i32
      %add3A_4504 = arith.addi %mul3A_4501, %sub3A_4503 : i32
      %jit3A_4505 = arith.constant 0 : i32
      %select_n3A_4506 = arith.select %lt3A_1202, %jit3A_4505, %add3A_4504 : i32
      %eq3A_4507 = vector.broadcast %get3A_1188 : i32 to vector<1x32xi32>
      %eq3A_4508 = arith.cmpi eq, %iota3A_1410, %eq3A_4507 : vector<1x32xi32>
      %convert_element_type3A_4509 = arith.extui %eq3A_4508 : vector<1x32xi1> to vector<1x32xi32>
      %convert_element_type3A_4510 = arith.sitofp %convert_element_type3A_4509 : vector<1x32xi32> to vector<1x32xf32>
      %eq3A_4511 = vector.broadcast %get3A_1188 : i32 to vector<1x16xi32>
      %eq3A_4512 = arith.cmpi eq, %iota3A_1411, %eq3A_4511 : vector<1x16xi32>
      %convert_element_type3A_4513 = arith.extui %eq3A_4512 : vector<1x16xi1> to vector<1x16xi32>
      %convert_element_type3A_4514 = arith.sitofp %convert_element_type3A_4513 : vector<1x16xi32> to vector<1x16xf32>
      %get3A_4515 = arith.index_cast %add3A_4497 : i32 to index
      %get3A_4516 = arith.constant 0 : index
      %get3A_4517 = vector.load %arg2[%get3A_4515, %get3A_4516] : memref<2304x32xf32, #tpu.memory_space<vmem>>, vector<1x32xf32>
      %mul3A_4518 = arith.mulf %get3A_4517, %convert_element_type3A_4510 : vector<1x32xf32>
      %reduce_sum3A_4519 = vector.shape_cast %mul3A_4518 : vector<1x32xf32> to vector<1x1x32xf32>
      %reduce_sum3A_4520 = arith.constant dense<0.000000e+00> : vector<1xf32>
      %reduce_sum3A_4521 = vector.multi_reduction <add>, %reduce_sum3A_4519, %reduce_sum3A_4520 [1, 2] : vector<1x1x32xf32> to vector<1xf32>
      %reduce_sum3A_4522 = vector.shape_cast %reduce_sum3A_4521 : vector<1xf32> to vector<1x1x1xf32>
      %reduce_sum3A_4523 = vector.extract %reduce_sum3A_4522[0, 0, 0] : f32 from vector<1x1x1xf32>
      %get3A_4524 = arith.index_cast %add3A_4497 : i32 to index
      %get3A_4525 = arith.constant 0 : index
      %get3A_4526 = vector.load %arg3[%get3A_4524, %get3A_4525] : memref<2304x16xf32, #tpu.memory_space<vmem>>, vector<1x16xf32>
      %get3A_4527 = arith.index_cast %select_n3A_4506 : i32 to index
      %get3A_4528 = arith.constant 0 : index
      %get3A_4529 = vector.load %arg9[%get3A_4527, %get3A_4528] : memref<2304x16xf32, #tpu.memory_space<vmem>>, vector<1x16xf32>
      %add3A_4530 = arith.addf %get3A_4526, %get3A_4529 : vector<1x16xf32>
      %mul3A_4531 = arith.mulf %add3A_4530, %convert_element_type3A_4514 : vector<1x16xf32>
      %reduce_sum3A_4532 = vector.shape_cast %mul3A_4531 : vector<1x16xf32> to vector<1x1x16xf32>
      %reduce_sum3A_4533 = arith.constant dense<0.000000e+00> : vector<1xf32>
      %reduce_sum3A_4534 = vector.multi_reduction <add>, %reduce_sum3A_4532, %reduce_sum3A_4533 [1, 2] : vector<1x1x16xf32> to vector<1xf32>
      %reduce_sum3A_4535 = vector.shape_cast %reduce_sum3A_4534 : vector<1xf32> to vector<1x1x1xf32>
      %reduce_sum3A_4536 = vector.extract %reduce_sum3A_4535[0, 0, 0] : f32 from vector<1x1x1xf32>
      %select_n3A_4537 = arith.select %lt3A_1202, %reduce_sum3A_4523, %reduce_sum3A_4536 : f32
      %jit3A_4538 = arith.constant 0.000000e+00 : f32
      %select_n3A_4539 = arith.select %and3A_4494, %select_n3A_4537, %jit3A_4538 : f32
      %add3A_4540 = arith.addf %add3A_4481, %select_n3A_4539 : f32
      %ne3A_4541 = arith.cmpi ne, %select_n3A_1249, %select_n3A_1281 : i32
      %and3A_4542 = arith.constant true
      %and3A_4543 = arith.andi %and3A_4542, %ne3A_4541 : i1
      %ne3A_4544 = arith.cmpi ne, %select_n3A_1249, %select_n3A_1313 : i32
      %and3A_4545 = arith.andi %and3A_4543, %ne3A_4544 : i1
      %ne3A_4546 = arith.cmpi ne, %select_n3A_1249, %select_n3A_1345 : i32
      %and3A_4547 = arith.andi %and3A_4545, %ne3A_4546 : i1
      %ne3A_4548 = arith.cmpi ne, %select_n3A_1249, %select_n3A_1377 : i32
      %and3A_4549 = arith.andi %and3A_4547, %ne3A_4548 : i1
      %ne3A_4550 = arith.cmpi ne, %select_n3A_1249, %select_n3A_1409 : i32
      %and3A_4551 = arith.andi %and3A_4549, %ne3A_4550 : i1
      %mul3A_4552 = arith.constant 48 : i32
      %mul3A_4553 = arith.muli %get3A_1223, %mul3A_4552 : i32
      %add3A_4554 = arith.addi %mul3A_4553, %get3A_1232 : i32
      %add3A_4555 = arith.constant 1 : i32
      %add3A_4556 = arith.addi %get3A_1226, %add3A_4555 : i32
      %mul3A_4557 = arith.constant 48 : i32
      %mul3A_4558 = arith.muli %add3A_4556, %mul3A_4557 : i32
      %sub3A_4559 = arith.constant 1 : i32
      %sub3A_4560 = arith.subi %get3A_1229, %sub3A_4559 : i32
      %add3A_4561 = arith.addi %mul3A_4558, %sub3A_4560 : i32
      %jit3A_4562 = arith.constant 0 : i32
      %select_n3A_4563 = arith.select %lt3A_1234, %jit3A_4562, %add3A_4561 : i32
      %eq3A_4564 = vector.broadcast %get3A_1220 : i32 to vector<1x32xi32>
      %eq3A_4565 = arith.cmpi eq, %iota3A_1410, %eq3A_4564 : vector<1x32xi32>
      %convert_element_type3A_4566 = arith.extui %eq3A_4565 : vector<1x32xi1> to vector<1x32xi32>
      %convert_element_type3A_4567 = arith.sitofp %convert_element_type3A_4566 : vector<1x32xi32> to vector<1x32xf32>
      %eq3A_4568 = vector.broadcast %get3A_1220 : i32 to vector<1x16xi32>
      %eq3A_4569 = arith.cmpi eq, %iota3A_1411, %eq3A_4568 : vector<1x16xi32>
      %convert_element_type3A_4570 = arith.extui %eq3A_4569 : vector<1x16xi1> to vector<1x16xi32>
      %convert_element_type3A_4571 = arith.sitofp %convert_element_type3A_4570 : vector<1x16xi32> to vector<1x16xf32>
      %get3A_4572 = arith.index_cast %add3A_4554 : i32 to index
      %get3A_4573 = arith.constant 0 : index
      %get3A_4574 = vector.load %arg2[%get3A_4572, %get3A_4573] : memref<2304x32xf32, #tpu.memory_space<vmem>>, vector<1x32xf32>
      %mul3A_4575 = arith.mulf %get3A_4574, %convert_element_type3A_4567 : vector<1x32xf32>
      %reduce_sum3A_4576 = vector.shape_cast %mul3A_4575 : vector<1x32xf32> to vector<1x1x32xf32>
      %reduce_sum3A_4577 = arith.constant dense<0.000000e+00> : vector<1xf32>
      %reduce_sum3A_4578 = vector.multi_reduction <add>, %reduce_sum3A_4576, %reduce_sum3A_4577 [1, 2] : vector<1x1x32xf32> to vector<1xf32>
      %reduce_sum3A_4579 = vector.shape_cast %reduce_sum3A_4578 : vector<1xf32> to vector<1x1x1xf32>
      %reduce_sum3A_4580 = vector.extract %reduce_sum3A_4579[0, 0, 0] : f32 from vector<1x1x1xf32>
      %get3A_4581 = arith.index_cast %add3A_4554 : i32 to index
      %get3A_4582 = arith.constant 0 : index
      %get3A_4583 = vector.load %arg3[%get3A_4581, %get3A_4582] : memref<2304x16xf32, #tpu.memory_space<vmem>>, vector<1x16xf32>
      %get3A_4584 = arith.index_cast %select_n3A_4563 : i32 to index
      %get3A_4585 = arith.constant 0 : index
      %get3A_4586 = vector.load %arg9[%get3A_4584, %get3A_4585] : memref<2304x16xf32, #tpu.memory_space<vmem>>, vector<1x16xf32>
      %add3A_4587 = arith.addf %get3A_4583, %get3A_4586 : vector<1x16xf32>
      %mul3A_4588 = arith.mulf %add3A_4587, %convert_element_type3A_4571 : vector<1x16xf32>
      %reduce_sum3A_4589 = vector.shape_cast %mul3A_4588 : vector<1x16xf32> to vector<1x1x16xf32>
      %reduce_sum3A_4590 = arith.constant dense<0.000000e+00> : vector<1xf32>
      %reduce_sum3A_4591 = vector.multi_reduction <add>, %reduce_sum3A_4589, %reduce_sum3A_4590 [1, 2] : vector<1x1x16xf32> to vector<1xf32>
      %reduce_sum3A_4592 = vector.shape_cast %reduce_sum3A_4591 : vector<1xf32> to vector<1x1x1xf32>
      %reduce_sum3A_4593 = vector.extract %reduce_sum3A_4592[0, 0, 0] : f32 from vector<1x1x1xf32>
      %select_n3A_4594 = arith.select %lt3A_1234, %reduce_sum3A_4580, %reduce_sum3A_4593 : f32
      %jit3A_4595 = arith.constant 0.000000e+00 : f32
      %select_n3A_4596 = arith.select %and3A_4551, %select_n3A_4594, %jit3A_4595 : f32
      %add3A_4597 = arith.addf %add3A_4540, %select_n3A_4596 : f32
      %ne3A_4598 = arith.cmpi ne, %select_n3A_1281, %select_n3A_1313 : i32
      %and3A_4599 = arith.constant true
      %and3A_4600 = arith.andi %and3A_4599, %ne3A_4598 : i1
      %ne3A_4601 = arith.cmpi ne, %select_n3A_1281, %select_n3A_1345 : i32
      %and3A_4602 = arith.andi %and3A_4600, %ne3A_4601 : i1
      %ne3A_4603 = arith.cmpi ne, %select_n3A_1281, %select_n3A_1377 : i32
      %and3A_4604 = arith.andi %and3A_4602, %ne3A_4603 : i1
      %ne3A_4605 = arith.cmpi ne, %select_n3A_1281, %select_n3A_1409 : i32
      %and3A_4606 = arith.andi %and3A_4604, %ne3A_4605 : i1
      %mul3A_4607 = arith.constant 48 : i32
      %mul3A_4608 = arith.muli %get3A_1255, %mul3A_4607 : i32
      %add3A_4609 = arith.addi %mul3A_4608, %get3A_1264 : i32
      %add3A_4610 = arith.constant 1 : i32
      %add3A_4611 = arith.addi %get3A_1258, %add3A_4610 : i32
      %mul3A_4612 = arith.constant 48 : i32
      %mul3A_4613 = arith.muli %add3A_4611, %mul3A_4612 : i32
      %sub3A_4614 = arith.constant 1 : i32
      %sub3A_4615 = arith.subi %get3A_1261, %sub3A_4614 : i32
      %add3A_4616 = arith.addi %mul3A_4613, %sub3A_4615 : i32
      %jit3A_4617 = arith.constant 0 : i32
      %select_n3A_4618 = arith.select %lt3A_1266, %jit3A_4617, %add3A_4616 : i32
      %eq3A_4619 = vector.broadcast %get3A_1252 : i32 to vector<1x32xi32>
      %eq3A_4620 = arith.cmpi eq, %iota3A_1410, %eq3A_4619 : vector<1x32xi32>
      %convert_element_type3A_4621 = arith.extui %eq3A_4620 : vector<1x32xi1> to vector<1x32xi32>
      %convert_element_type3A_4622 = arith.sitofp %convert_element_type3A_4621 : vector<1x32xi32> to vector<1x32xf32>
      %eq3A_4623 = vector.broadcast %get3A_1252 : i32 to vector<1x16xi32>
      %eq3A_4624 = arith.cmpi eq, %iota3A_1411, %eq3A_4623 : vector<1x16xi32>
      %convert_element_type3A_4625 = arith.extui %eq3A_4624 : vector<1x16xi1> to vector<1x16xi32>
      %convert_element_type3A_4626 = arith.sitofp %convert_element_type3A_4625 : vector<1x16xi32> to vector<1x16xf32>
      %get3A_4627 = arith.index_cast %add3A_4609 : i32 to index
      %get3A_4628 = arith.constant 0 : index
      %get3A_4629 = vector.load %arg2[%get3A_4627, %get3A_4628] : memref<2304x32xf32, #tpu.memory_space<vmem>>, vector<1x32xf32>
      %mul3A_4630 = arith.mulf %get3A_4629, %convert_element_type3A_4622 : vector<1x32xf32>
      %reduce_sum3A_4631 = vector.shape_cast %mul3A_4630 : vector<1x32xf32> to vector<1x1x32xf32>
      %reduce_sum3A_4632 = arith.constant dense<0.000000e+00> : vector<1xf32>
      %reduce_sum3A_4633 = vector.multi_reduction <add>, %reduce_sum3A_4631, %reduce_sum3A_4632 [1, 2] : vector<1x1x32xf32> to vector<1xf32>
      %reduce_sum3A_4634 = vector.shape_cast %reduce_sum3A_4633 : vector<1xf32> to vector<1x1x1xf32>
      %reduce_sum3A_4635 = vector.extract %reduce_sum3A_4634[0, 0, 0] : f32 from vector<1x1x1xf32>
      %get3A_4636 = arith.index_cast %add3A_4609 : i32 to index
      %get3A_4637 = arith.constant 0 : index
      %get3A_4638 = vector.load %arg3[%get3A_4636, %get3A_4637] : memref<2304x16xf32, #tpu.memory_space<vmem>>, vector<1x16xf32>
      %get3A_4639 = arith.index_cast %select_n3A_4618 : i32 to index
      %get3A_4640 = arith.constant 0 : index
      %get3A_4641 = vector.load %arg9[%get3A_4639, %get3A_4640] : memref<2304x16xf32, #tpu.memory_space<vmem>>, vector<1x16xf32>
      %add3A_4642 = arith.addf %get3A_4638, %get3A_4641 : vector<1x16xf32>
      %mul3A_4643 = arith.mulf %add3A_4642, %convert_element_type3A_4626 : vector<1x16xf32>
      %reduce_sum3A_4644 = vector.shape_cast %mul3A_4643 : vector<1x16xf32> to vector<1x1x16xf32>
      %reduce_sum3A_4645 = arith.constant dense<0.000000e+00> : vector<1xf32>
      %reduce_sum3A_4646 = vector.multi_reduction <add>, %reduce_sum3A_4644, %reduce_sum3A_4645 [1, 2] : vector<1x1x16xf32> to vector<1xf32>
      %reduce_sum3A_4647 = vector.shape_cast %reduce_sum3A_4646 : vector<1xf32> to vector<1x1x1xf32>
      %reduce_sum3A_4648 = vector.extract %reduce_sum3A_4647[0, 0, 0] : f32 from vector<1x1x1xf32>
      %select_n3A_4649 = arith.select %lt3A_1266, %reduce_sum3A_4635, %reduce_sum3A_4648 : f32
      %jit3A_4650 = arith.constant 0.000000e+00 : f32
      %select_n3A_4651 = arith.select %and3A_4606, %select_n3A_4649, %jit3A_4650 : f32
      %add3A_4652 = arith.addf %add3A_4597, %select_n3A_4651 : f32
      %ne3A_4653 = arith.cmpi ne, %select_n3A_1313, %select_n3A_1345 : i32
      %and3A_4654 = arith.constant true
      %and3A_4655 = arith.andi %and3A_4654, %ne3A_4653 : i1
      %ne3A_4656 = arith.cmpi ne, %select_n3A_1313, %select_n3A_1377 : i32
      %and3A_4657 = arith.andi %and3A_4655, %ne3A_4656 : i1
      %ne3A_4658 = arith.cmpi ne, %select_n3A_1313, %select_n3A_1409 : i32
      %and3A_4659 = arith.andi %and3A_4657, %ne3A_4658 : i1
      %mul3A_4660 = arith.constant 48 : i32
      %mul3A_4661 = arith.muli %get3A_1287, %mul3A_4660 : i32
      %add3A_4662 = arith.addi %mul3A_4661, %get3A_1296 : i32
      %add3A_4663 = arith.constant 1 : i32
      %add3A_4664 = arith.addi %get3A_1290, %add3A_4663 : i32
      %mul3A_4665 = arith.constant 48 : i32
      %mul3A_4666 = arith.muli %add3A_4664, %mul3A_4665 : i32
      %sub3A_4667 = arith.constant 1 : i32
      %sub3A_4668 = arith.subi %get3A_1293, %sub3A_4667 : i32
      %add3A_4669 = arith.addi %mul3A_4666, %sub3A_4668 : i32
      %jit3A_4670 = arith.constant 0 : i32
      %select_n3A_4671 = arith.select %lt3A_1298, %jit3A_4670, %add3A_4669 : i32
      %eq3A_4672 = vector.broadcast %get3A_1284 : i32 to vector<1x32xi32>
      %eq3A_4673 = arith.cmpi eq, %iota3A_1410, %eq3A_4672 : vector<1x32xi32>
      %convert_element_type3A_4674 = arith.extui %eq3A_4673 : vector<1x32xi1> to vector<1x32xi32>
      %convert_element_type3A_4675 = arith.sitofp %convert_element_type3A_4674 : vector<1x32xi32> to vector<1x32xf32>
      %eq3A_4676 = vector.broadcast %get3A_1284 : i32 to vector<1x16xi32>
      %eq3A_4677 = arith.cmpi eq, %iota3A_1411, %eq3A_4676 : vector<1x16xi32>
      %convert_element_type3A_4678 = arith.extui %eq3A_4677 : vector<1x16xi1> to vector<1x16xi32>
      %convert_element_type3A_4679 = arith.sitofp %convert_element_type3A_4678 : vector<1x16xi32> to vector<1x16xf32>
      %get3A_4680 = arith.index_cast %add3A_4662 : i32 to index
      %get3A_4681 = arith.constant 0 : index
      %get3A_4682 = vector.load %arg2[%get3A_4680, %get3A_4681] : memref<2304x32xf32, #tpu.memory_space<vmem>>, vector<1x32xf32>
      %mul3A_4683 = arith.mulf %get3A_4682, %convert_element_type3A_4675 : vector<1x32xf32>
      %reduce_sum3A_4684 = vector.shape_cast %mul3A_4683 : vector<1x32xf32> to vector<1x1x32xf32>
      %reduce_sum3A_4685 = arith.constant dense<0.000000e+00> : vector<1xf32>
      %reduce_sum3A_4686 = vector.multi_reduction <add>, %reduce_sum3A_4684, %reduce_sum3A_4685 [1, 2] : vector<1x1x32xf32> to vector<1xf32>
      %reduce_sum3A_4687 = vector.shape_cast %reduce_sum3A_4686 : vector<1xf32> to vector<1x1x1xf32>
      %reduce_sum3A_4688 = vector.extract %reduce_sum3A_4687[0, 0, 0] : f32 from vector<1x1x1xf32>
      %get3A_4689 = arith.index_cast %add3A_4662 : i32 to index
      %get3A_4690 = arith.constant 0 : index
      %get3A_4691 = vector.load %arg3[%get3A_4689, %get3A_4690] : memref<2304x16xf32, #tpu.memory_space<vmem>>, vector<1x16xf32>
      %get3A_4692 = arith.index_cast %select_n3A_4671 : i32 to index
      %get3A_4693 = arith.constant 0 : index
      %get3A_4694 = vector.load %arg9[%get3A_4692, %get3A_4693] : memref<2304x16xf32, #tpu.memory_space<vmem>>, vector<1x16xf32>
      %add3A_4695 = arith.addf %get3A_4691, %get3A_4694 : vector<1x16xf32>
      %mul3A_4696 = arith.mulf %add3A_4695, %convert_element_type3A_4679 : vector<1x16xf32>
      %reduce_sum3A_4697 = vector.shape_cast %mul3A_4696 : vector<1x16xf32> to vector<1x1x16xf32>
      %reduce_sum3A_4698 = arith.constant dense<0.000000e+00> : vector<1xf32>
      %reduce_sum3A_4699 = vector.multi_reduction <add>, %reduce_sum3A_4697, %reduce_sum3A_4698 [1, 2] : vector<1x1x16xf32> to vector<1xf32>
      %reduce_sum3A_4700 = vector.shape_cast %reduce_sum3A_4699 : vector<1xf32> to vector<1x1x1xf32>
      %reduce_sum3A_4701 = vector.extract %reduce_sum3A_4700[0, 0, 0] : f32 from vector<1x1x1xf32>
      %select_n3A_4702 = arith.select %lt3A_1298, %reduce_sum3A_4688, %reduce_sum3A_4701 : f32
      %jit3A_4703 = arith.constant 0.000000e+00 : f32
      %select_n3A_4704 = arith.select %and3A_4659, %select_n3A_4702, %jit3A_4703 : f32
      %add3A_4705 = arith.addf %add3A_4652, %select_n3A_4704 : f32
      %ne3A_4706 = arith.cmpi ne, %select_n3A_1345, %select_n3A_1377 : i32
      %and3A_4707 = arith.constant true
      %and3A_4708 = arith.andi %and3A_4707, %ne3A_4706 : i1
      %ne3A_4709 = arith.cmpi ne, %select_n3A_1345, %select_n3A_1409 : i32
      %and3A_4710 = arith.andi %and3A_4708, %ne3A_4709 : i1
      %mul3A_4711 = arith.constant 48 : i32
      %mul3A_4712 = arith.muli %get3A_1319, %mul3A_4711 : i32
      %add3A_4713 = arith.addi %mul3A_4712, %get3A_1328 : i32
      %add3A_4714 = arith.constant 1 : i32
      %add3A_4715 = arith.addi %get3A_1322, %add3A_4714 : i32
      %mul3A_4716 = arith.constant 48 : i32
      %mul3A_4717 = arith.muli %add3A_4715, %mul3A_4716 : i32
      %sub3A_4718 = arith.constant 1 : i32
      %sub3A_4719 = arith.subi %get3A_1325, %sub3A_4718 : i32
      %add3A_4720 = arith.addi %mul3A_4717, %sub3A_4719 : i32
      %jit3A_4721 = arith.constant 0 : i32
      %select_n3A_4722 = arith.select %lt3A_1330, %jit3A_4721, %add3A_4720 : i32
      %eq3A_4723 = vector.broadcast %get3A_1316 : i32 to vector<1x32xi32>
      %eq3A_4724 = arith.cmpi eq, %iota3A_1410, %eq3A_4723 : vector<1x32xi32>
      %convert_element_type3A_4725 = arith.extui %eq3A_4724 : vector<1x32xi1> to vector<1x32xi32>
      %convert_element_type3A_4726 = arith.sitofp %convert_element_type3A_4725 : vector<1x32xi32> to vector<1x32xf32>
      %eq3A_4727 = vector.broadcast %get3A_1316 : i32 to vector<1x16xi32>
      %eq3A_4728 = arith.cmpi eq, %iota3A_1411, %eq3A_4727 : vector<1x16xi32>
      %convert_element_type3A_4729 = arith.extui %eq3A_4728 : vector<1x16xi1> to vector<1x16xi32>
      %convert_element_type3A_4730 = arith.sitofp %convert_element_type3A_4729 : vector<1x16xi32> to vector<1x16xf32>
      %get3A_4731 = arith.index_cast %add3A_4713 : i32 to index
      %get3A_4732 = arith.constant 0 : index
      %get3A_4733 = vector.load %arg2[%get3A_4731, %get3A_4732] : memref<2304x32xf32, #tpu.memory_space<vmem>>, vector<1x32xf32>
      %mul3A_4734 = arith.mulf %get3A_4733, %convert_element_type3A_4726 : vector<1x32xf32>
      %reduce_sum3A_4735 = vector.shape_cast %mul3A_4734 : vector<1x32xf32> to vector<1x1x32xf32>
      %reduce_sum3A_4736 = arith.constant dense<0.000000e+00> : vector<1xf32>
      %reduce_sum3A_4737 = vector.multi_reduction <add>, %reduce_sum3A_4735, %reduce_sum3A_4736 [1, 2] : vector<1x1x32xf32> to vector<1xf32>
      %reduce_sum3A_4738 = vector.shape_cast %reduce_sum3A_4737 : vector<1xf32> to vector<1x1x1xf32>
      %reduce_sum3A_4739 = vector.extract %reduce_sum3A_4738[0, 0, 0] : f32 from vector<1x1x1xf32>
      %get3A_4740 = arith.index_cast %add3A_4713 : i32 to index
      %get3A_4741 = arith.constant 0 : index
      %get3A_4742 = vector.load %arg3[%get3A_4740, %get3A_4741] : memref<2304x16xf32, #tpu.memory_space<vmem>>, vector<1x16xf32>
      %get3A_4743 = arith.index_cast %select_n3A_4722 : i32 to index
      %get3A_4744 = arith.constant 0 : index
      %get3A_4745 = vector.load %arg9[%get3A_4743, %get3A_4744] : memref<2304x16xf32, #tpu.memory_space<vmem>>, vector<1x16xf32>
      %add3A_4746 = arith.addf %get3A_4742, %get3A_4745 : vector<1x16xf32>
      %mul3A_4747 = arith.mulf %add3A_4746, %convert_element_type3A_4730 : vector<1x16xf32>
      %reduce_sum3A_4748 = vector.shape_cast %mul3A_4747 : vector<1x16xf32> to vector<1x1x16xf32>
      %reduce_sum3A_4749 = arith.constant dense<0.000000e+00> : vector<1xf32>
      %reduce_sum3A_4750 = vector.multi_reduction <add>, %reduce_sum3A_4748, %reduce_sum3A_4749 [1, 2] : vector<1x1x16xf32> to vector<1xf32>
      %reduce_sum3A_4751 = vector.shape_cast %reduce_sum3A_4750 : vector<1xf32> to vector<1x1x1xf32>
      %reduce_sum3A_4752 = vector.extract %reduce_sum3A_4751[0, 0, 0] : f32 from vector<1x1x1xf32>
      %select_n3A_4753 = arith.select %lt3A_1330, %reduce_sum3A_4739, %reduce_sum3A_4752 : f32
      %jit3A_4754 = arith.constant 0.000000e+00 : f32
      %select_n3A_4755 = arith.select %and3A_4710, %select_n3A_4753, %jit3A_4754 : f32
      %add3A_4756 = arith.addf %add3A_4705, %select_n3A_4755 : f32
      %ne3A_4757 = arith.cmpi ne, %select_n3A_1377, %select_n3A_1409 : i32
      %and3A_4758 = arith.constant true
      %and3A_4759 = arith.andi %and3A_4758, %ne3A_4757 : i1
      %mul3A_4760 = arith.constant 48 : i32
      %mul3A_4761 = arith.muli %get3A_1351, %mul3A_4760 : i32
      %add3A_4762 = arith.addi %mul3A_4761, %get3A_1360 : i32
      %add3A_4763 = arith.constant 1 : i32
      %add3A_4764 = arith.addi %get3A_1354, %add3A_4763 : i32
      %mul3A_4765 = arith.constant 48 : i32
      %mul3A_4766 = arith.muli %add3A_4764, %mul3A_4765 : i32
      %sub3A_4767 = arith.constant 1 : i32
      %sub3A_4768 = arith.subi %get3A_1357, %sub3A_4767 : i32
      %add3A_4769 = arith.addi %mul3A_4766, %sub3A_4768 : i32
      %jit3A_4770 = arith.constant 0 : i32
      %select_n3A_4771 = arith.select %lt3A_1362, %jit3A_4770, %add3A_4769 : i32
      %eq3A_4772 = vector.broadcast %get3A_1348 : i32 to vector<1x32xi32>
      %eq3A_4773 = arith.cmpi eq, %iota3A_1410, %eq3A_4772 : vector<1x32xi32>
      %convert_element_type3A_4774 = arith.extui %eq3A_4773 : vector<1x32xi1> to vector<1x32xi32>
      %convert_element_type3A_4775 = arith.sitofp %convert_element_type3A_4774 : vector<1x32xi32> to vector<1x32xf32>
      %eq3A_4776 = vector.broadcast %get3A_1348 : i32 to vector<1x16xi32>
      %eq3A_4777 = arith.cmpi eq, %iota3A_1411, %eq3A_4776 : vector<1x16xi32>
      %convert_element_type3A_4778 = arith.extui %eq3A_4777 : vector<1x16xi1> to vector<1x16xi32>
      %convert_element_type3A_4779 = arith.sitofp %convert_element_type3A_4778 : vector<1x16xi32> to vector<1x16xf32>
      %get3A_4780 = arith.index_cast %add3A_4762 : i32 to index
      %get3A_4781 = arith.constant 0 : index
      %get3A_4782 = vector.load %arg2[%get3A_4780, %get3A_4781] : memref<2304x32xf32, #tpu.memory_space<vmem>>, vector<1x32xf32>
      %mul3A_4783 = arith.mulf %get3A_4782, %convert_element_type3A_4775 : vector<1x32xf32>
      %reduce_sum3A_4784 = vector.shape_cast %mul3A_4783 : vector<1x32xf32> to vector<1x1x32xf32>
      %reduce_sum3A_4785 = arith.constant dense<0.000000e+00> : vector<1xf32>
      %reduce_sum3A_4786 = vector.multi_reduction <add>, %reduce_sum3A_4784, %reduce_sum3A_4785 [1, 2] : vector<1x1x32xf32> to vector<1xf32>
      %reduce_sum3A_4787 = vector.shape_cast %reduce_sum3A_4786 : vector<1xf32> to vector<1x1x1xf32>
      %reduce_sum3A_4788 = vector.extract %reduce_sum3A_4787[0, 0, 0] : f32 from vector<1x1x1xf32>
      %get3A_4789 = arith.index_cast %add3A_4762 : i32 to index
      %get3A_4790 = arith.constant 0 : index
      %get3A_4791 = vector.load %arg3[%get3A_4789, %get3A_4790] : memref<2304x16xf32, #tpu.memory_space<vmem>>, vector<1x16xf32>
      %get3A_4792 = arith.index_cast %select_n3A_4771 : i32 to index
      %get3A_4793 = arith.constant 0 : index
      %get3A_4794 = vector.load %arg9[%get3A_4792, %get3A_4793] : memref<2304x16xf32, #tpu.memory_space<vmem>>, vector<1x16xf32>
      %add3A_4795 = arith.addf %get3A_4791, %get3A_4794 : vector<1x16xf32>
      %mul3A_4796 = arith.mulf %add3A_4795, %convert_element_type3A_4779 : vector<1x16xf32>
      %reduce_sum3A_4797 = vector.shape_cast %mul3A_4796 : vector<1x16xf32> to vector<1x1x16xf32>
      %reduce_sum3A_4798 = arith.constant dense<0.000000e+00> : vector<1xf32>
      %reduce_sum3A_4799 = vector.multi_reduction <add>, %reduce_sum3A_4797, %reduce_sum3A_4798 [1, 2] : vector<1x1x16xf32> to vector<1xf32>
      %reduce_sum3A_4800 = vector.shape_cast %reduce_sum3A_4799 : vector<1xf32> to vector<1x1x1xf32>
      %reduce_sum3A_4801 = vector.extract %reduce_sum3A_4800[0, 0, 0] : f32 from vector<1x1x1xf32>
      %select_n3A_4802 = arith.select %lt3A_1362, %reduce_sum3A_4788, %reduce_sum3A_4801 : f32
      %jit3A_4803 = arith.constant 0.000000e+00 : f32
      %select_n3A_4804 = arith.select %and3A_4759, %select_n3A_4802, %jit3A_4803 : f32
      %add3A_4805 = arith.addf %add3A_4756, %select_n3A_4804 : f32
      %mul3A_4806 = arith.constant 48 : i32
      %mul3A_4807 = arith.muli %get3A_1383, %mul3A_4806 : i32
      %add3A_4808 = arith.addi %mul3A_4807, %get3A_1392 : i32
      %add3A_4809 = arith.constant 1 : i32
      %add3A_4810 = arith.addi %get3A_1386, %add3A_4809 : i32
      %mul3A_4811 = arith.constant 48 : i32
      %mul3A_4812 = arith.muli %add3A_4810, %mul3A_4811 : i32
      %sub3A_4813 = arith.constant 1 : i32
      %sub3A_4814 = arith.subi %get3A_1389, %sub3A_4813 : i32
      %add3A_4815 = arith.addi %mul3A_4812, %sub3A_4814 : i32
      %jit3A_4816 = arith.constant 0 : i32
      %select_n3A_4817 = arith.select %lt3A_1394, %jit3A_4816, %add3A_4815 : i32
      %eq3A_4818 = vector.broadcast %get3A_1380 : i32 to vector<1x32xi32>
      %eq3A_4819 = arith.cmpi eq, %iota3A_1410, %eq3A_4818 : vector<1x32xi32>
      %convert_element_type3A_4820 = arith.extui %eq3A_4819 : vector<1x32xi1> to vector<1x32xi32>
      %convert_element_type3A_4821 = arith.sitofp %convert_element_type3A_4820 : vector<1x32xi32> to vector<1x32xf32>
      %eq3A_4822 = vector.broadcast %get3A_1380 : i32 to vector<1x16xi32>
      %eq3A_4823 = arith.cmpi eq, %iota3A_1411, %eq3A_4822 : vector<1x16xi32>
      %convert_element_type3A_4824 = arith.extui %eq3A_4823 : vector<1x16xi1> to vector<1x16xi32>
      %convert_element_type3A_4825 = arith.sitofp %convert_element_type3A_4824 : vector<1x16xi32> to vector<1x16xf32>
      %get3A_4826 = arith.index_cast %add3A_4808 : i32 to index
      %get3A_4827 = arith.constant 0 : index
      %get3A_4828 = vector.load %arg2[%get3A_4826, %get3A_4827] : memref<2304x32xf32, #tpu.memory_space<vmem>>, vector<1x32xf32>
      %mul3A_4829 = arith.mulf %get3A_4828, %convert_element_type3A_4821 : vector<1x32xf32>
      %reduce_sum3A_4830 = vector.shape_cast %mul3A_4829 : vector<1x32xf32> to vector<1x1x32xf32>
      %reduce_sum3A_4831 = arith.constant dense<0.000000e+00> : vector<1xf32>
      %reduce_sum3A_4832 = vector.multi_reduction <add>, %reduce_sum3A_4830, %reduce_sum3A_4831 [1, 2] : vector<1x1x32xf32> to vector<1xf32>
      %reduce_sum3A_4833 = vector.shape_cast %reduce_sum3A_4832 : vector<1xf32> to vector<1x1x1xf32>
      %reduce_sum3A_4834 = vector.extract %reduce_sum3A_4833[0, 0, 0] : f32 from vector<1x1x1xf32>
      %get3A_4835 = arith.index_cast %add3A_4808 : i32 to index
      %get3A_4836 = arith.constant 0 : index
      %get3A_4837 = vector.load %arg3[%get3A_4835, %get3A_4836] : memref<2304x16xf32, #tpu.memory_space<vmem>>, vector<1x16xf32>
      %get3A_4838 = arith.index_cast %select_n3A_4817 : i32 to index
      %get3A_4839 = arith.constant 0 : index
      %get3A_4840 = vector.load %arg9[%get3A_4838, %get3A_4839] : memref<2304x16xf32, #tpu.memory_space<vmem>>, vector<1x16xf32>
      %add3A_4841 = arith.addf %get3A_4837, %get3A_4840 : vector<1x16xf32>
      %mul3A_4842 = arith.mulf %add3A_4841, %convert_element_type3A_4825 : vector<1x16xf32>
      %reduce_sum3A_4843 = vector.shape_cast %mul3A_4842 : vector<1x16xf32> to vector<1x1x16xf32>
      %reduce_sum3A_4844 = arith.constant dense<0.000000e+00> : vector<1xf32>
      %reduce_sum3A_4845 = vector.multi_reduction <add>, %reduce_sum3A_4843, %reduce_sum3A_4844 [1, 2] : vector<1x1x16xf32> to vector<1xf32>
      %reduce_sum3A_4846 = vector.shape_cast %reduce_sum3A_4845 : vector<1xf32> to vector<1x1x1xf32>
      %reduce_sum3A_4847 = vector.extract %reduce_sum3A_4846[0, 0, 0] : f32 from vector<1x1x1xf32>
      %select_n3A_4848 = arith.select %lt3A_1394, %reduce_sum3A_4834, %reduce_sum3A_4847 : f32
      %jit3A_4849 = arith.constant true
      %jit3A_4850 = arith.constant 0.000000e+00 : f32
      %select_n3A_4851 = arith.select %jit3A_4849, %select_n3A_4848, %jit3A_4850 : f32
      %add3A_4852 = arith.addf %add3A_4805, %select_n3A_4851 : f32
      %get3A_4853 = arith.constant 0 : index
      %get3A_4854 = arith.constant 0 : index
      %get3A_4855 = memref.load %arg10[%get3A_4853, %get3A_4854] : memref<1x1xf32, #tpu.memory_space<smem>>
      %add3A_4856 = arith.addf %reduce_sum3A_103, %reduce_sum3A_130 : f32
      %sub3A_4857 = arith.subf %add3A_4856, %add3A_4852 : f32
      %add3A_4858 = arith.addf %get3A_4855, %sub3A_4857 : f32
      %swap3A = arith.constant 0 : index
      %swap3A_4859 = arith.constant 0 : index
      %swap3A_4860 = memref.load %arg10[%swap3A, %swap3A_4859] : memref<1x1xf32, #tpu.memory_space<smem>>
      memref.store %add3A_4858, %arg10[%swap3A, %swap3A_4859] : memref<1x1xf32, #tpu.memory_space<smem>>
    } else {
    }
    return
  }
  func.func @transform_0(%arg0: i32) -> (i32, i32) {
    %c0_i32 = arith.constant 0 : i32
    %c0_i32_0 = arith.constant 0 : i32
    %c0_i32_1 = arith.constant 0 : i32
    return %c0_i32, %c0_i32_0 : i32, i32
  }
  func.func @transform_1(%arg0: i32) -> (i32, i32) {
    %c0_i32 = arith.constant 0 : i32
    %c0_i32_0 = arith.constant 0 : i32
    %c0_i32_1 = arith.constant 0 : i32
    return %c0_i32, %c0_i32_0 : i32, i32
  }
  func.func @transform_2(%arg0: i32) -> (i32, i32) {
    %c0_i32 = arith.constant 0 : i32
    %c0_i32_0 = arith.constant 0 : i32
    %c0_i32_1 = arith.constant 0 : i32
    return %c0_i32, %c0_i32_0 : i32, i32
  }
  func.func @transform_3(%arg0: i32) -> (i32, i32) {
    %c0_i32 = arith.constant 0 : i32
    %c0_i32_0 = arith.constant 0 : i32
    %c0_i32_1 = arith.constant 0 : i32
    return %c0_i32, %c0_i32_0 : i32, i32
  }
  func.func @transform_4(%arg0: i32) -> (i32, i32) {
    %c0_i32 = arith.constant 0 : i32
    %c0_i32_0 = arith.constant 0 : i32
    %c0_i32_1 = arith.constant 0 : i32
    return %c0_i32, %c0_i32_0 : i32, i32
  }
  func.func @transform_5(%arg0: i32) -> (i32, i32) {
    %c0_i32 = arith.constant 0 : i32
    %c0_i32_0 = arith.constant 0 : i32
    %c0_i32_1 = arith.constant 0 : i32
    return %c0_i32, %c0_i32_0 : i32, i32
  }
  func.func @transform_6(%arg0: i32) -> (i32, i32) {
    %c0_i32 = arith.constant 0 : i32
    %c0_i32_0 = arith.constant 0 : i32
    %c0_i32_1 = arith.constant 0 : i32
    return %c0_i32, %c0_i32_0 : i32, i32
  }
  func.func @transform_7(%arg0: i32) -> (i32, i32) {
    %c0_i32 = arith.constant 0 : i32
    %c0_i32_0 = arith.constant 0 : i32
    %c0_i32_1 = arith.constant 0 : i32
    return %c0_i32, %c0_i32_0 : i32, i32
  }
  func.func @transform_8(%arg0: i32) -> (i32, i32) {
    %c0_i32 = arith.constant 0 : i32
    %c0_i32_0 = arith.constant 0 : i32
    %c0_i32_1 = arith.constant 0 : i32
    return %c0_i32, %c0_i32_0 : i32, i32
  }
  func.func @transform_9(%arg0: i32) -> (i32, i32) {
    %c0_i32 = arith.constant 0 : i32
    %c0_i32_0 = arith.constant 0 : i32
    %c0_i32_1 = arith.constant 0 : i32
    return %c0_i32, %c0_i32_0 : i32, i32
  }
}

</mosaic_0001>

<sc_bundles>
// kernel: gather_offload_async_start
scs
__scs_entry_jumppad:
0x0: {  	(pc) =	sbr.rel $0x88, $3  }
0x1: {  	(tag) =	ssettag $0x0;
	lr =	simm.s32 $0x1  }
0x2: {  	[smem:$0x3F9D] =	sst lr;
	_ =	strace $0xD0000000  }
0x3: {  	_ = 	snop  }
0x4: {  	_ = 	snop  }
0x5: {  	_ = 	snop  }
0x6: {  	_ = 	snop  }
0x7: {  	_ = 	snop  }
__scs_overlays_trampoline_lowered:
0x8: {  	[smem:$0x3FAC] =	sst s0  }
0x9: {  	[smem:$0x3FAD] =	sst s1  }
0xa: {  	[smem:$0x3FAE] =	sst s2  }
0xb: {  	[smem:$0x3FAF] =	sst s3  }
0xc: {  	[smem:$0x3FB0] =	sst s4  }
0xd: {  	[smem:$0x3FB1] =	sst s5  }
0xe: {  	[smem:$0x3FB2] =	sst s6  }
0xf: {  	[smem:$0x3FB3] =	sst s7  }
0x10: {  	[smem:$0x3FB4] =	sst s8  }
0x11: {  	[smem:$0x3FB5] =	sst s9;
	s0 =	simm.s32 @!p0 $0x0  }
0x12: {  	s1 =	sld [smem:$0x3F9B];
	s0 =	simm.s32 @p0 $0x1  }
0x13: {  	[smem:$0x3FB6] =	sst s0;
	s0 =	simm.s32 @!p1 $0x0  }
0x14: {  	s2 =	sld [smem:$0x3F9A];
	s0 =	simm.s32 @p1 $0x1  }
0x15: {  	[smem:$0x3FB7] =	sst s0;
	s0 =	simm.s32 @!p2 $0x0  }
0x16: {  	s3 =	sld [smem:$0x3FDB];
	s0 =	simm.s32 @p2 $0x1  }
0x17: {  	s4 =	simm.s32 $0x1BF5;
	[smem:$0x3FB9] =	sst s0  }
0x18: {  	s0 =	sld [smem:$0x3F9C];
	_ =	swait.ge [sflag:s4], $0x0  }
0x19: {  	s7 =	sld [smem:$0x3F9D]  }
0x1a: {  	s8 =	sadd.s32 $0xFFFFE003, lr  }
0x1b: {  	s9 =	sadd.s32 $0xFFFFFEF7, lr;
	s5 =	simm.s32 $0xFFFFFFFF;
	p2 =	slt.u32 s8, $0xFFFFF086  }
0x1c: {  	p1 =	slt.u32 s9, $0xF7A;
	s5 =	simm.s32 @!p2 $0x0  }
0x1d: {  	s5 =	simm.s32 @p1 $0x1;
	p0 =	seq.s32 s7, s2  }
0x1e: {  	s7 =	smul.u32 @!p0 $0xF7A, s2;
	p2 =	seq.s32 @!p0 s5, $0x0  }
0x1f: {  	s9 =	smul.u32 $0xF7A, s1;
	s8 =	simm.s32 @!p0 $0x1BF5;
	p2 =	por !p2, p0  }
0x20: {  	[sflag:s8] =	ssyncset.s32 @!p0 $0xFFFFF086;
	s6 =	sadd.s32 @!p0 s3, s7;
	s7 =	simm.s32 @!p0 $0x108  }
0x21: {  	s3 =	sadd.s32 s3, s9;
	s6 =	sadd.s32 @!p0 $0x88, s6;
	s7 =	simm.s32 @p2 $0x1082  }
0x22: {  	[simem:s7], [sflag:s8] =	dma.local @!p0 [hbm:s6], $0xF7A  }
0x23: {  	s9 =	sor.u32 $0xD0000000, s2;
	s6 =	simm.s32 $0x108;
	_ =	swait.ge @!p0 [sflag:s8], $0x0  }
0x24: {  	s3 =	sadd.s32 $0x88, s3;
	s6 =	simm.s32 @!p1 $0x1082;
	[sflag:s4] =	ssyncset.s32 $0xFFFFF086  }
0x25: {  	[simem:s6], [sflag:s4] =	dma.local [hbm:s3], $0xF7A  }
0x26: {  	[smem:$0x3F9D] =	sst s1;
	(tag) =	ssettag s2;
	_ =	strace s9  }
0x27: {  	s1 =	sld [smem:$0x3FAD]  }
0x28: {  	s2 =	sld [smem:$0x3FAE]  }
0x29: {  	s4 =	sld [smem:$0x3FB0]  }
0x2a: {  	p0 =	seq.s32 s5, $0x0;
	s5 =	sld [smem:$0x3FB1]  }
0x2b: {  	s6 =	sld [smem:$0x3FB2]  }
0x2c: {  	s7 =	sld [smem:$0x3FB3]  }
0x2d: {  	s3 =	simm.s32 $0x108;
	s8 =	sld [smem:$0x3FB4]  }
0x2e: {  	s3 =	simm.s32 @!p0 $0x1082;
	s9 =	sld [smem:$0x3FB5]  }
0x2f: {  	lr =	sadd.s32 s0, s3;
	s0 =	sld [smem:$0x3FAC]  }
0x30: {  	s3 =	sld [smem:$0x3FAF]  }
0x31: {  	[smem:$0x3FB8] =	sst s10  }
0x32: {  	s10 =	sld [smem:$0x3FB6];
	_ =	sdelay $0x3  }
0x33: {  	p0 =	seq.s32 s10, $0x1;
	s10 =	sld [smem:$0x3FB8];
	_ =	sdelay $0x3  }
0x34: {  	[smem:$0x3FB8] =	sst s10  }
0x35: {  	s10 =	sld [smem:$0x3FB7];
	_ =	sdelay $0x3  }
0x36: {  	p1 =	seq.s32 s10, $0x1;
	s10 =	sld [smem:$0x3FB8];
	_ =	sdelay $0x3  }
0x37: {  	[smem:$0x3FB8] =	sst s10  }
0x38: {  	s10 =	sld [smem:$0x3FB9]  }
0x39: {  	_ = 	snop;
	(pc) =	sbr.ind lr, $3  }
0x3a: {  	_ = 	snop  }
0x3b: {  	_ = 	snop  }
0x3c: {  	p2 =	seq.s32 s10, $0x1;
	s10 =	sld [smem:$0x3FB8]  }
0x3d: {  	_ =	shalt  }
0x3e: {  	_ =	shalt  }
0x3f: {  	_ =	shalt  }
0x40: {  	_ =	shalt  }
0x41: {  	_ =	shalt  }
0x42: {  	_ =	shalt  }
0x43: {  	_ =	shalt  }
0x44: {  	_ =	shalt  }
0x45: {  	_ =	shalt  }
0x46: {  	_ =	shalt  }
0x47: {  	_ =	shalt  }
0x48: {  	_ =	shalt  }
0x49: {  	_ =	shalt  }
0x4a: {  	_ =	shalt  }
0x4b: {  	_ =	shalt  }
0x4c: {  	_ =	shalt  }
0x4d: {  	_ =	shalt  }
0x4e: {  	_ =	shalt  }
0x4f: {  	_ =	shalt  }
0x50: {  	_ =	shalt  }
0x51: {  	_ =	shalt  }
0x52: {  	_ =	shalt  }
0x53: {  	_ =	shalt  }
0x54: {  	_ =	shalt  }
0x55: {  	_ =	shalt  }
0x56: {  	_ =	shalt  }
0x57: {  	_ =	shalt  }
0x58: {  	_ =	shalt  }
0x59: {  	_ =	shalt  }
0x5a: {  	_ =	shalt  }
0x5b: {  	_ =	shalt  }
0x5c: {  	_ =	shalt  }
0x5d: {  	_ =	shalt  }
0x5e: {  	_ =	shalt  }
0x5f: {  	_ =	shalt  }
0x60: {  	_ =	shalt  }
0x61: {  	_ =	shalt  }
0x62: {  	_ =	shalt  }
0x63: {  	_ =	shalt  }
0x64: {  	_ =	shalt  }
0x65: {  	_ =	shalt  }
0x66: {  	_ =	shalt  }
0x67: {  	_ =	shalt  }
0x68: {  	_ =	shalt  }
0x69: {  	_ =	shalt  }
0x6a: {  	_ =	shalt  }
0x6b: {  	_ =	shalt  }
0x6c: {  	_ =	shalt  }
0x6d: {  	_ =	shalt  }
0x6e: {  	_ =	shalt  }
0x6f: {  	_ =	shalt  }
0x70: {  	_ =	shalt  }
0x71: {  	_ =	shalt  }
0x72: {  	_ =	shalt  }
0x73: {  	_ =	shalt  }
0x74: {  	_ =	shalt  }
0x75: {  	_ =	shalt  }
0x76: {  	_ =	shalt  }
0x77: {  	_ =	shalt  }
0x78: {  	_ =	shalt  }
0x79: {  	_ =	shalt  }
0x7a: {  	_ =	shalt  }
0x7b: {  	_ =	shalt  }
0x7c: {  	_ =	shalt  }
0x7d: {  	_ =	shalt  }
0x7e: {  	_ =	shalt  }
0x7f: {  	_ =	shalt  }
0x80: {  	_ =	shalt  }
0x81: {  	_ =	shalt  }
0x82: {  	_ =	shalt  }
0x83: {  	_ =	shalt  }
0x84: {  	_ =	shalt  }
0x85: {  	_ =	shalt  }
0x86: {  	_ =	shalt  }
0x87: {  	_ =	shalt  }
.Lfunc_end0:
.L_simem_size_0:
called_computation_lowered:
.L_overlay_start_0:
0x88: {  	s2 =	sld [smem:$0x3FD9]  }
0x89: {  	s3 =	sld [smem:$0x3FFE];
	_ =	sdelay $0x1  }
0x8a: {  	s1 =	srdreg.scid  }
0x8b: {  	s0 =	sand.u32 $0x1, s1  }
0x8c: {  	s16 =	sshll.u32 s0, $0xA;
	s2 =	sadd.s32 s3, s2  }
0x8d: {  	s2 =	sadd.s32 s2, s16  }
0x8e: {  	[smem:$0x3FC4] =	sst s2  }
0x8f: {  	_ = 	snop  }
0x90: {  	(tm) =	ssettm $0x1  }
0x91: {  	s17 =	sld [smem:$0x3FFB];
	_ =	sdelay $0x3  }
0x92: {  	_ =	strace s17  }
0x93: {  	s2 =	sld [smem:$0x3FFC];
	_ =	sdelay $0x3  }
0x94: {  	_ =	strace s2  }
0x95: {  	s2 =	sld [smem:$0x3FFD];
	_ =	sdelay $0x3  }
0x96: {  	_ =	strace s2  }
0x97: {  	_ =	strace $0x8FFFFFFF  }
0x98: {  	s18 =	sld [smem:$0x3FDB];
	_ =	sdelay $0x1  }
0x99: {  	s19 =	simm.s32 $_scs_section_size  }
0x9a: {  	s4 =	simm.s32 $_size__tile_overlayer_lowered;
	s5 =	simm.s32 $_tile_overlayer_lowered  }
0x9b: {  	s22 =	simm.s32 $0x1BFF;
	s21 =	sshll.u32 s5, $0x1;
	s2 =	sadd.s32 s19, s18  }
0x9c: {  	s6 =	simm.s32 $0x0;
	s20 =	sshll.u32 s4, $0x1;
	s4 =	sadd.s32 s21, s2  }
0x9d: {  	[timem:s6], [sflag:s22] =	dma.local [hbm:s4], s20  }
0x9e: {  	_ =	swait.ge [sflag:s22], s20  }
0x9f: {  	s3 =	ssub.s32 $0x0, s20;
	[sflag:s22] =	ssyncset.done $0x0  }
0xa0: {  	[sflag:s22] =	ssyncadd.s32 s3;
	_ =	sdelay $0x1  }
0xa1: {  	s23 =	simm.s32 $0x1B8B  }
0xa2: {  	_ =	swait.ge [sflag:s23], $0x1  }
0xa3: {  	[sflag:s23] =	ssyncset.done $0x0  }
0xa4: {  	s25 =	simm.s32 $0x1B8E;
	s24 =	sld [smem:$0x3FFE];
	[sflag:s23] =	ssyncadd.s32 $0xFFFFFFFF  }
0xa5: {  	s26 =	simm.s32 $execute0_lowered;
	[smem:$0x3FD2] =	sst s25  }
0xa6: {  	s4 =	sshll.u32 s26, $0x1;
	_ =	strace $0x80000046;
	[dreg:$0x1] =	wrdreg $0xFFFFFFFF  }
0xa7: {  	s28 =	simm.s32 $_size_execute0_lowered;
	s2 =	sadd.s32 s2, s4;
	[dreg:$0x0] =	wrdreg $0x0  }
0xa8: {  	s4 =	sshll.u32 s28, $0x1;
	[dreg:$0x2] =	wrdreg s2  }
0xa9: {  	[dreg:$0x3] =	wrdreg s4  }
0xaa: {  	[dreg:$0x4] =	wrdreg $0xC0  }
0xab: {  	_ =	task [dreg:s6], $0x5FFFF  }
0xac: {  	[dreg:$0x1] =	wrdreg $0xFFFFFFFF  }
0xad: {  	[dreg:$0x0] =	wrdreg $0x60  }
0xae: {  	[dreg:$0x2] =	wrdreg s24  }
0xaf: {  	[dreg:$0x3] =	wrdreg $0x9  }
0xb0: {  	_ =	task.clear_ibuf [dreg:s6], $0x4FFFF;
	_ =	strace $0x90000046  }
0xb1: {  	s29 =	simm.s32 $0x9;
	_ =	strace $0x80000048  }
0xb2: {  	_ =	swait.ge [sflag:s29], $0x1  }
0xb3: {  	[sflag:s29] =	ssyncadd.s32 $0xFFFFFFFF  }
0xb4: {  	_ =	strace $0x90000048  }
0xb5: {  	_ =	sfence  }
0xb6: {  	s30 =	sld [smem:$0x0];
	_ =	sdelay $0x2  }
0xb7: {  	s31 =	sshll.u32 s1, $0xD;
	s1 =	sshrl.u32 s1, $0x2  }
0xb8: {  	s3 =	sand.u32 $0x4000, s31;
	s1 =	sadd.s32 s1, s30  }
0xb9: {  	s0 =	sor.u32 s3, s0;
	s1 =	sshll.u32 s1, $0x11  }
0xba: {  	s0 =	sor.u32 s1, s0  }
0xbb: {  	s0 =	sadd.s32 $0x8F2B, s0  }
0xbc: {  	[sflag:s0] =	ssyncadd.remote.s32 $0x1  }
0xbd: {  	_ =	sfence.sel $0xFFFF  }
0xbe: {  	[dreg:$0x0] =	wrdreg $0xFFFFFFFF;
	(pc) =	sbr.abs _section_cstart, $3  }
0xbf: {  	[dreg:$0x1] =	wrdreg $0xFFFFFFFF  }
0xc0: {  	_ =	task.clear_ibuf [dreg:s6], $0x2FFFF;
	_ =	strace $0x9FFFFFFF  }
0xc1: {  	(tm) =	ssettm $0x7FFFFFFF  }
tec
execute0_lowered:
.L_overlay_start_1:
0x0: {  	(tag) =	ssettag $0x1  }
0x1: {  	s0 =	srdreg.scid  }
0x2: {  	s1 =	sshll.u32 s0, $0x4  }
0x3: {  	s0 =	stileid.u32;
	s1 =	sand.u32 $0x10, s1  }
0x4: {  	s1 =	sor.u32 s0, s1  }
0x5: {  	s9 =	rddreg [dreg:$0x0];
	s6 =	simm.s32 $0x1;
	s2 =	smin.u32 s1, $0x4  }
0x6: {  	p0 =	slt.u32 s1, $0x4;
	s2 =	sadd.s32 s1, s2;
	s1 =	simm.s32 $0x40  }
0x7: {  	s7 =	simm.s32 $0x2;
	s2 =	sshll.u32 s2, $0x5;
	s1 =	simm.s32 @!p0 $0x20  }
0x8: {  	s10 =	simm.s32 $0x3;
	s13 =	simm.s32 $0x0;
	s3 =	sadd.s32 s1, s2  }
0x9: {  	s12 =	simm.s32 $0x0;
	s4 =	sadd.s32 $0x1600, s9;
	s3 =	smin.u32 s3, $0x480  }
.Ltmp0:
0xa: {  	s5 =	sadd.s32 $0x1400, s9;
	s8 =	ssub.s32 s3, s2;
	(pc) =	sbr.rel .LBB2_1-.Ltmp0, $4  }
0xb: {  	s1 =	rddreg [dreg:$0x1];
	_ =	strace $0x80000047;
	p0 =	sgt.s32 s8, $0x0  }
0xc: {  	s9 =	sadd.s32 $0xA600, s9;
	[sflag:s6] =	ssyncpa.u1 $0x0;
	s8 =	simm.s32 @!p0 $0x0  }
0xd: {  	s11 =	smov.u32 s2;
	[sflag:s7] =	ssyncpa.u1 $0x0;
	s8 =	sshrl.u32 s8, $0x5  }
0xe: {  	vm0 =	vmmov $0xff;
	vm1 =	vcmask $0x3F20;
	[sflag:s10] =	ssyncpa.u1 $0x0;
	p0 =	por $0x0, $0x0;
	s10 =	sadd.s32 $0x1, s8  }
.LBB2_6:
0xf: {  	[hbm:s17] =	stream.linear.scatter [tilespmem:s14], [sflag:$0x3], $0x400, $0x38;
	[tilespmem:$0x2040] =	vst v63  }
.LBB2_7:
0x10: {  	s13 =	sadd.s32 $0x20, s11  }
0x11: {  	s15 =	smov.u32 s2;
	p2 =	slt.s32 s13, s3  }
0x12: {  	s15 =	smov.u32 @p2 s13;
	p2 =	sne.s32 s12, s10  }
.Ltmp1:
0x13: {  	p1 =	slt.u32 s12, $0x2;
	(pc) =	sbr.rel @!p2 .LBB2_8-.Ltmp1, $4  }
0x14: {  	s14 =	simm.s32 @!p1 $0x3  }
0x15: {  	s16 =	sadd.s32 $0x1, s12;
	_ =	swait.ge @!p1 [sflag:s14], $0x1000  }
0x16: {  	p0 =	por !p0, !p0;
	s13 =	smov.u32 s11;
	[sflag:s14] =	ssyncset.done @!p1 $0x0  }
0x17: {  	s12 =	smov.u32 s16;
	s11 =	smov.u32 s15;
	[sflag:s14] =	ssyncadd.s32 @!p1 $0xFFFFF000  }
.LBB2_1:
0x18: {  	p1 =	sge.u32 s12, s8  }
0x19: {  	s14 =	sxor.u32 @!p1 $0xFFFFFFFF, s12  }
0x1a: {  	s31 =	sadd.s32 $0xFFFFFFFF, s12;
	s15 =	sshrl.u32 @!p1 s11, $0x3;
	s14 =	sshll.u32 @!p1 s14, $0x5  }
0x1b: {  	s16 =	sand.u32 @!p1 $0x7, s11;
	s15 =	sadd.s32 @!p1 s5, s15;
	s14 =	sand.u32 @!p1 $0x20, s14  }
0x1c: {  	[tilespmem:s14], [sflag:$0x2] =	stream.linear.gather @!p1 [hbm4b:s15+s16], $0x20, $0x38;
	[tilespmem:$0x2040] =	vst v63  }
0x1d: {  	p1 =	sge.u32 s31, s8  }
.Ltmp2:
0x1e: {  	_ = 	snop;
	(pc) =	sbr.rel @p1 .LBB2_7-.Ltmp2, $1  }
0x1f: {  	_ =	sdelay $0x3  }
0x20: {  	s14 =	simm.s32 $0x1  }
0x21: {  	_ =	swait.ge [sflag:s7], $0x20;
	s16 =	sand.u32 $0x1, s12;
	s17 =	simm.s32 $0x0  }
0x22: {  	p1 =	por $0x1, $0x1;
	s14 =	simm.s32 @!p0 $0x0;
	[sflag:s7] =	ssyncset.done $0x0  }
0x23: {  	s15 =	sshll.u32 s16, $0x5;
	s16 =	sshll.u32 s16, $0xC;
	s14 =	sshll.u32 s14, $0xC  }
0x24: {  	[sflag:s7] =	ssyncadd.s32 $0xFFFFFFE0;
	s16 =	sor.u32 $0x40, s16;
	s14 =	sor.u32 $0x40, s14  }
.LBB2_3:
0x25: {  	s18 =	sshll.u32 s17, $0x4  }
0x26: {  	s18 =	sand.u32 $0x3FFFFFF0, s18  }
0x27: {  	s18 =	sadd.s32 s18, s15  }
0x28: {  	v0 =	vld.msk [tilespmem:s18+$0x0 ss:$0x1], $0xffff;
	_ =	sdelay $0x4  }
0x29: {  	vm2 =	vgt.s32 v0, $0x0  }
0x2a: {  	v0 =	vnsel vm2, $0x0, v0  }
0x2b: {  	v0 =	vmin.u32 v0, $0x8FF  }
0x2c: {  	v0 =	vshll.u32 v0, $0x4;
	_ =	sdelay $0x1  }
0x2d: {  	s31 =	sshll.u32 s17, $0xB  }
0x2e: {  	p2 =	por p1, p1;
	s17 =	sand.u32 $0x3FFFF800, s31  }
.Ltmp3:
0x2f: {  	s17 =	sadd.s32 s17, s16;
	(pc) =	sbr.rel @p2 .LBB2_3-.Ltmp3, $4  }
0x30: {  	[tilespmem:s17], [sflag:$0x1] =	stream.indirect_vreg.gather [hbm:s4], $0x80, v0, vm0, $0x38;
	[tilespmem:$0x2040] =	vst v63  }
0x31: {  	s17 =	sadd.s32 $0x400, s17  }
0x32: {  	[tilespmem:s17], [sflag:$0x1] =	stream.indirect_vreg.gather [hbm:s4], $0x80, v0, vm1, $0x38;
	[tilespmem:$0x2040] =	vst v63  }
0x33: {  	p1 =	por $0x0, $0x0;
	s17 =	simm.s32 $0x1  }
0x34: {  	_ =	swait.ge [sflag:s6], $0x1000;
	s13 =	sshll.u32 s13, $0x4  }
0x35: {  	s15 =	simm.s32 $0x80;
	[sflag:s6] =	ssyncset.done $0x0;
	s13 =	sadd.s32 s13, s9  }
0x36: {  	s16 =	sadd.s32 $0x400, s14;
	[sflag:s6] =	ssyncadd.s32 $0xFFFFF000;
	s17 =	sadd.s32 $0x0, s13  }
.LBB2_5:
0x37: {  	[hbm:s17] =	stream.linear.scatter [tilespmem:s14], [sflag:$0x3], $0x400, $0x38;
	[tilespmem:$0x2040] =	vst v63  }
0x38: {  	s17 =	smov.u32 s15;
	s14 =	smov.u32 s16;
	p1 =	sne.s32 s15, $0x180  }
.Ltmp4:
0x39: {  	s15 =	sadd.s32 $0x80, s15;
	(pc) =	sbr.rel @p1 .LBB2_5-.Ltmp4, $2  }
0x3a: {  	_ =	sdelay $0x2  }
0x3b: {  	s16 =	sadd.s32 $0x400, s16;
	s17 =	sadd.s32 s17, s13  }
.Ltmp5:
0x3c: {  	_ = 	snop;
	(pc) =	sbr.rel .LBB2_6-.Ltmp5, $1  }
0x3d: {  	_ =	sdelay $0x3  }
.LBB2_8:
0x3e: {  	_ =	sfence.sel $0x180000  }
0x3f: {  	s2 =	simm.s32 $0x2;
	[bflag:$0x0] =	sbarrier.arrive $0xFFFF  }
0x40: {  	s30 =	simm.s32 $0x3;
	[sflag:s2] =	ssyncpa.u1 $0x1  }
0x41: {  	s31 =	simm.s32 $0x1;
	[sflag:s30] =	ssyncpa.u1 $0x1  }
0x42: {  	[sflag:s31] =	ssyncpa.u1 $0x1  }
0x43: {  	p0 =	sne.s32 s0, $0x0;
	_ =	strace $0x90000047  }
0x44: {  	s0 =	sadd.s32 @!p0 $0x100000, s1;
	[bflag:$0x2] =	sbarrier.arrive $0xFFFF  }
0x45: {  	[sflag:s0] =	ssyncadd.tile.s32 @!p0 $0x1;
	_ =	shalt  }
.Lfunc_end2:
_tile_overlayer_lowered:
.L_overlay_start_2:
0x46: {  	(tag) =	ssettag $0x2  }
0x47: {  	s0 =	rddreg [dreg:$0x0];
	s2 =	stileid.u32  }
0x48: {  	s1 =	rddreg [dreg:$0x1];
	p0 =	sne.s32 s2, $0x0  }
0x49: {  	s3 =	rddreg [dreg:$0x2];
	[bflag:$0x3] =	sbarrier.arrive $0xFFFF;
	s2 =	simm.s32 @!p0 $0x1C01  }
0x4a: {  	[timem:s3], [sflag:s2] =	dma.local @!p0 [hbm:s0], s1  }
0x4b: {  	s0 =	simm.s32 @!p0 $0x1  }
0x4c: {  	_ =	swait.ge @!p0 [sflag:s0], s1  }
0x4d: {  	s1 =	ssub.s32 @!p0 $0x0, s1;
	[sflag:s0] =	ssyncset.done @!p0 $0x0  }
0x4e: {  	[sflag:s0] =	ssyncadd.s32 @!p0 s1  }
0x4f: {  	[bflag:$0x3] =	sbarrier.arrive $0xFFFF  }
0x50: {  	_ =	shalt  }

</sc_bundles>
